<compile_context>
chip_gen: v7x
topology: tpu7x:2x2x1
jax: 0.10.2.dev20260603
libtpu: 0.0.44.dev20260713+nightly
codegen_flags: <defaults>
</compile_context>

<pallas_src>
import jax
import jax.numpy as jnp
from jax import lax
from jax.experimental import pallas as pl
from jax.experimental.pallas import tpu as pltpu, tpu_sc as plsc

N_VOCAB = 1000000
N_EMBED = 64
N_TOKENS = 200
BATCH = 4096

NC, NS = 2, 16
NW = NC * NS
ROWS = BATCH * N_TOKENS
ROWS_PER_W = ROWS // NW
CHUNK = 128
CHUNKS_PER_W = ROWS_PER_W // CHUNK
NBUF = 8
GROUPS = CHUNKS_PER_W // NBUF
POS_EXT = N_TOKENS + CHUNK
LANES = 16
VPR = N_EMBED // LANES


def _body(tok_hbm, table_hbm, posx_hbm, out_hbm,
          idx_ring, pos_v, rows, isems, gsems, ssems):
    wid = lax.axis_index("s") * NC + lax.axis_index("c")
    w_base = wid * ROWS_PER_W

    pltpu.sync_copy(posx_hbm, pos_v)

    def idx_start(c, b):
        base = w_base + c * CHUNK
        pltpu.async_copy(tok_hbm.at[pl.ds(base, CHUNK)], idx_ring.at[b],
                         isems[b])

    def idx_wait(b):
        pltpu.make_async_copy(tok_hbm.at[pl.ds(0, CHUNK)], idx_ring.at[b],
                              isems[b]).wait()

    def gather_start(b):
        pltpu.async_copy(table_hbm.at[idx_ring.at[b]], rows.at[b], gsems[b])

    def gather_wait(b):
        pltpu.make_async_copy(table_hbm.at[idx_ring.at[b]], rows.at[b],
                              gsems[b]).wait()

    def store_start(c, b):
        base = w_base + c * CHUNK
        pltpu.async_copy(rows.at[b], out_hbm.at[pl.ds(base, CHUNK)], ssems[b])

    def store_wait(b):
        pltpu.make_async_copy(rows.at[b], out_hbm.at[pl.ds(0, CHUNK)],
                              ssems[b]).wait()

    def pos_add(c, b):
        phase = (c * CHUNK) % N_TOKENS

        def row_step(i, carry):
            for j in range(VPR):
                sl = pl.ds(j * LANES, LANES)
                rows.at[b][i, sl] += pos_v[phase + i, sl]
            return carry

        lax.fori_loop(0, CHUNK, row_step, 0, unroll=4)

    def group_step(g, carry):
        c0 = g * NBUF
        for b in range(NBUF):
            @pl.when(g > 0)
            def _():
                store_wait(b)
            idx_start(c0 + b, b)
        for b in range(NBUF):
            idx_wait(b)
            gather_start(b)
        for b in range(NBUF):
            gather_wait(b)
            pos_add(c0 + b, b)
        for b in range(NBUF):
            store_start(c0 + b, b)
        return carry

    lax.fori_loop(0, GROUPS, group_step, 0, unroll=False)
    for b in range(NBUF):
        store_wait(b)


@jax.jit
def kernel(tokens, token_table, position_embedding):
    tok_flat = tokens.reshape(-1).astype(jnp.int32)
    pos_ext = jnp.concatenate(
        [position_embedding, position_embedding[:CHUNK]], axis=0)
    mesh = plsc.VectorSubcoreMesh(core_axis_name="c", subcore_axis_name="s")
    out = pl.kernel(
        _body,
        out_type=jax.ShapeDtypeStruct((ROWS, N_EMBED), jnp.float32),
        mesh=mesh,
        compiler_params=pltpu.CompilerParams(use_tc_tiling_on_sc=False),
        scratch_types=[
            pltpu.VMEM((NBUF, CHUNK), jnp.int32),
            pltpu.VMEM((POS_EXT, N_EMBED), jnp.float32),
            pltpu.VMEM((NBUF, CHUNK, N_EMBED), jnp.float32),
            [pltpu.SemaphoreType.DMA] * NBUF,
            [pltpu.SemaphoreType.DMA] * NBUF,
            [pltpu.SemaphoreType.DMA] * NBUF,
        ],
    )(tok_flat, token_table, pos_ext)
    return out.reshape(BATCH, N_TOKENS, N_EMBED)

# --- scband reference (transcript-rebuilt; emitter-appended) ---
"""Pipeline reference for scband-clipembedding-56289841381922 (READ-ONLY COPY).

The authoritative reference and input builder live on the scoring server;
editing this copy changes nothing except your own understanding.
"""

import jax, jax.numpy as jnp
import numpy as np

N_VOCAB = 1000000
N_EMBED = 64
N_TOKENS = 200
BATCH = 4096

def setup_inputs(seed: int = 0) -> dict:
    key = jax.random.key(seed)
    k_tok, k_tab, k_pos = jax.random.split(key, 3)
    tokens = jax.random.randint(k_tok, (BATCH, N_TOKENS), 0, N_VOCAB, dtype=jnp.int64 if jax.config.jax_enable_x64 else jnp.int32)
    token_table = jax.random.normal(k_tab, (N_VOCAB, N_EMBED), dtype=jnp.float32) * 0.02
    position_embedding = jax.random.normal(k_pos, (N_TOKENS, N_EMBED), dtype=jnp.float32) * 0.02
    return {"tokens": tokens, "token_table": token_table, "position_embedding": position_embedding}

def reference(tokens, token_table, position_embedding):
    # x = self.token_embeddding(tokens)
    x = jnp.take(token_table, tokens, axis=0)  # [B, n_tokens, n_embed]
    # x += self.position_embedding  (broadcast over batch)
    x = x + position_embedding[None, :, :]
    return x

if __name__ == "__main__":
    import jax
    _d = setup_inputs()
    print(jax.jit(kernel)(*tuple(_d.values())))

</pallas_src>

<mosaic_0001>
#map = affine_map<(d0, d1) -> (0)>
#map1 = affine_map<(d0, d1) -> (0, 0)>
module attributes {stable_mosaic.version = 14 : i64} {
  func.func @_body(%arg0: i32, %arg1: i32, %arg2: memref<819200xi32, #tpu.memory_space<hbm>>, %arg3: memref<1000000x64xf32, #tpu.memory_space<hbm>>, %arg4: memref<328x64xf32, #tpu.memory_space<hbm>>, %arg5: memref<819200x64xf32, #tpu.memory_space<hbm>>, %arg6: memref<8x128xi32, #tpu.memory_space<vmem>>, %arg7: memref<328x64xf32, #tpu.memory_space<vmem>>, %arg8: memref<8x128x64xf32, #tpu.memory_space<vmem>>, %arg9: memref<!tpu.dma_semaphore, #tpu.memory_space<semaphore_mem>>, %arg10: memref<!tpu.dma_semaphore, #tpu.memory_space<semaphore_mem>>, %arg11: memref<!tpu.dma_semaphore, #tpu.memory_space<semaphore_mem>>, %arg12: memref<!tpu.dma_semaphore, #tpu.memory_space<semaphore_mem>>, %arg13: memref<!tpu.dma_semaphore, #tpu.memory_space<semaphore_mem>>, %arg14: memref<!tpu.dma_semaphore, #tpu.memory_space<semaphore_mem>>, %arg15: memref<!tpu.dma_semaphore, #tpu.memory_space<semaphore_mem>>, %arg16: memref<!tpu.dma_semaphore, #tpu.memory_space<semaphore_mem>>, %arg17: memref<!tpu.dma_semaphore, #tpu.memory_space<semaphore_mem>>, %arg18: memref<!tpu.dma_semaphore, #tpu.memory_space<semaphore_mem>>, %arg19: memref<!tpu.dma_semaphore, #tpu.memory_space<semaphore_mem>>, %arg20: memref<!tpu.dma_semaphore, #tpu.memory_space<semaphore_mem>>, %arg21: memref<!tpu.dma_semaphore, #tpu.memory_space<semaphore_mem>>, %arg22: memref<!tpu.dma_semaphore, #tpu.memory_space<semaphore_mem>>, %arg23: memref<!tpu.dma_semaphore, #tpu.memory_space<semaphore_mem>>, %arg24: memref<!tpu.dma_semaphore, #tpu.memory_space<semaphore_mem>>, %arg25: memref<!tpu.dma_semaphore, #tpu.memory_space<semaphore_mem>>, %arg26: memref<!tpu.dma_semaphore, #tpu.memory_space<semaphore_mem>>, %arg27: memref<!tpu.dma_semaphore, #tpu.memory_space<semaphore_mem>>, %arg28: memref<!tpu.dma_semaphore, #tpu.memory_space<semaphore_mem>>, %arg29: memref<!tpu.dma_semaphore, #tpu.memory_space<semaphore_mem>>, %arg30: memref<!tpu.dma_semaphore, #tpu.memory_space<semaphore_mem>>, %arg31: memref<!tpu.dma_semaphore, #tpu.memory_space<semaphore_mem>>, %arg32: memref<!tpu.dma_semaphore, #tpu.memory_space<semaphore_mem>>) attributes {dimension_semantics = [#tpu.dimension_semantics<core_parallel>, #tpu.dimension_semantics<subcore_parallel>], iteration_bounds = array<i64: 2, 16>, scalar_prefetch = 0 : i64, scratch_operands = 27 : i64, tpu.core_type = #tpu.core_type<sc_vector_subcore>, window_params = [{transform_indices = #map}, {transform_indices = #map1}, {transform_indices = #map1}, {transform_indices = #map1}]} {
    %mul3A = arith.constant 2 : i32
    %mul3A_0 = arith.muli %arg1, %mul3A : i32
    %add3A = arith.addi %mul3A_0, %arg0 : i32
    %mul3A_1 = arith.constant 25600 : i32
    %mul3A_2 = arith.muli %add3A, %mul3A_1 : i32
    "tpu.region"() ({
      %run_scoped3A = tpu.sem_alloc : memref<!tpu.dma_semaphore, #tpu.memory_space<semaphore_mem>>
      tpu.enqueue_dma source(%arg4 : memref<328x64xf32, #tpu.memory_space<hbm>>) target(%arg7 : memref<328x64xf32, #tpu.memory_space<vmem>>) target_semaphore(%run_scoped3A : memref<!tpu.dma_semaphore, #tpu.memory_space<semaphore_mem>>)
      tpu.wait_dma2 semaphore(%run_scoped3A : memref<!tpu.dma_semaphore, #tpu.memory_space<semaphore_mem>>) src(%arg4 : memref<328x64xf32, #tpu.memory_space<hbm>>) dst(%arg7 : memref<328x64xf32, #tpu.memory_space<vmem>>)
      tpu.yield
    }) : () -> ()
    %scan3A = arith.constant 0 : i32
    %scan3A_3 = arith.constant 0 : i32
    %scan3A_4 = arith.constant 25 : i32
    %scan3A_5 = arith.addi %scan3A_3, %scan3A_4 : i32
    %scan3A_6 = arith.constant 1 : i32
    scf.for %scan3A_127 = %scan3A_3 to %scan3A_5 step %scan3A_6  : i32 {
      %mul3A_128 = arith.constant 8 : i32
      %mul3A_129 = arith.muli %scan3A_127, %mul3A_128 : i32
      %gt3A = arith.constant 0 : i32
      %gt3A_130 = arith.cmpi sgt, %scan3A_127, %gt3A : i32
      %convert_element_type3A = arith.extui %gt3A_130 : i1 to i32
      %cond3A = arith.constant 0 : i32
      %cond3A_131 = arith.cmpi ne, %convert_element_type3A, %cond3A : i32
      scf.if %cond3A_131 {
        %dma_wait3A_903 = arith.constant 0 : i32
        %dma_wait3A_904 = arith.constant 0 : i32
        %dma_wait3A_905 = arith.constant 0 : i32
        %dma_wait3A_906 = tpu.memref_slice %arg8[%dma_wait3A_903, %dma_wait3A_904, %dma_wait3A_905] : memref<8x128x64xf32, #tpu.memory_space<vmem>> -> memref<1x128x64xf32, #tpu.memory_space<vmem>>
        %dma_wait3A_907 = tpu.memref_squeeze %dma_wait3A_906 : memref<1x128x64xf32, #tpu.memory_space<vmem>> -> memref<128x64xf32, #tpu.memory_space<vmem>>
        %dma_wait3A_908 = arith.constant 0 : i32
        %dma_wait3A_909 = arith.constant 0 : i32
        %dma_wait3A_910 = tpu.memref_slice %arg5[%dma_wait3A_908, %dma_wait3A_909] : memref<819200x64xf32, #tpu.memory_space<hbm>> -> memref<128x64xf32, #tpu.memory_space<hbm>>
        %dma_wait3A_911 = arith.constant 0 : i32
        %dma_wait3A_912 = arith.constant 0 : i32
        %dma_wait3A_913 = tpu.memref_slice %arg5[%dma_wait3A_911, %dma_wait3A_912] : memref<819200x64xf32, #tpu.memory_space<hbm>> -> memref<128x64xf32, #tpu.memory_space<hbm>>
        %dma_wait3A_914 = arith.constant 0 : i32
        %dma_wait3A_915 = arith.constant 0 : i32
        %dma_wait3A_916 = tpu.memref_slice %arg8[%dma_wait3A_903, %dma_wait3A_914, %dma_wait3A_915] : memref<8x128x64xf32, #tpu.memory_space<vmem>> -> memref<1x128x64xf32, #tpu.memory_space<vmem>>
        %dma_wait3A_917 = tpu.memref_squeeze %dma_wait3A_916 : memref<1x128x64xf32, #tpu.memory_space<vmem>> -> memref<128x64xf32, #tpu.memory_space<vmem>>
        tpu.wait_dma2 semaphore(%arg25 : memref<!tpu.dma_semaphore, #tpu.memory_space<semaphore_mem>>) src(%dma_wait3A_917 : memref<128x64xf32, #tpu.memory_space<vmem>>) dst(%dma_wait3A_913 : memref<128x64xf32, #tpu.memory_space<hbm>>)
      } else {
      }
      %add3A_132 = arith.constant 0 : i32
      %add3A_133 = arith.addi %mul3A_129, %add3A_132 : i32
      %mul3A_134 = arith.constant 128 : i32
      %mul3A_135 = arith.muli %add3A_133, %mul3A_134 : i32
      %add3A_136 = arith.addi %mul3A_2, %mul3A_135 : i32
      %dma_start3A = arith.constant 0 : i32
      %dma_start3A_137 = arith.constant 0 : i32
      %dma_start3A_138 = tpu.memref_slice %arg6[%dma_start3A, %dma_start3A_137] : memref<8x128xi32, #tpu.memory_space<vmem>> -> memref<1x128xi32, #tpu.memory_space<vmem>>
      %dma_start3A_139 = tpu.memref_squeeze %dma_start3A_138 : memref<1x128xi32, #tpu.memory_space<vmem>> -> memref<128xi32, #tpu.memory_space<vmem>>
      %dma_start3A_140 = tpu.memref_slice %arg2[%add3A_136] : memref<819200xi32, #tpu.memory_space<hbm>> -> memref<128xi32, #tpu.memory_space<hbm>>
      %dma_start3A_141 = arith.constant 0 : i32
      %dma_start3A_142 = tpu.memref_slice %arg6[%dma_start3A, %dma_start3A_141] : memref<8x128xi32, #tpu.memory_space<vmem>> -> memref<1x128xi32, #tpu.memory_space<vmem>>
      %dma_start3A_143 = tpu.memref_squeeze %dma_start3A_142 : memref<1x128xi32, #tpu.memory_space<vmem>> -> memref<128xi32, #tpu.memory_space<vmem>>
      %dma_start3A_144 = tpu.memref_slice %arg2[%add3A_136] : memref<819200xi32, #tpu.memory_space<hbm>> -> memref<128xi32, #tpu.memory_space<hbm>>
      tpu.enqueue_dma source(%dma_start3A_144 : memref<128xi32, #tpu.memory_space<hbm>>) target(%dma_start3A_143 : memref<128xi32, #tpu.memory_space<vmem>>) target_semaphore(%arg9 : memref<!tpu.dma_semaphore, #tpu.memory_space<semaphore_mem>>)
      %gt3A_145 = arith.constant 0 : i32
      %gt3A_146 = arith.cmpi sgt, %scan3A_127, %gt3A_145 : i32
      %convert_element_type3A_147 = arith.extui %gt3A_146 : i1 to i32
      %cond3A_148 = arith.constant 0 : i32
      %cond3A_149 = arith.cmpi ne, %convert_element_type3A_147, %cond3A_148 : i32
      scf.if %cond3A_149 {
        %dma_wait3A_903 = arith.constant 1 : i32
        %dma_wait3A_904 = arith.constant 0 : i32
        %dma_wait3A_905 = arith.constant 0 : i32
        %dma_wait3A_906 = tpu.memref_slice %arg8[%dma_wait3A_903, %dma_wait3A_904, %dma_wait3A_905] : memref<8x128x64xf32, #tpu.memory_space<vmem>> -> memref<1x128x64xf32, #tpu.memory_space<vmem>>
        %dma_wait3A_907 = tpu.memref_squeeze %dma_wait3A_906 : memref<1x128x64xf32, #tpu.memory_space<vmem>> -> memref<128x64xf32, #tpu.memory_space<vmem>>
        %dma_wait3A_908 = arith.constant 0 : i32
        %dma_wait3A_909 = arith.constant 0 : i32
        %dma_wait3A_910 = tpu.memref_slice %arg5[%dma_wait3A_908, %dma_wait3A_909] : memref<819200x64xf32, #tpu.memory_space<hbm>> -> memref<128x64xf32, #tpu.memory_space<hbm>>
        %dma_wait3A_911 = arith.constant 0 : i32
        %dma_wait3A_912 = arith.constant 0 : i32
        %dma_wait3A_913 = tpu.memref_slice %arg5[%dma_wait3A_911, %dma_wait3A_912] : memref<819200x64xf32, #tpu.memory_space<hbm>> -> memref<128x64xf32, #tpu.memory_space<hbm>>
        %dma_wait3A_914 = arith.constant 0 : i32
        %dma_wait3A_915 = arith.constant 0 : i32
        %dma_wait3A_916 = tpu.memref_slice %arg8[%dma_wait3A_903, %dma_wait3A_914, %dma_wait3A_915] : memref<8x128x64xf32, #tpu.memory_space<vmem>> -> memref<1x128x64xf32, #tpu.memory_space<vmem>>
        %dma_wait3A_917 = tpu.memref_squeeze %dma_wait3A_916 : memref<1x128x64xf32, #tpu.memory_space<vmem>> -> memref<128x64xf32, #tpu.memory_space<vmem>>
        tpu.wait_dma2 semaphore(%arg26 : memref<!tpu.dma_semaphore, #tpu.memory_space<semaphore_mem>>) src(%dma_wait3A_917 : memref<128x64xf32, #tpu.memory_space<vmem>>) dst(%dma_wait3A_913 : memref<128x64xf32, #tpu.memory_space<hbm>>)
      } else {
      }
      %add3A_150 = arith.constant 1 : i32
      %add3A_151 = arith.addi %mul3A_129, %add3A_150 : i32
      %mul3A_152 = arith.constant 128 : i32
      %mul3A_153 = arith.muli %add3A_151, %mul3A_152 : i32
      %add3A_154 = arith.addi %mul3A_2, %mul3A_153 : i32
      %dma_start3A_155 = arith.constant 1 : i32
      %dma_start3A_156 = arith.constant 0 : i32
      %dma_start3A_157 = tpu.memref_slice %arg6[%dma_start3A_155, %dma_start3A_156] : memref<8x128xi32, #tpu.memory_space<vmem>> -> memref<1x128xi32, #tpu.memory_space<vmem>>
      %dma_start3A_158 = tpu.memref_squeeze %dma_start3A_157 : memref<1x128xi32, #tpu.memory_space<vmem>> -> memref<128xi32, #tpu.memory_space<vmem>>
      %dma_start3A_159 = tpu.memref_slice %arg2[%add3A_154] : memref<819200xi32, #tpu.memory_space<hbm>> -> memref<128xi32, #tpu.memory_space<hbm>>
      %dma_start3A_160 = arith.constant 0 : i32
      %dma_start3A_161 = tpu.memref_slice %arg6[%dma_start3A_155, %dma_start3A_160] : memref<8x128xi32, #tpu.memory_space<vmem>> -> memref<1x128xi32, #tpu.memory_space<vmem>>
      %dma_start3A_162 = tpu.memref_squeeze %dma_start3A_161 : memref<1x128xi32, #tpu.memory_space<vmem>> -> memref<128xi32, #tpu.memory_space<vmem>>
      %dma_start3A_163 = tpu.memref_slice %arg2[%add3A_154] : memref<819200xi32, #tpu.memory_space<hbm>> -> memref<128xi32, #tpu.memory_space<hbm>>
      tpu.enqueue_dma source(%dma_start3A_163 : memref<128xi32, #tpu.memory_space<hbm>>) target(%dma_start3A_162 : memref<128xi32, #tpu.memory_space<vmem>>) target_semaphore(%arg10 : memref<!tpu.dma_semaphore, #tpu.memory_space<semaphore_mem>>)
      %gt3A_164 = arith.constant 0 : i32
      %gt3A_165 = arith.cmpi sgt, %scan3A_127, %gt3A_164 : i32
      %convert_element_type3A_166 = arith.extui %gt3A_165 : i1 to i32
      %cond3A_167 = arith.constant 0 : i32
      %cond3A_168 = arith.cmpi ne, %convert_element_type3A_166, %cond3A_167 : i32
      scf.if %cond3A_168 {
        %dma_wait3A_903 = arith.constant 2 : i32
        %dma_wait3A_904 = arith.constant 0 : i32
        %dma_wait3A_905 = arith.constant 0 : i32
        %dma_wait3A_906 = tpu.memref_slice %arg8[%dma_wait3A_903, %dma_wait3A_904, %dma_wait3A_905] : memref<8x128x64xf32, #tpu.memory_space<vmem>> -> memref<1x128x64xf32, #tpu.memory_space<vmem>>
        %dma_wait3A_907 = tpu.memref_squeeze %dma_wait3A_906 : memref<1x128x64xf32, #tpu.memory_space<vmem>> -> memref<128x64xf32, #tpu.memory_space<vmem>>
        %dma_wait3A_908 = arith.constant 0 : i32
        %dma_wait3A_909 = arith.constant 0 : i32
        %dma_wait3A_910 = tpu.memref_slice %arg5[%dma_wait3A_908, %dma_wait3A_909] : memref<819200x64xf32, #tpu.memory_space<hbm>> -> memref<128x64xf32, #tpu.memory_space<hbm>>
        %dma_wait3A_911 = arith.constant 0 : i32
        %dma_wait3A_912 = arith.constant 0 : i32
        %dma_wait3A_913 = tpu.memref_slice %arg5[%dma_wait3A_911, %dma_wait3A_912] : memref<819200x64xf32, #tpu.memory_space<hbm>> -> memref<128x64xf32, #tpu.memory_space<hbm>>
        %dma_wait3A_914 = arith.constant 0 : i32
        %dma_wait3A_915 = arith.constant 0 : i32
        %dma_wait3A_916 = tpu.memref_slice %arg8[%dma_wait3A_903, %dma_wait3A_914, %dma_wait3A_915] : memref<8x128x64xf32, #tpu.memory_space<vmem>> -> memref<1x128x64xf32, #tpu.memory_space<vmem>>
        %dma_wait3A_917 = tpu.memref_squeeze %dma_wait3A_916 : memref<1x128x64xf32, #tpu.memory_space<vmem>> -> memref<128x64xf32, #tpu.memory_space<vmem>>
        tpu.wait_dma2 semaphore(%arg27 : memref<!tpu.dma_semaphore, #tpu.memory_space<semaphore_mem>>) src(%dma_wait3A_917 : memref<128x64xf32, #tpu.memory_space<vmem>>) dst(%dma_wait3A_913 : memref<128x64xf32, #tpu.memory_space<hbm>>)
      } else {
      }
      %add3A_169 = arith.constant 2 : i32
      %add3A_170 = arith.addi %mul3A_129, %add3A_169 : i32
      %mul3A_171 = arith.constant 128 : i32
      %mul3A_172 = arith.muli %add3A_170, %mul3A_171 : i32
      %add3A_173 = arith.addi %mul3A_2, %mul3A_172 : i32
      %dma_start3A_174 = arith.constant 2 : i32
      %dma_start3A_175 = arith.constant 0 : i32
      %dma_start3A_176 = tpu.memref_slice %arg6[%dma_start3A_174, %dma_start3A_175] : memref<8x128xi32, #tpu.memory_space<vmem>> -> memref<1x128xi32, #tpu.memory_space<vmem>>
      %dma_start3A_177 = tpu.memref_squeeze %dma_start3A_176 : memref<1x128xi32, #tpu.memory_space<vmem>> -> memref<128xi32, #tpu.memory_space<vmem>>
      %dma_start3A_178 = tpu.memref_slice %arg2[%add3A_173] : memref<819200xi32, #tpu.memory_space<hbm>> -> memref<128xi32, #tpu.memory_space<hbm>>
      %dma_start3A_179 = arith.constant 0 : i32
      %dma_start3A_180 = tpu.memref_slice %arg6[%dma_start3A_174, %dma_start3A_179] : memref<8x128xi32, #tpu.memory_space<vmem>> -> memref<1x128xi32, #tpu.memory_space<vmem>>
      %dma_start3A_181 = tpu.memref_squeeze %dma_start3A_180 : memref<1x128xi32, #tpu.memory_space<vmem>> -> memref<128xi32, #tpu.memory_space<vmem>>
      %dma_start3A_182 = tpu.memref_slice %arg2[%add3A_173] : memref<819200xi32, #tpu.memory_space<hbm>> -> memref<128xi32, #tpu.memory_space<hbm>>
      tpu.enqueue_dma source(%dma_start3A_182 : memref<128xi32, #tpu.memory_space<hbm>>) target(%dma_start3A_181 : memref<128xi32, #tpu.memory_space<vmem>>) target_semaphore(%arg11 : memref<!tpu.dma_semaphore, #tpu.memory_space<semaphore_mem>>)
      %gt3A_183 = arith.constant 0 : i32
      %gt3A_184 = arith.cmpi sgt, %scan3A_127, %gt3A_183 : i32
      %convert_element_type3A_185 = arith.extui %gt3A_184 : i1 to i32
      %cond3A_186 = arith.constant 0 : i32
      %cond3A_187 = arith.cmpi ne, %convert_element_type3A_185, %cond3A_186 : i32
      scf.if %cond3A_187 {
        %dma_wait3A_903 = arith.constant 3 : i32
        %dma_wait3A_904 = arith.constant 0 : i32
        %dma_wait3A_905 = arith.constant 0 : i32
        %dma_wait3A_906 = tpu.memref_slice %arg8[%dma_wait3A_903, %dma_wait3A_904, %dma_wait3A_905] : memref<8x128x64xf32, #tpu.memory_space<vmem>> -> memref<1x128x64xf32, #tpu.memory_space<vmem>>
        %dma_wait3A_907 = tpu.memref_squeeze %dma_wait3A_906 : memref<1x128x64xf32, #tpu.memory_space<vmem>> -> memref<128x64xf32, #tpu.memory_space<vmem>>
        %dma_wait3A_908 = arith.constant 0 : i32
        %dma_wait3A_909 = arith.constant 0 : i32
        %dma_wait3A_910 = tpu.memref_slice %arg5[%dma_wait3A_908, %dma_wait3A_909] : memref<819200x64xf32, #tpu.memory_space<hbm>> -> memref<128x64xf32, #tpu.memory_space<hbm>>
        %dma_wait3A_911 = arith.constant 0 : i32
        %dma_wait3A_912 = arith.constant 0 : i32
        %dma_wait3A_913 = tpu.memref_slice %arg5[%dma_wait3A_911, %dma_wait3A_912] : memref<819200x64xf32, #tpu.memory_space<hbm>> -> memref<128x64xf32, #tpu.memory_space<hbm>>
        %dma_wait3A_914 = arith.constant 0 : i32
        %dma_wait3A_915 = arith.constant 0 : i32
        %dma_wait3A_916 = tpu.memref_slice %arg8[%dma_wait3A_903, %dma_wait3A_914, %dma_wait3A_915] : memref<8x128x64xf32, #tpu.memory_space<vmem>> -> memref<1x128x64xf32, #tpu.memory_space<vmem>>
        %dma_wait3A_917 = tpu.memref_squeeze %dma_wait3A_916 : memref<1x128x64xf32, #tpu.memory_space<vmem>> -> memref<128x64xf32, #tpu.memory_space<vmem>>
        tpu.wait_dma2 semaphore(%arg28 : memref<!tpu.dma_semaphore, #tpu.memory_space<semaphore_mem>>) src(%dma_wait3A_917 : memref<128x64xf32, #tpu.memory_space<vmem>>) dst(%dma_wait3A_913 : memref<128x64xf32, #tpu.memory_space<hbm>>)
      } else {
      }
      %add3A_188 = arith.constant 3 : i32
      %add3A_189 = arith.addi %mul3A_129, %add3A_188 : i32
      %mul3A_190 = arith.constant 128 : i32
      %mul3A_191 = arith.muli %add3A_189, %mul3A_190 : i32
      %add3A_192 = arith.addi %mul3A_2, %mul3A_191 : i32
      %dma_start3A_193 = arith.constant 3 : i32
      %dma_start3A_194 = arith.constant 0 : i32
      %dma_start3A_195 = tpu.memref_slice %arg6[%dma_start3A_193, %dma_start3A_194] : memref<8x128xi32, #tpu.memory_space<vmem>> -> memref<1x128xi32, #tpu.memory_space<vmem>>
      %dma_start3A_196 = tpu.memref_squeeze %dma_start3A_195 : memref<1x128xi32, #tpu.memory_space<vmem>> -> memref<128xi32, #tpu.memory_space<vmem>>
      %dma_start3A_197 = tpu.memref_slice %arg2[%add3A_192] : memref<819200xi32, #tpu.memory_space<hbm>> -> memref<128xi32, #tpu.memory_space<hbm>>
      %dma_start3A_198 = arith.constant 0 : i32
      %dma_start3A_199 = tpu.memref_slice %arg6[%dma_start3A_193, %dma_start3A_198] : memref<8x128xi32, #tpu.memory_space<vmem>> -> memref<1x128xi32, #tpu.memory_space<vmem>>
      %dma_start3A_200 = tpu.memref_squeeze %dma_start3A_199 : memref<1x128xi32, #tpu.memory_space<vmem>> -> memref<128xi32, #tpu.memory_space<vmem>>
      %dma_start3A_201 = tpu.memref_slice %arg2[%add3A_192] : memref<819200xi32, #tpu.memory_space<hbm>> -> memref<128xi32, #tpu.memory_space<hbm>>
      tpu.enqueue_dma source(%dma_start3A_201 : memref<128xi32, #tpu.memory_space<hbm>>) target(%dma_start3A_200 : memref<128xi32, #tpu.memory_space<vmem>>) target_semaphore(%arg12 : memref<!tpu.dma_semaphore, #tpu.memory_space<semaphore_mem>>)
      %gt3A_202 = arith.constant 0 : i32
      %gt3A_203 = arith.cmpi sgt, %scan3A_127, %gt3A_202 : i32
      %convert_element_type3A_204 = arith.extui %gt3A_203 : i1 to i32
      %cond3A_205 = arith.constant 0 : i32
      %cond3A_206 = arith.cmpi ne, %convert_element_type3A_204, %cond3A_205 : i32
      scf.if %cond3A_206 {
        %dma_wait3A_903 = arith.constant 4 : i32
        %dma_wait3A_904 = arith.constant 0 : i32
        %dma_wait3A_905 = arith.constant 0 : i32
        %dma_wait3A_906 = tpu.memref_slice %arg8[%dma_wait3A_903, %dma_wait3A_904, %dma_wait3A_905] : memref<8x128x64xf32, #tpu.memory_space<vmem>> -> memref<1x128x64xf32, #tpu.memory_space<vmem>>
        %dma_wait3A_907 = tpu.memref_squeeze %dma_wait3A_906 : memref<1x128x64xf32, #tpu.memory_space<vmem>> -> memref<128x64xf32, #tpu.memory_space<vmem>>
        %dma_wait3A_908 = arith.constant 0 : i32
        %dma_wait3A_909 = arith.constant 0 : i32
        %dma_wait3A_910 = tpu.memref_slice %arg5[%dma_wait3A_908, %dma_wait3A_909] : memref<819200x64xf32, #tpu.memory_space<hbm>> -> memref<128x64xf32, #tpu.memory_space<hbm>>
        %dma_wait3A_911 = arith.constant 0 : i32
        %dma_wait3A_912 = arith.constant 0 : i32
        %dma_wait3A_913 = tpu.memref_slice %arg5[%dma_wait3A_911, %dma_wait3A_912] : memref<819200x64xf32, #tpu.memory_space<hbm>> -> memref<128x64xf32, #tpu.memory_space<hbm>>
        %dma_wait3A_914 = arith.constant 0 : i32
        %dma_wait3A_915 = arith.constant 0 : i32
        %dma_wait3A_916 = tpu.memref_slice %arg8[%dma_wait3A_903, %dma_wait3A_914, %dma_wait3A_915] : memref<8x128x64xf32, #tpu.memory_space<vmem>> -> memref<1x128x64xf32, #tpu.memory_space<vmem>>
        %dma_wait3A_917 = tpu.memref_squeeze %dma_wait3A_916 : memref<1x128x64xf32, #tpu.memory_space<vmem>> -> memref<128x64xf32, #tpu.memory_space<vmem>>
        tpu.wait_dma2 semaphore(%arg29 : memref<!tpu.dma_semaphore, #tpu.memory_space<semaphore_mem>>) src(%dma_wait3A_917 : memref<128x64xf32, #tpu.memory_space<vmem>>) dst(%dma_wait3A_913 : memref<128x64xf32, #tpu.memory_space<hbm>>)
      } else {
      }
      %add3A_207 = arith.constant 4 : i32
      %add3A_208 = arith.addi %mul3A_129, %add3A_207 : i32
      %mul3A_209 = arith.constant 128 : i32
      %mul3A_210 = arith.muli %add3A_208, %mul3A_209 : i32
      %add3A_211 = arith.addi %mul3A_2, %mul3A_210 : i32
      %dma_start3A_212 = arith.constant 4 : i32
      %dma_start3A_213 = arith.constant 0 : i32
      %dma_start3A_214 = tpu.memref_slice %arg6[%dma_start3A_212, %dma_start3A_213] : memref<8x128xi32, #tpu.memory_space<vmem>> -> memref<1x128xi32, #tpu.memory_space<vmem>>
      %dma_start3A_215 = tpu.memref_squeeze %dma_start3A_214 : memref<1x128xi32, #tpu.memory_space<vmem>> -> memref<128xi32, #tpu.memory_space<vmem>>
      %dma_start3A_216 = tpu.memref_slice %arg2[%add3A_211] : memref<819200xi32, #tpu.memory_space<hbm>> -> memref<128xi32, #tpu.memory_space<hbm>>
      %dma_start3A_217 = arith.constant 0 : i32
      %dma_start3A_218 = tpu.memref_slice %arg6[%dma_start3A_212, %dma_start3A_217] : memref<8x128xi32, #tpu.memory_space<vmem>> -> memref<1x128xi32, #tpu.memory_space<vmem>>
      %dma_start3A_219 = tpu.memref_squeeze %dma_start3A_218 : memref<1x128xi32, #tpu.memory_space<vmem>> -> memref<128xi32, #tpu.memory_space<vmem>>
      %dma_start3A_220 = tpu.memref_slice %arg2[%add3A_211] : memref<819200xi32, #tpu.memory_space<hbm>> -> memref<128xi32, #tpu.memory_space<hbm>>
      tpu.enqueue_dma source(%dma_start3A_220 : memref<128xi32, #tpu.memory_space<hbm>>) target(%dma_start3A_219 : memref<128xi32, #tpu.memory_space<vmem>>) target_semaphore(%arg13 : memref<!tpu.dma_semaphore, #tpu.memory_space<semaphore_mem>>)
      %gt3A_221 = arith.constant 0 : i32
      %gt3A_222 = arith.cmpi sgt, %scan3A_127, %gt3A_221 : i32
      %convert_element_type3A_223 = arith.extui %gt3A_222 : i1 to i32
      %cond3A_224 = arith.constant 0 : i32
      %cond3A_225 = arith.cmpi ne, %convert_element_type3A_223, %cond3A_224 : i32
      scf.if %cond3A_225 {
        %dma_wait3A_903 = arith.constant 5 : i32
        %dma_wait3A_904 = arith.constant 0 : i32
        %dma_wait3A_905 = arith.constant 0 : i32
        %dma_wait3A_906 = tpu.memref_slice %arg8[%dma_wait3A_903, %dma_wait3A_904, %dma_wait3A_905] : memref<8x128x64xf32, #tpu.memory_space<vmem>> -> memref<1x128x64xf32, #tpu.memory_space<vmem>>
        %dma_wait3A_907 = tpu.memref_squeeze %dma_wait3A_906 : memref<1x128x64xf32, #tpu.memory_space<vmem>> -> memref<128x64xf32, #tpu.memory_space<vmem>>
        %dma_wait3A_908 = arith.constant 0 : i32
        %dma_wait3A_909 = arith.constant 0 : i32
        %dma_wait3A_910 = tpu.memref_slice %arg5[%dma_wait3A_908, %dma_wait3A_909] : memref<819200x64xf32, #tpu.memory_space<hbm>> -> memref<128x64xf32, #tpu.memory_space<hbm>>
        %dma_wait3A_911 = arith.constant 0 : i32
        %dma_wait3A_912 = arith.constant 0 : i32
        %dma_wait3A_913 = tpu.memref_slice %arg5[%dma_wait3A_911, %dma_wait3A_912] : memref<819200x64xf32, #tpu.memory_space<hbm>> -> memref<128x64xf32, #tpu.memory_space<hbm>>
        %dma_wait3A_914 = arith.constant 0 : i32
        %dma_wait3A_915 = arith.constant 0 : i32
        %dma_wait3A_916 = tpu.memref_slice %arg8[%dma_wait3A_903, %dma_wait3A_914, %dma_wait3A_915] : memref<8x128x64xf32, #tpu.memory_space<vmem>> -> memref<1x128x64xf32, #tpu.memory_space<vmem>>
        %dma_wait3A_917 = tpu.memref_squeeze %dma_wait3A_916 : memref<1x128x64xf32, #tpu.memory_space<vmem>> -> memref<128x64xf32, #tpu.memory_space<vmem>>
        tpu.wait_dma2 semaphore(%arg30 : memref<!tpu.dma_semaphore, #tpu.memory_space<semaphore_mem>>) src(%dma_wait3A_917 : memref<128x64xf32, #tpu.memory_space<vmem>>) dst(%dma_wait3A_913 : memref<128x64xf32, #tpu.memory_space<hbm>>)
      } else {
      }
      %add3A_226 = arith.constant 5 : i32
      %add3A_227 = arith.addi %mul3A_129, %add3A_226 : i32
      %mul3A_228 = arith.constant 128 : i32
      %mul3A_229 = arith.muli %add3A_227, %mul3A_228 : i32
      %add3A_230 = arith.addi %mul3A_2, %mul3A_229 : i32
      %dma_start3A_231 = arith.constant 5 : i32
      %dma_start3A_232 = arith.constant 0 : i32
      %dma_start3A_233 = tpu.memref_slice %arg6[%dma_start3A_231, %dma_start3A_232] : memref<8x128xi32, #tpu.memory_space<vmem>> -> memref<1x128xi32, #tpu.memory_space<vmem>>
      %dma_start3A_234 = tpu.memref_squeeze %dma_start3A_233 : memref<1x128xi32, #tpu.memory_space<vmem>> -> memref<128xi32, #tpu.memory_space<vmem>>
      %dma_start3A_235 = tpu.memref_slice %arg2[%add3A_230] : memref<819200xi32, #tpu.memory_space<hbm>> -> memref<128xi32, #tpu.memory_space<hbm>>
      %dma_start3A_236 = arith.constant 0 : i32
      %dma_start3A_237 = tpu.memref_slice %arg6[%dma_start3A_231, %dma_start3A_236] : memref<8x128xi32, #tpu.memory_space<vmem>> -> memref<1x128xi32, #tpu.memory_space<vmem>>
      %dma_start3A_238 = tpu.memref_squeeze %dma_start3A_237 : memref<1x128xi32, #tpu.memory_space<vmem>> -> memref<128xi32, #tpu.memory_space<vmem>>
      %dma_start3A_239 = tpu.memref_slice %arg2[%add3A_230] : memref<819200xi32, #tpu.memory_space<hbm>> -> memref<128xi32, #tpu.memory_space<hbm>>
      tpu.enqueue_dma source(%dma_start3A_239 : memref<128xi32, #tpu.memory_space<hbm>>) target(%dma_start3A_238 : memref<128xi32, #tpu.memory_space<vmem>>) target_semaphore(%arg14 : memref<!tpu.dma_semaphore, #tpu.memory_space<semaphore_mem>>)
      %gt3A_240 = arith.constant 0 : i32
      %gt3A_241 = arith.cmpi sgt, %scan3A_127, %gt3A_240 : i32
      %convert_element_type3A_242 = arith.extui %gt3A_241 : i1 to i32
      %cond3A_243 = arith.constant 0 : i32
      %cond3A_244 = arith.cmpi ne, %convert_element_type3A_242, %cond3A_243 : i32
      scf.if %cond3A_244 {
        %dma_wait3A_903 = arith.constant 6 : i32
        %dma_wait3A_904 = arith.constant 0 : i32
        %dma_wait3A_905 = arith.constant 0 : i32
        %dma_wait3A_906 = tpu.memref_slice %arg8[%dma_wait3A_903, %dma_wait3A_904, %dma_wait3A_905] : memref<8x128x64xf32, #tpu.memory_space<vmem>> -> memref<1x128x64xf32, #tpu.memory_space<vmem>>
        %dma_wait3A_907 = tpu.memref_squeeze %dma_wait3A_906 : memref<1x128x64xf32, #tpu.memory_space<vmem>> -> memref<128x64xf32, #tpu.memory_space<vmem>>
        %dma_wait3A_908 = arith.constant 0 : i32
        %dma_wait3A_909 = arith.constant 0 : i32
        %dma_wait3A_910 = tpu.memref_slice %arg5[%dma_wait3A_908, %dma_wait3A_909] : memref<819200x64xf32, #tpu.memory_space<hbm>> -> memref<128x64xf32, #tpu.memory_space<hbm>>
        %dma_wait3A_911 = arith.constant 0 : i32
        %dma_wait3A_912 = arith.constant 0 : i32
        %dma_wait3A_913 = tpu.memref_slice %arg5[%dma_wait3A_911, %dma_wait3A_912] : memref<819200x64xf32, #tpu.memory_space<hbm>> -> memref<128x64xf32, #tpu.memory_space<hbm>>
        %dma_wait3A_914 = arith.constant 0 : i32
        %dma_wait3A_915 = arith.constant 0 : i32
        %dma_wait3A_916 = tpu.memref_slice %arg8[%dma_wait3A_903, %dma_wait3A_914, %dma_wait3A_915] : memref<8x128x64xf32, #tpu.memory_space<vmem>> -> memref<1x128x64xf32, #tpu.memory_space<vmem>>
        %dma_wait3A_917 = tpu.memref_squeeze %dma_wait3A_916 : memref<1x128x64xf32, #tpu.memory_space<vmem>> -> memref<128x64xf32, #tpu.memory_space<vmem>>
        tpu.wait_dma2 semaphore(%arg31 : memref<!tpu.dma_semaphore, #tpu.memory_space<semaphore_mem>>) src(%dma_wait3A_917 : memref<128x64xf32, #tpu.memory_space<vmem>>) dst(%dma_wait3A_913 : memref<128x64xf32, #tpu.memory_space<hbm>>)
      } else {
      }
      %add3A_245 = arith.constant 6 : i32
      %add3A_246 = arith.addi %mul3A_129, %add3A_245 : i32
      %mul3A_247 = arith.constant 128 : i32
      %mul3A_248 = arith.muli %add3A_246, %mul3A_247 : i32
      %add3A_249 = arith.addi %mul3A_2, %mul3A_248 : i32
      %dma_start3A_250 = arith.constant 6 : i32
      %dma_start3A_251 = arith.constant 0 : i32
      %dma_start3A_252 = tpu.memref_slice %arg6[%dma_start3A_250, %dma_start3A_251] : memref<8x128xi32, #tpu.memory_space<vmem>> -> memref<1x128xi32, #tpu.memory_space<vmem>>
      %dma_start3A_253 = tpu.memref_squeeze %dma_start3A_252 : memref<1x128xi32, #tpu.memory_space<vmem>> -> memref<128xi32, #tpu.memory_space<vmem>>
      %dma_start3A_254 = tpu.memref_slice %arg2[%add3A_249] : memref<819200xi32, #tpu.memory_space<hbm>> -> memref<128xi32, #tpu.memory_space<hbm>>
      %dma_start3A_255 = arith.constant 0 : i32
      %dma_start3A_256 = tpu.memref_slice %arg6[%dma_start3A_250, %dma_start3A_255] : memref<8x128xi32, #tpu.memory_space<vmem>> -> memref<1x128xi32, #tpu.memory_space<vmem>>
      %dma_start3A_257 = tpu.memref_squeeze %dma_start3A_256 : memref<1x128xi32, #tpu.memory_space<vmem>> -> memref<128xi32, #tpu.memory_space<vmem>>
      %dma_start3A_258 = tpu.memref_slice %arg2[%add3A_249] : memref<819200xi32, #tpu.memory_space<hbm>> -> memref<128xi32, #tpu.memory_space<hbm>>
      tpu.enqueue_dma source(%dma_start3A_258 : memref<128xi32, #tpu.memory_space<hbm>>) target(%dma_start3A_257 : memref<128xi32, #tpu.memory_space<vmem>>) target_semaphore(%arg15 : memref<!tpu.dma_semaphore, #tpu.memory_space<semaphore_mem>>)
      %gt3A_259 = arith.constant 0 : i32
      %gt3A_260 = arith.cmpi sgt, %scan3A_127, %gt3A_259 : i32
      %convert_element_type3A_261 = arith.extui %gt3A_260 : i1 to i32
      %cond3A_262 = arith.constant 0 : i32
      %cond3A_263 = arith.cmpi ne, %convert_element_type3A_261, %cond3A_262 : i32
      scf.if %cond3A_263 {
        %dma_wait3A_903 = arith.constant 7 : i32
        %dma_wait3A_904 = arith.constant 0 : i32
        %dma_wait3A_905 = arith.constant 0 : i32
        %dma_wait3A_906 = tpu.memref_slice %arg8[%dma_wait3A_903, %dma_wait3A_904, %dma_wait3A_905] : memref<8x128x64xf32, #tpu.memory_space<vmem>> -> memref<1x128x64xf32, #tpu.memory_space<vmem>>
        %dma_wait3A_907 = tpu.memref_squeeze %dma_wait3A_906 : memref<1x128x64xf32, #tpu.memory_space<vmem>> -> memref<128x64xf32, #tpu.memory_space<vmem>>
        %dma_wait3A_908 = arith.constant 0 : i32
        %dma_wait3A_909 = arith.constant 0 : i32
        %dma_wait3A_910 = tpu.memref_slice %arg5[%dma_wait3A_908, %dma_wait3A_909] : memref<819200x64xf32, #tpu.memory_space<hbm>> -> memref<128x64xf32, #tpu.memory_space<hbm>>
        %dma_wait3A_911 = arith.constant 0 : i32
        %dma_wait3A_912 = arith.constant 0 : i32
        %dma_wait3A_913 = tpu.memref_slice %arg5[%dma_wait3A_911, %dma_wait3A_912] : memref<819200x64xf32, #tpu.memory_space<hbm>> -> memref<128x64xf32, #tpu.memory_space<hbm>>
        %dma_wait3A_914 = arith.constant 0 : i32
        %dma_wait3A_915 = arith.constant 0 : i32
        %dma_wait3A_916 = tpu.memref_slice %arg8[%dma_wait3A_903, %dma_wait3A_914, %dma_wait3A_915] : memref<8x128x64xf32, #tpu.memory_space<vmem>> -> memref<1x128x64xf32, #tpu.memory_space<vmem>>
        %dma_wait3A_917 = tpu.memref_squeeze %dma_wait3A_916 : memref<1x128x64xf32, #tpu.memory_space<vmem>> -> memref<128x64xf32, #tpu.memory_space<vmem>>
        tpu.wait_dma2 semaphore(%arg32 : memref<!tpu.dma_semaphore, #tpu.memory_space<semaphore_mem>>) src(%dma_wait3A_917 : memref<128x64xf32, #tpu.memory_space<vmem>>) dst(%dma_wait3A_913 : memref<128x64xf32, #tpu.memory_space<hbm>>)
      } else {
      }
      %add3A_264 = arith.constant 7 : i32
      %add3A_265 = arith.addi %mul3A_129, %add3A_264 : i32
      %mul3A_266 = arith.constant 128 : i32
      %mul3A_267 = arith.muli %add3A_265, %mul3A_266 : i32
      %add3A_268 = arith.addi %mul3A_2, %mul3A_267 : i32
      %dma_start3A_269 = arith.constant 7 : i32
      %dma_start3A_270 = arith.constant 0 : i32
      %dma_start3A_271 = tpu.memref_slice %arg6[%dma_start3A_269, %dma_start3A_270] : memref<8x128xi32, #tpu.memory_space<vmem>> -> memref<1x128xi32, #tpu.memory_space<vmem>>
      %dma_start3A_272 = tpu.memref_squeeze %dma_start3A_271 : memref<1x128xi32, #tpu.memory_space<vmem>> -> memref<128xi32, #tpu.memory_space<vmem>>
      %dma_start3A_273 = tpu.memref_slice %arg2[%add3A_268] : memref<819200xi32, #tpu.memory_space<hbm>> -> memref<128xi32, #tpu.memory_space<hbm>>
      %dma_start3A_274 = arith.constant 0 : i32
      %dma_start3A_275 = tpu.memref_slice %arg6[%dma_start3A_269, %dma_start3A_274] : memref<8x128xi32, #tpu.memory_space<vmem>> -> memref<1x128xi32, #tpu.memory_space<vmem>>
      %dma_start3A_276 = tpu.memref_squeeze %dma_start3A_275 : memref<1x128xi32, #tpu.memory_space<vmem>> -> memref<128xi32, #tpu.memory_space<vmem>>
      %dma_start3A_277 = tpu.memref_slice %arg2[%add3A_268] : memref<819200xi32, #tpu.memory_space<hbm>> -> memref<128xi32, #tpu.memory_space<hbm>>
      tpu.enqueue_dma source(%dma_start3A_277 : memref<128xi32, #tpu.memory_space<hbm>>) target(%dma_start3A_276 : memref<128xi32, #tpu.memory_space<vmem>>) target_semaphore(%arg16 : memref<!tpu.dma_semaphore, #tpu.memory_space<semaphore_mem>>)
      %dma_wait3A_278 = arith.constant 0 : i32
      %dma_wait3A_279 = arith.constant 0 : i32
      %dma_wait3A_280 = tpu.memref_slice %arg6[%dma_wait3A_278, %dma_wait3A_279] : memref<8x128xi32, #tpu.memory_space<vmem>> -> memref<1x128xi32, #tpu.memory_space<vmem>>
      %dma_wait3A_281 = tpu.memref_squeeze %dma_wait3A_280 : memref<1x128xi32, #tpu.memory_space<vmem>> -> memref<128xi32, #tpu.memory_space<vmem>>
      %dma_wait3A_282 = arith.constant 0 : i32
      %dma_wait3A_283 = tpu.memref_slice %arg2[%dma_wait3A_282] : memref<819200xi32, #tpu.memory_space<hbm>> -> memref<128xi32, #tpu.memory_space<hbm>>
      %dma_wait3A_284 = arith.constant 0 : i32
      %dma_wait3A_285 = tpu.memref_slice %arg6[%dma_wait3A_278, %dma_wait3A_284] : memref<8x128xi32, #tpu.memory_space<vmem>> -> memref<1x128xi32, #tpu.memory_space<vmem>>
      %dma_wait3A_286 = tpu.memref_squeeze %dma_wait3A_285 : memref<1x128xi32, #tpu.memory_space<vmem>> -> memref<128xi32, #tpu.memory_space<vmem>>
      %dma_wait3A_287 = arith.constant 0 : i32
      %dma_wait3A_288 = tpu.memref_slice %arg2[%dma_wait3A_287] : memref<819200xi32, #tpu.memory_space<hbm>> -> memref<128xi32, #tpu.memory_space<hbm>>
      tpu.wait_dma2 semaphore(%arg9 : memref<!tpu.dma_semaphore, #tpu.memory_space<semaphore_mem>>) src(%dma_wait3A_288 : memref<128xi32, #tpu.memory_space<hbm>>) dst(%dma_wait3A_286 : memref<128xi32, #tpu.memory_space<vmem>>)
      %dma_start3A_289 = arith.constant 0 : i32
      %dma_start3A_290 = arith.constant 0 : i32
      %dma_start3A_291 = arith.constant 0 : i32
      %dma_start3A_292 = arith.constant 0 : i32
      %dma_start3A_293 = tpu.memref_slice %arg8[%dma_start3A_290, %dma_start3A_291, %dma_start3A_292] : memref<8x128x64xf32, #tpu.memory_space<vmem>> -> memref<1x128x64xf32, #tpu.memory_space<vmem>>
      %dma_start3A_294 = tpu.memref_squeeze %dma_start3A_293 : memref<1x128x64xf32, #tpu.memory_space<vmem>> -> memref<128x64xf32, #tpu.memory_space<vmem>>
      %dma_start3A_295 = arith.constant 0 : i32
      %dma_start3A_296 = tpu.memref_slice %arg6[%dma_start3A_289, %dma_start3A_295] : memref<8x128xi32, #tpu.memory_space<vmem>> -> memref<1x128xi32, #tpu.memory_space<vmem>>
      %dma_start3A_297 = tpu.memref_squeeze %dma_start3A_296 : memref<1x128xi32, #tpu.memory_space<vmem>> -> memref<128xi32, #tpu.memory_space<vmem>>
      %dma_start3A_298 = arith.constant 0 : i32
      %dma_start3A_299 = arith.constant 0 : i32
      %dma_start3A_300 = tpu.memref_slice %arg3[%dma_start3A_298, %dma_start3A_299] : memref<1000000x64xf32, #tpu.memory_space<hbm>> -> memref<1000000x64xf32, #tpu.memory_space<hbm>>
      tpu.enqueue_indirect_dma source(%dma_start3A_300 : memref<1000000x64xf32, #tpu.memory_space<hbm>>) target(%dma_start3A_294 : memref<128x64xf32, #tpu.memory_space<vmem>>) offsets(%dma_start3A_297 : memref<128xi32, #tpu.memory_space<vmem>>) semaphore(%arg17 : memref<!tpu.dma_semaphore, #tpu.memory_space<semaphore_mem>>)
      %dma_wait3A_301 = arith.constant 1 : i32
      %dma_wait3A_302 = arith.constant 0 : i32
      %dma_wait3A_303 = tpu.memref_slice %arg6[%dma_wait3A_301, %dma_wait3A_302] : memref<8x128xi32, #tpu.memory_space<vmem>> -> memref<1x128xi32, #tpu.memory_space<vmem>>
      %dma_wait3A_304 = tpu.memref_squeeze %dma_wait3A_303 : memref<1x128xi32, #tpu.memory_space<vmem>> -> memref<128xi32, #tpu.memory_space<vmem>>
      %dma_wait3A_305 = arith.constant 0 : i32
      %dma_wait3A_306 = tpu.memref_slice %arg2[%dma_wait3A_305] : memref<819200xi32, #tpu.memory_space<hbm>> -> memref<128xi32, #tpu.memory_space<hbm>>
      %dma_wait3A_307 = arith.constant 0 : i32
      %dma_wait3A_308 = tpu.memref_slice %arg6[%dma_wait3A_301, %dma_wait3A_307] : memref<8x128xi32, #tpu.memory_space<vmem>> -> memref<1x128xi32, #tpu.memory_space<vmem>>
      %dma_wait3A_309 = tpu.memref_squeeze %dma_wait3A_308 : memref<1x128xi32, #tpu.memory_space<vmem>> -> memref<128xi32, #tpu.memory_space<vmem>>
      %dma_wait3A_310 = arith.constant 0 : i32
      %dma_wait3A_311 = tpu.memref_slice %arg2[%dma_wait3A_310] : memref<819200xi32, #tpu.memory_space<hbm>> -> memref<128xi32, #tpu.memory_space<hbm>>
      tpu.wait_dma2 semaphore(%arg10 : memref<!tpu.dma_semaphore, #tpu.memory_space<semaphore_mem>>) src(%dma_wait3A_311 : memref<128xi32, #tpu.memory_space<hbm>>) dst(%dma_wait3A_309 : memref<128xi32, #tpu.memory_space<vmem>>)
      %dma_start3A_312 = arith.constant 1 : i32
      %dma_start3A_313 = arith.constant 1 : i32
      %dma_start3A_314 = arith.constant 0 : i32
      %dma_start3A_315 = arith.constant 0 : i32
      %dma_start3A_316 = tpu.memref_slice %arg8[%dma_start3A_313, %dma_start3A_314, %dma_start3A_315] : memref<8x128x64xf32, #tpu.memory_space<vmem>> -> memref<1x128x64xf32, #tpu.memory_space<vmem>>
      %dma_start3A_317 = tpu.memref_squeeze %dma_start3A_316 : memref<1x128x64xf32, #tpu.memory_space<vmem>> -> memref<128x64xf32, #tpu.memory_space<vmem>>
      %dma_start3A_318 = arith.constant 0 : i32
      %dma_start3A_319 = tpu.memref_slice %arg6[%dma_start3A_312, %dma_start3A_318] : memref<8x128xi32, #tpu.memory_space<vmem>> -> memref<1x128xi32, #tpu.memory_space<vmem>>
      %dma_start3A_320 = tpu.memref_squeeze %dma_start3A_319 : memref<1x128xi32, #tpu.memory_space<vmem>> -> memref<128xi32, #tpu.memory_space<vmem>>
      %dma_start3A_321 = arith.constant 0 : i32
      %dma_start3A_322 = arith.constant 0 : i32
      %dma_start3A_323 = tpu.memref_slice %arg3[%dma_start3A_321, %dma_start3A_322] : memref<1000000x64xf32, #tpu.memory_space<hbm>> -> memref<1000000x64xf32, #tpu.memory_space<hbm>>
      tpu.enqueue_indirect_dma source(%dma_start3A_323 : memref<1000000x64xf32, #tpu.memory_space<hbm>>) target(%dma_start3A_317 : memref<128x64xf32, #tpu.memory_space<vmem>>) offsets(%dma_start3A_320 : memref<128xi32, #tpu.memory_space<vmem>>) semaphore(%arg18 : memref<!tpu.dma_semaphore, #tpu.memory_space<semaphore_mem>>)
      %dma_wait3A_324 = arith.constant 2 : i32
      %dma_wait3A_325 = arith.constant 0 : i32
      %dma_wait3A_326 = tpu.memref_slice %arg6[%dma_wait3A_324, %dma_wait3A_325] : memref<8x128xi32, #tpu.memory_space<vmem>> -> memref<1x128xi32, #tpu.memory_space<vmem>>
      %dma_wait3A_327 = tpu.memref_squeeze %dma_wait3A_326 : memref<1x128xi32, #tpu.memory_space<vmem>> -> memref<128xi32, #tpu.memory_space<vmem>>
      %dma_wait3A_328 = arith.constant 0 : i32
      %dma_wait3A_329 = tpu.memref_slice %arg2[%dma_wait3A_328] : memref<819200xi32, #tpu.memory_space<hbm>> -> memref<128xi32, #tpu.memory_space<hbm>>
      %dma_wait3A_330 = arith.constant 0 : i32
      %dma_wait3A_331 = tpu.memref_slice %arg6[%dma_wait3A_324, %dma_wait3A_330] : memref<8x128xi32, #tpu.memory_space<vmem>> -> memref<1x128xi32, #tpu.memory_space<vmem>>
      %dma_wait3A_332 = tpu.memref_squeeze %dma_wait3A_331 : memref<1x128xi32, #tpu.memory_space<vmem>> -> memref<128xi32, #tpu.memory_space<vmem>>
      %dma_wait3A_333 = arith.constant 0 : i32
      %dma_wait3A_334 = tpu.memref_slice %arg2[%dma_wait3A_333] : memref<819200xi32, #tpu.memory_space<hbm>> -> memref<128xi32, #tpu.memory_space<hbm>>
      tpu.wait_dma2 semaphore(%arg11 : memref<!tpu.dma_semaphore, #tpu.memory_space<semaphore_mem>>) src(%dma_wait3A_334 : memref<128xi32, #tpu.memory_space<hbm>>) dst(%dma_wait3A_332 : memref<128xi32, #tpu.memory_space<vmem>>)
      %dma_start3A_335 = arith.constant 2 : i32
      %dma_start3A_336 = arith.constant 2 : i32
      %dma_start3A_337 = arith.constant 0 : i32
      %dma_start3A_338 = arith.constant 0 : i32
      %dma_start3A_339 = tpu.memref_slice %arg8[%dma_start3A_336, %dma_start3A_337, %dma_start3A_338] : memref<8x128x64xf32, #tpu.memory_space<vmem>> -> memref<1x128x64xf32, #tpu.memory_space<vmem>>
      %dma_start3A_340 = tpu.memref_squeeze %dma_start3A_339 : memref<1x128x64xf32, #tpu.memory_space<vmem>> -> memref<128x64xf32, #tpu.memory_space<vmem>>
      %dma_start3A_341 = arith.constant 0 : i32
      %dma_start3A_342 = tpu.memref_slice %arg6[%dma_start3A_335, %dma_start3A_341] : memref<8x128xi32, #tpu.memory_space<vmem>> -> memref<1x128xi32, #tpu.memory_space<vmem>>
      %dma_start3A_343 = tpu.memref_squeeze %dma_start3A_342 : memref<1x128xi32, #tpu.memory_space<vmem>> -> memref<128xi32, #tpu.memory_space<vmem>>
      %dma_start3A_344 = arith.constant 0 : i32
      %dma_start3A_345 = arith.constant 0 : i32
      %dma_start3A_346 = tpu.memref_slice %arg3[%dma_start3A_344, %dma_start3A_345] : memref<1000000x64xf32, #tpu.memory_space<hbm>> -> memref<1000000x64xf32, #tpu.memory_space<hbm>>
      tpu.enqueue_indirect_dma source(%dma_start3A_346 : memref<1000000x64xf32, #tpu.memory_space<hbm>>) target(%dma_start3A_340 : memref<128x64xf32, #tpu.memory_space<vmem>>) offsets(%dma_start3A_343 : memref<128xi32, #tpu.memory_space<vmem>>) semaphore(%arg19 : memref<!tpu.dma_semaphore, #tpu.memory_space<semaphore_mem>>)
      %dma_wait3A_347 = arith.constant 3 : i32
      %dma_wait3A_348 = arith.constant 0 : i32
      %dma_wait3A_349 = tpu.memref_slice %arg6[%dma_wait3A_347, %dma_wait3A_348] : memref<8x128xi32, #tpu.memory_space<vmem>> -> memref<1x128xi32, #tpu.memory_space<vmem>>
      %dma_wait3A_350 = tpu.memref_squeeze %dma_wait3A_349 : memref<1x128xi32, #tpu.memory_space<vmem>> -> memref<128xi32, #tpu.memory_space<vmem>>
      %dma_wait3A_351 = arith.constant 0 : i32
      %dma_wait3A_352 = tpu.memref_slice %arg2[%dma_wait3A_351] : memref<819200xi32, #tpu.memory_space<hbm>> -> memref<128xi32, #tpu.memory_space<hbm>>
      %dma_wait3A_353 = arith.constant 0 : i32
      %dma_wait3A_354 = tpu.memref_slice %arg6[%dma_wait3A_347, %dma_wait3A_353] : memref<8x128xi32, #tpu.memory_space<vmem>> -> memref<1x128xi32, #tpu.memory_space<vmem>>
      %dma_wait3A_355 = tpu.memref_squeeze %dma_wait3A_354 : memref<1x128xi32, #tpu.memory_space<vmem>> -> memref<128xi32, #tpu.memory_space<vmem>>
      %dma_wait3A_356 = arith.constant 0 : i32
      %dma_wait3A_357 = tpu.memref_slice %arg2[%dma_wait3A_356] : memref<819200xi32, #tpu.memory_space<hbm>> -> memref<128xi32, #tpu.memory_space<hbm>>
      tpu.wait_dma2 semaphore(%arg12 : memref<!tpu.dma_semaphore, #tpu.memory_space<semaphore_mem>>) src(%dma_wait3A_357 : memref<128xi32, #tpu.memory_space<hbm>>) dst(%dma_wait3A_355 : memref<128xi32, #tpu.memory_space<vmem>>)
      %dma_start3A_358 = arith.constant 3 : i32
      %dma_start3A_359 = arith.constant 3 : i32
      %dma_start3A_360 = arith.constant 0 : i32
      %dma_start3A_361 = arith.constant 0 : i32
      %dma_start3A_362 = tpu.memref_slice %arg8[%dma_start3A_359, %dma_start3A_360, %dma_start3A_361] : memref<8x128x64xf32, #tpu.memory_space<vmem>> -> memref<1x128x64xf32, #tpu.memory_space<vmem>>
      %dma_start3A_363 = tpu.memref_squeeze %dma_start3A_362 : memref<1x128x64xf32, #tpu.memory_space<vmem>> -> memref<128x64xf32, #tpu.memory_space<vmem>>
      %dma_start3A_364 = arith.constant 0 : i32
      %dma_start3A_365 = tpu.memref_slice %arg6[%dma_start3A_358, %dma_start3A_364] : memref<8x128xi32, #tpu.memory_space<vmem>> -> memref<1x128xi32, #tpu.memory_space<vmem>>
      %dma_start3A_366 = tpu.memref_squeeze %dma_start3A_365 : memref<1x128xi32, #tpu.memory_space<vmem>> -> memref<128xi32, #tpu.memory_space<vmem>>
      %dma_start3A_367 = arith.constant 0 : i32
      %dma_start3A_368 = arith.constant 0 : i32
      %dma_start3A_369 = tpu.memref_slice %arg3[%dma_start3A_367, %dma_start3A_368] : memref<1000000x64xf32, #tpu.memory_space<hbm>> -> memref<1000000x64xf32, #tpu.memory_space<hbm>>
      tpu.enqueue_indirect_dma source(%dma_start3A_369 : memref<1000000x64xf32, #tpu.memory_space<hbm>>) target(%dma_start3A_363 : memref<128x64xf32, #tpu.memory_space<vmem>>) offsets(%dma_start3A_366 : memref<128xi32, #tpu.memory_space<vmem>>) semaphore(%arg20 : memref<!tpu.dma_semaphore, #tpu.memory_space<semaphore_mem>>)
      %dma_wait3A_370 = arith.constant 4 : i32
      %dma_wait3A_371 = arith.constant 0 : i32
      %dma_wait3A_372 = tpu.memref_slice %arg6[%dma_wait3A_370, %dma_wait3A_371] : memref<8x128xi32, #tpu.memory_space<vmem>> -> memref<1x128xi32, #tpu.memory_space<vmem>>
      %dma_wait3A_373 = tpu.memref_squeeze %dma_wait3A_372 : memref<1x128xi32, #tpu.memory_space<vmem>> -> memref<128xi32, #tpu.memory_space<vmem>>
      %dma_wait3A_374 = arith.constant 0 : i32
      %dma_wait3A_375 = tpu.memref_slice %arg2[%dma_wait3A_374] : memref<819200xi32, #tpu.memory_space<hbm>> -> memref<128xi32, #tpu.memory_space<hbm>>
      %dma_wait3A_376 = arith.constant 0 : i32
      %dma_wait3A_377 = tpu.memref_slice %arg6[%dma_wait3A_370, %dma_wait3A_376] : memref<8x128xi32, #tpu.memory_space<vmem>> -> memref<1x128xi32, #tpu.memory_space<vmem>>
      %dma_wait3A_378 = tpu.memref_squeeze %dma_wait3A_377 : memref<1x128xi32, #tpu.memory_space<vmem>> -> memref<128xi32, #tpu.memory_space<vmem>>
      %dma_wait3A_379 = arith.constant 0 : i32
      %dma_wait3A_380 = tpu.memref_slice %arg2[%dma_wait3A_379] : memref<819200xi32, #tpu.memory_space<hbm>> -> memref<128xi32, #tpu.memory_space<hbm>>
      tpu.wait_dma2 semaphore(%arg13 : memref<!tpu.dma_semaphore, #tpu.memory_space<semaphore_mem>>) src(%dma_wait3A_380 : memref<128xi32, #tpu.memory_space<hbm>>) dst(%dma_wait3A_378 : memref<128xi32, #tpu.memory_space<vmem>>)
      %dma_start3A_381 = arith.constant 4 : i32
      %dma_start3A_382 = arith.constant 4 : i32
      %dma_start3A_383 = arith.constant 0 : i32
      %dma_start3A_384 = arith.constant 0 : i32
      %dma_start3A_385 = tpu.memref_slice %arg8[%dma_start3A_382, %dma_start3A_383, %dma_start3A_384] : memref<8x128x64xf32, #tpu.memory_space<vmem>> -> memref<1x128x64xf32, #tpu.memory_space<vmem>>
      %dma_start3A_386 = tpu.memref_squeeze %dma_start3A_385 : memref<1x128x64xf32, #tpu.memory_space<vmem>> -> memref<128x64xf32, #tpu.memory_space<vmem>>
      %dma_start3A_387 = arith.constant 0 : i32
      %dma_start3A_388 = tpu.memref_slice %arg6[%dma_start3A_381, %dma_start3A_387] : memref<8x128xi32, #tpu.memory_space<vmem>> -> memref<1x128xi32, #tpu.memory_space<vmem>>
      %dma_start3A_389 = tpu.memref_squeeze %dma_start3A_388 : memref<1x128xi32, #tpu.memory_space<vmem>> -> memref<128xi32, #tpu.memory_space<vmem>>
      %dma_start3A_390 = arith.constant 0 : i32
      %dma_start3A_391 = arith.constant 0 : i32
      %dma_start3A_392 = tpu.memref_slice %arg3[%dma_start3A_390, %dma_start3A_391] : memref<1000000x64xf32, #tpu.memory_space<hbm>> -> memref<1000000x64xf32, #tpu.memory_space<hbm>>
      tpu.enqueue_indirect_dma source(%dma_start3A_392 : memref<1000000x64xf32, #tpu.memory_space<hbm>>) target(%dma_start3A_386 : memref<128x64xf32, #tpu.memory_space<vmem>>) offsets(%dma_start3A_389 : memref<128xi32, #tpu.memory_space<vmem>>) semaphore(%arg21 : memref<!tpu.dma_semaphore, #tpu.memory_space<semaphore_mem>>)
      %dma_wait3A_393 = arith.constant 5 : i32
      %dma_wait3A_394 = arith.constant 0 : i32
      %dma_wait3A_395 = tpu.memref_slice %arg6[%dma_wait3A_393, %dma_wait3A_394] : memref<8x128xi32, #tpu.memory_space<vmem>> -> memref<1x128xi32, #tpu.memory_space<vmem>>
      %dma_wait3A_396 = tpu.memref_squeeze %dma_wait3A_395 : memref<1x128xi32, #tpu.memory_space<vmem>> -> memref<128xi32, #tpu.memory_space<vmem>>
      %dma_wait3A_397 = arith.constant 0 : i32
      %dma_wait3A_398 = tpu.memref_slice %arg2[%dma_wait3A_397] : memref<819200xi32, #tpu.memory_space<hbm>> -> memref<128xi32, #tpu.memory_space<hbm>>
      %dma_wait3A_399 = arith.constant 0 : i32
      %dma_wait3A_400 = tpu.memref_slice %arg6[%dma_wait3A_393, %dma_wait3A_399] : memref<8x128xi32, #tpu.memory_space<vmem>> -> memref<1x128xi32, #tpu.memory_space<vmem>>
      %dma_wait3A_401 = tpu.memref_squeeze %dma_wait3A_400 : memref<1x128xi32, #tpu.memory_space<vmem>> -> memref<128xi32, #tpu.memory_space<vmem>>
      %dma_wait3A_402 = arith.constant 0 : i32
      %dma_wait3A_403 = tpu.memref_slice %arg2[%dma_wait3A_402] : memref<819200xi32, #tpu.memory_space<hbm>> -> memref<128xi32, #tpu.memory_space<hbm>>
      tpu.wait_dma2 semaphore(%arg14 : memref<!tpu.dma_semaphore, #tpu.memory_space<semaphore_mem>>) src(%dma_wait3A_403 : memref<128xi32, #tpu.memory_space<hbm>>) dst(%dma_wait3A_401 : memref<128xi32, #tpu.memory_space<vmem>>)
      %dma_start3A_404 = arith.constant 5 : i32
      %dma_start3A_405 = arith.constant 5 : i32
      %dma_start3A_406 = arith.constant 0 : i32
      %dma_start3A_407 = arith.constant 0 : i32
      %dma_start3A_408 = tpu.memref_slice %arg8[%dma_start3A_405, %dma_start3A_406, %dma_start3A_407] : memref<8x128x64xf32, #tpu.memory_space<vmem>> -> memref<1x128x64xf32, #tpu.memory_space<vmem>>
      %dma_start3A_409 = tpu.memref_squeeze %dma_start3A_408 : memref<1x128x64xf32, #tpu.memory_space<vmem>> -> memref<128x64xf32, #tpu.memory_space<vmem>>
      %dma_start3A_410 = arith.constant 0 : i32
      %dma_start3A_411 = tpu.memref_slice %arg6[%dma_start3A_404, %dma_start3A_410] : memref<8x128xi32, #tpu.memory_space<vmem>> -> memref<1x128xi32, #tpu.memory_space<vmem>>
      %dma_start3A_412 = tpu.memref_squeeze %dma_start3A_411 : memref<1x128xi32, #tpu.memory_space<vmem>> -> memref<128xi32, #tpu.memory_space<vmem>>
      %dma_start3A_413 = arith.constant 0 : i32
      %dma_start3A_414 = arith.constant 0 : i32
      %dma_start3A_415 = tpu.memref_slice %arg3[%dma_start3A_413, %dma_start3A_414] : memref<1000000x64xf32, #tpu.memory_space<hbm>> -> memref<1000000x64xf32, #tpu.memory_space<hbm>>
      tpu.enqueue_indirect_dma source(%dma_start3A_415 : memref<1000000x64xf32, #tpu.memory_space<hbm>>) target(%dma_start3A_409 : memref<128x64xf32, #tpu.memory_space<vmem>>) offsets(%dma_start3A_412 : memref<128xi32, #tpu.memory_space<vmem>>) semaphore(%arg22 : memref<!tpu.dma_semaphore, #tpu.memory_space<semaphore_mem>>)
      %dma_wait3A_416 = arith.constant 6 : i32
      %dma_wait3A_417 = arith.constant 0 : i32
      %dma_wait3A_418 = tpu.memref_slice %arg6[%dma_wait3A_416, %dma_wait3A_417] : memref<8x128xi32, #tpu.memory_space<vmem>> -> memref<1x128xi32, #tpu.memory_space<vmem>>
      %dma_wait3A_419 = tpu.memref_squeeze %dma_wait3A_418 : memref<1x128xi32, #tpu.memory_space<vmem>> -> memref<128xi32, #tpu.memory_space<vmem>>
      %dma_wait3A_420 = arith.constant 0 : i32
      %dma_wait3A_421 = tpu.memref_slice %arg2[%dma_wait3A_420] : memref<819200xi32, #tpu.memory_space<hbm>> -> memref<128xi32, #tpu.memory_space<hbm>>
      %dma_wait3A_422 = arith.constant 0 : i32
      %dma_wait3A_423 = tpu.memref_slice %arg6[%dma_wait3A_416, %dma_wait3A_422] : memref<8x128xi32, #tpu.memory_space<vmem>> -> memref<1x128xi32, #tpu.memory_space<vmem>>
      %dma_wait3A_424 = tpu.memref_squeeze %dma_wait3A_423 : memref<1x128xi32, #tpu.memory_space<vmem>> -> memref<128xi32, #tpu.memory_space<vmem>>
      %dma_wait3A_425 = arith.constant 0 : i32
      %dma_wait3A_426 = tpu.memref_slice %arg2[%dma_wait3A_425] : memref<819200xi32, #tpu.memory_space<hbm>> -> memref<128xi32, #tpu.memory_space<hbm>>
      tpu.wait_dma2 semaphore(%arg15 : memref<!tpu.dma_semaphore, #tpu.memory_space<semaphore_mem>>) src(%dma_wait3A_426 : memref<128xi32, #tpu.memory_space<hbm>>) dst(%dma_wait3A_424 : memref<128xi32, #tpu.memory_space<vmem>>)
      %dma_start3A_427 = arith.constant 6 : i32
      %dma_start3A_428 = arith.constant 6 : i32
      %dma_start3A_429 = arith.constant 0 : i32
      %dma_start3A_430 = arith.constant 0 : i32
      %dma_start3A_431 = tpu.memref_slice %arg8[%dma_start3A_428, %dma_start3A_429, %dma_start3A_430] : memref<8x128x64xf32, #tpu.memory_space<vmem>> -> memref<1x128x64xf32, #tpu.memory_space<vmem>>
      %dma_start3A_432 = tpu.memref_squeeze %dma_start3A_431 : memref<1x128x64xf32, #tpu.memory_space<vmem>> -> memref<128x64xf32, #tpu.memory_space<vmem>>
      %dma_start3A_433 = arith.constant 0 : i32
      %dma_start3A_434 = tpu.memref_slice %arg6[%dma_start3A_427, %dma_start3A_433] : memref<8x128xi32, #tpu.memory_space<vmem>> -> memref<1x128xi32, #tpu.memory_space<vmem>>
      %dma_start3A_435 = tpu.memref_squeeze %dma_start3A_434 : memref<1x128xi32, #tpu.memory_space<vmem>> -> memref<128xi32, #tpu.memory_space<vmem>>
      %dma_start3A_436 = arith.constant 0 : i32
      %dma_start3A_437 = arith.constant 0 : i32
      %dma_start3A_438 = tpu.memref_slice %arg3[%dma_start3A_436, %dma_start3A_437] : memref<1000000x64xf32, #tpu.memory_space<hbm>> -> memref<1000000x64xf32, #tpu.memory_space<hbm>>
      tpu.enqueue_indirect_dma source(%dma_start3A_438 : memref<1000000x64xf32, #tpu.memory_space<hbm>>) target(%dma_start3A_432 : memref<128x64xf32, #tpu.memory_space<vmem>>) offsets(%dma_start3A_435 : memref<128xi32, #tpu.memory_space<vmem>>) semaphore(%arg23 : memref<!tpu.dma_semaphore, #tpu.memory_space<semaphore_mem>>)
      %dma_wait3A_439 = arith.constant 7 : i32
      %dma_wait3A_440 = arith.constant 0 : i32
      %dma_wait3A_441 = tpu.memref_slice %arg6[%dma_wait3A_439, %dma_wait3A_440] : memref<8x128xi32, #tpu.memory_space<vmem>> -> memref<1x128xi32, #tpu.memory_space<vmem>>
      %dma_wait3A_442 = tpu.memref_squeeze %dma_wait3A_441 : memref<1x128xi32, #tpu.memory_space<vmem>> -> memref<128xi32, #tpu.memory_space<vmem>>
      %dma_wait3A_443 = arith.constant 0 : i32
      %dma_wait3A_444 = tpu.memref_slice %arg2[%dma_wait3A_443] : memref<819200xi32, #tpu.memory_space<hbm>> -> memref<128xi32, #tpu.memory_space<hbm>>
      %dma_wait3A_445 = arith.constant 0 : i32
      %dma_wait3A_446 = tpu.memref_slice %arg6[%dma_wait3A_439, %dma_wait3A_445] : memref<8x128xi32, #tpu.memory_space<vmem>> -> memref<1x128xi32, #tpu.memory_space<vmem>>
      %dma_wait3A_447 = tpu.memref_squeeze %dma_wait3A_446 : memref<1x128xi32, #tpu.memory_space<vmem>> -> memref<128xi32, #tpu.memory_space<vmem>>
      %dma_wait3A_448 = arith.constant 0 : i32
      %dma_wait3A_449 = tpu.memref_slice %arg2[%dma_wait3A_448] : memref<819200xi32, #tpu.memory_space<hbm>> -> memref<128xi32, #tpu.memory_space<hbm>>
      tpu.wait_dma2 semaphore(%arg16 : memref<!tpu.dma_semaphore, #tpu.memory_space<semaphore_mem>>) src(%dma_wait3A_449 : memref<128xi32, #tpu.memory_space<hbm>>) dst(%dma_wait3A_447 : memref<128xi32, #tpu.memory_space<vmem>>)
      %dma_start3A_450 = arith.constant 7 : i32
      %dma_start3A_451 = arith.constant 7 : i32
      %dma_start3A_452 = arith.constant 0 : i32
      %dma_start3A_453 = arith.constant 0 : i32
      %dma_start3A_454 = tpu.memref_slice %arg8[%dma_start3A_451, %dma_start3A_452, %dma_start3A_453] : memref<8x128x64xf32, #tpu.memory_space<vmem>> -> memref<1x128x64xf32, #tpu.memory_space<vmem>>
      %dma_start3A_455 = tpu.memref_squeeze %dma_start3A_454 : memref<1x128x64xf32, #tpu.memory_space<vmem>> -> memref<128x64xf32, #tpu.memory_space<vmem>>
      %dma_start3A_456 = arith.constant 0 : i32
      %dma_start3A_457 = tpu.memref_slice %arg6[%dma_start3A_450, %dma_start3A_456] : memref<8x128xi32, #tpu.memory_space<vmem>> -> memref<1x128xi32, #tpu.memory_space<vmem>>
      %dma_start3A_458 = tpu.memref_squeeze %dma_start3A_457 : memref<1x128xi32, #tpu.memory_space<vmem>> -> memref<128xi32, #tpu.memory_space<vmem>>
      %dma_start3A_459 = arith.constant 0 : i32
      %dma_start3A_460 = arith.constant 0 : i32
      %dma_start3A_461 = tpu.memref_slice %arg3[%dma_start3A_459, %dma_start3A_460] : memref<1000000x64xf32, #tpu.memory_space<hbm>> -> memref<1000000x64xf32, #tpu.memory_space<hbm>>
      tpu.enqueue_indirect_dma source(%dma_start3A_461 : memref<1000000x64xf32, #tpu.memory_space<hbm>>) target(%dma_start3A_455 : memref<128x64xf32, #tpu.memory_space<vmem>>) offsets(%dma_start3A_458 : memref<128xi32, #tpu.memory_space<vmem>>) semaphore(%arg24 : memref<!tpu.dma_semaphore, #tpu.memory_space<semaphore_mem>>)
      %dma_wait3A_462 = arith.constant 0 : i32
      %dma_wait3A_463 = arith.constant 0 : i32
      %dma_wait3A_464 = arith.constant 0 : i32
      %dma_wait3A_465 = arith.constant 0 : i32
      %dma_wait3A_466 = tpu.memref_slice %arg8[%dma_wait3A_463, %dma_wait3A_464, %dma_wait3A_465] : memref<8x128x64xf32, #tpu.memory_space<vmem>> -> memref<1x128x64xf32, #tpu.memory_space<vmem>>
      %dma_wait3A_467 = tpu.memref_squeeze %dma_wait3A_466 : memref<1x128x64xf32, #tpu.memory_space<vmem>> -> memref<128x64xf32, #tpu.memory_space<vmem>>
      %dma_wait3A_468 = arith.constant 0 : i32
      %dma_wait3A_469 = tpu.memref_slice %arg6[%dma_wait3A_462, %dma_wait3A_468] : memref<8x128xi32, #tpu.memory_space<vmem>> -> memref<1x128xi32, #tpu.memory_space<vmem>>
      %dma_wait3A_470 = tpu.memref_squeeze %dma_wait3A_469 : memref<1x128xi32, #tpu.memory_space<vmem>> -> memref<128xi32, #tpu.memory_space<vmem>>
      %dma_wait3A_471 = arith.constant 0 : i32
      %dma_wait3A_472 = arith.constant 0 : i32
      %dma_wait3A_473 = tpu.memref_slice %arg3[%dma_wait3A_471, %dma_wait3A_472] : memref<1000000x64xf32, #tpu.memory_space<hbm>> -> memref<1000000x64xf32, #tpu.memory_space<hbm>>
      tpu.wait_indirect_dma semaphore(%arg17 : memref<!tpu.dma_semaphore, #tpu.memory_space<semaphore_mem>>) src(%dma_wait3A_473 : memref<1000000x64xf32, #tpu.memory_space<hbm>>) dst(%dma_wait3A_467 : memref<128x64xf32, #tpu.memory_space<vmem>>)
      %add3A_474 = arith.constant 0 : i32
      %add3A_475 = arith.addi %mul3A_129, %add3A_474 : i32
      %mul3A_476 = arith.constant 128 : i32
      %mul3A_477 = arith.muli %add3A_475, %mul3A_476 : i32
      %jit3A = arith.constant 200 : i32
      %eq3A = arith.constant 0 : i32
      %eq3A_478 = arith.cmpi eq, %jit3A, %eq3A : i32
      %jit3A_479 = arith.constant 1 : i32
      %select_n3A = arith.select %eq3A_478, %jit3A_479, %jit3A : i32
      %rem3A = arith.remsi %mul3A_477, %select_n3A : i32
      %ne3A = arith.constant 0 : i32
      %ne3A_480 = arith.cmpi ne, %rem3A, %ne3A : i32
      %lt3A = arith.constant 0 : i32
      %lt3A_481 = arith.cmpi slt, %rem3A, %lt3A : i32
      %lt3A_482 = arith.constant 0 : i32
      %lt3A_483 = arith.cmpi slt, %select_n3A, %lt3A_482 : i32
      %ne3A_484 = arith.xori %lt3A_481, %lt3A_483 : i1
      %and3A = arith.andi %ne3A_484, %ne3A_480 : i1
      %add3A_485 = arith.addi %rem3A, %select_n3A : i32
      %select_n3A_486 = arith.select %and3A, %add3A_485, %rem3A : i32
      %scan3A_487 = arith.constant 0 : i32
      %scan3A_488 = arith.constant 0 : i32
      %scan3A_489 = arith.constant 128 : i32
      %scan3A_490 = arith.addi %scan3A_488, %scan3A_489 : i32
      %scan3A_491 = arith.constant 4 : i32
      scf.for %scan3A_903 = %scan3A_488 to %scan3A_490 step %scan3A_491  : i32 {
        %get3A = arith.constant 0 : i32
        %get3A_904 = arith.constant 0 : i32
        %get3A_905 = arith.constant 0 : i32
        %get3A_906 = tpu.memref_slice %arg8[%get3A, %get3A_904, %get3A_905] : memref<8x128x64xf32, #tpu.memory_space<vmem>> -> memref<1x128x64xf32, #tpu.memory_space<vmem>>
        %get3A_907 = tpu.memref_squeeze %get3A_906 : memref<1x128x64xf32, #tpu.memory_space<vmem>> -> memref<128x64xf32, #tpu.memory_space<vmem>>
        %get3A_908 = arith.index_cast %scan3A_903 : i32 to index
        %get3A_909 = arith.constant 0 : index
        %get3A_910 = tpu.vector_load %get3A_907[%get3A_908, %get3A_909] {strides = array<i32>} : memref<128x64xf32, #tpu.memory_space<vmem>>, vector<1x16xf32>,
        %get3A_911 = vector.shape_cast %get3A_910 : vector<1x16xf32> to vector<16xf32>
        %add3A_912 = arith.addi %select_n3A_486, %scan3A_903 : i32
        %get3A_913 = arith.index_cast %add3A_912 : i32 to index
        %get3A_914 = arith.constant 0 : index
        %get3A_915 = tpu.vector_load %arg7[%get3A_913, %get3A_914] {strides = array<i32>} : memref<328x64xf32, #tpu.memory_space<vmem>>, vector<1x16xf32>,
        %get3A_916 = vector.shape_cast %get3A_915 : vector<1x16xf32> to vector<16xf32>
        %add3A_917 = arith.addf %get3A_911, %get3A_916 : vector<16xf32>
        %swap3A = arith.constant 0 : i32
        %swap3A_918 = arith.constant 0 : i32
        %swap3A_919 = arith.constant 0 : i32
        %swap3A_920 = tpu.memref_slice %arg8[%swap3A, %swap3A_918, %swap3A_919] : memref<8x128x64xf32, #tpu.memory_space<vmem>> -> memref<1x128x64xf32, #tpu.memory_space<vmem>>
        %swap3A_921 = tpu.memref_squeeze %swap3A_920 : memref<1x128x64xf32, #tpu.memory_space<vmem>> -> memref<128x64xf32, #tpu.memory_space<vmem>>
        %swap3A_922 = arith.index_cast %scan3A_903 : i32 to index
        %swap3A_923 = arith.constant 0 : index
        %swap3A_924 = tpu.vector_load %swap3A_921[%swap3A_922, %swap3A_923] {strides = array<i32>} : memref<128x64xf32, #tpu.memory_space<vmem>>, vector<1x16xf32>,
        %swap3A_925 = vector.shape_cast %swap3A_924 : vector<1x16xf32> to vector<16xf32>
        %swap3A_926 = vector.shape_cast %add3A_917 : vector<16xf32> to vector<1x16xf32>
        tpu.vector_store %swap3A_921[%swap3A_922, %swap3A_923], %swap3A_926 {strides = array<i32>} : memref<128x64xf32, #tpu.memory_space<vmem>>, vector<1x16xf32>,
        %get3A_927 = arith.constant 0 : i32
        %get3A_928 = arith.constant 0 : i32
        %get3A_929 = arith.constant 0 : i32
        %get3A_930 = tpu.memref_slice %arg8[%get3A_927, %get3A_928, %get3A_929] : memref<8x128x64xf32, #tpu.memory_space<vmem>> -> memref<1x128x64xf32, #tpu.memory_space<vmem>>
        %get3A_931 = tpu.memref_squeeze %get3A_930 : memref<1x128x64xf32, #tpu.memory_space<vmem>> -> memref<128x64xf32, #tpu.memory_space<vmem>>
        %get3A_932 = arith.index_cast %scan3A_903 : i32 to index
        %get3A_933 = arith.constant 16 : index
        %get3A_934 = tpu.vector_load %get3A_931[%get3A_932, %get3A_933] {strides = array<i32>} : memref<128x64xf32, #tpu.memory_space<vmem>>, vector<1x16xf32>,
        %get3A_935 = vector.shape_cast %get3A_934 : vector<1x16xf32> to vector<16xf32>
        %add3A_936 = arith.addi %select_n3A_486, %scan3A_903 : i32
        %get3A_937 = arith.index_cast %add3A_936 : i32 to index
        %get3A_938 = arith.constant 16 : index
        %get3A_939 = tpu.vector_load %arg7[%get3A_937, %get3A_938] {strides = array<i32>} : memref<328x64xf32, #tpu.memory_space<vmem>>, vector<1x16xf32>,
        %get3A_940 = vector.shape_cast %get3A_939 : vector<1x16xf32> to vector<16xf32>
        %add3A_941 = arith.addf %get3A_935, %get3A_940 : vector<16xf32>
        %swap3A_942 = arith.constant 0 : i32
        %swap3A_943 = arith.constant 0 : i32
        %swap3A_944 = arith.constant 0 : i32
        %swap3A_945 = tpu.memref_slice %arg8[%swap3A_942, %swap3A_943, %swap3A_944] : memref<8x128x64xf32, #tpu.memory_space<vmem>> -> memref<1x128x64xf32, #tpu.memory_space<vmem>>
        %swap3A_946 = tpu.memref_squeeze %swap3A_945 : memref<1x128x64xf32, #tpu.memory_space<vmem>> -> memref<128x64xf32, #tpu.memory_space<vmem>>
        %swap3A_947 = arith.index_cast %scan3A_903 : i32 to index
        %swap3A_948 = arith.constant 16 : index
        %swap3A_949 = tpu.vector_load %swap3A_946[%swap3A_947, %swap3A_948] {strides = array<i32>} : memref<128x64xf32, #tpu.memory_space<vmem>>, vector<1x16xf32>,
        %swap3A_950 = vector.shape_cast %swap3A_949 : vector<1x16xf32> to vector<16xf32>
        %swap3A_951 = vector.shape_cast %add3A_941 : vector<16xf32> to vector<1x16xf32>
        tpu.vector_store %swap3A_946[%swap3A_947, %swap3A_948], %swap3A_951 {strides = array<i32>} : memref<128x64xf32, #tpu.memory_space<vmem>>, vector<1x16xf32>,
        %get3A_952 = arith.constant 0 : i32
        %get3A_953 = arith.constant 0 : i32
        %get3A_954 = arith.constant 0 : i32
        %get3A_955 = tpu.memref_slice %arg8[%get3A_952, %get3A_953, %get3A_954] : memref<8x128x64xf32, #tpu.memory_space<vmem>> -> memref<1x128x64xf32, #tpu.memory_space<vmem>>
        %get3A_956 = tpu.memref_squeeze %get3A_955 : memref<1x128x64xf32, #tpu.memory_space<vmem>> -> memref<128x64xf32, #tpu.memory_space<vmem>>
        %get3A_957 = arith.index_cast %scan3A_903 : i32 to index
        %get3A_958 = arith.constant 32 : index
        %get3A_959 = tpu.vector_load %get3A_956[%get3A_957, %get3A_958] {strides = array<i32>} : memref<128x64xf32, #tpu.memory_space<vmem>>, vector<1x16xf32>,
        %get3A_960 = vector.shape_cast %get3A_959 : vector<1x16xf32> to vector<16xf32>
        %add3A_961 = arith.addi %select_n3A_486, %scan3A_903 : i32
        %get3A_962 = arith.index_cast %add3A_961 : i32 to index
        %get3A_963 = arith.constant 32 : index
        %get3A_964 = tpu.vector_load %arg7[%get3A_962, %get3A_963] {strides = array<i32>} : memref<328x64xf32, #tpu.memory_space<vmem>>, vector<1x16xf32>,
        %get3A_965 = vector.shape_cast %get3A_964 : vector<1x16xf32> to vector<16xf32>
        %add3A_966 = arith.addf %get3A_960, %get3A_965 : vector<16xf32>
        %swap3A_967 = arith.constant 0 : i32
        %swap3A_968 = arith.constant 0 : i32
        %swap3A_969 = arith.constant 0 : i32
        %swap3A_970 = tpu.memref_slice %arg8[%swap3A_967, %swap3A_968, %swap3A_969] : memref<8x128x64xf32, #tpu.memory_space<vmem>> -> memref<1x128x64xf32, #tpu.memory_space<vmem>>
        %swap3A_971 = tpu.memref_squeeze %swap3A_970 : memref<1x128x64xf32, #tpu.memory_space<vmem>> -> memref<128x64xf32, #tpu.memory_space<vmem>>
        %swap3A_972 = arith.index_cast %scan3A_903 : i32 to index
        %swap3A_973 = arith.constant 32 : index
        %swap3A_974 = tpu.vector_load %swap3A_971[%swap3A_972, %swap3A_973] {strides = array<i32>} : memref<128x64xf32, #tpu.memory_space<vmem>>, vector<1x16xf32>,
        %swap3A_975 = vector.shape_cast %swap3A_974 : vector<1x16xf32> to vector<16xf32>
        %swap3A_976 = vector.shape_cast %add3A_966 : vector<16xf32> to vector<1x16xf32>
        tpu.vector_store %swap3A_971[%swap3A_972, %swap3A_973], %swap3A_976 {strides = array<i32>} : memref<128x64xf32, #tpu.memory_space<vmem>>, vector<1x16xf32>,
        %get3A_977 = arith.constant 0 : i32
        %get3A_978 = arith.constant 0 : i32
        %get3A_979 = arith.constant 0 : i32
        %get3A_980 = tpu.memref_slice %arg8[%get3A_977, %get3A_978, %get3A_979] : memref<8x128x64xf32, #tpu.memory_space<vmem>> -> memref<1x128x64xf32, #tpu.memory_space<vmem>>
        %get3A_981 = tpu.memref_squeeze %get3A_980 : memref<1x128x64xf32, #tpu.memory_space<vmem>> -> memref<128x64xf32, #tpu.memory_space<vmem>>
        %get3A_982 = arith.index_cast %scan3A_903 : i32 to index
        %get3A_983 = arith.constant 48 : index
        %get3A_984 = tpu.vector_load %get3A_981[%get3A_982, %get3A_983] {strides = array<i32>} : memref<128x64xf32, #tpu.memory_space<vmem>>, vector<1x16xf32>,
        %get3A_985 = vector.shape_cast %get3A_984 : vector<1x16xf32> to vector<16xf32>
        %add3A_986 = arith.addi %select_n3A_486, %scan3A_903 : i32
        %get3A_987 = arith.index_cast %add3A_986 : i32 to index
        %get3A_988 = arith.constant 48 : index
        %get3A_989 = tpu.vector_load %arg7[%get3A_987, %get3A_988] {strides = array<i32>} : memref<328x64xf32, #tpu.memory_space<vmem>>, vector<1x16xf32>,
        %get3A_990 = vector.shape_cast %get3A_989 : vector<1x16xf32> to vector<16xf32>
        %add3A_991 = arith.addf %get3A_985, %get3A_990 : vector<16xf32>
        %swap3A_992 = arith.constant 0 : i32
        %swap3A_993 = arith.constant 0 : i32
        %swap3A_994 = arith.constant 0 : i32
        %swap3A_995 = tpu.memref_slice %arg8[%swap3A_992, %swap3A_993, %swap3A_994] : memref<8x128x64xf32, #tpu.memory_space<vmem>> -> memref<1x128x64xf32, #tpu.memory_space<vmem>>
        %swap3A_996 = tpu.memref_squeeze %swap3A_995 : memref<1x128x64xf32, #tpu.memory_space<vmem>> -> memref<128x64xf32, #tpu.memory_space<vmem>>
        %swap3A_997 = arith.index_cast %scan3A_903 : i32 to index
        %swap3A_998 = arith.constant 48 : index
        %swap3A_999 = tpu.vector_load %swap3A_996[%swap3A_997, %swap3A_998] {strides = array<i32>} : memref<128x64xf32, #tpu.memory_space<vmem>>, vector<1x16xf32>,
        %swap3A_1000 = vector.shape_cast %swap3A_999 : vector<1x16xf32> to vector<16xf32>
        %swap3A_1001 = vector.shape_cast %add3A_991 : vector<16xf32> to vector<1x16xf32>
        tpu.vector_store %swap3A_996[%swap3A_997, %swap3A_998], %swap3A_1001 {strides = array<i32>} : memref<128x64xf32, #tpu.memory_space<vmem>>, vector<1x16xf32>,
        %scan3A_1002 = arith.constant 1 : i32
        %scan3A_1003 = arith.addi %scan3A_903, %scan3A_1002 : i32
        %get3A_1004 = arith.constant 0 : i32
        %get3A_1005 = arith.constant 0 : i32
        %get3A_1006 = arith.constant 0 : i32
        %get3A_1007 = tpu.memref_slice %arg8[%get3A_1004, %get3A_1005, %get3A_1006] : memref<8x128x64xf32, #tpu.memory_space<vmem>> -> memref<1x128x64xf32, #tpu.memory_space<vmem>>
        %get3A_1008 = tpu.memref_squeeze %get3A_1007 : memref<1x128x64xf32, #tpu.memory_space<vmem>> -> memref<128x64xf32, #tpu.memory_space<vmem>>
        %get3A_1009 = arith.index_cast %scan3A_1003 : i32 to index
        %get3A_1010 = arith.constant 0 : index
        %get3A_1011 = tpu.vector_load %get3A_1008[%get3A_1009, %get3A_1010] {strides = array<i32>} : memref<128x64xf32, #tpu.memory_space<vmem>>, vector<1x16xf32>,
        %get3A_1012 = vector.shape_cast %get3A_1011 : vector<1x16xf32> to vector<16xf32>
        %add3A_1013 = arith.addi %select_n3A_486, %scan3A_1003 : i32
        %get3A_1014 = arith.index_cast %add3A_1013 : i32 to index
        %get3A_1015 = arith.constant 0 : index
        %get3A_1016 = tpu.vector_load %arg7[%get3A_1014, %get3A_1015] {strides = array<i32>} : memref<328x64xf32, #tpu.memory_space<vmem>>, vector<1x16xf32>,
        %get3A_1017 = vector.shape_cast %get3A_1016 : vector<1x16xf32> to vector<16xf32>
        %add3A_1018 = arith.addf %get3A_1012, %get3A_1017 : vector<16xf32>
        %swap3A_1019 = arith.constant 0 : i32
        %swap3A_1020 = arith.constant 0 : i32
        %swap3A_1021 = arith.constant 0 : i32
        %swap3A_1022 = tpu.memref_slice %arg8[%swap3A_1019, %swap3A_1020, %swap3A_1021] : memref<8x128x64xf32, #tpu.memory_space<vmem>> -> memref<1x128x64xf32, #tpu.memory_space<vmem>>
        %swap3A_1023 = tpu.memref_squeeze %swap3A_1022 : memref<1x128x64xf32, #tpu.memory_space<vmem>> -> memref<128x64xf32, #tpu.memory_space<vmem>>
        %swap3A_1024 = arith.index_cast %scan3A_1003 : i32 to index
        %swap3A_1025 = arith.constant 0 : index
        %swap3A_1026 = tpu.vector_load %swap3A_1023[%swap3A_1024, %swap3A_1025] {strides = array<i32>} : memref<128x64xf32, #tpu.memory_space<vmem>>, vector<1x16xf32>,
        %swap3A_1027 = vector.shape_cast %swap3A_1026 : vector<1x16xf32> to vector<16xf32>
        %swap3A_1028 = vector.shape_cast %add3A_1018 : vector<16xf32> to vector<1x16xf32>
        tpu.vector_store %swap3A_1023[%swap3A_1024, %swap3A_1025], %swap3A_1028 {strides = array<i32>} : memref<128x64xf32, #tpu.memory_space<vmem>>, vector<1x16xf32>,
        %get3A_1029 = arith.constant 0 : i32
        %get3A_1030 = arith.constant 0 : i32
        %get3A_1031 = arith.constant 0 : i32
        %get3A_1032 = tpu.memref_slice %arg8[%get3A_1029, %get3A_1030, %get3A_1031] : memref<8x128x64xf32, #tpu.memory_space<vmem>> -> memref<1x128x64xf32, #tpu.memory_space<vmem>>
        %get3A_1033 = tpu.memref_squeeze %get3A_1032 : memref<1x128x64xf32, #tpu.memory_space<vmem>> -> memref<128x64xf32, #tpu.memory_space<vmem>>
        %get3A_1034 = arith.index_cast %scan3A_1003 : i32 to index
        %get3A_1035 = arith.constant 16 : index
        %get3A_1036 = tpu.vector_load %get3A_1033[%get3A_1034, %get3A_1035] {strides = array<i32>} : memref<128x64xf32, #tpu.memory_space<vmem>>, vector<1x16xf32>,
        %get3A_1037 = vector.shape_cast %get3A_1036 : vector<1x16xf32> to vector<16xf32>
        %add3A_1038 = arith.addi %select_n3A_486, %scan3A_1003 : i32
        %get3A_1039 = arith.index_cast %add3A_1038 : i32 to index
        %get3A_1040 = arith.constant 16 : index
        %get3A_1041 = tpu.vector_load %arg7[%get3A_1039, %get3A_1040] {strides = array<i32>} : memref<328x64xf32, #tpu.memory_space<vmem>>, vector<1x16xf32>,
        %get3A_1042 = vector.shape_cast %get3A_1041 : vector<1x16xf32> to vector<16xf32>
        %add3A_1043 = arith.addf %get3A_1037, %get3A_1042 : vector<16xf32>
        %swap3A_1044 = arith.constant 0 : i32
        %swap3A_1045 = arith.constant 0 : i32
        %swap3A_1046 = arith.constant 0 : i32
        %swap3A_1047 = tpu.memref_slice %arg8[%swap3A_1044, %swap3A_1045, %swap3A_1046] : memref<8x128x64xf32, #tpu.memory_space<vmem>> -> memref<1x128x64xf32, #tpu.memory_space<vmem>>
        %swap3A_1048 = tpu.memref_squeeze %swap3A_1047 : memref<1x128x64xf32, #tpu.memory_space<vmem>> -> memref<128x64xf32, #tpu.memory_space<vmem>>
        %swap3A_1049 = arith.index_cast %scan3A_1003 : i32 to index
        %swap3A_1050 = arith.constant 16 : index
        %swap3A_1051 = tpu.vector_load %swap3A_1048[%swap3A_1049, %swap3A_1050] {strides = array<i32>} : memref<128x64xf32, #tpu.memory_space<vmem>>, vector<1x16xf32>,
        %swap3A_1052 = vector.shape_cast %swap3A_1051 : vector<1x16xf32> to vector<16xf32>
        %swap3A_1053 = vector.shape_cast %add3A_1043 : vector<16xf32> to vector<1x16xf32>
        tpu.vector_store %swap3A_1048[%swap3A_1049, %swap3A_1050], %swap3A_1053 {strides = array<i32>} : memref<128x64xf32, #tpu.memory_space<vmem>>, vector<1x16xf32>,
        %get3A_1054 = arith.constant 0 : i32
        %get3A_1055 = arith.constant 0 : i32
        %get3A_1056 = arith.constant 0 : i32
        %get3A_1057 = tpu.memref_slice %arg8[%get3A_1054, %get3A_1055, %get3A_1056] : memref<8x128x64xf32, #tpu.memory_space<vmem>> -> memref<1x128x64xf32, #tpu.memory_space<vmem>>
        %get3A_1058 = tpu.memref_squeeze %get3A_1057 : memref<1x128x64xf32, #tpu.memory_space<vmem>> -> memref<128x64xf32, #tpu.memory_space<vmem>>
        %get3A_1059 = arith.index_cast %scan3A_1003 : i32 to index
        %get3A_1060 = arith.constant 32 : index
        %get3A_1061 = tpu.vector_load %get3A_1058[%get3A_1059, %get3A_1060] {strides = array<i32>} : memref<128x64xf32, #tpu.memory_space<vmem>>, vector<1x16xf32>,
        %get3A_1062 = vector.shape_cast %get3A_1061 : vector<1x16xf32> to vector<16xf32>
        %add3A_1063 = arith.addi %select_n3A_486, %scan3A_1003 : i32
        %get3A_1064 = arith.index_cast %add3A_1063 : i32 to index
        %get3A_1065 = arith.constant 32 : index
        %get3A_1066 = tpu.vector_load %arg7[%get3A_1064, %get3A_1065] {strides = array<i32>} : memref<328x64xf32, #tpu.memory_space<vmem>>, vector<1x16xf32>,
        %get3A_1067 = vector.shape_cast %get3A_1066 : vector<1x16xf32> to vector<16xf32>
        %add3A_1068 = arith.addf %get3A_1062, %get3A_1067 : vector<16xf32>
        %swap3A_1069 = arith.constant 0 : i32
        %swap3A_1070 = arith.constant 0 : i32
        %swap3A_1071 = arith.constant 0 : i32
        %swap3A_1072 = tpu.memref_slice %arg8[%swap3A_1069, %swap3A_1070, %swap3A_1071] : memref<8x128x64xf32, #tpu.memory_space<vmem>> -> memref<1x128x64xf32, #tpu.memory_space<vmem>>
        %swap3A_1073 = tpu.memref_squeeze %swap3A_1072 : memref<1x128x64xf32, #tpu.memory_space<vmem>> -> memref<128x64xf32, #tpu.memory_space<vmem>>
        %swap3A_1074 = arith.index_cast %scan3A_1003 : i32 to index
        %swap3A_1075 = arith.constant 32 : index
        %swap3A_1076 = tpu.vector_load %swap3A_1073[%swap3A_1074, %swap3A_1075] {strides = array<i32>} : memref<128x64xf32, #tpu.memory_space<vmem>>, vector<1x16xf32>,
        %swap3A_1077 = vector.shape_cast %swap3A_1076 : vector<1x16xf32> to vector<16xf32>
        %swap3A_1078 = vector.shape_cast %add3A_1068 : vector<16xf32> to vector<1x16xf32>
        tpu.vector_store %swap3A_1073[%swap3A_1074, %swap3A_1075], %swap3A_1078 {strides = array<i32>} : memref<128x64xf32, #tpu.memory_space<vmem>>, vector<1x16xf32>,
        %get3A_1079 = arith.constant 0 : i32
        %get3A_1080 = arith.constant 0 : i32
        %get3A_1081 = arith.constant 0 : i32
        %get3A_1082 = tpu.memref_slice %arg8[%get3A_1079, %get3A_1080, %get3A_1081] : memref<8x128x64xf32, #tpu.memory_space<vmem>> -> memref<1x128x64xf32, #tpu.memory_space<vmem>>
        %get3A_1083 = tpu.memref_squeeze %get3A_1082 : memref<1x128x64xf32, #tpu.memory_space<vmem>> -> memref<128x64xf32, #tpu.memory_space<vmem>>
        %get3A_1084 = arith.index_cast %scan3A_1003 : i32 to index
        %get3A_1085 = arith.constant 48 : index
        %get3A_1086 = tpu.vector_load %get3A_1083[%get3A_1084, %get3A_1085] {strides = array<i32>} : memref<128x64xf32, #tpu.memory_space<vmem>>, vector<1x16xf32>,
        %get3A_1087 = vector.shape_cast %get3A_1086 : vector<1x16xf32> to vector<16xf32>
        %add3A_1088 = arith.addi %select_n3A_486, %scan3A_1003 : i32
        %get3A_1089 = arith.index_cast %add3A_1088 : i32 to index
        %get3A_1090 = arith.constant 48 : index
        %get3A_1091 = tpu.vector_load %arg7[%get3A_1089, %get3A_1090] {strides = array<i32>} : memref<328x64xf32, #tpu.memory_space<vmem>>, vector<1x16xf32>,
        %get3A_1092 = vector.shape_cast %get3A_1091 : vector<1x16xf32> to vector<16xf32>
        %add3A_1093 = arith.addf %get3A_1087, %get3A_1092 : vector<16xf32>
        %swap3A_1094 = arith.constant 0 : i32
        %swap3A_1095 = arith.constant 0 : i32
        %swap3A_1096 = arith.constant 0 : i32
        %swap3A_1097 = tpu.memref_slice %arg8[%swap3A_1094, %swap3A_1095, %swap3A_1096] : memref<8x128x64xf32, #tpu.memory_space<vmem>> -> memref<1x128x64xf32, #tpu.memory_space<vmem>>
        %swap3A_1098 = tpu.memref_squeeze %swap3A_1097 : memref<1x128x64xf32, #tpu.memory_space<vmem>> -> memref<128x64xf32, #tpu.memory_space<vmem>>
        %swap3A_1099 = arith.index_cast %scan3A_1003 : i32 to index
        %swap3A_1100 = arith.constant 48 : index
        %swap3A_1101 = tpu.vector_load %swap3A_1098[%swap3A_1099, %swap3A_1100] {strides = array<i32>} : memref<128x64xf32, #tpu.memory_space<vmem>>, vector<1x16xf32>,
        %swap3A_1102 = vector.shape_cast %swap3A_1101 : vector<1x16xf32> to vector<16xf32>
        %swap3A_1103 = vector.shape_cast %add3A_1093 : vector<16xf32> to vector<1x16xf32>
        tpu.vector_store %swap3A_1098[%swap3A_1099, %swap3A_1100], %swap3A_1103 {strides = array<i32>} : memref<128x64xf32, #tpu.memory_space<vmem>>, vector<1x16xf32>,
        %scan3A_1104 = arith.constant 2 : i32
        %scan3A_1105 = arith.addi %scan3A_903, %scan3A_1104 : i32
        %get3A_1106 = arith.constant 0 : i32
        %get3A_1107 = arith.constant 0 : i32
        %get3A_1108 = arith.constant 0 : i32
        %get3A_1109 = tpu.memref_slice %arg8[%get3A_1106, %get3A_1107, %get3A_1108] : memref<8x128x64xf32, #tpu.memory_space<vmem>> -> memref<1x128x64xf32, #tpu.memory_space<vmem>>
        %get3A_1110 = tpu.memref_squeeze %get3A_1109 : memref<1x128x64xf32, #tpu.memory_space<vmem>> -> memref<128x64xf32, #tpu.memory_space<vmem>>
        %get3A_1111 = arith.index_cast %scan3A_1105 : i32 to index
        %get3A_1112 = arith.constant 0 : index
        %get3A_1113 = tpu.vector_load %get3A_1110[%get3A_1111, %get3A_1112] {strides = array<i32>} : memref<128x64xf32, #tpu.memory_space<vmem>>, vector<1x16xf32>,
        %get3A_1114 = vector.shape_cast %get3A_1113 : vector<1x16xf32> to vector<16xf32>
        %add3A_1115 = arith.addi %select_n3A_486, %scan3A_1105 : i32
        %get3A_1116 = arith.index_cast %add3A_1115 : i32 to index
        %get3A_1117 = arith.constant 0 : index
        %get3A_1118 = tpu.vector_load %arg7[%get3A_1116, %get3A_1117] {strides = array<i32>} : memref<328x64xf32, #tpu.memory_space<vmem>>, vector<1x16xf32>,
        %get3A_1119 = vector.shape_cast %get3A_1118 : vector<1x16xf32> to vector<16xf32>
        %add3A_1120 = arith.addf %get3A_1114, %get3A_1119 : vector<16xf32>
        %swap3A_1121 = arith.constant 0 : i32
        %swap3A_1122 = arith.constant 0 : i32
        %swap3A_1123 = arith.constant 0 : i32
        %swap3A_1124 = tpu.memref_slice %arg8[%swap3A_1121, %swap3A_1122, %swap3A_1123] : memref<8x128x64xf32, #tpu.memory_space<vmem>> -> memref<1x128x64xf32, #tpu.memory_space<vmem>>
        %swap3A_1125 = tpu.memref_squeeze %swap3A_1124 : memref<1x128x64xf32, #tpu.memory_space<vmem>> -> memref<128x64xf32, #tpu.memory_space<vmem>>
        %swap3A_1126 = arith.index_cast %scan3A_1105 : i32 to index
        %swap3A_1127 = arith.constant 0 : index
        %swap3A_1128 = tpu.vector_load %swap3A_1125[%swap3A_1126, %swap3A_1127] {strides = array<i32>} : memref<128x64xf32, #tpu.memory_space<vmem>>, vector<1x16xf32>,
        %swap3A_1129 = vector.shape_cast %swap3A_1128 : vector<1x16xf32> to vector<16xf32>
        %swap3A_1130 = vector.shape_cast %add3A_1120 : vector<16xf32> to vector<1x16xf32>
        tpu.vector_store %swap3A_1125[%swap3A_1126, %swap3A_1127], %swap3A_1130 {strides = array<i32>} : memref<128x64xf32, #tpu.memory_space<vmem>>, vector<1x16xf32>,
        %get3A_1131 = arith.constant 0 : i32
        %get3A_1132 = arith.constant 0 : i32
        %get3A_1133 = arith.constant 0 : i32
        %get3A_1134 = tpu.memref_slice %arg8[%get3A_1131, %get3A_1132, %get3A_1133] : memref<8x128x64xf32, #tpu.memory_space<vmem>> -> memref<1x128x64xf32, #tpu.memory_space<vmem>>
        %get3A_1135 = tpu.memref_squeeze %get3A_1134 : memref<1x128x64xf32, #tpu.memory_space<vmem>> -> memref<128x64xf32, #tpu.memory_space<vmem>>
        %get3A_1136 = arith.index_cast %scan3A_1105 : i32 to index
        %get3A_1137 = arith.constant 16 : index
        %get3A_1138 = tpu.vector_load %get3A_1135[%get3A_1136, %get3A_1137] {strides = array<i32>} : memref<128x64xf32, #tpu.memory_space<vmem>>, vector<1x16xf32>,
        %get3A_1139 = vector.shape_cast %get3A_1138 : vector<1x16xf32> to vector<16xf32>
        %add3A_1140 = arith.addi %select_n3A_486, %scan3A_1105 : i32
        %get3A_1141 = arith.index_cast %add3A_1140 : i32 to index
        %get3A_1142 = arith.constant 16 : index
        %get3A_1143 = tpu.vector_load %arg7[%get3A_1141, %get3A_1142] {strides = array<i32>} : memref<328x64xf32, #tpu.memory_space<vmem>>, vector<1x16xf32>,
        %get3A_1144 = vector.shape_cast %get3A_1143 : vector<1x16xf32> to vector<16xf32>
        %add3A_1145 = arith.addf %get3A_1139, %get3A_1144 : vector<16xf32>
        %swap3A_1146 = arith.constant 0 : i32
        %swap3A_1147 = arith.constant 0 : i32
        %swap3A_1148 = arith.constant 0 : i32
        %swap3A_1149 = tpu.memref_slice %arg8[%swap3A_1146, %swap3A_1147, %swap3A_1148] : memref<8x128x64xf32, #tpu.memory_space<vmem>> -> memref<1x128x64xf32, #tpu.memory_space<vmem>>
        %swap3A_1150 = tpu.memref_squeeze %swap3A_1149 : memref<1x128x64xf32, #tpu.memory_space<vmem>> -> memref<128x64xf32, #tpu.memory_space<vmem>>
        %swap3A_1151 = arith.index_cast %scan3A_1105 : i32 to index
        %swap3A_1152 = arith.constant 16 : index
        %swap3A_1153 = tpu.vector_load %swap3A_1150[%swap3A_1151, %swap3A_1152] {strides = array<i32>} : memref<128x64xf32, #tpu.memory_space<vmem>>, vector<1x16xf32>,
        %swap3A_1154 = vector.shape_cast %swap3A_1153 : vector<1x16xf32> to vector<16xf32>
        %swap3A_1155 = vector.shape_cast %add3A_1145 : vector<16xf32> to vector<1x16xf32>
        tpu.vector_store %swap3A_1150[%swap3A_1151, %swap3A_1152], %swap3A_1155 {strides = array<i32>} : memref<128x64xf32, #tpu.memory_space<vmem>>, vector<1x16xf32>,
        %get3A_1156 = arith.constant 0 : i32
        %get3A_1157 = arith.constant 0 : i32
        %get3A_1158 = arith.constant 0 : i32
        %get3A_1159 = tpu.memref_slice %arg8[%get3A_1156, %get3A_1157, %get3A_1158] : memref<8x128x64xf32, #tpu.memory_space<vmem>> -> memref<1x128x64xf32, #tpu.memory_space<vmem>>
        %get3A_1160 = tpu.memref_squeeze %get3A_1159 : memref<1x128x64xf32, #tpu.memory_space<vmem>> -> memref<128x64xf32, #tpu.memory_space<vmem>>
        %get3A_1161 = arith.index_cast %scan3A_1105 : i32 to index
        %get3A_1162 = arith.constant 32 : index
        %get3A_1163 = tpu.vector_load %get3A_1160[%get3A_1161, %get3A_1162] {strides = array<i32>} : memref<128x64xf32, #tpu.memory_space<vmem>>, vector<1x16xf32>,
        %get3A_1164 = vector.shape_cast %get3A_1163 : vector<1x16xf32> to vector<16xf32>
        %add3A_1165 = arith.addi %select_n3A_486, %scan3A_1105 : i32
        %get3A_1166 = arith.index_cast %add3A_1165 : i32 to index
        %get3A_1167 = arith.constant 32 : index
        %get3A_1168 = tpu.vector_load %arg7[%get3A_1166, %get3A_1167] {strides = array<i32>} : memref<328x64xf32, #tpu.memory_space<vmem>>, vector<1x16xf32>,
        %get3A_1169 = vector.shape_cast %get3A_1168 : vector<1x16xf32> to vector<16xf32>
        %add3A_1170 = arith.addf %get3A_1164, %get3A_1169 : vector<16xf32>
        %swap3A_1171 = arith.constant 0 : i32
        %swap3A_1172 = arith.constant 0 : i32
        %swap3A_1173 = arith.constant 0 : i32
        %swap3A_1174 = tpu.memref_slice %arg8[%swap3A_1171, %swap3A_1172, %swap3A_1173] : memref<8x128x64xf32, #tpu.memory_space<vmem>> -> memref<1x128x64xf32, #tpu.memory_space<vmem>>
        %swap3A_1175 = tpu.memref_squeeze %swap3A_1174 : memref<1x128x64xf32, #tpu.memory_space<vmem>> -> memref<128x64xf32, #tpu.memory_space<vmem>>
        %swap3A_1176 = arith.index_cast %scan3A_1105 : i32 to index
        %swap3A_1177 = arith.constant 32 : index
        %swap3A_1178 = tpu.vector_load %swap3A_1175[%swap3A_1176, %swap3A_1177] {strides = array<i32>} : memref<128x64xf32, #tpu.memory_space<vmem>>, vector<1x16xf32>,
        %swap3A_1179 = vector.shape_cast %swap3A_1178 : vector<1x16xf32> to vector<16xf32>
        %swap3A_1180 = vector.shape_cast %add3A_1170 : vector<16xf32> to vector<1x16xf32>
        tpu.vector_store %swap3A_1175[%swap3A_1176, %swap3A_1177], %swap3A_1180 {strides = array<i32>} : memref<128x64xf32, #tpu.memory_space<vmem>>, vector<1x16xf32>,
        %get3A_1181 = arith.constant 0 : i32
        %get3A_1182 = arith.constant 0 : i32
        %get3A_1183 = arith.constant 0 : i32
        %get3A_1184 = tpu.memref_slice %arg8[%get3A_1181, %get3A_1182, %get3A_1183] : memref<8x128x64xf32, #tpu.memory_space<vmem>> -> memref<1x128x64xf32, #tpu.memory_space<vmem>>
        %get3A_1185 = tpu.memref_squeeze %get3A_1184 : memref<1x128x64xf32, #tpu.memory_space<vmem>> -> memref<128x64xf32, #tpu.memory_space<vmem>>
        %get3A_1186 = arith.index_cast %scan3A_1105 : i32 to index
        %get3A_1187 = arith.constant 48 : index
        %get3A_1188 = tpu.vector_load %get3A_1185[%get3A_1186, %get3A_1187] {strides = array<i32>} : memref<128x64xf32, #tpu.memory_space<vmem>>, vector<1x16xf32>,
        %get3A_1189 = vector.shape_cast %get3A_1188 : vector<1x16xf32> to vector<16xf32>
        %add3A_1190 = arith.addi %select_n3A_486, %scan3A_1105 : i32
        %get3A_1191 = arith.index_cast %add3A_1190 : i32 to index
        %get3A_1192 = arith.constant 48 : index
        %get3A_1193 = tpu.vector_load %arg7[%get3A_1191, %get3A_1192] {strides = array<i32>} : memref<328x64xf32, #tpu.memory_space<vmem>>, vector<1x16xf32>,
        %get3A_1194 = vector.shape_cast %get3A_1193 : vector<1x16xf32> to vector<16xf32>
        %add3A_1195 = arith.addf %get3A_1189, %get3A_1194 : vector<16xf32>
        %swap3A_1196 = arith.constant 0 : i32
        %swap3A_1197 = arith.constant 0 : i32
        %swap3A_1198 = arith.constant 0 : i32
        %swap3A_1199 = tpu.memref_slice %arg8[%swap3A_1196, %swap3A_1197, %swap3A_1198] : memref<8x128x64xf32, #tpu.memory_space<vmem>> -> memref<1x128x64xf32, #tpu.memory_space<vmem>>
        %swap3A_1200 = tpu.memref_squeeze %swap3A_1199 : memref<1x128x64xf32, #tpu.memory_space<vmem>> -> memref<128x64xf32, #tpu.memory_space<vmem>>
        %swap3A_1201 = arith.index_cast %scan3A_1105 : i32 to index
        %swap3A_1202 = arith.constant 48 : index
        %swap3A_1203 = tpu.vector_load %swap3A_1200[%swap3A_1201, %swap3A_1202] {strides = array<i32>} : memref<128x64xf32, #tpu.memory_space<vmem>>, vector<1x16xf32>,
        %swap3A_1204 = vector.shape_cast %swap3A_1203 : vector<1x16xf32> to vector<16xf32>
        %swap3A_1205 = vector.shape_cast %add3A_1195 : vector<16xf32> to vector<1x16xf32>
        tpu.vector_store %swap3A_1200[%swap3A_1201, %swap3A_1202], %swap3A_1205 {strides = array<i32>} : memref<128x64xf32, #tpu.memory_space<vmem>>, vector<1x16xf32>,
        %scan3A_1206 = arith.constant 3 : i32
        %scan3A_1207 = arith.addi %scan3A_903, %scan3A_1206 : i32
        %get3A_1208 = arith.constant 0 : i32
        %get3A_1209 = arith.constant 0 : i32
        %get3A_1210 = arith.constant 0 : i32
        %get3A_1211 = tpu.memref_slice %arg8[%get3A_1208, %get3A_1209, %get3A_1210] : memref<8x128x64xf32, #tpu.memory_space<vmem>> -> memref<1x128x64xf32, #tpu.memory_space<vmem>>
        %get3A_1212 = tpu.memref_squeeze %get3A_1211 : memref<1x128x64xf32, #tpu.memory_space<vmem>> -> memref<128x64xf32, #tpu.memory_space<vmem>>
        %get3A_1213 = arith.index_cast %scan3A_1207 : i32 to index
        %get3A_1214 = arith.constant 0 : index
        %get3A_1215 = tpu.vector_load %get3A_1212[%get3A_1213, %get3A_1214] {strides = array<i32>} : memref<128x64xf32, #tpu.memory_space<vmem>>, vector<1x16xf32>,
        %get3A_1216 = vector.shape_cast %get3A_1215 : vector<1x16xf32> to vector<16xf32>
        %add3A_1217 = arith.addi %select_n3A_486, %scan3A_1207 : i32
        %get3A_1218 = arith.index_cast %add3A_1217 : i32 to index
        %get3A_1219 = arith.constant 0 : index
        %get3A_1220 = tpu.vector_load %arg7[%get3A_1218, %get3A_1219] {strides = array<i32>} : memref<328x64xf32, #tpu.memory_space<vmem>>, vector<1x16xf32>,
        %get3A_1221 = vector.shape_cast %get3A_1220 : vector<1x16xf32> to vector<16xf32>
        %add3A_1222 = arith.addf %get3A_1216, %get3A_1221 : vector<16xf32>
        %swap3A_1223 = arith.constant 0 : i32
        %swap3A_1224 = arith.constant 0 : i32
        %swap3A_1225 = arith.constant 0 : i32
        %swap3A_1226 = tpu.memref_slice %arg8[%swap3A_1223, %swap3A_1224, %swap3A_1225] : memref<8x128x64xf32, #tpu.memory_space<vmem>> -> memref<1x128x64xf32, #tpu.memory_space<vmem>>
        %swap3A_1227 = tpu.memref_squeeze %swap3A_1226 : memref<1x128x64xf32, #tpu.memory_space<vmem>> -> memref<128x64xf32, #tpu.memory_space<vmem>>
        %swap3A_1228 = arith.index_cast %scan3A_1207 : i32 to index
        %swap3A_1229 = arith.constant 0 : index
        %swap3A_1230 = tpu.vector_load %swap3A_1227[%swap3A_1228, %swap3A_1229] {strides = array<i32>} : memref<128x64xf32, #tpu.memory_space<vmem>>, vector<1x16xf32>,
        %swap3A_1231 = vector.shape_cast %swap3A_1230 : vector<1x16xf32> to vector<16xf32>
        %swap3A_1232 = vector.shape_cast %add3A_1222 : vector<16xf32> to vector<1x16xf32>
        tpu.vector_store %swap3A_1227[%swap3A_1228, %swap3A_1229], %swap3A_1232 {strides = array<i32>} : memref<128x64xf32, #tpu.memory_space<vmem>>, vector<1x16xf32>,
        %get3A_1233 = arith.constant 0 : i32
        %get3A_1234 = arith.constant 0 : i32
        %get3A_1235 = arith.constant 0 : i32
        %get3A_1236 = tpu.memref_slice %arg8[%get3A_1233, %get3A_1234, %get3A_1235] : memref<8x128x64xf32, #tpu.memory_space<vmem>> -> memref<1x128x64xf32, #tpu.memory_space<vmem>>
        %get3A_1237 = tpu.memref_squeeze %get3A_1236 : memref<1x128x64xf32, #tpu.memory_space<vmem>> -> memref<128x64xf32, #tpu.memory_space<vmem>>
        %get3A_1238 = arith.index_cast %scan3A_1207 : i32 to index
        %get3A_1239 = arith.constant 16 : index
        %get3A_1240 = tpu.vector_load %get3A_1237[%get3A_1238, %get3A_1239] {strides = array<i32>} : memref<128x64xf32, #tpu.memory_space<vmem>>, vector<1x16xf32>,
        %get3A_1241 = vector.shape_cast %get3A_1240 : vector<1x16xf32> to vector<16xf32>
        %add3A_1242 = arith.addi %select_n3A_486, %scan3A_1207 : i32
        %get3A_1243 = arith.index_cast %add3A_1242 : i32 to index
        %get3A_1244 = arith.constant 16 : index
        %get3A_1245 = tpu.vector_load %arg7[%get3A_1243, %get3A_1244] {strides = array<i32>} : memref<328x64xf32, #tpu.memory_space<vmem>>, vector<1x16xf32>,
        %get3A_1246 = vector.shape_cast %get3A_1245 : vector<1x16xf32> to vector<16xf32>
        %add3A_1247 = arith.addf %get3A_1241, %get3A_1246 : vector<16xf32>
        %swap3A_1248 = arith.constant 0 : i32
        %swap3A_1249 = arith.constant 0 : i32
        %swap3A_1250 = arith.constant 0 : i32
        %swap3A_1251 = tpu.memref_slice %arg8[%swap3A_1248, %swap3A_1249, %swap3A_1250] : memref<8x128x64xf32, #tpu.memory_space<vmem>> -> memref<1x128x64xf32, #tpu.memory_space<vmem>>
        %swap3A_1252 = tpu.memref_squeeze %swap3A_1251 : memref<1x128x64xf32, #tpu.memory_space<vmem>> -> memref<128x64xf32, #tpu.memory_space<vmem>>
        %swap3A_1253 = arith.index_cast %scan3A_1207 : i32 to index
        %swap3A_1254 = arith.constant 16 : index
        %swap3A_1255 = tpu.vector_load %swap3A_1252[%swap3A_1253, %swap3A_1254] {strides = array<i32>} : memref<128x64xf32, #tpu.memory_space<vmem>>, vector<1x16xf32>,
        %swap3A_1256 = vector.shape_cast %swap3A_1255 : vector<1x16xf32> to vector<16xf32>
        %swap3A_1257 = vector.shape_cast %add3A_1247 : vector<16xf32> to vector<1x16xf32>
        tpu.vector_store %swap3A_1252[%swap3A_1253, %swap3A_1254], %swap3A_1257 {strides = array<i32>} : memref<128x64xf32, #tpu.memory_space<vmem>>, vector<1x16xf32>,
        %get3A_1258 = arith.constant 0 : i32
        %get3A_1259 = arith.constant 0 : i32
        %get3A_1260 = arith.constant 0 : i32
        %get3A_1261 = tpu.memref_slice %arg8[%get3A_1258, %get3A_1259, %get3A_1260] : memref<8x128x64xf32, #tpu.memory_space<vmem>> -> memref<1x128x64xf32, #tpu.memory_space<vmem>>
        %get3A_1262 = tpu.memref_squeeze %get3A_1261 : memref<1x128x64xf32, #tpu.memory_space<vmem>> -> memref<128x64xf32, #tpu.memory_space<vmem>>
        %get3A_1263 = arith.index_cast %scan3A_1207 : i32 to index
        %get3A_1264 = arith.constant 32 : index
        %get3A_1265 = tpu.vector_load %get3A_1262[%get3A_1263, %get3A_1264] {strides = array<i32>} : memref<128x64xf32, #tpu.memory_space<vmem>>, vector<1x16xf32>,
        %get3A_1266 = vector.shape_cast %get3A_1265 : vector<1x16xf32> to vector<16xf32>
        %add3A_1267 = arith.addi %select_n3A_486, %scan3A_1207 : i32
        %get3A_1268 = arith.index_cast %add3A_1267 : i32 to index
        %get3A_1269 = arith.constant 32 : index
        %get3A_1270 = tpu.vector_load %arg7[%get3A_1268, %get3A_1269] {strides = array<i32>} : memref<328x64xf32, #tpu.memory_space<vmem>>, vector<1x16xf32>,
        %get3A_1271 = vector.shape_cast %get3A_1270 : vector<1x16xf32> to vector<16xf32>
        %add3A_1272 = arith.addf %get3A_1266, %get3A_1271 : vector<16xf32>
        %swap3A_1273 = arith.constant 0 : i32
        %swap3A_1274 = arith.constant 0 : i32
        %swap3A_1275 = arith.constant 0 : i32
        %swap3A_1276 = tpu.memref_slice %arg8[%swap3A_1273, %swap3A_1274, %swap3A_1275] : memref<8x128x64xf32, #tpu.memory_space<vmem>> -> memref<1x128x64xf32, #tpu.memory_space<vmem>>
        %swap3A_1277 = tpu.memref_squeeze %swap3A_1276 : memref<1x128x64xf32, #tpu.memory_space<vmem>> -> memref<128x64xf32, #tpu.memory_space<vmem>>
        %swap3A_1278 = arith.index_cast %scan3A_1207 : i32 to index
        %swap3A_1279 = arith.constant 32 : index
        %swap3A_1280 = tpu.vector_load %swap3A_1277[%swap3A_1278, %swap3A_1279] {strides = array<i32>} : memref<128x64xf32, #tpu.memory_space<vmem>>, vector<1x16xf32>,
        %swap3A_1281 = vector.shape_cast %swap3A_1280 : vector<1x16xf32> to vector<16xf32>
        %swap3A_1282 = vector.shape_cast %add3A_1272 : vector<16xf32> to vector<1x16xf32>
        tpu.vector_store %swap3A_1277[%swap3A_1278, %swap3A_1279], %swap3A_1282 {strides = array<i32>} : memref<128x64xf32, #tpu.memory_space<vmem>>, vector<1x16xf32>,
        %get3A_1283 = arith.constant 0 : i32
        %get3A_1284 = arith.constant 0 : i32
        %get3A_1285 = arith.constant 0 : i32
        %get3A_1286 = tpu.memref_slice %arg8[%get3A_1283, %get3A_1284, %get3A_1285] : memref<8x128x64xf32, #tpu.memory_space<vmem>> -> memref<1x128x64xf32, #tpu.memory_space<vmem>>
        %get3A_1287 = tpu.memref_squeeze %get3A_1286 : memref<1x128x64xf32, #tpu.memory_space<vmem>> -> memref<128x64xf32, #tpu.memory_space<vmem>>
        %get3A_1288 = arith.index_cast %scan3A_1207 : i32 to index
        %get3A_1289 = arith.constant 48 : index
        %get3A_1290 = tpu.vector_load %get3A_1287[%get3A_1288, %get3A_1289] {strides = array<i32>} : memref<128x64xf32, #tpu.memory_space<vmem>>, vector<1x16xf32>,
        %get3A_1291 = vector.shape_cast %get3A_1290 : vector<1x16xf32> to vector<16xf32>
        %add3A_1292 = arith.addi %select_n3A_486, %scan3A_1207 : i32
        %get3A_1293 = arith.index_cast %add3A_1292 : i32 to index
        %get3A_1294 = arith.constant 48 : index
        %get3A_1295 = tpu.vector_load %arg7[%get3A_1293, %get3A_1294] {strides = array<i32>} : memref<328x64xf32, #tpu.memory_space<vmem>>, vector<1x16xf32>,
        %get3A_1296 = vector.shape_cast %get3A_1295 : vector<1x16xf32> to vector<16xf32>
        %add3A_1297 = arith.addf %get3A_1291, %get3A_1296 : vector<16xf32>
        %swap3A_1298 = arith.constant 0 : i32
        %swap3A_1299 = arith.constant 0 : i32
        %swap3A_1300 = arith.constant 0 : i32
        %swap3A_1301 = tpu.memref_slice %arg8[%swap3A_1298, %swap3A_1299, %swap3A_1300] : memref<8x128x64xf32, #tpu.memory_space<vmem>> -> memref<1x128x64xf32, #tpu.memory_space<vmem>>
        %swap3A_1302 = tpu.memref_squeeze %swap3A_1301 : memref<1x128x64xf32, #tpu.memory_space<vmem>> -> memref<128x64xf32, #tpu.memory_space<vmem>>
        %swap3A_1303 = arith.index_cast %scan3A_1207 : i32 to index
        %swap3A_1304 = arith.constant 48 : index
        %swap3A_1305 = tpu.vector_load %swap3A_1302[%swap3A_1303, %swap3A_1304] {strides = array<i32>} : memref<128x64xf32, #tpu.memory_space<vmem>>, vector<1x16xf32>,
        %swap3A_1306 = vector.shape_cast %swap3A_1305 : vector<1x16xf32> to vector<16xf32>
        %swap3A_1307 = vector.shape_cast %add3A_1297 : vector<16xf32> to vector<1x16xf32>
        tpu.vector_store %swap3A_1302[%swap3A_1303, %swap3A_1304], %swap3A_1307 {strides = array<i32>} : memref<128x64xf32, #tpu.memory_space<vmem>>, vector<1x16xf32>,
      }
      %scan3A_492 = arith.constant 128 : i32
      %dma_wait3A_493 = arith.constant 1 : i32
      %dma_wait3A_494 = arith.constant 1 : i32
      %dma_wait3A_495 = arith.constant 0 : i32
      %dma_wait3A_496 = arith.constant 0 : i32
      %dma_wait3A_497 = tpu.memref_slice %arg8[%dma_wait3A_494, %dma_wait3A_495, %dma_wait3A_496] : memref<8x128x64xf32, #tpu.memory_space<vmem>> -> memref<1x128x64xf32, #tpu.memory_space<vmem>>
      %dma_wait3A_498 = tpu.memref_squeeze %dma_wait3A_497 : memref<1x128x64xf32, #tpu.memory_space<vmem>> -> memref<128x64xf32, #tpu.memory_space<vmem>>
      %dma_wait3A_499 = arith.constant 0 : i32
      %dma_wait3A_500 = tpu.memref_slice %arg6[%dma_wait3A_493, %dma_wait3A_499] : memref<8x128xi32, #tpu.memory_space<vmem>> -> memref<1x128xi32, #tpu.memory_space<vmem>>
      %dma_wait3A_501 = tpu.memref_squeeze %dma_wait3A_500 : memref<1x128xi32, #tpu.memory_space<vmem>> -> memref<128xi32, #tpu.memory_space<vmem>>
      %dma_wait3A_502 = arith.constant 0 : i32
      %dma_wait3A_503 = arith.constant 0 : i32
      %dma_wait3A_504 = tpu.memref_slice %arg3[%dma_wait3A_502, %dma_wait3A_503] : memref<1000000x64xf32, #tpu.memory_space<hbm>> -> memref<1000000x64xf32, #tpu.memory_space<hbm>>
      tpu.wait_indirect_dma semaphore(%arg18 : memref<!tpu.dma_semaphore, #tpu.memory_space<semaphore_mem>>) src(%dma_wait3A_504 : memref<1000000x64xf32, #tpu.memory_space<hbm>>) dst(%dma_wait3A_498 : memref<128x64xf32, #tpu.memory_space<vmem>>)
      %add3A_505 = arith.constant 1 : i32
      %add3A_506 = arith.addi %mul3A_129, %add3A_505 : i32
      %mul3A_507 = arith.constant 128 : i32
      %mul3A_508 = arith.muli %add3A_506, %mul3A_507 : i32
      %jit3A_509 = arith.constant 200 : i32
      %eq3A_510 = arith.constant 0 : i32
      %eq3A_511 = arith.cmpi eq, %jit3A_509, %eq3A_510 : i32
      %jit3A_512 = arith.constant 1 : i32
      %select_n3A_513 = arith.select %eq3A_511, %jit3A_512, %jit3A_509 : i32
      %rem3A_514 = arith.remsi %mul3A_508, %select_n3A_513 : i32
      %ne3A_515 = arith.constant 0 : i32
      %ne3A_516 = arith.cmpi ne, %rem3A_514, %ne3A_515 : i32
      %lt3A_517 = arith.constant 0 : i32
      %lt3A_518 = arith.cmpi slt, %rem3A_514, %lt3A_517 : i32
      %lt3A_519 = arith.constant 0 : i32
      %lt3A_520 = arith.cmpi slt, %select_n3A_513, %lt3A_519 : i32
      %ne3A_521 = arith.xori %lt3A_518, %lt3A_520 : i1
      %and3A_522 = arith.andi %ne3A_521, %ne3A_516 : i1
      %add3A_523 = arith.addi %rem3A_514, %select_n3A_513 : i32
      %select_n3A_524 = arith.select %and3A_522, %add3A_523, %rem3A_514 : i32
      %scan3A_525 = arith.constant 0 : i32
      %scan3A_526 = arith.constant 0 : i32
      %scan3A_527 = arith.constant 128 : i32
      %scan3A_528 = arith.addi %scan3A_526, %scan3A_527 : i32
      %scan3A_529 = arith.constant 4 : i32
      scf.for %scan3A_903 = %scan3A_526 to %scan3A_528 step %scan3A_529  : i32 {
        %get3A = arith.constant 1 : i32
        %get3A_904 = arith.constant 0 : i32
        %get3A_905 = arith.constant 0 : i32
        %get3A_906 = tpu.memref_slice %arg8[%get3A, %get3A_904, %get3A_905] : memref<8x128x64xf32, #tpu.memory_space<vmem>> -> memref<1x128x64xf32, #tpu.memory_space<vmem>>
        %get3A_907 = tpu.memref_squeeze %get3A_906 : memref<1x128x64xf32, #tpu.memory_space<vmem>> -> memref<128x64xf32, #tpu.memory_space<vmem>>
        %get3A_908 = arith.index_cast %scan3A_903 : i32 to index
        %get3A_909 = arith.constant 0 : index
        %get3A_910 = tpu.vector_load %get3A_907[%get3A_908, %get3A_909] {strides = array<i32>} : memref<128x64xf32, #tpu.memory_space<vmem>>, vector<1x16xf32>,
        %get3A_911 = vector.shape_cast %get3A_910 : vector<1x16xf32> to vector<16xf32>
        %add3A_912 = arith.addi %select_n3A_524, %scan3A_903 : i32
        %get3A_913 = arith.index_cast %add3A_912 : i32 to index
        %get3A_914 = arith.constant 0 : index
        %get3A_915 = tpu.vector_load %arg7[%get3A_913, %get3A_914] {strides = array<i32>} : memref<328x64xf32, #tpu.memory_space<vmem>>, vector<1x16xf32>,
        %get3A_916 = vector.shape_cast %get3A_915 : vector<1x16xf32> to vector<16xf32>
        %add3A_917 = arith.addf %get3A_911, %get3A_916 : vector<16xf32>
        %swap3A = arith.constant 1 : i32
        %swap3A_918 = arith.constant 0 : i32
        %swap3A_919 = arith.constant 0 : i32
        %swap3A_920 = tpu.memref_slice %arg8[%swap3A, %swap3A_918, %swap3A_919] : memref<8x128x64xf32, #tpu.memory_space<vmem>> -> memref<1x128x64xf32, #tpu.memory_space<vmem>>
        %swap3A_921 = tpu.memref_squeeze %swap3A_920 : memref<1x128x64xf32, #tpu.memory_space<vmem>> -> memref<128x64xf32, #tpu.memory_space<vmem>>
        %swap3A_922 = arith.index_cast %scan3A_903 : i32 to index
        %swap3A_923 = arith.constant 0 : index
        %swap3A_924 = tpu.vector_load %swap3A_921[%swap3A_922, %swap3A_923] {strides = array<i32>} : memref<128x64xf32, #tpu.memory_space<vmem>>, vector<1x16xf32>,
        %swap3A_925 = vector.shape_cast %swap3A_924 : vector<1x16xf32> to vector<16xf32>
        %swap3A_926 = vector.shape_cast %add3A_917 : vector<16xf32> to vector<1x16xf32>
        tpu.vector_store %swap3A_921[%swap3A_922, %swap3A_923], %swap3A_926 {strides = array<i32>} : memref<128x64xf32, #tpu.memory_space<vmem>>, vector<1x16xf32>,
        %get3A_927 = arith.constant 1 : i32
        %get3A_928 = arith.constant 0 : i32
        %get3A_929 = arith.constant 0 : i32
        %get3A_930 = tpu.memref_slice %arg8[%get3A_927, %get3A_928, %get3A_929] : memref<8x128x64xf32, #tpu.memory_space<vmem>> -> memref<1x128x64xf32, #tpu.memory_space<vmem>>
        %get3A_931 = tpu.memref_squeeze %get3A_930 : memref<1x128x64xf32, #tpu.memory_space<vmem>> -> memref<128x64xf32, #tpu.memory_space<vmem>>
        %get3A_932 = arith.index_cast %scan3A_903 : i32 to index
        %get3A_933 = arith.constant 16 : index
        %get3A_934 = tpu.vector_load %get3A_931[%get3A_932, %get3A_933] {strides = array<i32>} : memref<128x64xf32, #tpu.memory_space<vmem>>, vector<1x16xf32>,
        %get3A_935 = vector.shape_cast %get3A_934 : vector<1x16xf32> to vector<16xf32>
        %add3A_936 = arith.addi %select_n3A_524, %scan3A_903 : i32
        %get3A_937 = arith.index_cast %add3A_936 : i32 to index
        %get3A_938 = arith.constant 16 : index
        %get3A_939 = tpu.vector_load %arg7[%get3A_937, %get3A_938] {strides = array<i32>} : memref<328x64xf32, #tpu.memory_space<vmem>>, vector<1x16xf32>,
        %get3A_940 = vector.shape_cast %get3A_939 : vector<1x16xf32> to vector<16xf32>
        %add3A_941 = arith.addf %get3A_935, %get3A_940 : vector<16xf32>
        %swap3A_942 = arith.constant 1 : i32
        %swap3A_943 = arith.constant 0 : i32
        %swap3A_944 = arith.constant 0 : i32
        %swap3A_945 = tpu.memref_slice %arg8[%swap3A_942, %swap3A_943, %swap3A_944] : memref<8x128x64xf32, #tpu.memory_space<vmem>> -> memref<1x128x64xf32, #tpu.memory_space<vmem>>
        %swap3A_946 = tpu.memref_squeeze %swap3A_945 : memref<1x128x64xf32, #tpu.memory_space<vmem>> -> memref<128x64xf32, #tpu.memory_space<vmem>>
        %swap3A_947 = arith.index_cast %scan3A_903 : i32 to index
        %swap3A_948 = arith.constant 16 : index
        %swap3A_949 = tpu.vector_load %swap3A_946[%swap3A_947, %swap3A_948] {strides = array<i32>} : memref<128x64xf32, #tpu.memory_space<vmem>>, vector<1x16xf32>,
        %swap3A_950 = vector.shape_cast %swap3A_949 : vector<1x16xf32> to vector<16xf32>
        %swap3A_951 = vector.shape_cast %add3A_941 : vector<16xf32> to vector<1x16xf32>
        tpu.vector_store %swap3A_946[%swap3A_947, %swap3A_948], %swap3A_951 {strides = array<i32>} : memref<128x64xf32, #tpu.memory_space<vmem>>, vector<1x16xf32>,
        %get3A_952 = arith.constant 1 : i32
        %get3A_953 = arith.constant 0 : i32
        %get3A_954 = arith.constant 0 : i32
        %get3A_955 = tpu.memref_slice %arg8[%get3A_952, %get3A_953, %get3A_954] : memref<8x128x64xf32, #tpu.memory_space<vmem>> -> memref<1x128x64xf32, #tpu.memory_space<vmem>>
        %get3A_956 = tpu.memref_squeeze %get3A_955 : memref<1x128x64xf32, #tpu.memory_space<vmem>> -> memref<128x64xf32, #tpu.memory_space<vmem>>
        %get3A_957 = arith.index_cast %scan3A_903 : i32 to index
        %get3A_958 = arith.constant 32 : index
        %get3A_959 = tpu.vector_load %get3A_956[%get3A_957, %get3A_958] {strides = array<i32>} : memref<128x64xf32, #tpu.memory_space<vmem>>, vector<1x16xf32>,
        %get3A_960 = vector.shape_cast %get3A_959 : vector<1x16xf32> to vector<16xf32>
        %add3A_961 = arith.addi %select_n3A_524, %scan3A_903 : i32
        %get3A_962 = arith.index_cast %add3A_961 : i32 to index
        %get3A_963 = arith.constant 32 : index
        %get3A_964 = tpu.vector_load %arg7[%get3A_962, %get3A_963] {strides = array<i32>} : memref<328x64xf32, #tpu.memory_space<vmem>>, vector<1x16xf32>,
        %get3A_965 = vector.shape_cast %get3A_964 : vector<1x16xf32> to vector<16xf32>
        %add3A_966 = arith.addf %get3A_960, %get3A_965 : vector<16xf32>
        %swap3A_967 = arith.constant 1 : i32
        %swap3A_968 = arith.constant 0 : i32
        %swap3A_969 = arith.constant 0 : i32
        %swap3A_970 = tpu.memref_slice %arg8[%swap3A_967, %swap3A_968, %swap3A_969] : memref<8x128x64xf32, #tpu.memory_space<vmem>> -> memref<1x128x64xf32, #tpu.memory_space<vmem>>
        %swap3A_971 = tpu.memref_squeeze %swap3A_970 : memref<1x128x64xf32, #tpu.memory_space<vmem>> -> memref<128x64xf32, #tpu.memory_space<vmem>>
        %swap3A_972 = arith.index_cast %scan3A_903 : i32 to index
        %swap3A_973 = arith.constant 32 : index
        %swap3A_974 = tpu.vector_load %swap3A_971[%swap3A_972, %swap3A_973] {strides = array<i32>} : memref<128x64xf32, #tpu.memory_space<vmem>>, vector<1x16xf32>,
        %swap3A_975 = vector.shape_cast %swap3A_974 : vector<1x16xf32> to vector<16xf32>
        %swap3A_976 = vector.shape_cast %add3A_966 : vector<16xf32> to vector<1x16xf32>
        tpu.vector_store %swap3A_971[%swap3A_972, %swap3A_973], %swap3A_976 {strides = array<i32>} : memref<128x64xf32, #tpu.memory_space<vmem>>, vector<1x16xf32>,
        %get3A_977 = arith.constant 1 : i32
        %get3A_978 = arith.constant 0 : i32
        %get3A_979 = arith.constant 0 : i32
        %get3A_980 = tpu.memref_slice %arg8[%get3A_977, %get3A_978, %get3A_979] : memref<8x128x64xf32, #tpu.memory_space<vmem>> -> memref<1x128x64xf32, #tpu.memory_space<vmem>>
        %get3A_981 = tpu.memref_squeeze %get3A_980 : memref<1x128x64xf32, #tpu.memory_space<vmem>> -> memref<128x64xf32, #tpu.memory_space<vmem>>
        %get3A_982 = arith.index_cast %scan3A_903 : i32 to index
        %get3A_983 = arith.constant 48 : index
        %get3A_984 = tpu.vector_load %get3A_981[%get3A_982, %get3A_983] {strides = array<i32>} : memref<128x64xf32, #tpu.memory_space<vmem>>, vector<1x16xf32>,
        %get3A_985 = vector.shape_cast %get3A_984 : vector<1x16xf32> to vector<16xf32>
        %add3A_986 = arith.addi %select_n3A_524, %scan3A_903 : i32
        %get3A_987 = arith.index_cast %add3A_986 : i32 to index
        %get3A_988 = arith.constant 48 : index
        %get3A_989 = tpu.vector_load %arg7[%get3A_987, %get3A_988] {strides = array<i32>} : memref<328x64xf32, #tpu.memory_space<vmem>>, vector<1x16xf32>,
        %get3A_990 = vector.shape_cast %get3A_989 : vector<1x16xf32> to vector<16xf32>
        %add3A_991 = arith.addf %get3A_985, %get3A_990 : vector<16xf32>
        %swap3A_992 = arith.constant 1 : i32
        %swap3A_993 = arith.constant 0 : i32
        %swap3A_994 = arith.constant 0 : i32
        %swap3A_995 = tpu.memref_slice %arg8[%swap3A_992, %swap3A_993, %swap3A_994] : memref<8x128x64xf32, #tpu.memory_space<vmem>> -> memref<1x128x64xf32, #tpu.memory_space<vmem>>
        %swap3A_996 = tpu.memref_squeeze %swap3A_995 : memref<1x128x64xf32, #tpu.memory_space<vmem>> -> memref<128x64xf32, #tpu.memory_space<vmem>>
        %swap3A_997 = arith.index_cast %scan3A_903 : i32 to index
        %swap3A_998 = arith.constant 48 : index
        %swap3A_999 = tpu.vector_load %swap3A_996[%swap3A_997, %swap3A_998] {strides = array<i32>} : memref<128x64xf32, #tpu.memory_space<vmem>>, vector<1x16xf32>,
        %swap3A_1000 = vector.shape_cast %swap3A_999 : vector<1x16xf32> to vector<16xf32>
        %swap3A_1001 = vector.shape_cast %add3A_991 : vector<16xf32> to vector<1x16xf32>
        tpu.vector_store %swap3A_996[%swap3A_997, %swap3A_998], %swap3A_1001 {strides = array<i32>} : memref<128x64xf32, #tpu.memory_space<vmem>>, vector<1x16xf32>,
        %scan3A_1002 = arith.constant 1 : i32
        %scan3A_1003 = arith.addi %scan3A_903, %scan3A_1002 : i32
        %get3A_1004 = arith.constant 1 : i32
        %get3A_1005 = arith.constant 0 : i32
        %get3A_1006 = arith.constant 0 : i32
        %get3A_1007 = tpu.memref_slice %arg8[%get3A_1004, %get3A_1005, %get3A_1006] : memref<8x128x64xf32, #tpu.memory_space<vmem>> -> memref<1x128x64xf32, #tpu.memory_space<vmem>>
        %get3A_1008 = tpu.memref_squeeze %get3A_1007 : memref<1x128x64xf32, #tpu.memory_space<vmem>> -> memref<128x64xf32, #tpu.memory_space<vmem>>
        %get3A_1009 = arith.index_cast %scan3A_1003 : i32 to index
        %get3A_1010 = arith.constant 0 : index
        %get3A_1011 = tpu.vector_load %get3A_1008[%get3A_1009, %get3A_1010] {strides = array<i32>} : memref<128x64xf32, #tpu.memory_space<vmem>>, vector<1x16xf32>,
        %get3A_1012 = vector.shape_cast %get3A_1011 : vector<1x16xf32> to vector<16xf32>
        %add3A_1013 = arith.addi %select_n3A_524, %scan3A_1003 : i32
        %get3A_1014 = arith.index_cast %add3A_1013 : i32 to index
        %get3A_1015 = arith.constant 0 : index
        %get3A_1016 = tpu.vector_load %arg7[%get3A_1014, %get3A_1015] {strides = array<i32>} : memref<328x64xf32, #tpu.memory_space<vmem>>, vector<1x16xf32>,
        %get3A_1017 = vector.shape_cast %get3A_1016 : vector<1x16xf32> to vector<16xf32>
        %add3A_1018 = arith.addf %get3A_1012, %get3A_1017 : vector<16xf32>
        %swap3A_1019 = arith.constant 1 : i32
        %swap3A_1020 = arith.constant 0 : i32
        %swap3A_1021 = arith.constant 0 : i32
        %swap3A_1022 = tpu.memref_slice %arg8[%swap3A_1019, %swap3A_1020, %swap3A_1021] : memref<8x128x64xf32, #tpu.memory_space<vmem>> -> memref<1x128x64xf32, #tpu.memory_space<vmem>>
        %swap3A_1023 = tpu.memref_squeeze %swap3A_1022 : memref<1x128x64xf32, #tpu.memory_space<vmem>> -> memref<128x64xf32, #tpu.memory_space<vmem>>
        %swap3A_1024 = arith.index_cast %scan3A_1003 : i32 to index
        %swap3A_1025 = arith.constant 0 : index
        %swap3A_1026 = tpu.vector_load %swap3A_1023[%swap3A_1024, %swap3A_1025] {strides = array<i32>} : memref<128x64xf32, #tpu.memory_space<vmem>>, vector<1x16xf32>,
        %swap3A_1027 = vector.shape_cast %swap3A_1026 : vector<1x16xf32> to vector<16xf32>
        %swap3A_1028 = vector.shape_cast %add3A_1018 : vector<16xf32> to vector<1x16xf32>
        tpu.vector_store %swap3A_1023[%swap3A_1024, %swap3A_1025], %swap3A_1028 {strides = array<i32>} : memref<128x64xf32, #tpu.memory_space<vmem>>, vector<1x16xf32>,
        %get3A_1029 = arith.constant 1 : i32
        %get3A_1030 = arith.constant 0 : i32
        %get3A_1031 = arith.constant 0 : i32
        %get3A_1032 = tpu.memref_slice %arg8[%get3A_1029, %get3A_1030, %get3A_1031] : memref<8x128x64xf32, #tpu.memory_space<vmem>> -> memref<1x128x64xf32, #tpu.memory_space<vmem>>
        %get3A_1033 = tpu.memref_squeeze %get3A_1032 : memref<1x128x64xf32, #tpu.memory_space<vmem>> -> memref<128x64xf32, #tpu.memory_space<vmem>>
        %get3A_1034 = arith.index_cast %scan3A_1003 : i32 to index
        %get3A_1035 = arith.constant 16 : index
        %get3A_1036 = tpu.vector_load %get3A_1033[%get3A_1034, %get3A_1035] {strides = array<i32>} : memref<128x64xf32, #tpu.memory_space<vmem>>, vector<1x16xf32>,
        %get3A_1037 = vector.shape_cast %get3A_1036 : vector<1x16xf32> to vector<16xf32>
        %add3A_1038 = arith.addi %select_n3A_524, %scan3A_1003 : i32
        %get3A_1039 = arith.index_cast %add3A_1038 : i32 to index
        %get3A_1040 = arith.constant 16 : index
        %get3A_1041 = tpu.vector_load %arg7[%get3A_1039, %get3A_1040] {strides = array<i32>} : memref<328x64xf32, #tpu.memory_space<vmem>>, vector<1x16xf32>,
        %get3A_1042 = vector.shape_cast %get3A_1041 : vector<1x16xf32> to vector<16xf32>
        %add3A_1043 = arith.addf %get3A_1037, %get3A_1042 : vector<16xf32>
        %swap3A_1044 = arith.constant 1 : i32
        %swap3A_1045 = arith.constant 0 : i32
        %swap3A_1046 = arith.constant 0 : i32
        %swap3A_1047 = tpu.memref_slice %arg8[%swap3A_1044, %swap3A_1045, %swap3A_1046] : memref<8x128x64xf32, #tpu.memory_space<vmem>> -> memref<1x128x64xf32, #tpu.memory_space<vmem>>
        %swap3A_1048 = tpu.memref_squeeze %swap3A_1047 : memref<1x128x64xf32, #tpu.memory_space<vmem>> -> memref<128x64xf32, #tpu.memory_space<vmem>>
        %swap3A_1049 = arith.index_cast %scan3A_1003 : i32 to index
        %swap3A_1050 = arith.constant 16 : index
        %swap3A_1051 = tpu.vector_load %swap3A_1048[%swap3A_1049, %swap3A_1050] {strides = array<i32>} : memref<128x64xf32, #tpu.memory_space<vmem>>, vector<1x16xf32>,
        %swap3A_1052 = vector.shape_cast %swap3A_1051 : vector<1x16xf32> to vector<16xf32>
        %swap3A_1053 = vector.shape_cast %add3A_1043 : vector<16xf32> to vector<1x16xf32>
        tpu.vector_store %swap3A_1048[%swap3A_1049, %swap3A_1050], %swap3A_1053 {strides = array<i32>} : memref<128x64xf32, #tpu.memory_space<vmem>>, vector<1x16xf32>,
        %get3A_1054 = arith.constant 1 : i32
        %get3A_1055 = arith.constant 0 : i32
        %get3A_1056 = arith.constant 0 : i32
        %get3A_1057 = tpu.memref_slice %arg8[%get3A_1054, %get3A_1055, %get3A_1056] : memref<8x128x64xf32, #tpu.memory_space<vmem>> -> memref<1x128x64xf32, #tpu.memory_space<vmem>>
        %get3A_1058 = tpu.memref_squeeze %get3A_1057 : memref<1x128x64xf32, #tpu.memory_space<vmem>> -> memref<128x64xf32, #tpu.memory_space<vmem>>
        %get3A_1059 = arith.index_cast %scan3A_1003 : i32 to index
        %get3A_1060 = arith.constant 32 : index
        %get3A_1061 = tpu.vector_load %get3A_1058[%get3A_1059, %get3A_1060] {strides = array<i32>} : memref<128x64xf32, #tpu.memory_space<vmem>>, vector<1x16xf32>,
        %get3A_1062 = vector.shape_cast %get3A_1061 : vector<1x16xf32> to vector<16xf32>
        %add3A_1063 = arith.addi %select_n3A_524, %scan3A_1003 : i32
        %get3A_1064 = arith.index_cast %add3A_1063 : i32 to index
        %get3A_1065 = arith.constant 32 : index
        %get3A_1066 = tpu.vector_load %arg7[%get3A_1064, %get3A_1065] {strides = array<i32>} : memref<328x64xf32, #tpu.memory_space<vmem>>, vector<1x16xf32>,
        %get3A_1067 = vector.shape_cast %get3A_1066 : vector<1x16xf32> to vector<16xf32>
        %add3A_1068 = arith.addf %get3A_1062, %get3A_1067 : vector<16xf32>
        %swap3A_1069 = arith.constant 1 : i32
        %swap3A_1070 = arith.constant 0 : i32
        %swap3A_1071 = arith.constant 0 : i32
        %swap3A_1072 = tpu.memref_slice %arg8[%swap3A_1069, %swap3A_1070, %swap3A_1071] : memref<8x128x64xf32, #tpu.memory_space<vmem>> -> memref<1x128x64xf32, #tpu.memory_space<vmem>>
        %swap3A_1073 = tpu.memref_squeeze %swap3A_1072 : memref<1x128x64xf32, #tpu.memory_space<vmem>> -> memref<128x64xf32, #tpu.memory_space<vmem>>
        %swap3A_1074 = arith.index_cast %scan3A_1003 : i32 to index
        %swap3A_1075 = arith.constant 32 : index
        %swap3A_1076 = tpu.vector_load %swap3A_1073[%swap3A_1074, %swap3A_1075] {strides = array<i32>} : memref<128x64xf32, #tpu.memory_space<vmem>>, vector<1x16xf32>,
        %swap3A_1077 = vector.shape_cast %swap3A_1076 : vector<1x16xf32> to vector<16xf32>
        %swap3A_1078 = vector.shape_cast %add3A_1068 : vector<16xf32> to vector<1x16xf32>
        tpu.vector_store %swap3A_1073[%swap3A_1074, %swap3A_1075], %swap3A_1078 {strides = array<i32>} : memref<128x64xf32, #tpu.memory_space<vmem>>, vector<1x16xf32>,
        %get3A_1079 = arith.constant 1 : i32
        %get3A_1080 = arith.constant 0 : i32
        %get3A_1081 = arith.constant 0 : i32
        %get3A_1082 = tpu.memref_slice %arg8[%get3A_1079, %get3A_1080, %get3A_1081] : memref<8x128x64xf32, #tpu.memory_space<vmem>> -> memref<1x128x64xf32, #tpu.memory_space<vmem>>
        %get3A_1083 = tpu.memref_squeeze %get3A_1082 : memref<1x128x64xf32, #tpu.memory_space<vmem>> -> memref<128x64xf32, #tpu.memory_space<vmem>>
        %get3A_1084 = arith.index_cast %scan3A_1003 : i32 to index
        %get3A_1085 = arith.constant 48 : index
        %get3A_1086 = tpu.vector_load %get3A_1083[%get3A_1084, %get3A_1085] {strides = array<i32>} : memref<128x64xf32, #tpu.memory_space<vmem>>, vector<1x16xf32>,
        %get3A_1087 = vector.shape_cast %get3A_1086 : vector<1x16xf32> to vector<16xf32>
        %add3A_1088 = arith.addi %select_n3A_524, %scan3A_1003 : i32
        %get3A_1089 = arith.index_cast %add3A_1088 : i32 to index
        %get3A_1090 = arith.constant 48 : index
        %get3A_1091 = tpu.vector_load %arg7[%get3A_1089, %get3A_1090] {strides = array<i32>} : memref<328x64xf32, #tpu.memory_space<vmem>>, vector<1x16xf32>,
        %get3A_1092 = vector.shape_cast %get3A_1091 : vector<1x16xf32> to vector<16xf32>
        %add3A_1093 = arith.addf %get3A_1087, %get3A_1092 : vector<16xf32>
        %swap3A_1094 = arith.constant 1 : i32
        %swap3A_1095 = arith.constant 0 : i32
        %swap3A_1096 = arith.constant 0 : i32
        %swap3A_1097 = tpu.memref_slice %arg8[%swap3A_1094, %swap3A_1095, %swap3A_1096] : memref<8x128x64xf32, #tpu.memory_space<vmem>> -> memref<1x128x64xf32, #tpu.memory_space<vmem>>
        %swap3A_1098 = tpu.memref_squeeze %swap3A_1097 : memref<1x128x64xf32, #tpu.memory_space<vmem>> -> memref<128x64xf32, #tpu.memory_space<vmem>>
        %swap3A_1099 = arith.index_cast %scan3A_1003 : i32 to index
        %swap3A_1100 = arith.constant 48 : index
        %swap3A_1101 = tpu.vector_load %swap3A_1098[%swap3A_1099, %swap3A_1100] {strides = array<i32>} : memref<128x64xf32, #tpu.memory_space<vmem>>, vector<1x16xf32>,
        %swap3A_1102 = vector.shape_cast %swap3A_1101 : vector<1x16xf32> to vector<16xf32>
        %swap3A_1103 = vector.shape_cast %add3A_1093 : vector<16xf32> to vector<1x16xf32>
        tpu.vector_store %swap3A_1098[%swap3A_1099, %swap3A_1100], %swap3A_1103 {strides = array<i32>} : memref<128x64xf32, #tpu.memory_space<vmem>>, vector<1x16xf32>,
        %scan3A_1104 = arith.constant 2 : i32
        %scan3A_1105 = arith.addi %scan3A_903, %scan3A_1104 : i32
        %get3A_1106 = arith.constant 1 : i32
        %get3A_1107 = arith.constant 0 : i32
        %get3A_1108 = arith.constant 0 : i32
        %get3A_1109 = tpu.memref_slice %arg8[%get3A_1106, %get3A_1107, %get3A_1108] : memref<8x128x64xf32, #tpu.memory_space<vmem>> -> memref<1x128x64xf32, #tpu.memory_space<vmem>>
        %get3A_1110 = tpu.memref_squeeze %get3A_1109 : memref<1x128x64xf32, #tpu.memory_space<vmem>> -> memref<128x64xf32, #tpu.memory_space<vmem>>
        %get3A_1111 = arith.index_cast %scan3A_1105 : i32 to index
        %get3A_1112 = arith.constant 0 : index
        %get3A_1113 = tpu.vector_load %get3A_1110[%get3A_1111, %get3A_1112] {strides = array<i32>} : memref<128x64xf32, #tpu.memory_space<vmem>>, vector<1x16xf32>,
        %get3A_1114 = vector.shape_cast %get3A_1113 : vector<1x16xf32> to vector<16xf32>
        %add3A_1115 = arith.addi %select_n3A_524, %scan3A_1105 : i32
        %get3A_1116 = arith.index_cast %add3A_1115 : i32 to index
        %get3A_1117 = arith.constant 0 : index
        %get3A_1118 = tpu.vector_load %arg7[%get3A_1116, %get3A_1117] {strides = array<i32>} : memref<328x64xf32, #tpu.memory_space<vmem>>, vector<1x16xf32>,
        %get3A_1119 = vector.shape_cast %get3A_1118 : vector<1x16xf32> to vector<16xf32>
        %add3A_1120 = arith.addf %get3A_1114, %get3A_1119 : vector<16xf32>
        %swap3A_1121 = arith.constant 1 : i32
        %swap3A_1122 = arith.constant 0 : i32
        %swap3A_1123 = arith.constant 0 : i32
        %swap3A_1124 = tpu.memref_slice %arg8[%swap3A_1121, %swap3A_1122, %swap3A_1123] : memref<8x128x64xf32, #tpu.memory_space<vmem>> -> memref<1x128x64xf32, #tpu.memory_space<vmem>>
        %swap3A_1125 = tpu.memref_squeeze %swap3A_1124 : memref<1x128x64xf32, #tpu.memory_space<vmem>> -> memref<128x64xf32, #tpu.memory_space<vmem>>
        %swap3A_1126 = arith.index_cast %scan3A_1105 : i32 to index
        %swap3A_1127 = arith.constant 0 : index
        %swap3A_1128 = tpu.vector_load %swap3A_1125[%swap3A_1126, %swap3A_1127] {strides = array<i32>} : memref<128x64xf32, #tpu.memory_space<vmem>>, vector<1x16xf32>,
        %swap3A_1129 = vector.shape_cast %swap3A_1128 : vector<1x16xf32> to vector<16xf32>
        %swap3A_1130 = vector.shape_cast %add3A_1120 : vector<16xf32> to vector<1x16xf32>
        tpu.vector_store %swap3A_1125[%swap3A_1126, %swap3A_1127], %swap3A_1130 {strides = array<i32>} : memref<128x64xf32, #tpu.memory_space<vmem>>, vector<1x16xf32>,
        %get3A_1131 = arith.constant 1 : i32
        %get3A_1132 = arith.constant 0 : i32
        %get3A_1133 = arith.constant 0 : i32
        %get3A_1134 = tpu.memref_slice %arg8[%get3A_1131, %get3A_1132, %get3A_1133] : memref<8x128x64xf32, #tpu.memory_space<vmem>> -> memref<1x128x64xf32, #tpu.memory_space<vmem>>
        %get3A_1135 = tpu.memref_squeeze %get3A_1134 : memref<1x128x64xf32, #tpu.memory_space<vmem>> -> memref<128x64xf32, #tpu.memory_space<vmem>>
        %get3A_1136 = arith.index_cast %scan3A_1105 : i32 to index
        %get3A_1137 = arith.constant 16 : index
        %get3A_1138 = tpu.vector_load %get3A_1135[%get3A_1136, %get3A_1137] {strides = array<i32>} : memref<128x64xf32, #tpu.memory_space<vmem>>, vector<1x16xf32>,
        %get3A_1139 = vector.shape_cast %get3A_1138 : vector<1x16xf32> to vector<16xf32>
        %add3A_1140 = arith.addi %select_n3A_524, %scan3A_1105 : i32
        %get3A_1141 = arith.index_cast %add3A_1140 : i32 to index
        %get3A_1142 = arith.constant 16 : index
        %get3A_1143 = tpu.vector_load %arg7[%get3A_1141, %get3A_1142] {strides = array<i32>} : memref<328x64xf32, #tpu.memory_space<vmem>>, vector<1x16xf32>,
        %get3A_1144 = vector.shape_cast %get3A_1143 : vector<1x16xf32> to vector<16xf32>
        %add3A_1145 = arith.addf %get3A_1139, %get3A_1144 : vector<16xf32>
        %swap3A_1146 = arith.constant 1 : i32
        %swap3A_1147 = arith.constant 0 : i32
        %swap3A_1148 = arith.constant 0 : i32
        %swap3A_1149 = tpu.memref_slice %arg8[%swap3A_1146, %swap3A_1147, %swap3A_1148] : memref<8x128x64xf32, #tpu.memory_space<vmem>> -> memref<1x128x64xf32, #tpu.memory_space<vmem>>
        %swap3A_1150 = tpu.memref_squeeze %swap3A_1149 : memref<1x128x64xf32, #tpu.memory_space<vmem>> -> memref<128x64xf32, #tpu.memory_space<vmem>>
        %swap3A_1151 = arith.index_cast %scan3A_1105 : i32 to index
        %swap3A_1152 = arith.constant 16 : index
        %swap3A_1153 = tpu.vector_load %swap3A_1150[%swap3A_1151, %swap3A_1152] {strides = array<i32>} : memref<128x64xf32, #tpu.memory_space<vmem>>, vector<1x16xf32>,
        %swap3A_1154 = vector.shape_cast %swap3A_1153 : vector<1x16xf32> to vector<16xf32>
        %swap3A_1155 = vector.shape_cast %add3A_1145 : vector<16xf32> to vector<1x16xf32>
        tpu.vector_store %swap3A_1150[%swap3A_1151, %swap3A_1152], %swap3A_1155 {strides = array<i32>} : memref<128x64xf32, #tpu.memory_space<vmem>>, vector<1x16xf32>,
        %get3A_1156 = arith.constant 1 : i32
        %get3A_1157 = arith.constant 0 : i32
        %get3A_1158 = arith.constant 0 : i32
        %get3A_1159 = tpu.memref_slice %arg8[%get3A_1156, %get3A_1157, %get3A_1158] : memref<8x128x64xf32, #tpu.memory_space<vmem>> -> memref<1x128x64xf32, #tpu.memory_space<vmem>>
        %get3A_1160 = tpu.memref_squeeze %get3A_1159 : memref<1x128x64xf32, #tpu.memory_space<vmem>> -> memref<128x64xf32, #tpu.memory_space<vmem>>
        %get3A_1161 = arith.index_cast %scan3A_1105 : i32 to index
        %get3A_1162 = arith.constant 32 : index
        %get3A_1163 = tpu.vector_load %get3A_1160[%get3A_1161, %get3A_1162] {strides = array<i32>} : memref<128x64xf32, #tpu.memory_space<vmem>>, vector<1x16xf32>,
        %get3A_1164 = vector.shape_cast %get3A_1163 : vector<1x16xf32> to vector<16xf32>
        %add3A_1165 = arith.addi %select_n3A_524, %scan3A_1105 : i32
        %get3A_1166 = arith.index_cast %add3A_1165 : i32 to index
        %get3A_1167 = arith.constant 32 : index
        %get3A_1168 = tpu.vector_load %arg7[%get3A_1166, %get3A_1167] {strides = array<i32>} : memref<328x64xf32, #tpu.memory_space<vmem>>, vector<1x16xf32>,
        %get3A_1169 = vector.shape_cast %get3A_1168 : vector<1x16xf32> to vector<16xf32>
        %add3A_1170 = arith.addf %get3A_1164, %get3A_1169 : vector<16xf32>
        %swap3A_1171 = arith.constant 1 : i32
        %swap3A_1172 = arith.constant 0 : i32
        %swap3A_1173 = arith.constant 0 : i32
        %swap3A_1174 = tpu.memref_slice %arg8[%swap3A_1171, %swap3A_1172, %swap3A_1173] : memref<8x128x64xf32, #tpu.memory_space<vmem>> -> memref<1x128x64xf32, #tpu.memory_space<vmem>>
        %swap3A_1175 = tpu.memref_squeeze %swap3A_1174 : memref<1x128x64xf32, #tpu.memory_space<vmem>> -> memref<128x64xf32, #tpu.memory_space<vmem>>
        %swap3A_1176 = arith.index_cast %scan3A_1105 : i32 to index
        %swap3A_1177 = arith.constant 32 : index
        %swap3A_1178 = tpu.vector_load %swap3A_1175[%swap3A_1176, %swap3A_1177] {strides = array<i32>} : memref<128x64xf32, #tpu.memory_space<vmem>>, vector<1x16xf32>,
        %swap3A_1179 = vector.shape_cast %swap3A_1178 : vector<1x16xf32> to vector<16xf32>
        %swap3A_1180 = vector.shape_cast %add3A_1170 : vector<16xf32> to vector<1x16xf32>
        tpu.vector_store %swap3A_1175[%swap3A_1176, %swap3A_1177], %swap3A_1180 {strides = array<i32>} : memref<128x64xf32, #tpu.memory_space<vmem>>, vector<1x16xf32>,
        %get3A_1181 = arith.constant 1 : i32
        %get3A_1182 = arith.constant 0 : i32
        %get3A_1183 = arith.constant 0 : i32
        %get3A_1184 = tpu.memref_slice %arg8[%get3A_1181, %get3A_1182, %get3A_1183] : memref<8x128x64xf32, #tpu.memory_space<vmem>> -> memref<1x128x64xf32, #tpu.memory_space<vmem>>
        %get3A_1185 = tpu.memref_squeeze %get3A_1184 : memref<1x128x64xf32, #tpu.memory_space<vmem>> -> memref<128x64xf32, #tpu.memory_space<vmem>>
        %get3A_1186 = arith.index_cast %scan3A_1105 : i32 to index
        %get3A_1187 = arith.constant 48 : index
        %get3A_1188 = tpu.vector_load %get3A_1185[%get3A_1186, %get3A_1187] {strides = array<i32>} : memref<128x64xf32, #tpu.memory_space<vmem>>, vector<1x16xf32>,
        %get3A_1189 = vector.shape_cast %get3A_1188 : vector<1x16xf32> to vector<16xf32>
        %add3A_1190 = arith.addi %select_n3A_524, %scan3A_1105 : i32
        %get3A_1191 = arith.index_cast %add3A_1190 : i32 to index
        %get3A_1192 = arith.constant 48 : index
        %get3A_1193 = tpu.vector_load %arg7[%get3A_1191, %get3A_1192] {strides = array<i32>} : memref<328x64xf32, #tpu.memory_space<vmem>>, vector<1x16xf32>,
        %get3A_1194 = vector.shape_cast %get3A_1193 : vector<1x16xf32> to vector<16xf32>
        %add3A_1195 = arith.addf %get3A_1189, %get3A_1194 : vector<16xf32>
        %swap3A_1196 = arith.constant 1 : i32
        %swap3A_1197 = arith.constant 0 : i32
        %swap3A_1198 = arith.constant 0 : i32
        %swap3A_1199 = tpu.memref_slice %arg8[%swap3A_1196, %swap3A_1197, %swap3A_1198] : memref<8x128x64xf32, #tpu.memory_space<vmem>> -> memref<1x128x64xf32, #tpu.memory_space<vmem>>
        %swap3A_1200 = tpu.memref_squeeze %swap3A_1199 : memref<1x128x64xf32, #tpu.memory_space<vmem>> -> memref<128x64xf32, #tpu.memory_space<vmem>>
        %swap3A_1201 = arith.index_cast %scan3A_1105 : i32 to index
        %swap3A_1202 = arith.constant 48 : index
        %swap3A_1203 = tpu.vector_load %swap3A_1200[%swap3A_1201, %swap3A_1202] {strides = array<i32>} : memref<128x64xf32, #tpu.memory_space<vmem>>, vector<1x16xf32>,
        %swap3A_1204 = vector.shape_cast %swap3A_1203 : vector<1x16xf32> to vector<16xf32>
        %swap3A_1205 = vector.shape_cast %add3A_1195 : vector<16xf32> to vector<1x16xf32>
        tpu.vector_store %swap3A_1200[%swap3A_1201, %swap3A_1202], %swap3A_1205 {strides = array<i32>} : memref<128x64xf32, #tpu.memory_space<vmem>>, vector<1x16xf32>,
        %scan3A_1206 = arith.constant 3 : i32
        %scan3A_1207 = arith.addi %scan3A_903, %scan3A_1206 : i32
        %get3A_1208 = arith.constant 1 : i32
        %get3A_1209 = arith.constant 0 : i32
        %get3A_1210 = arith.constant 0 : i32
        %get3A_1211 = tpu.memref_slice %arg8[%get3A_1208, %get3A_1209, %get3A_1210] : memref<8x128x64xf32, #tpu.memory_space<vmem>> -> memref<1x128x64xf32, #tpu.memory_space<vmem>>
        %get3A_1212 = tpu.memref_squeeze %get3A_1211 : memref<1x128x64xf32, #tpu.memory_space<vmem>> -> memref<128x64xf32, #tpu.memory_space<vmem>>
        %get3A_1213 = arith.index_cast %scan3A_1207 : i32 to index
        %get3A_1214 = arith.constant 0 : index
        %get3A_1215 = tpu.vector_load %get3A_1212[%get3A_1213, %get3A_1214] {strides = array<i32>} : memref<128x64xf32, #tpu.memory_space<vmem>>, vector<1x16xf32>,
        %get3A_1216 = vector.shape_cast %get3A_1215 : vector<1x16xf32> to vector<16xf32>
        %add3A_1217 = arith.addi %select_n3A_524, %scan3A_1207 : i32
        %get3A_1218 = arith.index_cast %add3A_1217 : i32 to index
        %get3A_1219 = arith.constant 0 : index
        %get3A_1220 = tpu.vector_load %arg7[%get3A_1218, %get3A_1219] {strides = array<i32>} : memref<328x64xf32, #tpu.memory_space<vmem>>, vector<1x16xf32>,
        %get3A_1221 = vector.shape_cast %get3A_1220 : vector<1x16xf32> to vector<16xf32>
        %add3A_1222 = arith.addf %get3A_1216, %get3A_1221 : vector<16xf32>
        %swap3A_1223 = arith.constant 1 : i32
        %swap3A_1224 = arith.constant 0 : i32
        %swap3A_1225 = arith.constant 0 : i32
        %swap3A_1226 = tpu.memref_slice %arg8[%swap3A_1223, %swap3A_1224, %swap3A_1225] : memref<8x128x64xf32, #tpu.memory_space<vmem>> -> memref<1x128x64xf32, #tpu.memory_space<vmem>>
        %swap3A_1227 = tpu.memref_squeeze %swap3A_1226 : memref<1x128x64xf32, #tpu.memory_space<vmem>> -> memref<128x64xf32, #tpu.memory_space<vmem>>
        %swap3A_1228 = arith.index_cast %scan3A_1207 : i32 to index
        %swap3A_1229 = arith.constant 0 : index
        %swap3A_1230 = tpu.vector_load %swap3A_1227[%swap3A_1228, %swap3A_1229] {strides = array<i32>} : memref<128x64xf32, #tpu.memory_space<vmem>>, vector<1x16xf32>,
        %swap3A_1231 = vector.shape_cast %swap3A_1230 : vector<1x16xf32> to vector<16xf32>
        %swap3A_1232 = vector.shape_cast %add3A_1222 : vector<16xf32> to vector<1x16xf32>
        tpu.vector_store %swap3A_1227[%swap3A_1228, %swap3A_1229], %swap3A_1232 {strides = array<i32>} : memref<128x64xf32, #tpu.memory_space<vmem>>, vector<1x16xf32>,
        %get3A_1233 = arith.constant 1 : i32
        %get3A_1234 = arith.constant 0 : i32
        %get3A_1235 = arith.constant 0 : i32
        %get3A_1236 = tpu.memref_slice %arg8[%get3A_1233, %get3A_1234, %get3A_1235] : memref<8x128x64xf32, #tpu.memory_space<vmem>> -> memref<1x128x64xf32, #tpu.memory_space<vmem>>
        %get3A_1237 = tpu.memref_squeeze %get3A_1236 : memref<1x128x64xf32, #tpu.memory_space<vmem>> -> memref<128x64xf32, #tpu.memory_space<vmem>>
        %get3A_1238 = arith.index_cast %scan3A_1207 : i32 to index
        %get3A_1239 = arith.constant 16 : index
        %get3A_1240 = tpu.vector_load %get3A_1237[%get3A_1238, %get3A_1239] {strides = array<i32>} : memref<128x64xf32, #tpu.memory_space<vmem>>, vector<1x16xf32>,
        %get3A_1241 = vector.shape_cast %get3A_1240 : vector<1x16xf32> to vector<16xf32>
        %add3A_1242 = arith.addi %select_n3A_524, %scan3A_1207 : i32
        %get3A_1243 = arith.index_cast %add3A_1242 : i32 to index
        %get3A_1244 = arith.constant 16 : index
        %get3A_1245 = tpu.vector_load %arg7[%get3A_1243, %get3A_1244] {strides = array<i32>} : memref<328x64xf32, #tpu.memory_space<vmem>>, vector<1x16xf32>,
        %get3A_1246 = vector.shape_cast %get3A_1245 : vector<1x16xf32> to vector<16xf32>
        %add3A_1247 = arith.addf %get3A_1241, %get3A_1246 : vector<16xf32>
        %swap3A_1248 = arith.constant 1 : i32
        %swap3A_1249 = arith.constant 0 : i32
        %swap3A_1250 = arith.constant 0 : i32
        %swap3A_1251 = tpu.memref_slice %arg8[%swap3A_1248, %swap3A_1249, %swap3A_1250] : memref<8x128x64xf32, #tpu.memory_space<vmem>> -> memref<1x128x64xf32, #tpu.memory_space<vmem>>
        %swap3A_1252 = tpu.memref_squeeze %swap3A_1251 : memref<1x128x64xf32, #tpu.memory_space<vmem>> -> memref<128x64xf32, #tpu.memory_space<vmem>>
        %swap3A_1253 = arith.index_cast %scan3A_1207 : i32 to index
        %swap3A_1254 = arith.constant 16 : index
        %swap3A_1255 = tpu.vector_load %swap3A_1252[%swap3A_1253, %swap3A_1254] {strides = array<i32>} : memref<128x64xf32, #tpu.memory_space<vmem>>, vector<1x16xf32>,
        %swap3A_1256 = vector.shape_cast %swap3A_1255 : vector<1x16xf32> to vector<16xf32>
        %swap3A_1257 = vector.shape_cast %add3A_1247 : vector<16xf32> to vector<1x16xf32>
        tpu.vector_store %swap3A_1252[%swap3A_1253, %swap3A_1254], %swap3A_1257 {strides = array<i32>} : memref<128x64xf32, #tpu.memory_space<vmem>>, vector<1x16xf32>,
        %get3A_1258 = arith.constant 1 : i32
        %get3A_1259 = arith.constant 0 : i32
        %get3A_1260 = arith.constant 0 : i32
        %get3A_1261 = tpu.memref_slice %arg8[%get3A_1258, %get3A_1259, %get3A_1260] : memref<8x128x64xf32, #tpu.memory_space<vmem>> -> memref<1x128x64xf32, #tpu.memory_space<vmem>>
        %get3A_1262 = tpu.memref_squeeze %get3A_1261 : memref<1x128x64xf32, #tpu.memory_space<vmem>> -> memref<128x64xf32, #tpu.memory_space<vmem>>
        %get3A_1263 = arith.index_cast %scan3A_1207 : i32 to index
        %get3A_1264 = arith.constant 32 : index
        %get3A_1265 = tpu.vector_load %get3A_1262[%get3A_1263, %get3A_1264] {strides = array<i32>} : memref<128x64xf32, #tpu.memory_space<vmem>>, vector<1x16xf32>,
        %get3A_1266 = vector.shape_cast %get3A_1265 : vector<1x16xf32> to vector<16xf32>
        %add3A_1267 = arith.addi %select_n3A_524, %scan3A_1207 : i32
        %get3A_1268 = arith.index_cast %add3A_1267 : i32 to index
        %get3A_1269 = arith.constant 32 : index
        %get3A_1270 = tpu.vector_load %arg7[%get3A_1268, %get3A_1269] {strides = array<i32>} : memref<328x64xf32, #tpu.memory_space<vmem>>, vector<1x16xf32>,
        %get3A_1271 = vector.shape_cast %get3A_1270 : vector<1x16xf32> to vector<16xf32>
        %add3A_1272 = arith.addf %get3A_1266, %get3A_1271 : vector<16xf32>
        %swap3A_1273 = arith.constant 1 : i32
        %swap3A_1274 = arith.constant 0 : i32
        %swap3A_1275 = arith.constant 0 : i32
        %swap3A_1276 = tpu.memref_slice %arg8[%swap3A_1273, %swap3A_1274, %swap3A_1275] : memref<8x128x64xf32, #tpu.memory_space<vmem>> -> memref<1x128x64xf32, #tpu.memory_space<vmem>>
        %swap3A_1277 = tpu.memref_squeeze %swap3A_1276 : memref<1x128x64xf32, #tpu.memory_space<vmem>> -> memref<128x64xf32, #tpu.memory_space<vmem>>
        %swap3A_1278 = arith.index_cast %scan3A_1207 : i32 to index
        %swap3A_1279 = arith.constant 32 : index
        %swap3A_1280 = tpu.vector_load %swap3A_1277[%swap3A_1278, %swap3A_1279] {strides = array<i32>} : memref<128x64xf32, #tpu.memory_space<vmem>>, vector<1x16xf32>,
        %swap3A_1281 = vector.shape_cast %swap3A_1280 : vector<1x16xf32> to vector<16xf32>
        %swap3A_1282 = vector.shape_cast %add3A_1272 : vector<16xf32> to vector<1x16xf32>
        tpu.vector_store %swap3A_1277[%swap3A_1278, %swap3A_1279], %swap3A_1282 {strides = array<i32>} : memref<128x64xf32, #tpu.memory_space<vmem>>, vector<1x16xf32>,
        %get3A_1283 = arith.constant 1 : i32
        %get3A_1284 = arith.constant 0 : i32
        %get3A_1285 = arith.constant 0 : i32
        %get3A_1286 = tpu.memref_slice %arg8[%get3A_1283, %get3A_1284, %get3A_1285] : memref<8x128x64xf32, #tpu.memory_space<vmem>> -> memref<1x128x64xf32, #tpu.memory_space<vmem>>
        %get3A_1287 = tpu.memref_squeeze %get3A_1286 : memref<1x128x64xf32, #tpu.memory_space<vmem>> -> memref<128x64xf32, #tpu.memory_space<vmem>>
        %get3A_1288 = arith.index_cast %scan3A_1207 : i32 to index
        %get3A_1289 = arith.constant 48 : index
        %get3A_1290 = tpu.vector_load %get3A_1287[%get3A_1288, %get3A_1289] {strides = array<i32>} : memref<128x64xf32, #tpu.memory_space<vmem>>, vector<1x16xf32>,
        %get3A_1291 = vector.shape_cast %get3A_1290 : vector<1x16xf32> to vector<16xf32>
        %add3A_1292 = arith.addi %select_n3A_524, %scan3A_1207 : i32
        %get3A_1293 = arith.index_cast %add3A_1292 : i32 to index
        %get3A_1294 = arith.constant 48 : index
        %get3A_1295 = tpu.vector_load %arg7[%get3A_1293, %get3A_1294] {strides = array<i32>} : memref<328x64xf32, #tpu.memory_space<vmem>>, vector<1x16xf32>,
        %get3A_1296 = vector.shape_cast %get3A_1295 : vector<1x16xf32> to vector<16xf32>
        %add3A_1297 = arith.addf %get3A_1291, %get3A_1296 : vector<16xf32>
        %swap3A_1298 = arith.constant 1 : i32
        %swap3A_1299 = arith.constant 0 : i32
        %swap3A_1300 = arith.constant 0 : i32
        %swap3A_1301 = tpu.memref_slice %arg8[%swap3A_1298, %swap3A_1299, %swap3A_1300] : memref<8x128x64xf32, #tpu.memory_space<vmem>> -> memref<1x128x64xf32, #tpu.memory_space<vmem>>
        %swap3A_1302 = tpu.memref_squeeze %swap3A_1301 : memref<1x128x64xf32, #tpu.memory_space<vmem>> -> memref<128x64xf32, #tpu.memory_space<vmem>>
        %swap3A_1303 = arith.index_cast %scan3A_1207 : i32 to index
        %swap3A_1304 = arith.constant 48 : index
        %swap3A_1305 = tpu.vector_load %swap3A_1302[%swap3A_1303, %swap3A_1304] {strides = array<i32>} : memref<128x64xf32, #tpu.memory_space<vmem>>, vector<1x16xf32>,
        %swap3A_1306 = vector.shape_cast %swap3A_1305 : vector<1x16xf32> to vector<16xf32>
        %swap3A_1307 = vector.shape_cast %add3A_1297 : vector<16xf32> to vector<1x16xf32>
        tpu.vector_store %swap3A_1302[%swap3A_1303, %swap3A_1304], %swap3A_1307 {strides = array<i32>} : memref<128x64xf32, #tpu.memory_space<vmem>>, vector<1x16xf32>,
      }
      %scan3A_530 = arith.constant 128 : i32
      %dma_wait3A_531 = arith.constant 2 : i32
      %dma_wait3A_532 = arith.constant 2 : i32
      %dma_wait3A_533 = arith.constant 0 : i32
      %dma_wait3A_534 = arith.constant 0 : i32
      %dma_wait3A_535 = tpu.memref_slice %arg8[%dma_wait3A_532, %dma_wait3A_533, %dma_wait3A_534] : memref<8x128x64xf32, #tpu.memory_space<vmem>> -> memref<1x128x64xf32, #tpu.memory_space<vmem>>
      %dma_wait3A_536 = tpu.memref_squeeze %dma_wait3A_535 : memref<1x128x64xf32, #tpu.memory_space<vmem>> -> memref<128x64xf32, #tpu.memory_space<vmem>>
      %dma_wait3A_537 = arith.constant 0 : i32
      %dma_wait3A_538 = tpu.memref_slice %arg6[%dma_wait3A_531, %dma_wait3A_537] : memref<8x128xi32, #tpu.memory_space<vmem>> -> memref<1x128xi32, #tpu.memory_space<vmem>>
      %dma_wait3A_539 = tpu.memref_squeeze %dma_wait3A_538 : memref<1x128xi32, #tpu.memory_space<vmem>> -> memref<128xi32, #tpu.memory_space<vmem>>
      %dma_wait3A_540 = arith.constant 0 : i32
      %dma_wait3A_541 = arith.constant 0 : i32
      %dma_wait3A_542 = tpu.memref_slice %arg3[%dma_wait3A_540, %dma_wait3A_541] : memref<1000000x64xf32, #tpu.memory_space<hbm>> -> memref<1000000x64xf32, #tpu.memory_space<hbm>>
      tpu.wait_indirect_dma semaphore(%arg19 : memref<!tpu.dma_semaphore, #tpu.memory_space<semaphore_mem>>) src(%dma_wait3A_542 : memref<1000000x64xf32, #tpu.memory_space<hbm>>) dst(%dma_wait3A_536 : memref<128x64xf32, #tpu.memory_space<vmem>>)
      %add3A_543 = arith.constant 2 : i32
      %add3A_544 = arith.addi %mul3A_129, %add3A_543 : i32
      %mul3A_545 = arith.constant 128 : i32
      %mul3A_546 = arith.muli %add3A_544, %mul3A_545 : i32
      %jit3A_547 = arith.constant 200 : i32
      %eq3A_548 = arith.constant 0 : i32
      %eq3A_549 = arith.cmpi eq, %jit3A_547, %eq3A_548 : i32
      %jit3A_550 = arith.constant 1 : i32
      %select_n3A_551 = arith.select %eq3A_549, %jit3A_550, %jit3A_547 : i32
      %rem3A_552 = arith.remsi %mul3A_546, %select_n3A_551 : i32
      %ne3A_553 = arith.constant 0 : i32
      %ne3A_554 = arith.cmpi ne, %rem3A_552, %ne3A_553 : i32
      %lt3A_555 = arith.constant 0 : i32
      %lt3A_556 = arith.cmpi slt, %rem3A_552, %lt3A_555 : i32
      %lt3A_557 = arith.constant 0 : i32
      %lt3A_558 = arith.cmpi slt, %select_n3A_551, %lt3A_557 : i32
      %ne3A_559 = arith.xori %lt3A_556, %lt3A_558 : i1
      %and3A_560 = arith.andi %ne3A_559, %ne3A_554 : i1
      %add3A_561 = arith.addi %rem3A_552, %select_n3A_551 : i32
      %select_n3A_562 = arith.select %and3A_560, %add3A_561, %rem3A_552 : i32
      %scan3A_563 = arith.constant 0 : i32
      %scan3A_564 = arith.constant 0 : i32
      %scan3A_565 = arith.constant 128 : i32
      %scan3A_566 = arith.addi %scan3A_564, %scan3A_565 : i32
      %scan3A_567 = arith.constant 4 : i32
      scf.for %scan3A_903 = %scan3A_564 to %scan3A_566 step %scan3A_567  : i32 {
        %get3A = arith.constant 2 : i32
        %get3A_904 = arith.constant 0 : i32
        %get3A_905 = arith.constant 0 : i32
        %get3A_906 = tpu.memref_slice %arg8[%get3A, %get3A_904, %get3A_905] : memref<8x128x64xf32, #tpu.memory_space<vmem>> -> memref<1x128x64xf32, #tpu.memory_space<vmem>>
        %get3A_907 = tpu.memref_squeeze %get3A_906 : memref<1x128x64xf32, #tpu.memory_space<vmem>> -> memref<128x64xf32, #tpu.memory_space<vmem>>
        %get3A_908 = arith.index_cast %scan3A_903 : i32 to index
        %get3A_909 = arith.constant 0 : index
        %get3A_910 = tpu.vector_load %get3A_907[%get3A_908, %get3A_909] {strides = array<i32>} : memref<128x64xf32, #tpu.memory_space<vmem>>, vector<1x16xf32>,
        %get3A_911 = vector.shape_cast %get3A_910 : vector<1x16xf32> to vector<16xf32>
        %add3A_912 = arith.addi %select_n3A_562, %scan3A_903 : i32
        %get3A_913 = arith.index_cast %add3A_912 : i32 to index
        %get3A_914 = arith.constant 0 : index
        %get3A_915 = tpu.vector_load %arg7[%get3A_913, %get3A_914] {strides = array<i32>} : memref<328x64xf32, #tpu.memory_space<vmem>>, vector<1x16xf32>,
        %get3A_916 = vector.shape_cast %get3A_915 : vector<1x16xf32> to vector<16xf32>
        %add3A_917 = arith.addf %get3A_911, %get3A_916 : vector<16xf32>
        %swap3A = arith.constant 2 : i32
        %swap3A_918 = arith.constant 0 : i32
        %swap3A_919 = arith.constant 0 : i32
        %swap3A_920 = tpu.memref_slice %arg8[%swap3A, %swap3A_918, %swap3A_919] : memref<8x128x64xf32, #tpu.memory_space<vmem>> -> memref<1x128x64xf32, #tpu.memory_space<vmem>>
        %swap3A_921 = tpu.memref_squeeze %swap3A_920 : memref<1x128x64xf32, #tpu.memory_space<vmem>> -> memref<128x64xf32, #tpu.memory_space<vmem>>
        %swap3A_922 = arith.index_cast %scan3A_903 : i32 to index
        %swap3A_923 = arith.constant 0 : index
        %swap3A_924 = tpu.vector_load %swap3A_921[%swap3A_922, %swap3A_923] {strides = array<i32>} : memref<128x64xf32, #tpu.memory_space<vmem>>, vector<1x16xf32>,
        %swap3A_925 = vector.shape_cast %swap3A_924 : vector<1x16xf32> to vector<16xf32>
        %swap3A_926 = vector.shape_cast %add3A_917 : vector<16xf32> to vector<1x16xf32>
        tpu.vector_store %swap3A_921[%swap3A_922, %swap3A_923], %swap3A_926 {strides = array<i32>} : memref<128x64xf32, #tpu.memory_space<vmem>>, vector<1x16xf32>,
        %get3A_927 = arith.constant 2 : i32
        %get3A_928 = arith.constant 0 : i32
        %get3A_929 = arith.constant 0 : i32
        %get3A_930 = tpu.memref_slice %arg8[%get3A_927, %get3A_928, %get3A_929] : memref<8x128x64xf32, #tpu.memory_space<vmem>> -> memref<1x128x64xf32, #tpu.memory_space<vmem>>
        %get3A_931 = tpu.memref_squeeze %get3A_930 : memref<1x128x64xf32, #tpu.memory_space<vmem>> -> memref<128x64xf32, #tpu.memory_space<vmem>>
        %get3A_932 = arith.index_cast %scan3A_903 : i32 to index
        %get3A_933 = arith.constant 16 : index
        %get3A_934 = tpu.vector_load %get3A_931[%get3A_932, %get3A_933] {strides = array<i32>} : memref<128x64xf32, #tpu.memory_space<vmem>>, vector<1x16xf32>,
        %get3A_935 = vector.shape_cast %get3A_934 : vector<1x16xf32> to vector<16xf32>
        %add3A_936 = arith.addi %select_n3A_562, %scan3A_903 : i32
        %get3A_937 = arith.index_cast %add3A_936 : i32 to index
        %get3A_938 = arith.constant 16 : index
        %get3A_939 = tpu.vector_load %arg7[%get3A_937, %get3A_938] {strides = array<i32>} : memref<328x64xf32, #tpu.memory_space<vmem>>, vector<1x16xf32>,
        %get3A_940 = vector.shape_cast %get3A_939 : vector<1x16xf32> to vector<16xf32>
        %add3A_941 = arith.addf %get3A_935, %get3A_940 : vector<16xf32>
        %swap3A_942 = arith.constant 2 : i32
        %swap3A_943 = arith.constant 0 : i32
        %swap3A_944 = arith.constant 0 : i32
        %swap3A_945 = tpu.memref_slice %arg8[%swap3A_942, %swap3A_943, %swap3A_944] : memref<8x128x64xf32, #tpu.memory_space<vmem>> -> memref<1x128x64xf32, #tpu.memory_space<vmem>>
        %swap3A_946 = tpu.memref_squeeze %swap3A_945 : memref<1x128x64xf32, #tpu.memory_space<vmem>> -> memref<128x64xf32, #tpu.memory_space<vmem>>
        %swap3A_947 = arith.index_cast %scan3A_903 : i32 to index
        %swap3A_948 = arith.constant 16 : index
        %swap3A_949 = tpu.vector_load %swap3A_946[%swap3A_947, %swap3A_948] {strides = array<i32>} : memref<128x64xf32, #tpu.memory_space<vmem>>, vector<1x16xf32>,
        %swap3A_950 = vector.shape_cast %swap3A_949 : vector<1x16xf32> to vector<16xf32>
        %swap3A_951 = vector.shape_cast %add3A_941 : vector<16xf32> to vector<1x16xf32>
        tpu.vector_store %swap3A_946[%swap3A_947, %swap3A_948], %swap3A_951 {strides = array<i32>} : memref<128x64xf32, #tpu.memory_space<vmem>>, vector<1x16xf32>,
        %get3A_952 = arith.constant 2 : i32
        %get3A_953 = arith.constant 0 : i32
        %get3A_954 = arith.constant 0 : i32
        %get3A_955 = tpu.memref_slice %arg8[%get3A_952, %get3A_953, %get3A_954] : memref<8x128x64xf32, #tpu.memory_space<vmem>> -> memref<1x128x64xf32, #tpu.memory_space<vmem>>
        %get3A_956 = tpu.memref_squeeze %get3A_955 : memref<1x128x64xf32, #tpu.memory_space<vmem>> -> memref<128x64xf32, #tpu.memory_space<vmem>>
        %get3A_957 = arith.index_cast %scan3A_903 : i32 to index
        %get3A_958 = arith.constant 32 : index
        %get3A_959 = tpu.vector_load %get3A_956[%get3A_957, %get3A_958] {strides = array<i32>} : memref<128x64xf32, #tpu.memory_space<vmem>>, vector<1x16xf32>,
        %get3A_960 = vector.shape_cast %get3A_959 : vector<1x16xf32> to vector<16xf32>
        %add3A_961 = arith.addi %select_n3A_562, %scan3A_903 : i32
        %get3A_962 = arith.index_cast %add3A_961 : i32 to index
        %get3A_963 = arith.constant 32 : index
        %get3A_964 = tpu.vector_load %arg7[%get3A_962, %get3A_963] {strides = array<i32>} : memref<328x64xf32, #tpu.memory_space<vmem>>, vector<1x16xf32>,
        %get3A_965 = vector.shape_cast %get3A_964 : vector<1x16xf32> to vector<16xf32>
        %add3A_966 = arith.addf %get3A_960, %get3A_965 : vector<16xf32>
        %swap3A_967 = arith.constant 2 : i32
        %swap3A_968 = arith.constant 0 : i32
        %swap3A_969 = arith.constant 0 : i32
        %swap3A_970 = tpu.memref_slice %arg8[%swap3A_967, %swap3A_968, %swap3A_969] : memref<8x128x64xf32, #tpu.memory_space<vmem>> -> memref<1x128x64xf32, #tpu.memory_space<vmem>>
        %swap3A_971 = tpu.memref_squeeze %swap3A_970 : memref<1x128x64xf32, #tpu.memory_space<vmem>> -> memref<128x64xf32, #tpu.memory_space<vmem>>
        %swap3A_972 = arith.index_cast %scan3A_903 : i32 to index
        %swap3A_973 = arith.constant 32 : index
        %swap3A_974 = tpu.vector_load %swap3A_971[%swap3A_972, %swap3A_973] {strides = array<i32>} : memref<128x64xf32, #tpu.memory_space<vmem>>, vector<1x16xf32>,
        %swap3A_975 = vector.shape_cast %swap3A_974 : vector<1x16xf32> to vector<16xf32>
        %swap3A_976 = vector.shape_cast %add3A_966 : vector<16xf32> to vector<1x16xf32>
        tpu.vector_store %swap3A_971[%swap3A_972, %swap3A_973], %swap3A_976 {strides = array<i32>} : memref<128x64xf32, #tpu.memory_space<vmem>>, vector<1x16xf32>,
        %get3A_977 = arith.constant 2 : i32
        %get3A_978 = arith.constant 0 : i32
        %get3A_979 = arith.constant 0 : i32
        %get3A_980 = tpu.memref_slice %arg8[%get3A_977, %get3A_978, %get3A_979] : memref<8x128x64xf32, #tpu.memory_space<vmem>> -> memref<1x128x64xf32, #tpu.memory_space<vmem>>
        %get3A_981 = tpu.memref_squeeze %get3A_980 : memref<1x128x64xf32, #tpu.memory_space<vmem>> -> memref<128x64xf32, #tpu.memory_space<vmem>>
        %get3A_982 = arith.index_cast %scan3A_903 : i32 to index
        %get3A_983 = arith.constant 48 : index
        %get3A_984 = tpu.vector_load %get3A_981[%get3A_982, %get3A_983] {strides = array<i32>} : memref<128x64xf32, #tpu.memory_space<vmem>>, vector<1x16xf32>,
        %get3A_985 = vector.shape_cast %get3A_984 : vector<1x16xf32> to vector<16xf32>
        %add3A_986 = arith.addi %select_n3A_562, %scan3A_903 : i32
        %get3A_987 = arith.index_cast %add3A_986 : i32 to index
        %get3A_988 = arith.constant 48 : index
        %get3A_989 = tpu.vector_load %arg7[%get3A_987, %get3A_988] {strides = array<i32>} : memref<328x64xf32, #tpu.memory_space<vmem>>, vector<1x16xf32>,
        %get3A_990 = vector.shape_cast %get3A_989 : vector<1x16xf32> to vector<16xf32>
        %add3A_991 = arith.addf %get3A_985, %get3A_990 : vector<16xf32>
        %swap3A_992 = arith.constant 2 : i32
        %swap3A_993 = arith.constant 0 : i32
        %swap3A_994 = arith.constant 0 : i32
        %swap3A_995 = tpu.memref_slice %arg8[%swap3A_992, %swap3A_993, %swap3A_994] : memref<8x128x64xf32, #tpu.memory_space<vmem>> -> memref<1x128x64xf32, #tpu.memory_space<vmem>>
        %swap3A_996 = tpu.memref_squeeze %swap3A_995 : memref<1x128x64xf32, #tpu.memory_space<vmem>> -> memref<128x64xf32, #tpu.memory_space<vmem>>
        %swap3A_997 = arith.index_cast %scan3A_903 : i32 to index
        %swap3A_998 = arith.constant 48 : index
        %swap3A_999 = tpu.vector_load %swap3A_996[%swap3A_997, %swap3A_998] {strides = array<i32>} : memref<128x64xf32, #tpu.memory_space<vmem>>, vector<1x16xf32>,
        %swap3A_1000 = vector.shape_cast %swap3A_999 : vector<1x16xf32> to vector<16xf32>
        %swap3A_1001 = vector.shape_cast %add3A_991 : vector<16xf32> to vector<1x16xf32>
        tpu.vector_store %swap3A_996[%swap3A_997, %swap3A_998], %swap3A_1001 {strides = array<i32>} : memref<128x64xf32, #tpu.memory_space<vmem>>, vector<1x16xf32>,
        %scan3A_1002 = arith.constant 1 : i32
        %scan3A_1003 = arith.addi %scan3A_903, %scan3A_1002 : i32
        %get3A_1004 = arith.constant 2 : i32
        %get3A_1005 = arith.constant 0 : i32
        %get3A_1006 = arith.constant 0 : i32
        %get3A_1007 = tpu.memref_slice %arg8[%get3A_1004, %get3A_1005, %get3A_1006] : memref<8x128x64xf32, #tpu.memory_space<vmem>> -> memref<1x128x64xf32, #tpu.memory_space<vmem>>
        %get3A_1008 = tpu.memref_squeeze %get3A_1007 : memref<1x128x64xf32, #tpu.memory_space<vmem>> -> memref<128x64xf32, #tpu.memory_space<vmem>>
        %get3A_1009 = arith.index_cast %scan3A_1003 : i32 to index
        %get3A_1010 = arith.constant 0 : index
        %get3A_1011 = tpu.vector_load %get3A_1008[%get3A_1009, %get3A_1010] {strides = array<i32>} : memref<128x64xf32, #tpu.memory_space<vmem>>, vector<1x16xf32>,
        %get3A_1012 = vector.shape_cast %get3A_1011 : vector<1x16xf32> to vector<16xf32>
        %add3A_1013 = arith.addi %select_n3A_562, %scan3A_1003 : i32
        %get3A_1014 = arith.index_cast %add3A_1013 : i32 to index
        %get3A_1015 = arith.constant 0 : index
        %get3A_1016 = tpu.vector_load %arg7[%get3A_1014, %get3A_1015] {strides = array<i32>} : memref<328x64xf32, #tpu.memory_space<vmem>>, vector<1x16xf32>,
        %get3A_1017 = vector.shape_cast %get3A_1016 : vector<1x16xf32> to vector<16xf32>
        %add3A_1018 = arith.addf %get3A_1012, %get3A_1017 : vector<16xf32>
        %swap3A_1019 = arith.constant 2 : i32
        %swap3A_1020 = arith.constant 0 : i32
        %swap3A_1021 = arith.constant 0 : i32
        %swap3A_1022 = tpu.memref_slice %arg8[%swap3A_1019, %swap3A_1020, %swap3A_1021] : memref<8x128x64xf32, #tpu.memory_space<vmem>> -> memref<1x128x64xf32, #tpu.memory_space<vmem>>
        %swap3A_1023 = tpu.memref_squeeze %swap3A_1022 : memref<1x128x64xf32, #tpu.memory_space<vmem>> -> memref<128x64xf32, #tpu.memory_space<vmem>>
        %swap3A_1024 = arith.index_cast %scan3A_1003 : i32 to index
        %swap3A_1025 = arith.constant 0 : index
        %swap3A_1026 = tpu.vector_load %swap3A_1023[%swap3A_1024, %swap3A_1025] {strides = array<i32>} : memref<128x64xf32, #tpu.memory_space<vmem>>, vector<1x16xf32>,
        %swap3A_1027 = vector.shape_cast %swap3A_1026 : vector<1x16xf32> to vector<16xf32>
        %swap3A_1028 = vector.shape_cast %add3A_1018 : vector<16xf32> to vector<1x16xf32>
        tpu.vector_store %swap3A_1023[%swap3A_1024, %swap3A_1025], %swap3A_1028 {strides = array<i32>} : memref<128x64xf32, #tpu.memory_space<vmem>>, vector<1x16xf32>,
        %get3A_1029 = arith.constant 2 : i32
        %get3A_1030 = arith.constant 0 : i32
        %get3A_1031 = arith.constant 0 : i32
        %get3A_1032 = tpu.memref_slice %arg8[%get3A_1029, %get3A_1030, %get3A_1031] : memref<8x128x64xf32, #tpu.memory_space<vmem>> -> memref<1x128x64xf32, #tpu.memory_space<vmem>>
        %get3A_1033 = tpu.memref_squeeze %get3A_1032 : memref<1x128x64xf32, #tpu.memory_space<vmem>> -> memref<128x64xf32, #tpu.memory_space<vmem>>
        %get3A_1034 = arith.index_cast %scan3A_1003 : i32 to index
        %get3A_1035 = arith.constant 16 : index
        %get3A_1036 = tpu.vector_load %get3A_1033[%get3A_1034, %get3A_1035] {strides = array<i32>} : memref<128x64xf32, #tpu.memory_space<vmem>>, vector<1x16xf32>,
        %get3A_1037 = vector.shape_cast %get3A_1036 : vector<1x16xf32> to vector<16xf32>
        %add3A_1038 = arith.addi %select_n3A_562, %scan3A_1003 : i32
        %get3A_1039 = arith.index_cast %add3A_1038 : i32 to index
        %get3A_1040 = arith.constant 16 : index
        %get3A_1041 = tpu.vector_load %arg7[%get3A_1039, %get3A_1040] {strides = array<i32>} : memref<328x64xf32, #tpu.memory_space<vmem>>, vector<1x16xf32>,
        %get3A_1042 = vector.shape_cast %get3A_1041 : vector<1x16xf32> to vector<16xf32>
        %add3A_1043 = arith.addf %get3A_1037, %get3A_1042 : vector<16xf32>
        %swap3A_1044 = arith.constant 2 : i32
        %swap3A_1045 = arith.constant 0 : i32
        %swap3A_1046 = arith.constant 0 : i32
        %swap3A_1047 = tpu.memref_slice %arg8[%swap3A_1044, %swap3A_1045, %swap3A_1046] : memref<8x128x64xf32, #tpu.memory_space<vmem>> -> memref<1x128x64xf32, #tpu.memory_space<vmem>>
        %swap3A_1048 = tpu.memref_squeeze %swap3A_1047 : memref<1x128x64xf32, #tpu.memory_space<vmem>> -> memref<128x64xf32, #tpu.memory_space<vmem>>
        %swap3A_1049 = arith.index_cast %scan3A_1003 : i32 to index
        %swap3A_1050 = arith.constant 16 : index
        %swap3A_1051 = tpu.vector_load %swap3A_1048[%swap3A_1049, %swap3A_1050] {strides = array<i32>} : memref<128x64xf32, #tpu.memory_space<vmem>>, vector<1x16xf32>,
        %swap3A_1052 = vector.shape_cast %swap3A_1051 : vector<1x16xf32> to vector<16xf32>
        %swap3A_1053 = vector.shape_cast %add3A_1043 : vector<16xf32> to vector<1x16xf32>
        tpu.vector_store %swap3A_1048[%swap3A_1049, %swap3A_1050], %swap3A_1053 {strides = array<i32>} : memref<128x64xf32, #tpu.memory_space<vmem>>, vector<1x16xf32>,
        %get3A_1054 = arith.constant 2 : i32
        %get3A_1055 = arith.constant 0 : i32
        %get3A_1056 = arith.constant 0 : i32
        %get3A_1057 = tpu.memref_slice %arg8[%get3A_1054, %get3A_1055, %get3A_1056] : memref<8x128x64xf32, #tpu.memory_space<vmem>> -> memref<1x128x64xf32, #tpu.memory_space<vmem>>
        %get3A_1058 = tpu.memref_squeeze %get3A_1057 : memref<1x128x64xf32, #tpu.memory_space<vmem>> -> memref<128x64xf32, #tpu.memory_space<vmem>>
        %get3A_1059 = arith.index_cast %scan3A_1003 : i32 to index
        %get3A_1060 = arith.constant 32 : index
        %get3A_1061 = tpu.vector_load %get3A_1058[%get3A_1059, %get3A_1060] {strides = array<i32>} : memref<128x64xf32, #tpu.memory_space<vmem>>, vector<1x16xf32>,
        %get3A_1062 = vector.shape_cast %get3A_1061 : vector<1x16xf32> to vector<16xf32>
        %add3A_1063 = arith.addi %select_n3A_562, %scan3A_1003 : i32
        %get3A_1064 = arith.index_cast %add3A_1063 : i32 to index
        %get3A_1065 = arith.constant 32 : index
        %get3A_1066 = tpu.vector_load %arg7[%get3A_1064, %get3A_1065] {strides = array<i32>} : memref<328x64xf32, #tpu.memory_space<vmem>>, vector<1x16xf32>,
        %get3A_1067 = vector.shape_cast %get3A_1066 : vector<1x16xf32> to vector<16xf32>
        %add3A_1068 = arith.addf %get3A_1062, %get3A_1067 : vector<16xf32>
        %swap3A_1069 = arith.constant 2 : i32
        %swap3A_1070 = arith.constant 0 : i32
        %swap3A_1071 = arith.constant 0 : i32
        %swap3A_1072 = tpu.memref_slice %arg8[%swap3A_1069, %swap3A_1070, %swap3A_1071] : memref<8x128x64xf32, #tpu.memory_space<vmem>> -> memref<1x128x64xf32, #tpu.memory_space<vmem>>
        %swap3A_1073 = tpu.memref_squeeze %swap3A_1072 : memref<1x128x64xf32, #tpu.memory_space<vmem>> -> memref<128x64xf32, #tpu.memory_space<vmem>>
        %swap3A_1074 = arith.index_cast %scan3A_1003 : i32 to index
        %swap3A_1075 = arith.constant 32 : index
        %swap3A_1076 = tpu.vector_load %swap3A_1073[%swap3A_1074, %swap3A_1075] {strides = array<i32>} : memref<128x64xf32, #tpu.memory_space<vmem>>, vector<1x16xf32>,
        %swap3A_1077 = vector.shape_cast %swap3A_1076 : vector<1x16xf32> to vector<16xf32>
        %swap3A_1078 = vector.shape_cast %add3A_1068 : vector<16xf32> to vector<1x16xf32>
        tpu.vector_store %swap3A_1073[%swap3A_1074, %swap3A_1075], %swap3A_1078 {strides = array<i32>} : memref<128x64xf32, #tpu.memory_space<vmem>>, vector<1x16xf32>,
        %get3A_1079 = arith.constant 2 : i32
        %get3A_1080 = arith.constant 0 : i32
        %get3A_1081 = arith.constant 0 : i32
        %get3A_1082 = tpu.memref_slice %arg8[%get3A_1079, %get3A_1080, %get3A_1081] : memref<8x128x64xf32, #tpu.memory_space<vmem>> -> memref<1x128x64xf32, #tpu.memory_space<vmem>>
        %get3A_1083 = tpu.memref_squeeze %get3A_1082 : memref<1x128x64xf32, #tpu.memory_space<vmem>> -> memref<128x64xf32, #tpu.memory_space<vmem>>
        %get3A_1084 = arith.index_cast %scan3A_1003 : i32 to index
        %get3A_1085 = arith.constant 48 : index
        %get3A_1086 = tpu.vector_load %get3A_1083[%get3A_1084, %get3A_1085] {strides = array<i32>} : memref<128x64xf32, #tpu.memory_space<vmem>>, vector<1x16xf32>,
        %get3A_1087 = vector.shape_cast %get3A_1086 : vector<1x16xf32> to vector<16xf32>
        %add3A_1088 = arith.addi %select_n3A_562, %scan3A_1003 : i32
        %get3A_1089 = arith.index_cast %add3A_1088 : i32 to index
        %get3A_1090 = arith.constant 48 : index
        %get3A_1091 = tpu.vector_load %arg7[%get3A_1089, %get3A_1090] {strides = array<i32>} : memref<328x64xf32, #tpu.memory_space<vmem>>, vector<1x16xf32>,
        %get3A_1092 = vector.shape_cast %get3A_1091 : vector<1x16xf32> to vector<16xf32>
        %add3A_1093 = arith.addf %get3A_1087, %get3A_1092 : vector<16xf32>
        %swap3A_1094 = arith.constant 2 : i32
        %swap3A_1095 = arith.constant 0 : i32
        %swap3A_1096 = arith.constant 0 : i32
        %swap3A_1097 = tpu.memref_slice %arg8[%swap3A_1094, %swap3A_1095, %swap3A_1096] : memref<8x128x64xf32, #tpu.memory_space<vmem>> -> memref<1x128x64xf32, #tpu.memory_space<vmem>>
        %swap3A_1098 = tpu.memref_squeeze %swap3A_1097 : memref<1x128x64xf32, #tpu.memory_space<vmem>> -> memref<128x64xf32, #tpu.memory_space<vmem>>
        %swap3A_1099 = arith.index_cast %scan3A_1003 : i32 to index
        %swap3A_1100 = arith.constant 48 : index
        %swap3A_1101 = tpu.vector_load %swap3A_1098[%swap3A_1099, %swap3A_1100] {strides = array<i32>} : memref<128x64xf32, #tpu.memory_space<vmem>>, vector<1x16xf32>,
        %swap3A_1102 = vector.shape_cast %swap3A_1101 : vector<1x16xf32> to vector<16xf32>
        %swap3A_1103 = vector.shape_cast %add3A_1093 : vector<16xf32> to vector<1x16xf32>
        tpu.vector_store %swap3A_1098[%swap3A_1099, %swap3A_1100], %swap3A_1103 {strides = array<i32>} : memref<128x64xf32, #tpu.memory_space<vmem>>, vector<1x16xf32>,
        %scan3A_1104 = arith.constant 2 : i32
        %scan3A_1105 = arith.addi %scan3A_903, %scan3A_1104 : i32
        %get3A_1106 = arith.constant 2 : i32
        %get3A_1107 = arith.constant 0 : i32
        %get3A_1108 = arith.constant 0 : i32
        %get3A_1109 = tpu.memref_slice %arg8[%get3A_1106, %get3A_1107, %get3A_1108] : memref<8x128x64xf32, #tpu.memory_space<vmem>> -> memref<1x128x64xf32, #tpu.memory_space<vmem>>
        %get3A_1110 = tpu.memref_squeeze %get3A_1109 : memref<1x128x64xf32, #tpu.memory_space<vmem>> -> memref<128x64xf32, #tpu.memory_space<vmem>>
        %get3A_1111 = arith.index_cast %scan3A_1105 : i32 to index
        %get3A_1112 = arith.constant 0 : index
        %get3A_1113 = tpu.vector_load %get3A_1110[%get3A_1111, %get3A_1112] {strides = array<i32>} : memref<128x64xf32, #tpu.memory_space<vmem>>, vector<1x16xf32>,
        %get3A_1114 = vector.shape_cast %get3A_1113 : vector<1x16xf32> to vector<16xf32>
        %add3A_1115 = arith.addi %select_n3A_562, %scan3A_1105 : i32
        %get3A_1116 = arith.index_cast %add3A_1115 : i32 to index
        %get3A_1117 = arith.constant 0 : index
        %get3A_1118 = tpu.vector_load %arg7[%get3A_1116, %get3A_1117] {strides = array<i32>} : memref<328x64xf32, #tpu.memory_space<vmem>>, vector<1x16xf32>,
        %get3A_1119 = vector.shape_cast %get3A_1118 : vector<1x16xf32> to vector<16xf32>
        %add3A_1120 = arith.addf %get3A_1114, %get3A_1119 : vector<16xf32>
        %swap3A_1121 = arith.constant 2 : i32
        %swap3A_1122 = arith.constant 0 : i32
        %swap3A_1123 = arith.constant 0 : i32
        %swap3A_1124 = tpu.memref_slice %arg8[%swap3A_1121, %swap3A_1122, %swap3A_1123] : memref<8x128x64xf32, #tpu.memory_space<vmem>> -> memref<1x128x64xf32, #tpu.memory_space<vmem>>
        %swap3A_1125 = tpu.memref_squeeze %swap3A_1124 : memref<1x128x64xf32, #tpu.memory_space<vmem>> -> memref<128x64xf32, #tpu.memory_space<vmem>>
        %swap3A_1126 = arith.index_cast %scan3A_1105 : i32 to index
        %swap3A_1127 = arith.constant 0 : index
        %swap3A_1128 = tpu.vector_load %swap3A_1125[%swap3A_1126, %swap3A_1127] {strides = array<i32>} : memref<128x64xf32, #tpu.memory_space<vmem>>, vector<1x16xf32>,
        %swap3A_1129 = vector.shape_cast %swap3A_1128 : vector<1x16xf32> to vector<16xf32>
        %swap3A_1130 = vector.shape_cast %add3A_1120 : vector<16xf32> to vector<1x16xf32>
        tpu.vector_store %swap3A_1125[%swap3A_1126, %swap3A_1127], %swap3A_1130 {strides = array<i32>} : memref<128x64xf32, #tpu.memory_space<vmem>>, vector<1x16xf32>,
        %get3A_1131 = arith.constant 2 : i32
        %get3A_1132 = arith.constant 0 : i32
        %get3A_1133 = arith.constant 0 : i32
        %get3A_1134 = tpu.memref_slice %arg8[%get3A_1131, %get3A_1132, %get3A_1133] : memref<8x128x64xf32, #tpu.memory_space<vmem>> -> memref<1x128x64xf32, #tpu.memory_space<vmem>>
        %get3A_1135 = tpu.memref_squeeze %get3A_1134 : memref<1x128x64xf32, #tpu.memory_space<vmem>> -> memref<128x64xf32, #tpu.memory_space<vmem>>
        %get3A_1136 = arith.index_cast %scan3A_1105 : i32 to index
        %get3A_1137 = arith.constant 16 : index
        %get3A_1138 = tpu.vector_load %get3A_1135[%get3A_1136, %get3A_1137] {strides = array<i32>} : memref<128x64xf32, #tpu.memory_space<vmem>>, vector<1x16xf32>,
        %get3A_1139 = vector.shape_cast %get3A_1138 : vector<1x16xf32> to vector<16xf32>
        %add3A_1140 = arith.addi %select_n3A_562, %scan3A_1105 : i32
        %get3A_1141 = arith.index_cast %add3A_1140 : i32 to index
        %get3A_1142 = arith.constant 16 : index
        %get3A_1143 = tpu.vector_load %arg7[%get3A_1141, %get3A_1142] {strides = array<i32>} : memref<328x64xf32, #tpu.memory_space<vmem>>, vector<1x16xf32>,
        %get3A_1144 = vector.shape_cast %get3A_1143 : vector<1x16xf32> to vector<16xf32>
        %add3A_1145 = arith.addf %get3A_1139, %get3A_1144 : vector<16xf32>
        %swap3A_1146 = arith.constant 2 : i32
        %swap3A_1147 = arith.constant 0 : i32
        %swap3A_1148 = arith.constant 0 : i32
        %swap3A_1149 = tpu.memref_slice %arg8[%swap3A_1146, %swap3A_1147, %swap3A_1148] : memref<8x128x64xf32, #tpu.memory_space<vmem>> -> memref<1x128x64xf32, #tpu.memory_space<vmem>>
        %swap3A_1150 = tpu.memref_squeeze %swap3A_1149 : memref<1x128x64xf32, #tpu.memory_space<vmem>> -> memref<128x64xf32, #tpu.memory_space<vmem>>
        %swap3A_1151 = arith.index_cast %scan3A_1105 : i32 to index
        %swap3A_1152 = arith.constant 16 : index
        %swap3A_1153 = tpu.vector_load %swap3A_1150[%swap3A_1151, %swap3A_1152] {strides = array<i32>} : memref<128x64xf32, #tpu.memory_space<vmem>>, vector<1x16xf32>,
        %swap3A_1154 = vector.shape_cast %swap3A_1153 : vector<1x16xf32> to vector<16xf32>
        %swap3A_1155 = vector.shape_cast %add3A_1145 : vector<16xf32> to vector<1x16xf32>
        tpu.vector_store %swap3A_1150[%swap3A_1151, %swap3A_1152], %swap3A_1155 {strides = array<i32>} : memref<128x64xf32, #tpu.memory_space<vmem>>, vector<1x16xf32>,
        %get3A_1156 = arith.constant 2 : i32
        %get3A_1157 = arith.constant 0 : i32
        %get3A_1158 = arith.constant 0 : i32
        %get3A_1159 = tpu.memref_slice %arg8[%get3A_1156, %get3A_1157, %get3A_1158] : memref<8x128x64xf32, #tpu.memory_space<vmem>> -> memref<1x128x64xf32, #tpu.memory_space<vmem>>
        %get3A_1160 = tpu.memref_squeeze %get3A_1159 : memref<1x128x64xf32, #tpu.memory_space<vmem>> -> memref<128x64xf32, #tpu.memory_space<vmem>>
        %get3A_1161 = arith.index_cast %scan3A_1105 : i32 to index
        %get3A_1162 = arith.constant 32 : index
        %get3A_1163 = tpu.vector_load %get3A_1160[%get3A_1161, %get3A_1162] {strides = array<i32>} : memref<128x64xf32, #tpu.memory_space<vmem>>, vector<1x16xf32>,
        %get3A_1164 = vector.shape_cast %get3A_1163 : vector<1x16xf32> to vector<16xf32>
        %add3A_1165 = arith.addi %select_n3A_562, %scan3A_1105 : i32
        %get3A_1166 = arith.index_cast %add3A_1165 : i32 to index
        %get3A_1167 = arith.constant 32 : index
        %get3A_1168 = tpu.vector_load %arg7[%get3A_1166, %get3A_1167] {strides = array<i32>} : memref<328x64xf32, #tpu.memory_space<vmem>>, vector<1x16xf32>,
        %get3A_1169 = vector.shape_cast %get3A_1168 : vector<1x16xf32> to vector<16xf32>
        %add3A_1170 = arith.addf %get3A_1164, %get3A_1169 : vector<16xf32>
        %swap3A_1171 = arith.constant 2 : i32
        %swap3A_1172 = arith.constant 0 : i32
        %swap3A_1173 = arith.constant 0 : i32
        %swap3A_1174 = tpu.memref_slice %arg8[%swap3A_1171, %swap3A_1172, %swap3A_1173] : memref<8x128x64xf32, #tpu.memory_space<vmem>> -> memref<1x128x64xf32, #tpu.memory_space<vmem>>
        %swap3A_1175 = tpu.memref_squeeze %swap3A_1174 : memref<1x128x64xf32, #tpu.memory_space<vmem>> -> memref<128x64xf32, #tpu.memory_space<vmem>>
        %swap3A_1176 = arith.index_cast %scan3A_1105 : i32 to index
        %swap3A_1177 = arith.constant 32 : index
        %swap3A_1178 = tpu.vector_load %swap3A_1175[%swap3A_1176, %swap3A_1177] {strides = array<i32>} : memref<128x64xf32, #tpu.memory_space<vmem>>, vector<1x16xf32>,
        %swap3A_1179 = vector.shape_cast %swap3A_1178 : vector<1x16xf32> to vector<16xf32>
        %swap3A_1180 = vector.shape_cast %add3A_1170 : vector<16xf32> to vector<1x16xf32>
        tpu.vector_store %swap3A_1175[%swap3A_1176, %swap3A_1177], %swap3A_1180 {strides = array<i32>} : memref<128x64xf32, #tpu.memory_space<vmem>>, vector<1x16xf32>,
        %get3A_1181 = arith.constant 2 : i32
        %get3A_1182 = arith.constant 0 : i32
        %get3A_1183 = arith.constant 0 : i32
        %get3A_1184 = tpu.memref_slice %arg8[%get3A_1181, %get3A_1182, %get3A_1183] : memref<8x128x64xf32, #tpu.memory_space<vmem>> -> memref<1x128x64xf32, #tpu.memory_space<vmem>>
        %get3A_1185 = tpu.memref_squeeze %get3A_1184 : memref<1x128x64xf32, #tpu.memory_space<vmem>> -> memref<128x64xf32, #tpu.memory_space<vmem>>
        %get3A_1186 = arith.index_cast %scan3A_1105 : i32 to index
        %get3A_1187 = arith.constant 48 : index
        %get3A_1188 = tpu.vector_load %get3A_1185[%get3A_1186, %get3A_1187] {strides = array<i32>} : memref<128x64xf32, #tpu.memory_space<vmem>>, vector<1x16xf32>,
        %get3A_1189 = vector.shape_cast %get3A_1188 : vector<1x16xf32> to vector<16xf32>
        %add3A_1190 = arith.addi %select_n3A_562, %scan3A_1105 : i32
        %get3A_1191 = arith.index_cast %add3A_1190 : i32 to index
        %get3A_1192 = arith.constant 48 : index
        %get3A_1193 = tpu.vector_load %arg7[%get3A_1191, %get3A_1192] {strides = array<i32>} : memref<328x64xf32, #tpu.memory_space<vmem>>, vector<1x16xf32>,
        %get3A_1194 = vector.shape_cast %get3A_1193 : vector<1x16xf32> to vector<16xf32>
        %add3A_1195 = arith.addf %get3A_1189, %get3A_1194 : vector<16xf32>
        %swap3A_1196 = arith.constant 2 : i32
        %swap3A_1197 = arith.constant 0 : i32
        %swap3A_1198 = arith.constant 0 : i32
        %swap3A_1199 = tpu.memref_slice %arg8[%swap3A_1196, %swap3A_1197, %swap3A_1198] : memref<8x128x64xf32, #tpu.memory_space<vmem>> -> memref<1x128x64xf32, #tpu.memory_space<vmem>>
        %swap3A_1200 = tpu.memref_squeeze %swap3A_1199 : memref<1x128x64xf32, #tpu.memory_space<vmem>> -> memref<128x64xf32, #tpu.memory_space<vmem>>
        %swap3A_1201 = arith.index_cast %scan3A_1105 : i32 to index
        %swap3A_1202 = arith.constant 48 : index
        %swap3A_1203 = tpu.vector_load %swap3A_1200[%swap3A_1201, %swap3A_1202] {strides = array<i32>} : memref<128x64xf32, #tpu.memory_space<vmem>>, vector<1x16xf32>,
        %swap3A_1204 = vector.shape_cast %swap3A_1203 : vector<1x16xf32> to vector<16xf32>
        %swap3A_1205 = vector.shape_cast %add3A_1195 : vector<16xf32> to vector<1x16xf32>
        tpu.vector_store %swap3A_1200[%swap3A_1201, %swap3A_1202], %swap3A_1205 {strides = array<i32>} : memref<128x64xf32, #tpu.memory_space<vmem>>, vector<1x16xf32>,
        %scan3A_1206 = arith.constant 3 : i32
        %scan3A_1207 = arith.addi %scan3A_903, %scan3A_1206 : i32
        %get3A_1208 = arith.constant 2 : i32
        %get3A_1209 = arith.constant 0 : i32
        %get3A_1210 = arith.constant 0 : i32
        %get3A_1211 = tpu.memref_slice %arg8[%get3A_1208, %get3A_1209, %get3A_1210] : memref<8x128x64xf32, #tpu.memory_space<vmem>> -> memref<1x128x64xf32, #tpu.memory_space<vmem>>
        %get3A_1212 = tpu.memref_squeeze %get3A_1211 : memref<1x128x64xf32, #tpu.memory_space<vmem>> -> memref<128x64xf32, #tpu.memory_space<vmem>>
        %get3A_1213 = arith.index_cast %scan3A_1207 : i32 to index
        %get3A_1214 = arith.constant 0 : index
        %get3A_1215 = tpu.vector_load %get3A_1212[%get3A_1213, %get3A_1214] {strides = array<i32>} : memref<128x64xf32, #tpu.memory_space<vmem>>, vector<1x16xf32>,
        %get3A_1216 = vector.shape_cast %get3A_1215 : vector<1x16xf32> to vector<16xf32>
        %add3A_1217 = arith.addi %select_n3A_562, %scan3A_1207 : i32
        %get3A_1218 = arith.index_cast %add3A_1217 : i32 to index
        %get3A_1219 = arith.constant 0 : index
        %get3A_1220 = tpu.vector_load %arg7[%get3A_1218, %get3A_1219] {strides = array<i32>} : memref<328x64xf32, #tpu.memory_space<vmem>>, vector<1x16xf32>,
        %get3A_1221 = vector.shape_cast %get3A_1220 : vector<1x16xf32> to vector<16xf32>
        %add3A_1222 = arith.addf %get3A_1216, %get3A_1221 : vector<16xf32>
        %swap3A_1223 = arith.constant 2 : i32
        %swap3A_1224 = arith.constant 0 : i32
        %swap3A_1225 = arith.constant 0 : i32
        %swap3A_1226 = tpu.memref_slice %arg8[%swap3A_1223, %swap3A_1224, %swap3A_1225] : memref<8x128x64xf32, #tpu.memory_space<vmem>> -> memref<1x128x64xf32, #tpu.memory_space<vmem>>
        %swap3A_1227 = tpu.memref_squeeze %swap3A_1226 : memref<1x128x64xf32, #tpu.memory_space<vmem>> -> memref<128x64xf32, #tpu.memory_space<vmem>>
        %swap3A_1228 = arith.index_cast %scan3A_1207 : i32 to index
        %swap3A_1229 = arith.constant 0 : index
        %swap3A_1230 = tpu.vector_load %swap3A_1227[%swap3A_1228, %swap3A_1229] {strides = array<i32>} : memref<128x64xf32, #tpu.memory_space<vmem>>, vector<1x16xf32>,
        %swap3A_1231 = vector.shape_cast %swap3A_1230 : vector<1x16xf32> to vector<16xf32>
        %swap3A_1232 = vector.shape_cast %add3A_1222 : vector<16xf32> to vector<1x16xf32>
        tpu.vector_store %swap3A_1227[%swap3A_1228, %swap3A_1229], %swap3A_1232 {strides = array<i32>} : memref<128x64xf32, #tpu.memory_space<vmem>>, vector<1x16xf32>,
        %get3A_1233 = arith.constant 2 : i32
        %get3A_1234 = arith.constant 0 : i32
        %get3A_1235 = arith.constant 0 : i32
        %get3A_1236 = tpu.memref_slice %arg8[%get3A_1233, %get3A_1234, %get3A_1235] : memref<8x128x64xf32, #tpu.memory_space<vmem>> -> memref<1x128x64xf32, #tpu.memory_space<vmem>>
        %get3A_1237 = tpu.memref_squeeze %get3A_1236 : memref<1x128x64xf32, #tpu.memory_space<vmem>> -> memref<128x64xf32, #tpu.memory_space<vmem>>
        %get3A_1238 = arith.index_cast %scan3A_1207 : i32 to index
        %get3A_1239 = arith.constant 16 : index
        %get3A_1240 = tpu.vector_load %get3A_1237[%get3A_1238, %get3A_1239] {strides = array<i32>} : memref<128x64xf32, #tpu.memory_space<vmem>>, vector<1x16xf32>,
        %get3A_1241 = vector.shape_cast %get3A_1240 : vector<1x16xf32> to vector<16xf32>
        %add3A_1242 = arith.addi %select_n3A_562, %scan3A_1207 : i32
        %get3A_1243 = arith.index_cast %add3A_1242 : i32 to index
        %get3A_1244 = arith.constant 16 : index
        %get3A_1245 = tpu.vector_load %arg7[%get3A_1243, %get3A_1244] {strides = array<i32>} : memref<328x64xf32, #tpu.memory_space<vmem>>, vector<1x16xf32>,
        %get3A_1246 = vector.shape_cast %get3A_1245 : vector<1x16xf32> to vector<16xf32>
        %add3A_1247 = arith.addf %get3A_1241, %get3A_1246 : vector<16xf32>
        %swap3A_1248 = arith.constant 2 : i32
        %swap3A_1249 = arith.constant 0 : i32
        %swap3A_1250 = arith.constant 0 : i32
        %swap3A_1251 = tpu.memref_slice %arg8[%swap3A_1248, %swap3A_1249, %swap3A_1250] : memref<8x128x64xf32, #tpu.memory_space<vmem>> -> memref<1x128x64xf32, #tpu.memory_space<vmem>>
        %swap3A_1252 = tpu.memref_squeeze %swap3A_1251 : memref<1x128x64xf32, #tpu.memory_space<vmem>> -> memref<128x64xf32, #tpu.memory_space<vmem>>
        %swap3A_1253 = arith.index_cast %scan3A_1207 : i32 to index
        %swap3A_1254 = arith.constant 16 : index
        %swap3A_1255 = tpu.vector_load %swap3A_1252[%swap3A_1253, %swap3A_1254] {strides = array<i32>} : memref<128x64xf32, #tpu.memory_space<vmem>>, vector<1x16xf32>,
        %swap3A_1256 = vector.shape_cast %swap3A_1255 : vector<1x16xf32> to vector<16xf32>
        %swap3A_1257 = vector.shape_cast %add3A_1247 : vector<16xf32> to vector<1x16xf32>
        tpu.vector_store %swap3A_1252[%swap3A_1253, %swap3A_1254], %swap3A_1257 {strides = array<i32>} : memref<128x64xf32, #tpu.memory_space<vmem>>, vector<1x16xf32>,
        %get3A_1258 = arith.constant 2 : i32
        %get3A_1259 = arith.constant 0 : i32
        %get3A_1260 = arith.constant 0 : i32
        %get3A_1261 = tpu.memref_slice %arg8[%get3A_1258, %get3A_1259, %get3A_1260] : memref<8x128x64xf32, #tpu.memory_space<vmem>> -> memref<1x128x64xf32, #tpu.memory_space<vmem>>
        %get3A_1262 = tpu.memref_squeeze %get3A_1261 : memref<1x128x64xf32, #tpu.memory_space<vmem>> -> memref<128x64xf32, #tpu.memory_space<vmem>>
        %get3A_1263 = arith.index_cast %scan3A_1207 : i32 to index
        %get3A_1264 = arith.constant 32 : index
        %get3A_1265 = tpu.vector_load %get3A_1262[%get3A_1263, %get3A_1264] {strides = array<i32>} : memref<128x64xf32, #tpu.memory_space<vmem>>, vector<1x16xf32>,
        %get3A_1266 = vector.shape_cast %get3A_1265 : vector<1x16xf32> to vector<16xf32>
        %add3A_1267 = arith.addi %select_n3A_562, %scan3A_1207 : i32
        %get3A_1268 = arith.index_cast %add3A_1267 : i32 to index
        %get3A_1269 = arith.constant 32 : index
        %get3A_1270 = tpu.vector_load %arg7[%get3A_1268, %get3A_1269] {strides = array<i32>} : memref<328x64xf32, #tpu.memory_space<vmem>>, vector<1x16xf32>,
        %get3A_1271 = vector.shape_cast %get3A_1270 : vector<1x16xf32> to vector<16xf32>
        %add3A_1272 = arith.addf %get3A_1266, %get3A_1271 : vector<16xf32>
        %swap3A_1273 = arith.constant 2 : i32
        %swap3A_1274 = arith.constant 0 : i32
        %swap3A_1275 = arith.constant 0 : i32
        %swap3A_1276 = tpu.memref_slice %arg8[%swap3A_1273, %swap3A_1274, %swap3A_1275] : memref<8x128x64xf32, #tpu.memory_space<vmem>> -> memref<1x128x64xf32, #tpu.memory_space<vmem>>
        %swap3A_1277 = tpu.memref_squeeze %swap3A_1276 : memref<1x128x64xf32, #tpu.memory_space<vmem>> -> memref<128x64xf32, #tpu.memory_space<vmem>>
        %swap3A_1278 = arith.index_cast %scan3A_1207 : i32 to index
        %swap3A_1279 = arith.constant 32 : index
        %swap3A_1280 = tpu.vector_load %swap3A_1277[%swap3A_1278, %swap3A_1279] {strides = array<i32>} : memref<128x64xf32, #tpu.memory_space<vmem>>, vector<1x16xf32>,
        %swap3A_1281 = vector.shape_cast %swap3A_1280 : vector<1x16xf32> to vector<16xf32>
        %swap3A_1282 = vector.shape_cast %add3A_1272 : vector<16xf32> to vector<1x16xf32>
        tpu.vector_store %swap3A_1277[%swap3A_1278, %swap3A_1279], %swap3A_1282 {strides = array<i32>} : memref<128x64xf32, #tpu.memory_space<vmem>>, vector<1x16xf32>,
        %get3A_1283 = arith.constant 2 : i32
        %get3A_1284 = arith.constant 0 : i32
        %get3A_1285 = arith.constant 0 : i32
        %get3A_1286 = tpu.memref_slice %arg8[%get3A_1283, %get3A_1284, %get3A_1285] : memref<8x128x64xf32, #tpu.memory_space<vmem>> -> memref<1x128x64xf32, #tpu.memory_space<vmem>>
        %get3A_1287 = tpu.memref_squeeze %get3A_1286 : memref<1x128x64xf32, #tpu.memory_space<vmem>> -> memref<128x64xf32, #tpu.memory_space<vmem>>
        %get3A_1288 = arith.index_cast %scan3A_1207 : i32 to index
        %get3A_1289 = arith.constant 48 : index
        %get3A_1290 = tpu.vector_load %get3A_1287[%get3A_1288, %get3A_1289] {strides = array<i32>} : memref<128x64xf32, #tpu.memory_space<vmem>>, vector<1x16xf32>,
        %get3A_1291 = vector.shape_cast %get3A_1290 : vector<1x16xf32> to vector<16xf32>
        %add3A_1292 = arith.addi %select_n3A_562, %scan3A_1207 : i32
        %get3A_1293 = arith.index_cast %add3A_1292 : i32 to index
        %get3A_1294 = arith.constant 48 : index
        %get3A_1295 = tpu.vector_load %arg7[%get3A_1293, %get3A_1294] {strides = array<i32>} : memref<328x64xf32, #tpu.memory_space<vmem>>, vector<1x16xf32>,
        %get3A_1296 = vector.shape_cast %get3A_1295 : vector<1x16xf32> to vector<16xf32>
        %add3A_1297 = arith.addf %get3A_1291, %get3A_1296 : vector<16xf32>
        %swap3A_1298 = arith.constant 2 : i32
        %swap3A_1299 = arith.constant 0 : i32
        %swap3A_1300 = arith.constant 0 : i32
        %swap3A_1301 = tpu.memref_slice %arg8[%swap3A_1298, %swap3A_1299, %swap3A_1300] : memref<8x128x64xf32, #tpu.memory_space<vmem>> -> memref<1x128x64xf32, #tpu.memory_space<vmem>>
        %swap3A_1302 = tpu.memref_squeeze %swap3A_1301 : memref<1x128x64xf32, #tpu.memory_space<vmem>> -> memref<128x64xf32, #tpu.memory_space<vmem>>
        %swap3A_1303 = arith.index_cast %scan3A_1207 : i32 to index
        %swap3A_1304 = arith.constant 48 : index
        %swap3A_1305 = tpu.vector_load %swap3A_1302[%swap3A_1303, %swap3A_1304] {strides = array<i32>} : memref<128x64xf32, #tpu.memory_space<vmem>>, vector<1x16xf32>,
        %swap3A_1306 = vector.shape_cast %swap3A_1305 : vector<1x16xf32> to vector<16xf32>
        %swap3A_1307 = vector.shape_cast %add3A_1297 : vector<16xf32> to vector<1x16xf32>
        tpu.vector_store %swap3A_1302[%swap3A_1303, %swap3A_1304], %swap3A_1307 {strides = array<i32>} : memref<128x64xf32, #tpu.memory_space<vmem>>, vector<1x16xf32>,
      }
      %scan3A_568 = arith.constant 128 : i32
      %dma_wait3A_569 = arith.constant 3 : i32
      %dma_wait3A_570 = arith.constant 3 : i32
      %dma_wait3A_571 = arith.constant 0 : i32
      %dma_wait3A_572 = arith.constant 0 : i32
      %dma_wait3A_573 = tpu.memref_slice %arg8[%dma_wait3A_570, %dma_wait3A_571, %dma_wait3A_572] : memref<8x128x64xf32, #tpu.memory_space<vmem>> -> memref<1x128x64xf32, #tpu.memory_space<vmem>>
      %dma_wait3A_574 = tpu.memref_squeeze %dma_wait3A_573 : memref<1x128x64xf32, #tpu.memory_space<vmem>> -> memref<128x64xf32, #tpu.memory_space<vmem>>
      %dma_wait3A_575 = arith.constant 0 : i32
      %dma_wait3A_576 = tpu.memref_slice %arg6[%dma_wait3A_569, %dma_wait3A_575] : memref<8x128xi32, #tpu.memory_space<vmem>> -> memref<1x128xi32, #tpu.memory_space<vmem>>
      %dma_wait3A_577 = tpu.memref_squeeze %dma_wait3A_576 : memref<1x128xi32, #tpu.memory_space<vmem>> -> memref<128xi32, #tpu.memory_space<vmem>>
      %dma_wait3A_578 = arith.constant 0 : i32
      %dma_wait3A_579 = arith.constant 0 : i32
      %dma_wait3A_580 = tpu.memref_slice %arg3[%dma_wait3A_578, %dma_wait3A_579] : memref<1000000x64xf32, #tpu.memory_space<hbm>> -> memref<1000000x64xf32, #tpu.memory_space<hbm>>
      tpu.wait_indirect_dma semaphore(%arg20 : memref<!tpu.dma_semaphore, #tpu.memory_space<semaphore_mem>>) src(%dma_wait3A_580 : memref<1000000x64xf32, #tpu.memory_space<hbm>>) dst(%dma_wait3A_574 : memref<128x64xf32, #tpu.memory_space<vmem>>)
      %add3A_581 = arith.constant 3 : i32
      %add3A_582 = arith.addi %mul3A_129, %add3A_581 : i32
      %mul3A_583 = arith.constant 128 : i32
      %mul3A_584 = arith.muli %add3A_582, %mul3A_583 : i32
      %jit3A_585 = arith.constant 200 : i32
      %eq3A_586 = arith.constant 0 : i32
      %eq3A_587 = arith.cmpi eq, %jit3A_585, %eq3A_586 : i32
      %jit3A_588 = arith.constant 1 : i32
      %select_n3A_589 = arith.select %eq3A_587, %jit3A_588, %jit3A_585 : i32
      %rem3A_590 = arith.remsi %mul3A_584, %select_n3A_589 : i32
      %ne3A_591 = arith.constant 0 : i32
      %ne3A_592 = arith.cmpi ne, %rem3A_590, %ne3A_591 : i32
      %lt3A_593 = arith.constant 0 : i32
      %lt3A_594 = arith.cmpi slt, %rem3A_590, %lt3A_593 : i32
      %lt3A_595 = arith.constant 0 : i32
      %lt3A_596 = arith.cmpi slt, %select_n3A_589, %lt3A_595 : i32
      %ne3A_597 = arith.xori %lt3A_594, %lt3A_596 : i1
      %and3A_598 = arith.andi %ne3A_597, %ne3A_592 : i1
      %add3A_599 = arith.addi %rem3A_590, %select_n3A_589 : i32
      %select_n3A_600 = arith.select %and3A_598, %add3A_599, %rem3A_590 : i32
      %scan3A_601 = arith.constant 0 : i32
      %scan3A_602 = arith.constant 0 : i32
      %scan3A_603 = arith.constant 128 : i32
      %scan3A_604 = arith.addi %scan3A_602, %scan3A_603 : i32
      %scan3A_605 = arith.constant 4 : i32
      scf.for %scan3A_903 = %scan3A_602 to %scan3A_604 step %scan3A_605  : i32 {
        %get3A = arith.constant 3 : i32
        %get3A_904 = arith.constant 0 : i32
        %get3A_905 = arith.constant 0 : i32
        %get3A_906 = tpu.memref_slice %arg8[%get3A, %get3A_904, %get3A_905] : memref<8x128x64xf32, #tpu.memory_space<vmem>> -> memref<1x128x64xf32, #tpu.memory_space<vmem>>
        %get3A_907 = tpu.memref_squeeze %get3A_906 : memref<1x128x64xf32, #tpu.memory_space<vmem>> -> memref<128x64xf32, #tpu.memory_space<vmem>>
        %get3A_908 = arith.index_cast %scan3A_903 : i32 to index
        %get3A_909 = arith.constant 0 : index
        %get3A_910 = tpu.vector_load %get3A_907[%get3A_908, %get3A_909] {strides = array<i32>} : memref<128x64xf32, #tpu.memory_space<vmem>>, vector<1x16xf32>,
        %get3A_911 = vector.shape_cast %get3A_910 : vector<1x16xf32> to vector<16xf32>
        %add3A_912 = arith.addi %select_n3A_600, %scan3A_903 : i32
        %get3A_913 = arith.index_cast %add3A_912 : i32 to index
        %get3A_914 = arith.constant 0 : index
        %get3A_915 = tpu.vector_load %arg7[%get3A_913, %get3A_914] {strides = array<i32>} : memref<328x64xf32, #tpu.memory_space<vmem>>, vector<1x16xf32>,
        %get3A_916 = vector.shape_cast %get3A_915 : vector<1x16xf32> to vector<16xf32>
        %add3A_917 = arith.addf %get3A_911, %get3A_916 : vector<16xf32>
        %swap3A = arith.constant 3 : i32
        %swap3A_918 = arith.constant 0 : i32
        %swap3A_919 = arith.constant 0 : i32
        %swap3A_920 = tpu.memref_slice %arg8[%swap3A, %swap3A_918, %swap3A_919] : memref<8x128x64xf32, #tpu.memory_space<vmem>> -> memref<1x128x64xf32, #tpu.memory_space<vmem>>
        %swap3A_921 = tpu.memref_squeeze %swap3A_920 : memref<1x128x64xf32, #tpu.memory_space<vmem>> -> memref<128x64xf32, #tpu.memory_space<vmem>>
        %swap3A_922 = arith.index_cast %scan3A_903 : i32 to index
        %swap3A_923 = arith.constant 0 : index
        %swap3A_924 = tpu.vector_load %swap3A_921[%swap3A_922, %swap3A_923] {strides = array<i32>} : memref<128x64xf32, #tpu.memory_space<vmem>>, vector<1x16xf32>,
        %swap3A_925 = vector.shape_cast %swap3A_924 : vector<1x16xf32> to vector<16xf32>
        %swap3A_926 = vector.shape_cast %add3A_917 : vector<16xf32> to vector<1x16xf32>
        tpu.vector_store %swap3A_921[%swap3A_922, %swap3A_923], %swap3A_926 {strides = array<i32>} : memref<128x64xf32, #tpu.memory_space<vmem>>, vector<1x16xf32>,
        %get3A_927 = arith.constant 3 : i32
        %get3A_928 = arith.constant 0 : i32
        %get3A_929 = arith.constant 0 : i32
        %get3A_930 = tpu.memref_slice %arg8[%get3A_927, %get3A_928, %get3A_929] : memref<8x128x64xf32, #tpu.memory_space<vmem>> -> memref<1x128x64xf32, #tpu.memory_space<vmem>>
        %get3A_931 = tpu.memref_squeeze %get3A_930 : memref<1x128x64xf32, #tpu.memory_space<vmem>> -> memref<128x64xf32, #tpu.memory_space<vmem>>
        %get3A_932 = arith.index_cast %scan3A_903 : i32 to index
        %get3A_933 = arith.constant 16 : index
        %get3A_934 = tpu.vector_load %get3A_931[%get3A_932, %get3A_933] {strides = array<i32>} : memref<128x64xf32, #tpu.memory_space<vmem>>, vector<1x16xf32>,
        %get3A_935 = vector.shape_cast %get3A_934 : vector<1x16xf32> to vector<16xf32>
        %add3A_936 = arith.addi %select_n3A_600, %scan3A_903 : i32
        %get3A_937 = arith.index_cast %add3A_936 : i32 to index
        %get3A_938 = arith.constant 16 : index
        %get3A_939 = tpu.vector_load %arg7[%get3A_937, %get3A_938] {strides = array<i32>} : memref<328x64xf32, #tpu.memory_space<vmem>>, vector<1x16xf32>,
        %get3A_940 = vector.shape_cast %get3A_939 : vector<1x16xf32> to vector<16xf32>
        %add3A_941 = arith.addf %get3A_935, %get3A_940 : vector<16xf32>
        %swap3A_942 = arith.constant 3 : i32
        %swap3A_943 = arith.constant 0 : i32
        %swap3A_944 = arith.constant 0 : i32
        %swap3A_945 = tpu.memref_slice %arg8[%swap3A_942, %swap3A_943, %swap3A_944] : memref<8x128x64xf32, #tpu.memory_space<vmem>> -> memref<1x128x64xf32, #tpu.memory_space<vmem>>
        %swap3A_946 = tpu.memref_squeeze %swap3A_945 : memref<1x128x64xf32, #tpu.memory_space<vmem>> -> memref<128x64xf32, #tpu.memory_space<vmem>>
        %swap3A_947 = arith.index_cast %scan3A_903 : i32 to index
        %swap3A_948 = arith.constant 16 : index
        %swap3A_949 = tpu.vector_load %swap3A_946[%swap3A_947, %swap3A_948] {strides = array<i32>} : memref<128x64xf32, #tpu.memory_space<vmem>>, vector<1x16xf32>,
        %swap3A_950 = vector.shape_cast %swap3A_949 : vector<1x16xf32> to vector<16xf32>
        %swap3A_951 = vector.shape_cast %add3A_941 : vector<16xf32> to vector<1x16xf32>
        tpu.vector_store %swap3A_946[%swap3A_947, %swap3A_948], %swap3A_951 {strides = array<i32>} : memref<128x64xf32, #tpu.memory_space<vmem>>, vector<1x16xf32>,
        %get3A_952 = arith.constant 3 : i32
        %get3A_953 = arith.constant 0 : i32
        %get3A_954 = arith.constant 0 : i32
        %get3A_955 = tpu.memref_slice %arg8[%get3A_952, %get3A_953, %get3A_954] : memref<8x128x64xf32, #tpu.memory_space<vmem>> -> memref<1x128x64xf32, #tpu.memory_space<vmem>>
        %get3A_956 = tpu.memref_squeeze %get3A_955 : memref<1x128x64xf32, #tpu.memory_space<vmem>> -> memref<128x64xf32, #tpu.memory_space<vmem>>
        %get3A_957 = arith.index_cast %scan3A_903 : i32 to index
        %get3A_958 = arith.constant 32 : index
        %get3A_959 = tpu.vector_load %get3A_956[%get3A_957, %get3A_958] {strides = array<i32>} : memref<128x64xf32, #tpu.memory_space<vmem>>, vector<1x16xf32>,
        %get3A_960 = vector.shape_cast %get3A_959 : vector<1x16xf32> to vector<16xf32>
        %add3A_961 = arith.addi %select_n3A_600, %scan3A_903 : i32
        %get3A_962 = arith.index_cast %add3A_961 : i32 to index
        %get3A_963 = arith.constant 32 : index
        %get3A_964 = tpu.vector_load %arg7[%get3A_962, %get3A_963] {strides = array<i32>} : memref<328x64xf32, #tpu.memory_space<vmem>>, vector<1x16xf32>,
        %get3A_965 = vector.shape_cast %get3A_964 : vector<1x16xf32> to vector<16xf32>
        %add3A_966 = arith.addf %get3A_960, %get3A_965 : vector<16xf32>
        %swap3A_967 = arith.constant 3 : i32
        %swap3A_968 = arith.constant 0 : i32
        %swap3A_969 = arith.constant 0 : i32
        %swap3A_970 = tpu.memref_slice %arg8[%swap3A_967, %swap3A_968, %swap3A_969] : memref<8x128x64xf32, #tpu.memory_space<vmem>> -> memref<1x128x64xf32, #tpu.memory_space<vmem>>
        %swap3A_971 = tpu.memref_squeeze %swap3A_970 : memref<1x128x64xf32, #tpu.memory_space<vmem>> -> memref<128x64xf32, #tpu.memory_space<vmem>>
        %swap3A_972 = arith.index_cast %scan3A_903 : i32 to index
        %swap3A_973 = arith.constant 32 : index
        %swap3A_974 = tpu.vector_load %swap3A_971[%swap3A_972, %swap3A_973] {strides = array<i32>} : memref<128x64xf32, #tpu.memory_space<vmem>>, vector<1x16xf32>,
        %swap3A_975 = vector.shape_cast %swap3A_974 : vector<1x16xf32> to vector<16xf32>
        %swap3A_976 = vector.shape_cast %add3A_966 : vector<16xf32> to vector<1x16xf32>
        tpu.vector_store %swap3A_971[%swap3A_972, %swap3A_973], %swap3A_976 {strides = array<i32>} : memref<128x64xf32, #tpu.memory_space<vmem>>, vector<1x16xf32>,
        %get3A_977 = arith.constant 3 : i32
        %get3A_978 = arith.constant 0 : i32
        %get3A_979 = arith.constant 0 : i32
        %get3A_980 = tpu.memref_slice %arg8[%get3A_977, %get3A_978, %get3A_979] : memref<8x128x64xf32, #tpu.memory_space<vmem>> -> memref<1x128x64xf32, #tpu.memory_space<vmem>>
        %get3A_981 = tpu.memref_squeeze %get3A_980 : memref<1x128x64xf32, #tpu.memory_space<vmem>> -> memref<128x64xf32, #tpu.memory_space<vmem>>
        %get3A_982 = arith.index_cast %scan3A_903 : i32 to index
        %get3A_983 = arith.constant 48 : index
        %get3A_984 = tpu.vector_load %get3A_981[%get3A_982, %get3A_983] {strides = array<i32>} : memref<128x64xf32, #tpu.memory_space<vmem>>, vector<1x16xf32>,
        %get3A_985 = vector.shape_cast %get3A_984 : vector<1x16xf32> to vector<16xf32>
        %add3A_986 = arith.addi %select_n3A_600, %scan3A_903 : i32
        %get3A_987 = arith.index_cast %add3A_986 : i32 to index
        %get3A_988 = arith.constant 48 : index
        %get3A_989 = tpu.vector_load %arg7[%get3A_987, %get3A_988] {strides = array<i32>} : memref<328x64xf32, #tpu.memory_space<vmem>>, vector<1x16xf32>,
        %get3A_990 = vector.shape_cast %get3A_989 : vector<1x16xf32> to vector<16xf32>
        %add3A_991 = arith.addf %get3A_985, %get3A_990 : vector<16xf32>
        %swap3A_992 = arith.constant 3 : i32
        %swap3A_993 = arith.constant 0 : i32
        %swap3A_994 = arith.constant 0 : i32
        %swap3A_995 = tpu.memref_slice %arg8[%swap3A_992, %swap3A_993, %swap3A_994] : memref<8x128x64xf32, #tpu.memory_space<vmem>> -> memref<1x128x64xf32, #tpu.memory_space<vmem>>
        %swap3A_996 = tpu.memref_squeeze %swap3A_995 : memref<1x128x64xf32, #tpu.memory_space<vmem>> -> memref<128x64xf32, #tpu.memory_space<vmem>>
        %swap3A_997 = arith.index_cast %scan3A_903 : i32 to index
        %swap3A_998 = arith.constant 48 : index
        %swap3A_999 = tpu.vector_load %swap3A_996[%swap3A_997, %swap3A_998] {strides = array<i32>} : memref<128x64xf32, #tpu.memory_space<vmem>>, vector<1x16xf32>,
        %swap3A_1000 = vector.shape_cast %swap3A_999 : vector<1x16xf32> to vector<16xf32>
        %swap3A_1001 = vector.shape_cast %add3A_991 : vector<16xf32> to vector<1x16xf32>
        tpu.vector_store %swap3A_996[%swap3A_997, %swap3A_998], %swap3A_1001 {strides = array<i32>} : memref<128x64xf32, #tpu.memory_space<vmem>>, vector<1x16xf32>,
        %scan3A_1002 = arith.constant 1 : i32
        %scan3A_1003 = arith.addi %scan3A_903, %scan3A_1002 : i32
        %get3A_1004 = arith.constant 3 : i32
        %get3A_1005 = arith.constant 0 : i32
        %get3A_1006 = arith.constant 0 : i32
        %get3A_1007 = tpu.memref_slice %arg8[%get3A_1004, %get3A_1005, %get3A_1006] : memref<8x128x64xf32, #tpu.memory_space<vmem>> -> memref<1x128x64xf32, #tpu.memory_space<vmem>>
        %get3A_1008 = tpu.memref_squeeze %get3A_1007 : memref<1x128x64xf32, #tpu.memory_space<vmem>> -> memref<128x64xf32, #tpu.memory_space<vmem>>
        %get3A_1009 = arith.index_cast %scan3A_1003 : i32 to index
        %get3A_1010 = arith.constant 0 : index
        %get3A_1011 = tpu.vector_load %get3A_1008[%get3A_1009, %get3A_1010] {strides = array<i32>} : memref<128x64xf32, #tpu.memory_space<vmem>>, vector<1x16xf32>,
        %get3A_1012 = vector.shape_cast %get3A_1011 : vector<1x16xf32> to vector<16xf32>
        %add3A_1013 = arith.addi %select_n3A_600, %scan3A_1003 : i32
        %get3A_1014 = arith.index_cast %add3A_1013 : i32 to index
        %get3A_1015 = arith.constant 0 : index
        %get3A_1016 = tpu.vector_load %arg7[%get3A_1014, %get3A_1015] {strides = array<i32>} : memref<328x64xf32, #tpu.memory_space<vmem>>, vector<1x16xf32>,
        %get3A_1017 = vector.shape_cast %get3A_1016 : vector<1x16xf32> to vector<16xf32>
        %add3A_1018 = arith.addf %get3A_1012, %get3A_1017 : vector<16xf32>
        %swap3A_1019 = arith.constant 3 : i32
        %swap3A_1020 = arith.constant 0 : i32
        %swap3A_1021 = arith.constant 0 : i32
        %swap3A_1022 = tpu.memref_slice %arg8[%swap3A_1019, %swap3A_1020, %swap3A_1021] : memref<8x128x64xf32, #tpu.memory_space<vmem>> -> memref<1x128x64xf32, #tpu.memory_space<vmem>>
        %swap3A_1023 = tpu.memref_squeeze %swap3A_1022 : memref<1x128x64xf32, #tpu.memory_space<vmem>> -> memref<128x64xf32, #tpu.memory_space<vmem>>
        %swap3A_1024 = arith.index_cast %scan3A_1003 : i32 to index
        %swap3A_1025 = arith.constant 0 : index
        %swap3A_1026 = tpu.vector_load %swap3A_1023[%swap3A_1024, %swap3A_1025] {strides = array<i32>} : memref<128x64xf32, #tpu.memory_space<vmem>>, vector<1x16xf32>,
        %swap3A_1027 = vector.shape_cast %swap3A_1026 : vector<1x16xf32> to vector<16xf32>
        %swap3A_1028 = vector.shape_cast %add3A_1018 : vector<16xf32> to vector<1x16xf32>
        tpu.vector_store %swap3A_1023[%swap3A_1024, %swap3A_1025], %swap3A_1028 {strides = array<i32>} : memref<128x64xf32, #tpu.memory_space<vmem>>, vector<1x16xf32>,
        %get3A_1029 = arith.constant 3 : i32
        %get3A_1030 = arith.constant 0 : i32
        %get3A_1031 = arith.constant 0 : i32
        %get3A_1032 = tpu.memref_slice %arg8[%get3A_1029, %get3A_1030, %get3A_1031] : memref<8x128x64xf32, #tpu.memory_space<vmem>> -> memref<1x128x64xf32, #tpu.memory_space<vmem>>
        %get3A_1033 = tpu.memref_squeeze %get3A_1032 : memref<1x128x64xf32, #tpu.memory_space<vmem>> -> memref<128x64xf32, #tpu.memory_space<vmem>>
        %get3A_1034 = arith.index_cast %scan3A_1003 : i32 to index
        %get3A_1035 = arith.constant 16 : index
        %get3A_1036 = tpu.vector_load %get3A_1033[%get3A_1034, %get3A_1035] {strides = array<i32>} : memref<128x64xf32, #tpu.memory_space<vmem>>, vector<1x16xf32>,
        %get3A_1037 = vector.shape_cast %get3A_1036 : vector<1x16xf32> to vector<16xf32>
        %add3A_1038 = arith.addi %select_n3A_600, %scan3A_1003 : i32
        %get3A_1039 = arith.index_cast %add3A_1038 : i32 to index
        %get3A_1040 = arith.constant 16 : index
        %get3A_1041 = tpu.vector_load %arg7[%get3A_1039, %get3A_1040] {strides = array<i32>} : memref<328x64xf32, #tpu.memory_space<vmem>>, vector<1x16xf32>,
        %get3A_1042 = vector.shape_cast %get3A_1041 : vector<1x16xf32> to vector<16xf32>
        %add3A_1043 = arith.addf %get3A_1037, %get3A_1042 : vector<16xf32>
        %swap3A_1044 = arith.constant 3 : i32
        %swap3A_1045 = arith.constant 0 : i32
        %swap3A_1046 = arith.constant 0 : i32
        %swap3A_1047 = tpu.memref_slice %arg8[%swap3A_1044, %swap3A_1045, %swap3A_1046] : memref<8x128x64xf32, #tpu.memory_space<vmem>> -> memref<1x128x64xf32, #tpu.memory_space<vmem>>
        %swap3A_1048 = tpu.memref_squeeze %swap3A_1047 : memref<1x128x64xf32, #tpu.memory_space<vmem>> -> memref<128x64xf32, #tpu.memory_space<vmem>>
        %swap3A_1049 = arith.index_cast %scan3A_1003 : i32 to index
        %swap3A_1050 = arith.constant 16 : index
        %swap3A_1051 = tpu.vector_load %swap3A_1048[%swap3A_1049, %swap3A_1050] {strides = array<i32>} : memref<128x64xf32, #tpu.memory_space<vmem>>, vector<1x16xf32>,
        %swap3A_1052 = vector.shape_cast %swap3A_1051 : vector<1x16xf32> to vector<16xf32>
        %swap3A_1053 = vector.shape_cast %add3A_1043 : vector<16xf32> to vector<1x16xf32>
        tpu.vector_store %swap3A_1048[%swap3A_1049, %swap3A_1050], %swap3A_1053 {strides = array<i32>} : memref<128x64xf32, #tpu.memory_space<vmem>>, vector<1x16xf32>,
        %get3A_1054 = arith.constant 3 : i32
        %get3A_1055 = arith.constant 0 : i32
        %get3A_1056 = arith.constant 0 : i32
        %get3A_1057 = tpu.memref_slice %arg8[%get3A_1054, %get3A_1055, %get3A_1056] : memref<8x128x64xf32, #tpu.memory_space<vmem>> -> memref<1x128x64xf32, #tpu.memory_space<vmem>>
        %get3A_1058 = tpu.memref_squeeze %get3A_1057 : memref<1x128x64xf32, #tpu.memory_space<vmem>> -> memref<128x64xf32, #tpu.memory_space<vmem>>
        %get3A_1059 = arith.index_cast %scan3A_1003 : i32 to index
        %get3A_1060 = arith.constant 32 : index
        %get3A_1061 = tpu.vector_load %get3A_1058[%get3A_1059, %get3A_1060] {strides = array<i32>} : memref<128x64xf32, #tpu.memory_space<vmem>>, vector<1x16xf32>,
        %get3A_1062 = vector.shape_cast %get3A_1061 : vector<1x16xf32> to vector<16xf32>
        %add3A_1063 = arith.addi %select_n3A_600, %scan3A_1003 : i32
        %get3A_1064 = arith.index_cast %add3A_1063 : i32 to index
        %get3A_1065 = arith.constant 32 : index
        %get3A_1066 = tpu.vector_load %arg7[%get3A_1064, %get3A_1065] {strides = array<i32>} : memref<328x64xf32, #tpu.memory_space<vmem>>, vector<1x16xf32>,
        %get3A_1067 = vector.shape_cast %get3A_1066 : vector<1x16xf32> to vector<16xf32>
        %add3A_1068 = arith.addf %get3A_1062, %get3A_1067 : vector<16xf32>
        %swap3A_1069 = arith.constant 3 : i32
        %swap3A_1070 = arith.constant 0 : i32
        %swap3A_1071 = arith.constant 0 : i32
        %swap3A_1072 = tpu.memref_slice %arg8[%swap3A_1069, %swap3A_1070, %swap3A_1071] : memref<8x128x64xf32, #tpu.memory_space<vmem>> -> memref<1x128x64xf32, #tpu.memory_space<vmem>>
        %swap3A_1073 = tpu.memref_squeeze %swap3A_1072 : memref<1x128x64xf32, #tpu.memory_space<vmem>> -> memref<128x64xf32, #tpu.memory_space<vmem>>
        %swap3A_1074 = arith.index_cast %scan3A_1003 : i32 to index
        %swap3A_1075 = arith.constant 32 : index
        %swap3A_1076 = tpu.vector_load %swap3A_1073[%swap3A_1074, %swap3A_1075] {strides = array<i32>} : memref<128x64xf32, #tpu.memory_space<vmem>>, vector<1x16xf32>,
        %swap3A_1077 = vector.shape_cast %swap3A_1076 : vector<1x16xf32> to vector<16xf32>
        %swap3A_1078 = vector.shape_cast %add3A_1068 : vector<16xf32> to vector<1x16xf32>
        tpu.vector_store %swap3A_1073[%swap3A_1074, %swap3A_1075], %swap3A_1078 {strides = array<i32>} : memref<128x64xf32, #tpu.memory_space<vmem>>, vector<1x16xf32>,
        %get3A_1079 = arith.constant 3 : i32
        %get3A_1080 = arith.constant 0 : i32
        %get3A_1081 = arith.constant 0 : i32
        %get3A_1082 = tpu.memref_slice %arg8[%get3A_1079, %get3A_1080, %get3A_1081] : memref<8x128x64xf32, #tpu.memory_space<vmem>> -> memref<1x128x64xf32, #tpu.memory_space<vmem>>
        %get3A_1083 = tpu.memref_squeeze %get3A_1082 : memref<1x128x64xf32, #tpu.memory_space<vmem>> -> memref<128x64xf32, #tpu.memory_space<vmem>>
        %get3A_1084 = arith.index_cast %scan3A_1003 : i32 to index
        %get3A_1085 = arith.constant 48 : index
        %get3A_1086 = tpu.vector_load %get3A_1083[%get3A_1084, %get3A_1085] {strides = array<i32>} : memref<128x64xf32, #tpu.memory_space<vmem>>, vector<1x16xf32>,
        %get3A_1087 = vector.shape_cast %get3A_1086 : vector<1x16xf32> to vector<16xf32>
        %add3A_1088 = arith.addi %select_n3A_600, %scan3A_1003 : i32
        %get3A_1089 = arith.index_cast %add3A_1088 : i32 to index
        %get3A_1090 = arith.constant 48 : index
        %get3A_1091 = tpu.vector_load %arg7[%get3A_1089, %get3A_1090] {strides = array<i32>} : memref<328x64xf32, #tpu.memory_space<vmem>>, vector<1x16xf32>,
        %get3A_1092 = vector.shape_cast %get3A_1091 : vector<1x16xf32> to vector<16xf32>
        %add3A_1093 = arith.addf %get3A_1087, %get3A_1092 : vector<16xf32>
        %swap3A_1094 = arith.constant 3 : i32
        %swap3A_1095 = arith.constant 0 : i32
        %swap3A_1096 = arith.constant 0 : i32
        %swap3A_1097 = tpu.memref_slice %arg8[%swap3A_1094, %swap3A_1095, %swap3A_1096] : memref<8x128x64xf32, #tpu.memory_space<vmem>> -> memref<1x128x64xf32, #tpu.memory_space<vmem>>
        %swap3A_1098 = tpu.memref_squeeze %swap3A_1097 : memref<1x128x64xf32, #tpu.memory_space<vmem>> -> memref<128x64xf32, #tpu.memory_space<vmem>>
        %swap3A_1099 = arith.index_cast %scan3A_1003 : i32 to index
        %swap3A_1100 = arith.constant 48 : index
        %swap3A_1101 = tpu.vector_load %swap3A_1098[%swap3A_1099, %swap3A_1100] {strides = array<i32>} : memref<128x64xf32, #tpu.memory_space<vmem>>, vector<1x16xf32>,
        %swap3A_1102 = vector.shape_cast %swap3A_1101 : vector<1x16xf32> to vector<16xf32>
        %swap3A_1103 = vector.shape_cast %add3A_1093 : vector<16xf32> to vector<1x16xf32>
        tpu.vector_store %swap3A_1098[%swap3A_1099, %swap3A_1100], %swap3A_1103 {strides = array<i32>} : memref<128x64xf32, #tpu.memory_space<vmem>>, vector<1x16xf32>,
        %scan3A_1104 = arith.constant 2 : i32
        %scan3A_1105 = arith.addi %scan3A_903, %scan3A_1104 : i32
        %get3A_1106 = arith.constant 3 : i32
        %get3A_1107 = arith.constant 0 : i32
        %get3A_1108 = arith.constant 0 : i32
        %get3A_1109 = tpu.memref_slice %arg8[%get3A_1106, %get3A_1107, %get3A_1108] : memref<8x128x64xf32, #tpu.memory_space<vmem>> -> memref<1x128x64xf32, #tpu.memory_space<vmem>>
        %get3A_1110 = tpu.memref_squeeze %get3A_1109 : memref<1x128x64xf32, #tpu.memory_space<vmem>> -> memref<128x64xf32, #tpu.memory_space<vmem>>
        %get3A_1111 = arith.index_cast %scan3A_1105 : i32 to index
        %get3A_1112 = arith.constant 0 : index
        %get3A_1113 = tpu.vector_load %get3A_1110[%get3A_1111, %get3A_1112] {strides = array<i32>} : memref<128x64xf32, #tpu.memory_space<vmem>>, vector<1x16xf32>,
        %get3A_1114 = vector.shape_cast %get3A_1113 : vector<1x16xf32> to vector<16xf32>
        %add3A_1115 = arith.addi %select_n3A_600, %scan3A_1105 : i32
        %get3A_1116 = arith.index_cast %add3A_1115 : i32 to index
        %get3A_1117 = arith.constant 0 : index
        %get3A_1118 = tpu.vector_load %arg7[%get3A_1116, %get3A_1117] {strides = array<i32>} : memref<328x64xf32, #tpu.memory_space<vmem>>, vector<1x16xf32>,
        %get3A_1119 = vector.shape_cast %get3A_1118 : vector<1x16xf32> to vector<16xf32>
        %add3A_1120 = arith.addf %get3A_1114, %get3A_1119 : vector<16xf32>
        %swap3A_1121 = arith.constant 3 : i32
        %swap3A_1122 = arith.constant 0 : i32
        %swap3A_1123 = arith.constant 0 : i32
        %swap3A_1124 = tpu.memref_slice %arg8[%swap3A_1121, %swap3A_1122, %swap3A_1123] : memref<8x128x64xf32, #tpu.memory_space<vmem>> -> memref<1x128x64xf32, #tpu.memory_space<vmem>>
        %swap3A_1125 = tpu.memref_squeeze %swap3A_1124 : memref<1x128x64xf32, #tpu.memory_space<vmem>> -> memref<128x64xf32, #tpu.memory_space<vmem>>
        %swap3A_1126 = arith.index_cast %scan3A_1105 : i32 to index
        %swap3A_1127 = arith.constant 0 : index
        %swap3A_1128 = tpu.vector_load %swap3A_1125[%swap3A_1126, %swap3A_1127] {strides = array<i32>} : memref<128x64xf32, #tpu.memory_space<vmem>>, vector<1x16xf32>,
        %swap3A_1129 = vector.shape_cast %swap3A_1128 : vector<1x16xf32> to vector<16xf32>
        %swap3A_1130 = vector.shape_cast %add3A_1120 : vector<16xf32> to vector<1x16xf32>
        tpu.vector_store %swap3A_1125[%swap3A_1126, %swap3A_1127], %swap3A_1130 {strides = array<i32>} : memref<128x64xf32, #tpu.memory_space<vmem>>, vector<1x16xf32>,
        %get3A_1131 = arith.constant 3 : i32
        %get3A_1132 = arith.constant 0 : i32
        %get3A_1133 = arith.constant 0 : i32
        %get3A_1134 = tpu.memref_slice %arg8[%get3A_1131, %get3A_1132, %get3A_1133] : memref<8x128x64xf32, #tpu.memory_space<vmem>> -> memref<1x128x64xf32, #tpu.memory_space<vmem>>
        %get3A_1135 = tpu.memref_squeeze %get3A_1134 : memref<1x128x64xf32, #tpu.memory_space<vmem>> -> memref<128x64xf32, #tpu.memory_space<vmem>>
        %get3A_1136 = arith.index_cast %scan3A_1105 : i32 to index
        %get3A_1137 = arith.constant 16 : index
        %get3A_1138 = tpu.vector_load %get3A_1135[%get3A_1136, %get3A_1137] {strides = array<i32>} : memref<128x64xf32, #tpu.memory_space<vmem>>, vector<1x16xf32>,
        %get3A_1139 = vector.shape_cast %get3A_1138 : vector<1x16xf32> to vector<16xf32>
        %add3A_1140 = arith.addi %select_n3A_600, %scan3A_1105 : i32
        %get3A_1141 = arith.index_cast %add3A_1140 : i32 to index
        %get3A_1142 = arith.constant 16 : index
        %get3A_1143 = tpu.vector_load %arg7[%get3A_1141, %get3A_1142] {strides = array<i32>} : memref<328x64xf32, #tpu.memory_space<vmem>>, vector<1x16xf32>,
        %get3A_1144 = vector.shape_cast %get3A_1143 : vector<1x16xf32> to vector<16xf32>
        %add3A_1145 = arith.addf %get3A_1139, %get3A_1144 : vector<16xf32>
        %swap3A_1146 = arith.constant 3 : i32
        %swap3A_1147 = arith.constant 0 : i32
        %swap3A_1148 = arith.constant 0 : i32
        %swap3A_1149 = tpu.memref_slice %arg8[%swap3A_1146, %swap3A_1147, %swap3A_1148] : memref<8x128x64xf32, #tpu.memory_space<vmem>> -> memref<1x128x64xf32, #tpu.memory_space<vmem>>
        %swap3A_1150 = tpu.memref_squeeze %swap3A_1149 : memref<1x128x64xf32, #tpu.memory_space<vmem>> -> memref<128x64xf32, #tpu.memory_space<vmem>>
        %swap3A_1151 = arith.index_cast %scan3A_1105 : i32 to index
        %swap3A_1152 = arith.constant 16 : index
        %swap3A_1153 = tpu.vector_load %swap3A_1150[%swap3A_1151, %swap3A_1152] {strides = array<i32>} : memref<128x64xf32, #tpu.memory_space<vmem>>, vector<1x16xf32>,
        %swap3A_1154 = vector.shape_cast %swap3A_1153 : vector<1x16xf32> to vector<16xf32>
        %swap3A_1155 = vector.shape_cast %add3A_1145 : vector<16xf32> to vector<1x16xf32>
        tpu.vector_store %swap3A_1150[%swap3A_1151, %swap3A_1152], %swap3A_1155 {strides = array<i32>} : memref<128x64xf32, #tpu.memory_space<vmem>>, vector<1x16xf32>,
        %get3A_1156 = arith.constant 3 : i32
        %get3A_1157 = arith.constant 0 : i32
        %get3A_1158 = arith.constant 0 : i32
        %get3A_1159 = tpu.memref_slice %arg8[%get3A_1156, %get3A_1157, %get3A_1158] : memref<8x128x64xf32, #tpu.memory_space<vmem>> -> memref<1x128x64xf32, #tpu.memory_space<vmem>>
        %get3A_1160 = tpu.memref_squeeze %get3A_1159 : memref<1x128x64xf32, #tpu.memory_space<vmem>> -> memref<128x64xf32, #tpu.memory_space<vmem>>
        %get3A_1161 = arith.index_cast %scan3A_1105 : i32 to index
        %get3A_1162 = arith.constant 32 : index
        %get3A_1163 = tpu.vector_load %get3A_1160[%get3A_1161, %get3A_1162] {strides = array<i32>} : memref<128x64xf32, #tpu.memory_space<vmem>>, vector<1x16xf32>,
        %get3A_1164 = vector.shape_cast %get3A_1163 : vector<1x16xf32> to vector<16xf32>
        %add3A_1165 = arith.addi %select_n3A_600, %scan3A_1105 : i32
        %get3A_1166 = arith.index_cast %add3A_1165 : i32 to index
        %get3A_1167 = arith.constant 32 : index
        %get3A_1168 = tpu.vector_load %arg7[%get3A_1166, %get3A_1167] {strides = array<i32>} : memref<328x64xf32, #tpu.memory_space<vmem>>, vector<1x16xf32>,
        %get3A_1169 = vector.shape_cast %get3A_1168 : vector<1x16xf32> to vector<16xf32>
        %add3A_1170 = arith.addf %get3A_1164, %get3A_1169 : vector<16xf32>
        %swap3A_1171 = arith.constant 3 : i32
        %swap3A_1172 = arith.constant 0 : i32
        %swap3A_1173 = arith.constant 0 : i32
        %swap3A_1174 = tpu.memref_slice %arg8[%swap3A_1171, %swap3A_1172, %swap3A_1173] : memref<8x128x64xf32, #tpu.memory_space<vmem>> -> memref<1x128x64xf32, #tpu.memory_space<vmem>>
        %swap3A_1175 = tpu.memref_squeeze %swap3A_1174 : memref<1x128x64xf32, #tpu.memory_space<vmem>> -> memref<128x64xf32, #tpu.memory_space<vmem>>
        %swap3A_1176 = arith.index_cast %scan3A_1105 : i32 to index
        %swap3A_1177 = arith.constant 32 : index
        %swap3A_1178 = tpu.vector_load %swap3A_1175[%swap3A_1176, %swap3A_1177] {strides = array<i32>} : memref<128x64xf32, #tpu.memory_space<vmem>>, vector<1x16xf32>,
        %swap3A_1179 = vector.shape_cast %swap3A_1178 : vector<1x16xf32> to vector<16xf32>
        %swap3A_1180 = vector.shape_cast %add3A_1170 : vector<16xf32> to vector<1x16xf32>
        tpu.vector_store %swap3A_1175[%swap3A_1176, %swap3A_1177], %swap3A_1180 {strides = array<i32>} : memref<128x64xf32, #tpu.memory_space<vmem>>, vector<1x16xf32>,
        %get3A_1181 = arith.constant 3 : i32
        %get3A_1182 = arith.constant 0 : i32
        %get3A_1183 = arith.constant 0 : i32
        %get3A_1184 = tpu.memref_slice %arg8[%get3A_1181, %get3A_1182, %get3A_1183] : memref<8x128x64xf32, #tpu.memory_space<vmem>> -> memref<1x128x64xf32, #tpu.memory_space<vmem>>
        %get3A_1185 = tpu.memref_squeeze %get3A_1184 : memref<1x128x64xf32, #tpu.memory_space<vmem>> -> memref<128x64xf32, #tpu.memory_space<vmem>>
        %get3A_1186 = arith.index_cast %scan3A_1105 : i32 to index
        %get3A_1187 = arith.constant 48 : index
        %get3A_1188 = tpu.vector_load %get3A_1185[%get3A_1186, %get3A_1187] {strides = array<i32>} : memref<128x64xf32, #tpu.memory_space<vmem>>, vector<1x16xf32>,
        %get3A_1189 = vector.shape_cast %get3A_1188 : vector<1x16xf32> to vector<16xf32>
        %add3A_1190 = arith.addi %select_n3A_600, %scan3A_1105 : i32
        %get3A_1191 = arith.index_cast %add3A_1190 : i32 to index
        %get3A_1192 = arith.constant 48 : index
        %get3A_1193 = tpu.vector_load %arg7[%get3A_1191, %get3A_1192] {strides = array<i32>} : memref<328x64xf32, #tpu.memory_space<vmem>>, vector<1x16xf32>,
        %get3A_1194 = vector.shape_cast %get3A_1193 : vector<1x16xf32> to vector<16xf32>
        %add3A_1195 = arith.addf %get3A_1189, %get3A_1194 : vector<16xf32>
        %swap3A_1196 = arith.constant 3 : i32
        %swap3A_1197 = arith.constant 0 : i32
        %swap3A_1198 = arith.constant 0 : i32
        %swap3A_1199 = tpu.memref_slice %arg8[%swap3A_1196, %swap3A_1197, %swap3A_1198] : memref<8x128x64xf32, #tpu.memory_space<vmem>> -> memref<1x128x64xf32, #tpu.memory_space<vmem>>
        %swap3A_1200 = tpu.memref_squeeze %swap3A_1199 : memref<1x128x64xf32, #tpu.memory_space<vmem>> -> memref<128x64xf32, #tpu.memory_space<vmem>>
        %swap3A_1201 = arith.index_cast %scan3A_1105 : i32 to index
        %swap3A_1202 = arith.constant 48 : index
        %swap3A_1203 = tpu.vector_load %swap3A_1200[%swap3A_1201, %swap3A_1202] {strides = array<i32>} : memref<128x64xf32, #tpu.memory_space<vmem>>, vector<1x16xf32>,
        %swap3A_1204 = vector.shape_cast %swap3A_1203 : vector<1x16xf32> to vector<16xf32>
        %swap3A_1205 = vector.shape_cast %add3A_1195 : vector<16xf32> to vector<1x16xf32>
        tpu.vector_store %swap3A_1200[%swap3A_1201, %swap3A_1202], %swap3A_1205 {strides = array<i32>} : memref<128x64xf32, #tpu.memory_space<vmem>>, vector<1x16xf32>,
        %scan3A_1206 = arith.constant 3 : i32
        %scan3A_1207 = arith.addi %scan3A_903, %scan3A_1206 : i32
        %get3A_1208 = arith.constant 3 : i32
        %get3A_1209 = arith.constant 0 : i32
        %get3A_1210 = arith.constant 0 : i32
        %get3A_1211 = tpu.memref_slice %arg8[%get3A_1208, %get3A_1209, %get3A_1210] : memref<8x128x64xf32, #tpu.memory_space<vmem>> -> memref<1x128x64xf32, #tpu.memory_space<vmem>>
        %get3A_1212 = tpu.memref_squeeze %get3A_1211 : memref<1x128x64xf32, #tpu.memory_space<vmem>> -> memref<128x64xf32, #tpu.memory_space<vmem>>
        %get3A_1213 = arith.index_cast %scan3A_1207 : i32 to index
        %get3A_1214 = arith.constant 0 : index
        %get3A_1215 = tpu.vector_load %get3A_1212[%get3A_1213, %get3A_1214] {strides = array<i32>} : memref<128x64xf32, #tpu.memory_space<vmem>>, vector<1x16xf32>,
        %get3A_1216 = vector.shape_cast %get3A_1215 : vector<1x16xf32> to vector<16xf32>
        %add3A_1217 = arith.addi %select_n3A_600, %scan3A_1207 : i32
        %get3A_1218 = arith.index_cast %add3A_1217 : i32 to index
        %get3A_1219 = arith.constant 0 : index
        %get3A_1220 = tpu.vector_load %arg7[%get3A_1218, %get3A_1219] {strides = array<i32>} : memref<328x64xf32, #tpu.memory_space<vmem>>, vector<1x16xf32>,
        %get3A_1221 = vector.shape_cast %get3A_1220 : vector<1x16xf32> to vector<16xf32>
        %add3A_1222 = arith.addf %get3A_1216, %get3A_1221 : vector<16xf32>
        %swap3A_1223 = arith.constant 3 : i32
        %swap3A_1224 = arith.constant 0 : i32
        %swap3A_1225 = arith.constant 0 : i32
        %swap3A_1226 = tpu.memref_slice %arg8[%swap3A_1223, %swap3A_1224, %swap3A_1225] : memref<8x128x64xf32, #tpu.memory_space<vmem>> -> memref<1x128x64xf32, #tpu.memory_space<vmem>>
        %swap3A_1227 = tpu.memref_squeeze %swap3A_1226 : memref<1x128x64xf32, #tpu.memory_space<vmem>> -> memref<128x64xf32, #tpu.memory_space<vmem>>
        %swap3A_1228 = arith.index_cast %scan3A_1207 : i32 to index
        %swap3A_1229 = arith.constant 0 : index
        %swap3A_1230 = tpu.vector_load %swap3A_1227[%swap3A_1228, %swap3A_1229] {strides = array<i32>} : memref<128x64xf32, #tpu.memory_space<vmem>>, vector<1x16xf32>,
        %swap3A_1231 = vector.shape_cast %swap3A_1230 : vector<1x16xf32> to vector<16xf32>
        %swap3A_1232 = vector.shape_cast %add3A_1222 : vector<16xf32> to vector<1x16xf32>
        tpu.vector_store %swap3A_1227[%swap3A_1228, %swap3A_1229], %swap3A_1232 {strides = array<i32>} : memref<128x64xf32, #tpu.memory_space<vmem>>, vector<1x16xf32>,
        %get3A_1233 = arith.constant 3 : i32
        %get3A_1234 = arith.constant 0 : i32
        %get3A_1235 = arith.constant 0 : i32
        %get3A_1236 = tpu.memref_slice %arg8[%get3A_1233, %get3A_1234, %get3A_1235] : memref<8x128x64xf32, #tpu.memory_space<vmem>> -> memref<1x128x64xf32, #tpu.memory_space<vmem>>
        %get3A_1237 = tpu.memref_squeeze %get3A_1236 : memref<1x128x64xf32, #tpu.memory_space<vmem>> -> memref<128x64xf32, #tpu.memory_space<vmem>>
        %get3A_1238 = arith.index_cast %scan3A_1207 : i32 to index
        %get3A_1239 = arith.constant 16 : index
        %get3A_1240 = tpu.vector_load %get3A_1237[%get3A_1238, %get3A_1239] {strides = array<i32>} : memref<128x64xf32, #tpu.memory_space<vmem>>, vector<1x16xf32>,
        %get3A_1241 = vector.shape_cast %get3A_1240 : vector<1x16xf32> to vector<16xf32>
        %add3A_1242 = arith.addi %select_n3A_600, %scan3A_1207 : i32
        %get3A_1243 = arith.index_cast %add3A_1242 : i32 to index
        %get3A_1244 = arith.constant 16 : index
        %get3A_1245 = tpu.vector_load %arg7[%get3A_1243, %get3A_1244] {strides = array<i32>} : memref<328x64xf32, #tpu.memory_space<vmem>>, vector<1x16xf32>,
        %get3A_1246 = vector.shape_cast %get3A_1245 : vector<1x16xf32> to vector<16xf32>
        %add3A_1247 = arith.addf %get3A_1241, %get3A_1246 : vector<16xf32>
        %swap3A_1248 = arith.constant 3 : i32
        %swap3A_1249 = arith.constant 0 : i32
        %swap3A_1250 = arith.constant 0 : i32
        %swap3A_1251 = tpu.memref_slice %arg8[%swap3A_1248, %swap3A_1249, %swap3A_1250] : memref<8x128x64xf32, #tpu.memory_space<vmem>> -> memref<1x128x64xf32, #tpu.memory_space<vmem>>
        %swap3A_1252 = tpu.memref_squeeze %swap3A_1251 : memref<1x128x64xf32, #tpu.memory_space<vmem>> -> memref<128x64xf32, #tpu.memory_space<vmem>>
        %swap3A_1253 = arith.index_cast %scan3A_1207 : i32 to index
        %swap3A_1254 = arith.constant 16 : index
        %swap3A_1255 = tpu.vector_load %swap3A_1252[%swap3A_1253, %swap3A_1254] {strides = array<i32>} : memref<128x64xf32, #tpu.memory_space<vmem>>, vector<1x16xf32>,
        %swap3A_1256 = vector.shape_cast %swap3A_1255 : vector<1x16xf32> to vector<16xf32>
        %swap3A_1257 = vector.shape_cast %add3A_1247 : vector<16xf32> to vector<1x16xf32>
        tpu.vector_store %swap3A_1252[%swap3A_1253, %swap3A_1254], %swap3A_1257 {strides = array<i32>} : memref<128x64xf32, #tpu.memory_space<vmem>>, vector<1x16xf32>,
        %get3A_1258 = arith.constant 3 : i32
        %get3A_1259 = arith.constant 0 : i32
        %get3A_1260 = arith.constant 0 : i32
        %get3A_1261 = tpu.memref_slice %arg8[%get3A_1258, %get3A_1259, %get3A_1260] : memref<8x128x64xf32, #tpu.memory_space<vmem>> -> memref<1x128x64xf32, #tpu.memory_space<vmem>>
        %get3A_1262 = tpu.memref_squeeze %get3A_1261 : memref<1x128x64xf32, #tpu.memory_space<vmem>> -> memref<128x64xf32, #tpu.memory_space<vmem>>
        %get3A_1263 = arith.index_cast %scan3A_1207 : i32 to index
        %get3A_1264 = arith.constant 32 : index
        %get3A_1265 = tpu.vector_load %get3A_1262[%get3A_1263, %get3A_1264] {strides = array<i32>} : memref<128x64xf32, #tpu.memory_space<vmem>>, vector<1x16xf32>,
        %get3A_1266 = vector.shape_cast %get3A_1265 : vector<1x16xf32> to vector<16xf32>
        %add3A_1267 = arith.addi %select_n3A_600, %scan3A_1207 : i32
        %get3A_1268 = arith.index_cast %add3A_1267 : i32 to index
        %get3A_1269 = arith.constant 32 : index
        %get3A_1270 = tpu.vector_load %arg7[%get3A_1268, %get3A_1269] {strides = array<i32>} : memref<328x64xf32, #tpu.memory_space<vmem>>, vector<1x16xf32>,
        %get3A_1271 = vector.shape_cast %get3A_1270 : vector<1x16xf32> to vector<16xf32>
        %add3A_1272 = arith.addf %get3A_1266, %get3A_1271 : vector<16xf32>
        %swap3A_1273 = arith.constant 3 : i32
        %swap3A_1274 = arith.constant 0 : i32
        %swap3A_1275 = arith.constant 0 : i32
        %swap3A_1276 = tpu.memref_slice %arg8[%swap3A_1273, %swap3A_1274, %swap3A_1275] : memref<8x128x64xf32, #tpu.memory_space<vmem>> -> memref<1x128x64xf32, #tpu.memory_space<vmem>>
        %swap3A_1277 = tpu.memref_squeeze %swap3A_1276 : memref<1x128x64xf32, #tpu.memory_space<vmem>> -> memref<128x64xf32, #tpu.memory_space<vmem>>
        %swap3A_1278 = arith.index_cast %scan3A_1207 : i32 to index
        %swap3A_1279 = arith.constant 32 : index
        %swap3A_1280 = tpu.vector_load %swap3A_1277[%swap3A_1278, %swap3A_1279] {strides = array<i32>} : memref<128x64xf32, #tpu.memory_space<vmem>>, vector<1x16xf32>,
        %swap3A_1281 = vector.shape_cast %swap3A_1280 : vector<1x16xf32> to vector<16xf32>
        %swap3A_1282 = vector.shape_cast %add3A_1272 : vector<16xf32> to vector<1x16xf32>
        tpu.vector_store %swap3A_1277[%swap3A_1278, %swap3A_1279], %swap3A_1282 {strides = array<i32>} : memref<128x64xf32, #tpu.memory_space<vmem>>, vector<1x16xf32>,
        %get3A_1283 = arith.constant 3 : i32
        %get3A_1284 = arith.constant 0 : i32
        %get3A_1285 = arith.constant 0 : i32
        %get3A_1286 = tpu.memref_slice %arg8[%get3A_1283, %get3A_1284, %get3A_1285] : memref<8x128x64xf32, #tpu.memory_space<vmem>> -> memref<1x128x64xf32, #tpu.memory_space<vmem>>
        %get3A_1287 = tpu.memref_squeeze %get3A_1286 : memref<1x128x64xf32, #tpu.memory_space<vmem>> -> memref<128x64xf32, #tpu.memory_space<vmem>>
        %get3A_1288 = arith.index_cast %scan3A_1207 : i32 to index
        %get3A_1289 = arith.constant 48 : index
        %get3A_1290 = tpu.vector_load %get3A_1287[%get3A_1288, %get3A_1289] {strides = array<i32>} : memref<128x64xf32, #tpu.memory_space<vmem>>, vector<1x16xf32>,
        %get3A_1291 = vector.shape_cast %get3A_1290 : vector<1x16xf32> to vector<16xf32>
        %add3A_1292 = arith.addi %select_n3A_600, %scan3A_1207 : i32
        %get3A_1293 = arith.index_cast %add3A_1292 : i32 to index
        %get3A_1294 = arith.constant 48 : index
        %get3A_1295 = tpu.vector_load %arg7[%get3A_1293, %get3A_1294] {strides = array<i32>} : memref<328x64xf32, #tpu.memory_space<vmem>>, vector<1x16xf32>,
        %get3A_1296 = vector.shape_cast %get3A_1295 : vector<1x16xf32> to vector<16xf32>
        %add3A_1297 = arith.addf %get3A_1291, %get3A_1296 : vector<16xf32>
        %swap3A_1298 = arith.constant 3 : i32
        %swap3A_1299 = arith.constant 0 : i32
        %swap3A_1300 = arith.constant 0 : i32
        %swap3A_1301 = tpu.memref_slice %arg8[%swap3A_1298, %swap3A_1299, %swap3A_1300] : memref<8x128x64xf32, #tpu.memory_space<vmem>> -> memref<1x128x64xf32, #tpu.memory_space<vmem>>
        %swap3A_1302 = tpu.memref_squeeze %swap3A_1301 : memref<1x128x64xf32, #tpu.memory_space<vmem>> -> memref<128x64xf32, #tpu.memory_space<vmem>>
        %swap3A_1303 = arith.index_cast %scan3A_1207 : i32 to index
        %swap3A_1304 = arith.constant 48 : index
        %swap3A_1305 = tpu.vector_load %swap3A_1302[%swap3A_1303, %swap3A_1304] {strides = array<i32>} : memref<128x64xf32, #tpu.memory_space<vmem>>, vector<1x16xf32>,
        %swap3A_1306 = vector.shape_cast %swap3A_1305 : vector<1x16xf32> to vector<16xf32>
        %swap3A_1307 = vector.shape_cast %add3A_1297 : vector<16xf32> to vector<1x16xf32>
        tpu.vector_store %swap3A_1302[%swap3A_1303, %swap3A_1304], %swap3A_1307 {strides = array<i32>} : memref<128x64xf32, #tpu.memory_space<vmem>>, vector<1x16xf32>,
      }
      %scan3A_606 = arith.constant 128 : i32
      %dma_wait3A_607 = arith.constant 4 : i32
      %dma_wait3A_608 = arith.constant 4 : i32
      %dma_wait3A_609 = arith.constant 0 : i32
      %dma_wait3A_610 = arith.constant 0 : i32
      %dma_wait3A_611 = tpu.memref_slice %arg8[%dma_wait3A_608, %dma_wait3A_609, %dma_wait3A_610] : memref<8x128x64xf32, #tpu.memory_space<vmem>> -> memref<1x128x64xf32, #tpu.memory_space<vmem>>
      %dma_wait3A_612 = tpu.memref_squeeze %dma_wait3A_611 : memref<1x128x64xf32, #tpu.memory_space<vmem>> -> memref<128x64xf32, #tpu.memory_space<vmem>>
      %dma_wait3A_613 = arith.constant 0 : i32
      %dma_wait3A_614 = tpu.memref_slice %arg6[%dma_wait3A_607, %dma_wait3A_613] : memref<8x128xi32, #tpu.memory_space<vmem>> -> memref<1x128xi32, #tpu.memory_space<vmem>>
      %dma_wait3A_615 = tpu.memref_squeeze %dma_wait3A_614 : memref<1x128xi32, #tpu.memory_space<vmem>> -> memref<128xi32, #tpu.memory_space<vmem>>
      %dma_wait3A_616 = arith.constant 0 : i32
      %dma_wait3A_617 = arith.constant 0 : i32
      %dma_wait3A_618 = tpu.memref_slice %arg3[%dma_wait3A_616, %dma_wait3A_617] : memref<1000000x64xf32, #tpu.memory_space<hbm>> -> memref<1000000x64xf32, #tpu.memory_space<hbm>>
      tpu.wait_indirect_dma semaphore(%arg21 : memref<!tpu.dma_semaphore, #tpu.memory_space<semaphore_mem>>) src(%dma_wait3A_618 : memref<1000000x64xf32, #tpu.memory_space<hbm>>) dst(%dma_wait3A_612 : memref<128x64xf32, #tpu.memory_space<vmem>>)
      %add3A_619 = arith.constant 4 : i32
      %add3A_620 = arith.addi %mul3A_129, %add3A_619 : i32
      %mul3A_621 = arith.constant 128 : i32
      %mul3A_622 = arith.muli %add3A_620, %mul3A_621 : i32
      %jit3A_623 = arith.constant 200 : i32
      %eq3A_624 = arith.constant 0 : i32
      %eq3A_625 = arith.cmpi eq, %jit3A_623, %eq3A_624 : i32
      %jit3A_626 = arith.constant 1 : i32
      %select_n3A_627 = arith.select %eq3A_625, %jit3A_626, %jit3A_623 : i32
      %rem3A_628 = arith.remsi %mul3A_622, %select_n3A_627 : i32
      %ne3A_629 = arith.constant 0 : i32
      %ne3A_630 = arith.cmpi ne, %rem3A_628, %ne3A_629 : i32
      %lt3A_631 = arith.constant 0 : i32
      %lt3A_632 = arith.cmpi slt, %rem3A_628, %lt3A_631 : i32
      %lt3A_633 = arith.constant 0 : i32
      %lt3A_634 = arith.cmpi slt, %select_n3A_627, %lt3A_633 : i32
      %ne3A_635 = arith.xori %lt3A_632, %lt3A_634 : i1
      %and3A_636 = arith.andi %ne3A_635, %ne3A_630 : i1
      %add3A_637 = arith.addi %rem3A_628, %select_n3A_627 : i32
      %select_n3A_638 = arith.select %and3A_636, %add3A_637, %rem3A_628 : i32
      %scan3A_639 = arith.constant 0 : i32
      %scan3A_640 = arith.constant 0 : i32
      %scan3A_641 = arith.constant 128 : i32
      %scan3A_642 = arith.addi %scan3A_640, %scan3A_641 : i32
      %scan3A_643 = arith.constant 4 : i32
      scf.for %scan3A_903 = %scan3A_640 to %scan3A_642 step %scan3A_643  : i32 {
        %get3A = arith.constant 4 : i32
        %get3A_904 = arith.constant 0 : i32
        %get3A_905 = arith.constant 0 : i32
        %get3A_906 = tpu.memref_slice %arg8[%get3A, %get3A_904, %get3A_905] : memref<8x128x64xf32, #tpu.memory_space<vmem>> -> memref<1x128x64xf32, #tpu.memory_space<vmem>>
        %get3A_907 = tpu.memref_squeeze %get3A_906 : memref<1x128x64xf32, #tpu.memory_space<vmem>> -> memref<128x64xf32, #tpu.memory_space<vmem>>
        %get3A_908 = arith.index_cast %scan3A_903 : i32 to index
        %get3A_909 = arith.constant 0 : index
        %get3A_910 = tpu.vector_load %get3A_907[%get3A_908, %get3A_909] {strides = array<i32>} : memref<128x64xf32, #tpu.memory_space<vmem>>, vector<1x16xf32>,
        %get3A_911 = vector.shape_cast %get3A_910 : vector<1x16xf32> to vector<16xf32>
        %add3A_912 = arith.addi %select_n3A_638, %scan3A_903 : i32
        %get3A_913 = arith.index_cast %add3A_912 : i32 to index
        %get3A_914 = arith.constant 0 : index
        %get3A_915 = tpu.vector_load %arg7[%get3A_913, %get3A_914] {strides = array<i32>} : memref<328x64xf32, #tpu.memory_space<vmem>>, vector<1x16xf32>,
        %get3A_916 = vector.shape_cast %get3A_915 : vector<1x16xf32> to vector<16xf32>
        %add3A_917 = arith.addf %get3A_911, %get3A_916 : vector<16xf32>
        %swap3A = arith.constant 4 : i32
        %swap3A_918 = arith.constant 0 : i32
        %swap3A_919 = arith.constant 0 : i32
        %swap3A_920 = tpu.memref_slice %arg8[%swap3A, %swap3A_918, %swap3A_919] : memref<8x128x64xf32, #tpu.memory_space<vmem>> -> memref<1x128x64xf32, #tpu.memory_space<vmem>>
        %swap3A_921 = tpu.memref_squeeze %swap3A_920 : memref<1x128x64xf32, #tpu.memory_space<vmem>> -> memref<128x64xf32, #tpu.memory_space<vmem>>
        %swap3A_922 = arith.index_cast %scan3A_903 : i32 to index
        %swap3A_923 = arith.constant 0 : index
        %swap3A_924 = tpu.vector_load %swap3A_921[%swap3A_922, %swap3A_923] {strides = array<i32>} : memref<128x64xf32, #tpu.memory_space<vmem>>, vector<1x16xf32>,
        %swap3A_925 = vector.shape_cast %swap3A_924 : vector<1x16xf32> to vector<16xf32>
        %swap3A_926 = vector.shape_cast %add3A_917 : vector<16xf32> to vector<1x16xf32>
        tpu.vector_store %swap3A_921[%swap3A_922, %swap3A_923], %swap3A_926 {strides = array<i32>} : memref<128x64xf32, #tpu.memory_space<vmem>>, vector<1x16xf32>,
        %get3A_927 = arith.constant 4 : i32
        %get3A_928 = arith.constant 0 : i32
        %get3A_929 = arith.constant 0 : i32
        %get3A_930 = tpu.memref_slice %arg8[%get3A_927, %get3A_928, %get3A_929] : memref<8x128x64xf32, #tpu.memory_space<vmem>> -> memref<1x128x64xf32, #tpu.memory_space<vmem>>
        %get3A_931 = tpu.memref_squeeze %get3A_930 : memref<1x128x64xf32, #tpu.memory_space<vmem>> -> memref<128x64xf32, #tpu.memory_space<vmem>>
        %get3A_932 = arith.index_cast %scan3A_903 : i32 to index
        %get3A_933 = arith.constant 16 : index
        %get3A_934 = tpu.vector_load %get3A_931[%get3A_932, %get3A_933] {strides = array<i32>} : memref<128x64xf32, #tpu.memory_space<vmem>>, vector<1x16xf32>,
        %get3A_935 = vector.shape_cast %get3A_934 : vector<1x16xf32> to vector<16xf32>
        %add3A_936 = arith.addi %select_n3A_638, %scan3A_903 : i32
        %get3A_937 = arith.index_cast %add3A_936 : i32 to index
        %get3A_938 = arith.constant 16 : index
        %get3A_939 = tpu.vector_load %arg7[%get3A_937, %get3A_938] {strides = array<i32>} : memref<328x64xf32, #tpu.memory_space<vmem>>, vector<1x16xf32>,
        %get3A_940 = vector.shape_cast %get3A_939 : vector<1x16xf32> to vector<16xf32>
        %add3A_941 = arith.addf %get3A_935, %get3A_940 : vector<16xf32>
        %swap3A_942 = arith.constant 4 : i32
        %swap3A_943 = arith.constant 0 : i32
        %swap3A_944 = arith.constant 0 : i32
        %swap3A_945 = tpu.memref_slice %arg8[%swap3A_942, %swap3A_943, %swap3A_944] : memref<8x128x64xf32, #tpu.memory_space<vmem>> -> memref<1x128x64xf32, #tpu.memory_space<vmem>>
        %swap3A_946 = tpu.memref_squeeze %swap3A_945 : memref<1x128x64xf32, #tpu.memory_space<vmem>> -> memref<128x64xf32, #tpu.memory_space<vmem>>
        %swap3A_947 = arith.index_cast %scan3A_903 : i32 to index
        %swap3A_948 = arith.constant 16 : index
        %swap3A_949 = tpu.vector_load %swap3A_946[%swap3A_947, %swap3A_948] {strides = array<i32>} : memref<128x64xf32, #tpu.memory_space<vmem>>, vector<1x16xf32>,
        %swap3A_950 = vector.shape_cast %swap3A_949 : vector<1x16xf32> to vector<16xf32>
        %swap3A_951 = vector.shape_cast %add3A_941 : vector<16xf32> to vector<1x16xf32>
        tpu.vector_store %swap3A_946[%swap3A_947, %swap3A_948], %swap3A_951 {strides = array<i32>} : memref<128x64xf32, #tpu.memory_space<vmem>>, vector<1x16xf32>,
        %get3A_952 = arith.constant 4 : i32
        %get3A_953 = arith.constant 0 : i32
        %get3A_954 = arith.constant 0 : i32
        %get3A_955 = tpu.memref_slice %arg8[%get3A_952, %get3A_953, %get3A_954] : memref<8x128x64xf32, #tpu.memory_space<vmem>> -> memref<1x128x64xf32, #tpu.memory_space<vmem>>
        %get3A_956 = tpu.memref_squeeze %get3A_955 : memref<1x128x64xf32, #tpu.memory_space<vmem>> -> memref<128x64xf32, #tpu.memory_space<vmem>>
        %get3A_957 = arith.index_cast %scan3A_903 : i32 to index
        %get3A_958 = arith.constant 32 : index
        %get3A_959 = tpu.vector_load %get3A_956[%get3A_957, %get3A_958] {strides = array<i32>} : memref<128x64xf32, #tpu.memory_space<vmem>>, vector<1x16xf32>,
        %get3A_960 = vector.shape_cast %get3A_959 : vector<1x16xf32> to vector<16xf32>
        %add3A_961 = arith.addi %select_n3A_638, %scan3A_903 : i32
        %get3A_962 = arith.index_cast %add3A_961 : i32 to index
        %get3A_963 = arith.constant 32 : index
        %get3A_964 = tpu.vector_load %arg7[%get3A_962, %get3A_963] {strides = array<i32>} : memref<328x64xf32, #tpu.memory_space<vmem>>, vector<1x16xf32>,
        %get3A_965 = vector.shape_cast %get3A_964 : vector<1x16xf32> to vector<16xf32>
        %add3A_966 = arith.addf %get3A_960, %get3A_965 : vector<16xf32>
        %swap3A_967 = arith.constant 4 : i32
        %swap3A_968 = arith.constant 0 : i32
        %swap3A_969 = arith.constant 0 : i32
        %swap3A_970 = tpu.memref_slice %arg8[%swap3A_967, %swap3A_968, %swap3A_969] : memref<8x128x64xf32, #tpu.memory_space<vmem>> -> memref<1x128x64xf32, #tpu.memory_space<vmem>>
        %swap3A_971 = tpu.memref_squeeze %swap3A_970 : memref<1x128x64xf32, #tpu.memory_space<vmem>> -> memref<128x64xf32, #tpu.memory_space<vmem>>
        %swap3A_972 = arith.index_cast %scan3A_903 : i32 to index
        %swap3A_973 = arith.constant 32 : index
        %swap3A_974 = tpu.vector_load %swap3A_971[%swap3A_972, %swap3A_973] {strides = array<i32>} : memref<128x64xf32, #tpu.memory_space<vmem>>, vector<1x16xf32>,
        %swap3A_975 = vector.shape_cast %swap3A_974 : vector<1x16xf32> to vector<16xf32>
        %swap3A_976 = vector.shape_cast %add3A_966 : vector<16xf32> to vector<1x16xf32>
        tpu.vector_store %swap3A_971[%swap3A_972, %swap3A_973], %swap3A_976 {strides = array<i32>} : memref<128x64xf32, #tpu.memory_space<vmem>>, vector<1x16xf32>,
        %get3A_977 = arith.constant 4 : i32
        %get3A_978 = arith.constant 0 : i32
        %get3A_979 = arith.constant 0 : i32
        %get3A_980 = tpu.memref_slice %arg8[%get3A_977, %get3A_978, %get3A_979] : memref<8x128x64xf32, #tpu.memory_space<vmem>> -> memref<1x128x64xf32, #tpu.memory_space<vmem>>
        %get3A_981 = tpu.memref_squeeze %get3A_980 : memref<1x128x64xf32, #tpu.memory_space<vmem>> -> memref<128x64xf32, #tpu.memory_space<vmem>>
        %get3A_982 = arith.index_cast %scan3A_903 : i32 to index
        %get3A_983 = arith.constant 48 : index
        %get3A_984 = tpu.vector_load %get3A_981[%get3A_982, %get3A_983] {strides = array<i32>} : memref<128x64xf32, #tpu.memory_space<vmem>>, vector<1x16xf32>,
        %get3A_985 = vector.shape_cast %get3A_984 : vector<1x16xf32> to vector<16xf32>
        %add3A_986 = arith.addi %select_n3A_638, %scan3A_903 : i32
        %get3A_987 = arith.index_cast %add3A_986 : i32 to index
        %get3A_988 = arith.constant 48 : index
        %get3A_989 = tpu.vector_load %arg7[%get3A_987, %get3A_988] {strides = array<i32>} : memref<328x64xf32, #tpu.memory_space<vmem>>, vector<1x16xf32>,
        %get3A_990 = vector.shape_cast %get3A_989 : vector<1x16xf32> to vector<16xf32>
        %add3A_991 = arith.addf %get3A_985, %get3A_990 : vector<16xf32>
        %swap3A_992 = arith.constant 4 : i32
        %swap3A_993 = arith.constant 0 : i32
        %swap3A_994 = arith.constant 0 : i32
        %swap3A_995 = tpu.memref_slice %arg8[%swap3A_992, %swap3A_993, %swap3A_994] : memref<8x128x64xf32, #tpu.memory_space<vmem>> -> memref<1x128x64xf32, #tpu.memory_space<vmem>>
        %swap3A_996 = tpu.memref_squeeze %swap3A_995 : memref<1x128x64xf32, #tpu.memory_space<vmem>> -> memref<128x64xf32, #tpu.memory_space<vmem>>
        %swap3A_997 = arith.index_cast %scan3A_903 : i32 to index
        %swap3A_998 = arith.constant 48 : index
        %swap3A_999 = tpu.vector_load %swap3A_996[%swap3A_997, %swap3A_998] {strides = array<i32>} : memref<128x64xf32, #tpu.memory_space<vmem>>, vector<1x16xf32>,
        %swap3A_1000 = vector.shape_cast %swap3A_999 : vector<1x16xf32> to vector<16xf32>
        %swap3A_1001 = vector.shape_cast %add3A_991 : vector<16xf32> to vector<1x16xf32>
        tpu.vector_store %swap3A_996[%swap3A_997, %swap3A_998], %swap3A_1001 {strides = array<i32>} : memref<128x64xf32, #tpu.memory_space<vmem>>, vector<1x16xf32>,
        %scan3A_1002 = arith.constant 1 : i32
        %scan3A_1003 = arith.addi %scan3A_903, %scan3A_1002 : i32
        %get3A_1004 = arith.constant 4 : i32
        %get3A_1005 = arith.constant 0 : i32
        %get3A_1006 = arith.constant 0 : i32
        %get3A_1007 = tpu.memref_slice %arg8[%get3A_1004, %get3A_1005, %get3A_1006] : memref<8x128x64xf32, #tpu.memory_space<vmem>> -> memref<1x128x64xf32, #tpu.memory_space<vmem>>
        %get3A_1008 = tpu.memref_squeeze %get3A_1007 : memref<1x128x64xf32, #tpu.memory_space<vmem>> -> memref<128x64xf32, #tpu.memory_space<vmem>>
        %get3A_1009 = arith.index_cast %scan3A_1003 : i32 to index
        %get3A_1010 = arith.constant 0 : index
        %get3A_1011 = tpu.vector_load %get3A_1008[%get3A_1009, %get3A_1010] {strides = array<i32>} : memref<128x64xf32, #tpu.memory_space<vmem>>, vector<1x16xf32>,
        %get3A_1012 = vector.shape_cast %get3A_1011 : vector<1x16xf32> to vector<16xf32>
        %add3A_1013 = arith.addi %select_n3A_638, %scan3A_1003 : i32
        %get3A_1014 = arith.index_cast %add3A_1013 : i32 to index
        %get3A_1015 = arith.constant 0 : index
        %get3A_1016 = tpu.vector_load %arg7[%get3A_1014, %get3A_1015] {strides = array<i32>} : memref<328x64xf32, #tpu.memory_space<vmem>>, vector<1x16xf32>,
        %get3A_1017 = vector.shape_cast %get3A_1016 : vector<1x16xf32> to vector<16xf32>
        %add3A_1018 = arith.addf %get3A_1012, %get3A_1017 : vector<16xf32>
        %swap3A_1019 = arith.constant 4 : i32
        %swap3A_1020 = arith.constant 0 : i32
        %swap3A_1021 = arith.constant 0 : i32
        %swap3A_1022 = tpu.memref_slice %arg8[%swap3A_1019, %swap3A_1020, %swap3A_1021] : memref<8x128x64xf32, #tpu.memory_space<vmem>> -> memref<1x128x64xf32, #tpu.memory_space<vmem>>
        %swap3A_1023 = tpu.memref_squeeze %swap3A_1022 : memref<1x128x64xf32, #tpu.memory_space<vmem>> -> memref<128x64xf32, #tpu.memory_space<vmem>>
        %swap3A_1024 = arith.index_cast %scan3A_1003 : i32 to index
        %swap3A_1025 = arith.constant 0 : index
        %swap3A_1026 = tpu.vector_load %swap3A_1023[%swap3A_1024, %swap3A_1025] {strides = array<i32>} : memref<128x64xf32, #tpu.memory_space<vmem>>, vector<1x16xf32>,
        %swap3A_1027 = vector.shape_cast %swap3A_1026 : vector<1x16xf32> to vector<16xf32>
        %swap3A_1028 = vector.shape_cast %add3A_1018 : vector<16xf32> to vector<1x16xf32>
        tpu.vector_store %swap3A_1023[%swap3A_1024, %swap3A_1025], %swap3A_1028 {strides = array<i32>} : memref<128x64xf32, #tpu.memory_space<vmem>>, vector<1x16xf32>,
        %get3A_1029 = arith.constant 4 : i32
        %get3A_1030 = arith.constant 0 : i32
        %get3A_1031 = arith.constant 0 : i32
        %get3A_1032 = tpu.memref_slice %arg8[%get3A_1029, %get3A_1030, %get3A_1031] : memref<8x128x64xf32, #tpu.memory_space<vmem>> -> memref<1x128x64xf32, #tpu.memory_space<vmem>>
        %get3A_1033 = tpu.memref_squeeze %get3A_1032 : memref<1x128x64xf32, #tpu.memory_space<vmem>> -> memref<128x64xf32, #tpu.memory_space<vmem>>
        %get3A_1034 = arith.index_cast %scan3A_1003 : i32 to index
        %get3A_1035 = arith.constant 16 : index
        %get3A_1036 = tpu.vector_load %get3A_1033[%get3A_1034, %get3A_1035] {strides = array<i32>} : memref<128x64xf32, #tpu.memory_space<vmem>>, vector<1x16xf32>,
        %get3A_1037 = vector.shape_cast %get3A_1036 : vector<1x16xf32> to vector<16xf32>
        %add3A_1038 = arith.addi %select_n3A_638, %scan3A_1003 : i32
        %get3A_1039 = arith.index_cast %add3A_1038 : i32 to index
        %get3A_1040 = arith.constant 16 : index
        %get3A_1041 = tpu.vector_load %arg7[%get3A_1039, %get3A_1040] {strides = array<i32>} : memref<328x64xf32, #tpu.memory_space<vmem>>, vector<1x16xf32>,
        %get3A_1042 = vector.shape_cast %get3A_1041 : vector<1x16xf32> to vector<16xf32>
        %add3A_1043 = arith.addf %get3A_1037, %get3A_1042 : vector<16xf32>
        %swap3A_1044 = arith.constant 4 : i32
        %swap3A_1045 = arith.constant 0 : i32
        %swap3A_1046 = arith.constant 0 : i32
        %swap3A_1047 = tpu.memref_slice %arg8[%swap3A_1044, %swap3A_1045, %swap3A_1046] : memref<8x128x64xf32, #tpu.memory_space<vmem>> -> memref<1x128x64xf32, #tpu.memory_space<vmem>>
        %swap3A_1048 = tpu.memref_squeeze %swap3A_1047 : memref<1x128x64xf32, #tpu.memory_space<vmem>> -> memref<128x64xf32, #tpu.memory_space<vmem>>
        %swap3A_1049 = arith.index_cast %scan3A_1003 : i32 to index
        %swap3A_1050 = arith.constant 16 : index
        %swap3A_1051 = tpu.vector_load %swap3A_1048[%swap3A_1049, %swap3A_1050] {strides = array<i32>} : memref<128x64xf32, #tpu.memory_space<vmem>>, vector<1x16xf32>,
        %swap3A_1052 = vector.shape_cast %swap3A_1051 : vector<1x16xf32> to vector<16xf32>
        %swap3A_1053 = vector.shape_cast %add3A_1043 : vector<16xf32> to vector<1x16xf32>
        tpu.vector_store %swap3A_1048[%swap3A_1049, %swap3A_1050], %swap3A_1053 {strides = array<i32>} : memref<128x64xf32, #tpu.memory_space<vmem>>, vector<1x16xf32>,
        %get3A_1054 = arith.constant 4 : i32
        %get3A_1055 = arith.constant 0 : i32
        %get3A_1056 = arith.constant 0 : i32
        %get3A_1057 = tpu.memref_slice %arg8[%get3A_1054, %get3A_1055, %get3A_1056] : memref<8x128x64xf32, #tpu.memory_space<vmem>> -> memref<1x128x64xf32, #tpu.memory_space<vmem>>
        %get3A_1058 = tpu.memref_squeeze %get3A_1057 : memref<1x128x64xf32, #tpu.memory_space<vmem>> -> memref<128x64xf32, #tpu.memory_space<vmem>>
        %get3A_1059 = arith.index_cast %scan3A_1003 : i32 to index
        %get3A_1060 = arith.constant 32 : index
        %get3A_1061 = tpu.vector_load %get3A_1058[%get3A_1059, %get3A_1060] {strides = array<i32>} : memref<128x64xf32, #tpu.memory_space<vmem>>, vector<1x16xf32>,
        %get3A_1062 = vector.shape_cast %get3A_1061 : vector<1x16xf32> to vector<16xf32>
        %add3A_1063 = arith.addi %select_n3A_638, %scan3A_1003 : i32
        %get3A_1064 = arith.index_cast %add3A_1063 : i32 to index
        %get3A_1065 = arith.constant 32 : index
        %get3A_1066 = tpu.vector_load %arg7[%get3A_1064, %get3A_1065] {strides = array<i32>} : memref<328x64xf32, #tpu.memory_space<vmem>>, vector<1x16xf32>,
        %get3A_1067 = vector.shape_cast %get3A_1066 : vector<1x16xf32> to vector<16xf32>
        %add3A_1068 = arith.addf %get3A_1062, %get3A_1067 : vector<16xf32>
        %swap3A_1069 = arith.constant 4 : i32
        %swap3A_1070 = arith.constant 0 : i32
        %swap3A_1071 = arith.constant 0 : i32
        %swap3A_1072 = tpu.memref_slice %arg8[%swap3A_1069, %swap3A_1070, %swap3A_1071] : memref<8x128x64xf32, #tpu.memory_space<vmem>> -> memref<1x128x64xf32, #tpu.memory_space<vmem>>
        %swap3A_1073 = tpu.memref_squeeze %swap3A_1072 : memref<1x128x64xf32, #tpu.memory_space<vmem>> -> memref<128x64xf32, #tpu.memory_space<vmem>>
        %swap3A_1074 = arith.index_cast %scan3A_1003 : i32 to index
        %swap3A_1075 = arith.constant 32 : index
        %swap3A_1076 = tpu.vector_load %swap3A_1073[%swap3A_1074, %swap3A_1075] {strides = array<i32>} : memref<128x64xf32, #tpu.memory_space<vmem>>, vector<1x16xf32>,
        %swap3A_1077 = vector.shape_cast %swap3A_1076 : vector<1x16xf32> to vector<16xf32>
        %swap3A_1078 = vector.shape_cast %add3A_1068 : vector<16xf32> to vector<1x16xf32>
        tpu.vector_store %swap3A_1073[%swap3A_1074, %swap3A_1075], %swap3A_1078 {strides = array<i32>} : memref<128x64xf32, #tpu.memory_space<vmem>>, vector<1x16xf32>,
        %get3A_1079 = arith.constant 4 : i32
        %get3A_1080 = arith.constant 0 : i32
        %get3A_1081 = arith.constant 0 : i32
        %get3A_1082 = tpu.memref_slice %arg8[%get3A_1079, %get3A_1080, %get3A_1081] : memref<8x128x64xf32, #tpu.memory_space<vmem>> -> memref<1x128x64xf32, #tpu.memory_space<vmem>>
        %get3A_1083 = tpu.memref_squeeze %get3A_1082 : memref<1x128x64xf32, #tpu.memory_space<vmem>> -> memref<128x64xf32, #tpu.memory_space<vmem>>
        %get3A_1084 = arith.index_cast %scan3A_1003 : i32 to index
        %get3A_1085 = arith.constant 48 : index
        %get3A_1086 = tpu.vector_load %get3A_1083[%get3A_1084, %get3A_1085] {strides = array<i32>} : memref<128x64xf32, #tpu.memory_space<vmem>>, vector<1x16xf32>,
        %get3A_1087 = vector.shape_cast %get3A_1086 : vector<1x16xf32> to vector<16xf32>
        %add3A_1088 = arith.addi %select_n3A_638, %scan3A_1003 : i32
        %get3A_1089 = arith.index_cast %add3A_1088 : i32 to index
        %get3A_1090 = arith.constant 48 : index
        %get3A_1091 = tpu.vector_load %arg7[%get3A_1089, %get3A_1090] {strides = array<i32>} : memref<328x64xf32, #tpu.memory_space<vmem>>, vector<1x16xf32>,
        %get3A_1092 = vector.shape_cast %get3A_1091 : vector<1x16xf32> to vector<16xf32>
        %add3A_1093 = arith.addf %get3A_1087, %get3A_1092 : vector<16xf32>
        %swap3A_1094 = arith.constant 4 : i32
        %swap3A_1095 = arith.constant 0 : i32
        %swap3A_1096 = arith.constant 0 : i32
        %swap3A_1097 = tpu.memref_slice %arg8[%swap3A_1094, %swap3A_1095, %swap3A_1096] : memref<8x128x64xf32, #tpu.memory_space<vmem>> -> memref<1x128x64xf32, #tpu.memory_space<vmem>>
        %swap3A_1098 = tpu.memref_squeeze %swap3A_1097 : memref<1x128x64xf32, #tpu.memory_space<vmem>> -> memref<128x64xf32, #tpu.memory_space<vmem>>
        %swap3A_1099 = arith.index_cast %scan3A_1003 : i32 to index
        %swap3A_1100 = arith.constant 48 : index
        %swap3A_1101 = tpu.vector_load %swap3A_1098[%swap3A_1099, %swap3A_1100] {strides = array<i32>} : memref<128x64xf32, #tpu.memory_space<vmem>>, vector<1x16xf32>,
        %swap3A_1102 = vector.shape_cast %swap3A_1101 : vector<1x16xf32> to vector<16xf32>
        %swap3A_1103 = vector.shape_cast %add3A_1093 : vector<16xf32> to vector<1x16xf32>
        tpu.vector_store %swap3A_1098[%swap3A_1099, %swap3A_1100], %swap3A_1103 {strides = array<i32>} : memref<128x64xf32, #tpu.memory_space<vmem>>, vector<1x16xf32>,
        %scan3A_1104 = arith.constant 2 : i32
        %scan3A_1105 = arith.addi %scan3A_903, %scan3A_1104 : i32
        %get3A_1106 = arith.constant 4 : i32
        %get3A_1107 = arith.constant 0 : i32
        %get3A_1108 = arith.constant 0 : i32
        %get3A_1109 = tpu.memref_slice %arg8[%get3A_1106, %get3A_1107, %get3A_1108] : memref<8x128x64xf32, #tpu.memory_space<vmem>> -> memref<1x128x64xf32, #tpu.memory_space<vmem>>
        %get3A_1110 = tpu.memref_squeeze %get3A_1109 : memref<1x128x64xf32, #tpu.memory_space<vmem>> -> memref<128x64xf32, #tpu.memory_space<vmem>>
        %get3A_1111 = arith.index_cast %scan3A_1105 : i32 to index
        %get3A_1112 = arith.constant 0 : index
        %get3A_1113 = tpu.vector_load %get3A_1110[%get3A_1111, %get3A_1112] {strides = array<i32>} : memref<128x64xf32, #tpu.memory_space<vmem>>, vector<1x16xf32>,
        %get3A_1114 = vector.shape_cast %get3A_1113 : vector<1x16xf32> to vector<16xf32>
        %add3A_1115 = arith.addi %select_n3A_638, %scan3A_1105 : i32
        %get3A_1116 = arith.index_cast %add3A_1115 : i32 to index
        %get3A_1117 = arith.constant 0 : index
        %get3A_1118 = tpu.vector_load %arg7[%get3A_1116, %get3A_1117] {strides = array<i32>} : memref<328x64xf32, #tpu.memory_space<vmem>>, vector<1x16xf32>,
        %get3A_1119 = vector.shape_cast %get3A_1118 : vector<1x16xf32> to vector<16xf32>
        %add3A_1120 = arith.addf %get3A_1114, %get3A_1119 : vector<16xf32>
        %swap3A_1121 = arith.constant 4 : i32
        %swap3A_1122 = arith.constant 0 : i32
        %swap3A_1123 = arith.constant 0 : i32
        %swap3A_1124 = tpu.memref_slice %arg8[%swap3A_1121, %swap3A_1122, %swap3A_1123] : memref<8x128x64xf32, #tpu.memory_space<vmem>> -> memref<1x128x64xf32, #tpu.memory_space<vmem>>
        %swap3A_1125 = tpu.memref_squeeze %swap3A_1124 : memref<1x128x64xf32, #tpu.memory_space<vmem>> -> memref<128x64xf32, #tpu.memory_space<vmem>>
        %swap3A_1126 = arith.index_cast %scan3A_1105 : i32 to index
        %swap3A_1127 = arith.constant 0 : index
        %swap3A_1128 = tpu.vector_load %swap3A_1125[%swap3A_1126, %swap3A_1127] {strides = array<i32>} : memref<128x64xf32, #tpu.memory_space<vmem>>, vector<1x16xf32>,
        %swap3A_1129 = vector.shape_cast %swap3A_1128 : vector<1x16xf32> to vector<16xf32>
        %swap3A_1130 = vector.shape_cast %add3A_1120 : vector<16xf32> to vector<1x16xf32>
        tpu.vector_store %swap3A_1125[%swap3A_1126, %swap3A_1127], %swap3A_1130 {strides = array<i32>} : memref<128x64xf32, #tpu.memory_space<vmem>>, vector<1x16xf32>,
        %get3A_1131 = arith.constant 4 : i32
        %get3A_1132 = arith.constant 0 : i32
        %get3A_1133 = arith.constant 0 : i32
        %get3A_1134 = tpu.memref_slice %arg8[%get3A_1131, %get3A_1132, %get3A_1133] : memref<8x128x64xf32, #tpu.memory_space<vmem>> -> memref<1x128x64xf32, #tpu.memory_space<vmem>>
        %get3A_1135 = tpu.memref_squeeze %get3A_1134 : memref<1x128x64xf32, #tpu.memory_space<vmem>> -> memref<128x64xf32, #tpu.memory_space<vmem>>
        %get3A_1136 = arith.index_cast %scan3A_1105 : i32 to index
        %get3A_1137 = arith.constant 16 : index
        %get3A_1138 = tpu.vector_load %get3A_1135[%get3A_1136, %get3A_1137] {strides = array<i32>} : memref<128x64xf32, #tpu.memory_space<vmem>>, vector<1x16xf32>,
        %get3A_1139 = vector.shape_cast %get3A_1138 : vector<1x16xf32> to vector<16xf32>
        %add3A_1140 = arith.addi %select_n3A_638, %scan3A_1105 : i32
        %get3A_1141 = arith.index_cast %add3A_1140 : i32 to index
        %get3A_1142 = arith.constant 16 : index
        %get3A_1143 = tpu.vector_load %arg7[%get3A_1141, %get3A_1142] {strides = array<i32>} : memref<328x64xf32, #tpu.memory_space<vmem>>, vector<1x16xf32>,
        %get3A_1144 = vector.shape_cast %get3A_1143 : vector<1x16xf32> to vector<16xf32>
        %add3A_1145 = arith.addf %get3A_1139, %get3A_1144 : vector<16xf32>
        %swap3A_1146 = arith.constant 4 : i32
        %swap3A_1147 = arith.constant 0 : i32
        %swap3A_1148 = arith.constant 0 : i32
        %swap3A_1149 = tpu.memref_slice %arg8[%swap3A_1146, %swap3A_1147, %swap3A_1148] : memref<8x128x64xf32, #tpu.memory_space<vmem>> -> memref<1x128x64xf32, #tpu.memory_space<vmem>>
        %swap3A_1150 = tpu.memref_squeeze %swap3A_1149 : memref<1x128x64xf32, #tpu.memory_space<vmem>> -> memref<128x64xf32, #tpu.memory_space<vmem>>
        %swap3A_1151 = arith.index_cast %scan3A_1105 : i32 to index
        %swap3A_1152 = arith.constant 16 : index
        %swap3A_1153 = tpu.vector_load %swap3A_1150[%swap3A_1151, %swap3A_1152] {strides = array<i32>} : memref<128x64xf32, #tpu.memory_space<vmem>>, vector<1x16xf32>,
        %swap3A_1154 = vector.shape_cast %swap3A_1153 : vector<1x16xf32> to vector<16xf32>
        %swap3A_1155 = vector.shape_cast %add3A_1145 : vector<16xf32> to vector<1x16xf32>
        tpu.vector_store %swap3A_1150[%swap3A_1151, %swap3A_1152], %swap3A_1155 {strides = array<i32>} : memref<128x64xf32, #tpu.memory_space<vmem>>, vector<1x16xf32>,
        %get3A_1156 = arith.constant 4 : i32
        %get3A_1157 = arith.constant 0 : i32
        %get3A_1158 = arith.constant 0 : i32
        %get3A_1159 = tpu.memref_slice %arg8[%get3A_1156, %get3A_1157, %get3A_1158] : memref<8x128x64xf32, #tpu.memory_space<vmem>> -> memref<1x128x64xf32, #tpu.memory_space<vmem>>
        %get3A_1160 = tpu.memref_squeeze %get3A_1159 : memref<1x128x64xf32, #tpu.memory_space<vmem>> -> memref<128x64xf32, #tpu.memory_space<vmem>>
        %get3A_1161 = arith.index_cast %scan3A_1105 : i32 to index
        %get3A_1162 = arith.constant 32 : index
        %get3A_1163 = tpu.vector_load %get3A_1160[%get3A_1161, %get3A_1162] {strides = array<i32>} : memref<128x64xf32, #tpu.memory_space<vmem>>, vector<1x16xf32>,
        %get3A_1164 = vector.shape_cast %get3A_1163 : vector<1x16xf32> to vector<16xf32>
        %add3A_1165 = arith.addi %select_n3A_638, %scan3A_1105 : i32
        %get3A_1166 = arith.index_cast %add3A_1165 : i32 to index
        %get3A_1167 = arith.constant 32 : index
        %get3A_1168 = tpu.vector_load %arg7[%get3A_1166, %get3A_1167] {strides = array<i32>} : memref<328x64xf32, #tpu.memory_space<vmem>>, vector<1x16xf32>,
        %get3A_1169 = vector.shape_cast %get3A_1168 : vector<1x16xf32> to vector<16xf32>
        %add3A_1170 = arith.addf %get3A_1164, %get3A_1169 : vector<16xf32>
        %swap3A_1171 = arith.constant 4 : i32
        %swap3A_1172 = arith.constant 0 : i32
        %swap3A_1173 = arith.constant 0 : i32
        %swap3A_1174 = tpu.memref_slice %arg8[%swap3A_1171, %swap3A_1172, %swap3A_1173] : memref<8x128x64xf32, #tpu.memory_space<vmem>> -> memref<1x128x64xf32, #tpu.memory_space<vmem>>
        %swap3A_1175 = tpu.memref_squeeze %swap3A_1174 : memref<1x128x64xf32, #tpu.memory_space<vmem>> -> memref<128x64xf32, #tpu.memory_space<vmem>>
        %swap3A_1176 = arith.index_cast %scan3A_1105 : i32 to index
        %swap3A_1177 = arith.constant 32 : index
        %swap3A_1178 = tpu.vector_load %swap3A_1175[%swap3A_1176, %swap3A_1177] {strides = array<i32>} : memref<128x64xf32, #tpu.memory_space<vmem>>, vector<1x16xf32>,
        %swap3A_1179 = vector.shape_cast %swap3A_1178 : vector<1x16xf32> to vector<16xf32>
        %swap3A_1180 = vector.shape_cast %add3A_1170 : vector<16xf32> to vector<1x16xf32>
        tpu.vector_store %swap3A_1175[%swap3A_1176, %swap3A_1177], %swap3A_1180 {strides = array<i32>} : memref<128x64xf32, #tpu.memory_space<vmem>>, vector<1x16xf32>,
        %get3A_1181 = arith.constant 4 : i32
        %get3A_1182 = arith.constant 0 : i32
        %get3A_1183 = arith.constant 0 : i32
        %get3A_1184 = tpu.memref_slice %arg8[%get3A_1181, %get3A_1182, %get3A_1183] : memref<8x128x64xf32, #tpu.memory_space<vmem>> -> memref<1x128x64xf32, #tpu.memory_space<vmem>>
        %get3A_1185 = tpu.memref_squeeze %get3A_1184 : memref<1x128x64xf32, #tpu.memory_space<vmem>> -> memref<128x64xf32, #tpu.memory_space<vmem>>
        %get3A_1186 = arith.index_cast %scan3A_1105 : i32 to index
        %get3A_1187 = arith.constant 48 : index
        %get3A_1188 = tpu.vector_load %get3A_1185[%get3A_1186, %get3A_1187] {strides = array<i32>} : memref<128x64xf32, #tpu.memory_space<vmem>>, vector<1x16xf32>,
        %get3A_1189 = vector.shape_cast %get3A_1188 : vector<1x16xf32> to vector<16xf32>
        %add3A_1190 = arith.addi %select_n3A_638, %scan3A_1105 : i32
        %get3A_1191 = arith.index_cast %add3A_1190 : i32 to index
        %get3A_1192 = arith.constant 48 : index
        %get3A_1193 = tpu.vector_load %arg7[%get3A_1191, %get3A_1192] {strides = array<i32>} : memref<328x64xf32, #tpu.memory_space<vmem>>, vector<1x16xf32>,
        %get3A_1194 = vector.shape_cast %get3A_1193 : vector<1x16xf32> to vector<16xf32>
        %add3A_1195 = arith.addf %get3A_1189, %get3A_1194 : vector<16xf32>
        %swap3A_1196 = arith.constant 4 : i32
        %swap3A_1197 = arith.constant 0 : i32
        %swap3A_1198 = arith.constant 0 : i32
        %swap3A_1199 = tpu.memref_slice %arg8[%swap3A_1196, %swap3A_1197, %swap3A_1198] : memref<8x128x64xf32, #tpu.memory_space<vmem>> -> memref<1x128x64xf32, #tpu.memory_space<vmem>>
        %swap3A_1200 = tpu.memref_squeeze %swap3A_1199 : memref<1x128x64xf32, #tpu.memory_space<vmem>> -> memref<128x64xf32, #tpu.memory_space<vmem>>
        %swap3A_1201 = arith.index_cast %scan3A_1105 : i32 to index
        %swap3A_1202 = arith.constant 48 : index
        %swap3A_1203 = tpu.vector_load %swap3A_1200[%swap3A_1201, %swap3A_1202] {strides = array<i32>} : memref<128x64xf32, #tpu.memory_space<vmem>>, vector<1x16xf32>,
        %swap3A_1204 = vector.shape_cast %swap3A_1203 : vector<1x16xf32> to vector<16xf32>
        %swap3A_1205 = vector.shape_cast %add3A_1195 : vector<16xf32> to vector<1x16xf32>
        tpu.vector_store %swap3A_1200[%swap3A_1201, %swap3A_1202], %swap3A_1205 {strides = array<i32>} : memref<128x64xf32, #tpu.memory_space<vmem>>, vector<1x16xf32>,
        %scan3A_1206 = arith.constant 3 : i32
        %scan3A_1207 = arith.addi %scan3A_903, %scan3A_1206 : i32
        %get3A_1208 = arith.constant 4 : i32
        %get3A_1209 = arith.constant 0 : i32
        %get3A_1210 = arith.constant 0 : i32
        %get3A_1211 = tpu.memref_slice %arg8[%get3A_1208, %get3A_1209, %get3A_1210] : memref<8x128x64xf32, #tpu.memory_space<vmem>> -> memref<1x128x64xf32, #tpu.memory_space<vmem>>
        %get3A_1212 = tpu.memref_squeeze %get3A_1211 : memref<1x128x64xf32, #tpu.memory_space<vmem>> -> memref<128x64xf32, #tpu.memory_space<vmem>>
        %get3A_1213 = arith.index_cast %scan3A_1207 : i32 to index
        %get3A_1214 = arith.constant 0 : index
        %get3A_1215 = tpu.vector_load %get3A_1212[%get3A_1213, %get3A_1214] {strides = array<i32>} : memref<128x64xf32, #tpu.memory_space<vmem>>, vector<1x16xf32>,
        %get3A_1216 = vector.shape_cast %get3A_1215 : vector<1x16xf32> to vector<16xf32>
        %add3A_1217 = arith.addi %select_n3A_638, %scan3A_1207 : i32
        %get3A_1218 = arith.index_cast %add3A_1217 : i32 to index
        %get3A_1219 = arith.constant 0 : index
        %get3A_1220 = tpu.vector_load %arg7[%get3A_1218, %get3A_1219] {strides = array<i32>} : memref<328x64xf32, #tpu.memory_space<vmem>>, vector<1x16xf32>,
        %get3A_1221 = vector.shape_cast %get3A_1220 : vector<1x16xf32> to vector<16xf32>
        %add3A_1222 = arith.addf %get3A_1216, %get3A_1221 : vector<16xf32>
        %swap3A_1223 = arith.constant 4 : i32
        %swap3A_1224 = arith.constant 0 : i32
        %swap3A_1225 = arith.constant 0 : i32
        %swap3A_1226 = tpu.memref_slice %arg8[%swap3A_1223, %swap3A_1224, %swap3A_1225] : memref<8x128x64xf32, #tpu.memory_space<vmem>> -> memref<1x128x64xf32, #tpu.memory_space<vmem>>
        %swap3A_1227 = tpu.memref_squeeze %swap3A_1226 : memref<1x128x64xf32, #tpu.memory_space<vmem>> -> memref<128x64xf32, #tpu.memory_space<vmem>>
        %swap3A_1228 = arith.index_cast %scan3A_1207 : i32 to index
        %swap3A_1229 = arith.constant 0 : index
        %swap3A_1230 = tpu.vector_load %swap3A_1227[%swap3A_1228, %swap3A_1229] {strides = array<i32>} : memref<128x64xf32, #tpu.memory_space<vmem>>, vector<1x16xf32>,
        %swap3A_1231 = vector.shape_cast %swap3A_1230 : vector<1x16xf32> to vector<16xf32>
        %swap3A_1232 = vector.shape_cast %add3A_1222 : vector<16xf32> to vector<1x16xf32>
        tpu.vector_store %swap3A_1227[%swap3A_1228, %swap3A_1229], %swap3A_1232 {strides = array<i32>} : memref<128x64xf32, #tpu.memory_space<vmem>>, vector<1x16xf32>,
        %get3A_1233 = arith.constant 4 : i32
        %get3A_1234 = arith.constant 0 : i32
        %get3A_1235 = arith.constant 0 : i32
        %get3A_1236 = tpu.memref_slice %arg8[%get3A_1233, %get3A_1234, %get3A_1235] : memref<8x128x64xf32, #tpu.memory_space<vmem>> -> memref<1x128x64xf32, #tpu.memory_space<vmem>>
        %get3A_1237 = tpu.memref_squeeze %get3A_1236 : memref<1x128x64xf32, #tpu.memory_space<vmem>> -> memref<128x64xf32, #tpu.memory_space<vmem>>
        %get3A_1238 = arith.index_cast %scan3A_1207 : i32 to index
        %get3A_1239 = arith.constant 16 : index
        %get3A_1240 = tpu.vector_load %get3A_1237[%get3A_1238, %get3A_1239] {strides = array<i32>} : memref<128x64xf32, #tpu.memory_space<vmem>>, vector<1x16xf32>,
        %get3A_1241 = vector.shape_cast %get3A_1240 : vector<1x16xf32> to vector<16xf32>
        %add3A_1242 = arith.addi %select_n3A_638, %scan3A_1207 : i32
        %get3A_1243 = arith.index_cast %add3A_1242 : i32 to index
        %get3A_1244 = arith.constant 16 : index
        %get3A_1245 = tpu.vector_load %arg7[%get3A_1243, %get3A_1244] {strides = array<i32>} : memref<328x64xf32, #tpu.memory_space<vmem>>, vector<1x16xf32>,
        %get3A_1246 = vector.shape_cast %get3A_1245 : vector<1x16xf32> to vector<16xf32>
        %add3A_1247 = arith.addf %get3A_1241, %get3A_1246 : vector<16xf32>
        %swap3A_1248 = arith.constant 4 : i32
        %swap3A_1249 = arith.constant 0 : i32
        %swap3A_1250 = arith.constant 0 : i32
        %swap3A_1251 = tpu.memref_slice %arg8[%swap3A_1248, %swap3A_1249, %swap3A_1250] : memref<8x128x64xf32, #tpu.memory_space<vmem>> -> memref<1x128x64xf32, #tpu.memory_space<vmem>>
        %swap3A_1252 = tpu.memref_squeeze %swap3A_1251 : memref<1x128x64xf32, #tpu.memory_space<vmem>> -> memref<128x64xf32, #tpu.memory_space<vmem>>
        %swap3A_1253 = arith.index_cast %scan3A_1207 : i32 to index
        %swap3A_1254 = arith.constant 16 : index
        %swap3A_1255 = tpu.vector_load %swap3A_1252[%swap3A_1253, %swap3A_1254] {strides = array<i32>} : memref<128x64xf32, #tpu.memory_space<vmem>>, vector<1x16xf32>,
        %swap3A_1256 = vector.shape_cast %swap3A_1255 : vector<1x16xf32> to vector<16xf32>
        %swap3A_1257 = vector.shape_cast %add3A_1247 : vector<16xf32> to vector<1x16xf32>
        tpu.vector_store %swap3A_1252[%swap3A_1253, %swap3A_1254], %swap3A_1257 {strides = array<i32>} : memref<128x64xf32, #tpu.memory_space<vmem>>, vector<1x16xf32>,
        %get3A_1258 = arith.constant 4 : i32
        %get3A_1259 = arith.constant 0 : i32
        %get3A_1260 = arith.constant 0 : i32
        %get3A_1261 = tpu.memref_slice %arg8[%get3A_1258, %get3A_1259, %get3A_1260] : memref<8x128x64xf32, #tpu.memory_space<vmem>> -> memref<1x128x64xf32, #tpu.memory_space<vmem>>
        %get3A_1262 = tpu.memref_squeeze %get3A_1261 : memref<1x128x64xf32, #tpu.memory_space<vmem>> -> memref<128x64xf32, #tpu.memory_space<vmem>>
        %get3A_1263 = arith.index_cast %scan3A_1207 : i32 to index
        %get3A_1264 = arith.constant 32 : index
        %get3A_1265 = tpu.vector_load %get3A_1262[%get3A_1263, %get3A_1264] {strides = array<i32>} : memref<128x64xf32, #tpu.memory_space<vmem>>, vector<1x16xf32>,
        %get3A_1266 = vector.shape_cast %get3A_1265 : vector<1x16xf32> to vector<16xf32>
        %add3A_1267 = arith.addi %select_n3A_638, %scan3A_1207 : i32
        %get3A_1268 = arith.index_cast %add3A_1267 : i32 to index
        %get3A_1269 = arith.constant 32 : index
        %get3A_1270 = tpu.vector_load %arg7[%get3A_1268, %get3A_1269] {strides = array<i32>} : memref<328x64xf32, #tpu.memory_space<vmem>>, vector<1x16xf32>,
        %get3A_1271 = vector.shape_cast %get3A_1270 : vector<1x16xf32> to vector<16xf32>
        %add3A_1272 = arith.addf %get3A_1266, %get3A_1271 : vector<16xf32>
        %swap3A_1273 = arith.constant 4 : i32
        %swap3A_1274 = arith.constant 0 : i32
        %swap3A_1275 = arith.constant 0 : i32
        %swap3A_1276 = tpu.memref_slice %arg8[%swap3A_1273, %swap3A_1274, %swap3A_1275] : memref<8x128x64xf32, #tpu.memory_space<vmem>> -> memref<1x128x64xf32, #tpu.memory_space<vmem>>
        %swap3A_1277 = tpu.memref_squeeze %swap3A_1276 : memref<1x128x64xf32, #tpu.memory_space<vmem>> -> memref<128x64xf32, #tpu.memory_space<vmem>>
        %swap3A_1278 = arith.index_cast %scan3A_1207 : i32 to index
        %swap3A_1279 = arith.constant 32 : index
        %swap3A_1280 = tpu.vector_load %swap3A_1277[%swap3A_1278, %swap3A_1279] {strides = array<i32>} : memref<128x64xf32, #tpu.memory_space<vmem>>, vector<1x16xf32>,
        %swap3A_1281 = vector.shape_cast %swap3A_1280 : vector<1x16xf32> to vector<16xf32>
        %swap3A_1282 = vector.shape_cast %add3A_1272 : vector<16xf32> to vector<1x16xf32>
        tpu.vector_store %swap3A_1277[%swap3A_1278, %swap3A_1279], %swap3A_1282 {strides = array<i32>} : memref<128x64xf32, #tpu.memory_space<vmem>>, vector<1x16xf32>,
        %get3A_1283 = arith.constant 4 : i32
        %get3A_1284 = arith.constant 0 : i32
        %get3A_1285 = arith.constant 0 : i32
        %get3A_1286 = tpu.memref_slice %arg8[%get3A_1283, %get3A_1284, %get3A_1285] : memref<8x128x64xf32, #tpu.memory_space<vmem>> -> memref<1x128x64xf32, #tpu.memory_space<vmem>>
        %get3A_1287 = tpu.memref_squeeze %get3A_1286 : memref<1x128x64xf32, #tpu.memory_space<vmem>> -> memref<128x64xf32, #tpu.memory_space<vmem>>
        %get3A_1288 = arith.index_cast %scan3A_1207 : i32 to index
        %get3A_1289 = arith.constant 48 : index
        %get3A_1290 = tpu.vector_load %get3A_1287[%get3A_1288, %get3A_1289] {strides = array<i32>} : memref<128x64xf32, #tpu.memory_space<vmem>>, vector<1x16xf32>,
        %get3A_1291 = vector.shape_cast %get3A_1290 : vector<1x16xf32> to vector<16xf32>
        %add3A_1292 = arith.addi %select_n3A_638, %scan3A_1207 : i32
        %get3A_1293 = arith.index_cast %add3A_1292 : i32 to index
        %get3A_1294 = arith.constant 48 : index
        %get3A_1295 = tpu.vector_load %arg7[%get3A_1293, %get3A_1294] {strides = array<i32>} : memref<328x64xf32, #tpu.memory_space<vmem>>, vector<1x16xf32>,
        %get3A_1296 = vector.shape_cast %get3A_1295 : vector<1x16xf32> to vector<16xf32>
        %add3A_1297 = arith.addf %get3A_1291, %get3A_1296 : vector<16xf32>
        %swap3A_1298 = arith.constant 4 : i32
        %swap3A_1299 = arith.constant 0 : i32
        %swap3A_1300 = arith.constant 0 : i32
        %swap3A_1301 = tpu.memref_slice %arg8[%swap3A_1298, %swap3A_1299, %swap3A_1300] : memref<8x128x64xf32, #tpu.memory_space<vmem>> -> memref<1x128x64xf32, #tpu.memory_space<vmem>>
        %swap3A_1302 = tpu.memref_squeeze %swap3A_1301 : memref<1x128x64xf32, #tpu.memory_space<vmem>> -> memref<128x64xf32, #tpu.memory_space<vmem>>
        %swap3A_1303 = arith.index_cast %scan3A_1207 : i32 to index
        %swap3A_1304 = arith.constant 48 : index
        %swap3A_1305 = tpu.vector_load %swap3A_1302[%swap3A_1303, %swap3A_1304] {strides = array<i32>} : memref<128x64xf32, #tpu.memory_space<vmem>>, vector<1x16xf32>,
        %swap3A_1306 = vector.shape_cast %swap3A_1305 : vector<1x16xf32> to vector<16xf32>
        %swap3A_1307 = vector.shape_cast %add3A_1297 : vector<16xf32> to vector<1x16xf32>
        tpu.vector_store %swap3A_1302[%swap3A_1303, %swap3A_1304], %swap3A_1307 {strides = array<i32>} : memref<128x64xf32, #tpu.memory_space<vmem>>, vector<1x16xf32>,
      }
      %scan3A_644 = arith.constant 128 : i32
      %dma_wait3A_645 = arith.constant 5 : i32
      %dma_wait3A_646 = arith.constant 5 : i32
      %dma_wait3A_647 = arith.constant 0 : i32
      %dma_wait3A_648 = arith.constant 0 : i32
      %dma_wait3A_649 = tpu.memref_slice %arg8[%dma_wait3A_646, %dma_wait3A_647, %dma_wait3A_648] : memref<8x128x64xf32, #tpu.memory_space<vmem>> -> memref<1x128x64xf32, #tpu.memory_space<vmem>>
      %dma_wait3A_650 = tpu.memref_squeeze %dma_wait3A_649 : memref<1x128x64xf32, #tpu.memory_space<vmem>> -> memref<128x64xf32, #tpu.memory_space<vmem>>
      %dma_wait3A_651 = arith.constant 0 : i32
      %dma_wait3A_652 = tpu.memref_slice %arg6[%dma_wait3A_645, %dma_wait3A_651] : memref<8x128xi32, #tpu.memory_space<vmem>> -> memref<1x128xi32, #tpu.memory_space<vmem>>
      %dma_wait3A_653 = tpu.memref_squeeze %dma_wait3A_652 : memref<1x128xi32, #tpu.memory_space<vmem>> -> memref<128xi32, #tpu.memory_space<vmem>>
      %dma_wait3A_654 = arith.constant 0 : i32
      %dma_wait3A_655 = arith.constant 0 : i32
      %dma_wait3A_656 = tpu.memref_slice %arg3[%dma_wait3A_654, %dma_wait3A_655] : memref<1000000x64xf32, #tpu.memory_space<hbm>> -> memref<1000000x64xf32, #tpu.memory_space<hbm>>
      tpu.wait_indirect_dma semaphore(%arg22 : memref<!tpu.dma_semaphore, #tpu.memory_space<semaphore_mem>>) src(%dma_wait3A_656 : memref<1000000x64xf32, #tpu.memory_space<hbm>>) dst(%dma_wait3A_650 : memref<128x64xf32, #tpu.memory_space<vmem>>)
      %add3A_657 = arith.constant 5 : i32
      %add3A_658 = arith.addi %mul3A_129, %add3A_657 : i32
      %mul3A_659 = arith.constant 128 : i32
      %mul3A_660 = arith.muli %add3A_658, %mul3A_659 : i32
      %jit3A_661 = arith.constant 200 : i32
      %eq3A_662 = arith.constant 0 : i32
      %eq3A_663 = arith.cmpi eq, %jit3A_661, %eq3A_662 : i32
      %jit3A_664 = arith.constant 1 : i32
      %select_n3A_665 = arith.select %eq3A_663, %jit3A_664, %jit3A_661 : i32
      %rem3A_666 = arith.remsi %mul3A_660, %select_n3A_665 : i32
      %ne3A_667 = arith.constant 0 : i32
      %ne3A_668 = arith.cmpi ne, %rem3A_666, %ne3A_667 : i32
      %lt3A_669 = arith.constant 0 : i32
      %lt3A_670 = arith.cmpi slt, %rem3A_666, %lt3A_669 : i32
      %lt3A_671 = arith.constant 0 : i32
      %lt3A_672 = arith.cmpi slt, %select_n3A_665, %lt3A_671 : i32
      %ne3A_673 = arith.xori %lt3A_670, %lt3A_672 : i1
      %and3A_674 = arith.andi %ne3A_673, %ne3A_668 : i1
      %add3A_675 = arith.addi %rem3A_666, %select_n3A_665 : i32
      %select_n3A_676 = arith.select %and3A_674, %add3A_675, %rem3A_666 : i32
      %scan3A_677 = arith.constant 0 : i32
      %scan3A_678 = arith.constant 0 : i32
      %scan3A_679 = arith.constant 128 : i32
      %scan3A_680 = arith.addi %scan3A_678, %scan3A_679 : i32
      %scan3A_681 = arith.constant 4 : i32
      scf.for %scan3A_903 = %scan3A_678 to %scan3A_680 step %scan3A_681  : i32 {
        %get3A = arith.constant 5 : i32
        %get3A_904 = arith.constant 0 : i32
        %get3A_905 = arith.constant 0 : i32
        %get3A_906 = tpu.memref_slice %arg8[%get3A, %get3A_904, %get3A_905] : memref<8x128x64xf32, #tpu.memory_space<vmem>> -> memref<1x128x64xf32, #tpu.memory_space<vmem>>
        %get3A_907 = tpu.memref_squeeze %get3A_906 : memref<1x128x64xf32, #tpu.memory_space<vmem>> -> memref<128x64xf32, #tpu.memory_space<vmem>>
        %get3A_908 = arith.index_cast %scan3A_903 : i32 to index
        %get3A_909 = arith.constant 0 : index
        %get3A_910 = tpu.vector_load %get3A_907[%get3A_908, %get3A_909] {strides = array<i32>} : memref<128x64xf32, #tpu.memory_space<vmem>>, vector<1x16xf32>,
        %get3A_911 = vector.shape_cast %get3A_910 : vector<1x16xf32> to vector<16xf32>
        %add3A_912 = arith.addi %select_n3A_676, %scan3A_903 : i32
        %get3A_913 = arith.index_cast %add3A_912 : i32 to index
        %get3A_914 = arith.constant 0 : index
        %get3A_915 = tpu.vector_load %arg7[%get3A_913, %get3A_914] {strides = array<i32>} : memref<328x64xf32, #tpu.memory_space<vmem>>, vector<1x16xf32>,
        %get3A_916 = vector.shape_cast %get3A_915 : vector<1x16xf32> to vector<16xf32>
        %add3A_917 = arith.addf %get3A_911, %get3A_916 : vector<16xf32>
        %swap3A = arith.constant 5 : i32
        %swap3A_918 = arith.constant 0 : i32
        %swap3A_919 = arith.constant 0 : i32
        %swap3A_920 = tpu.memref_slice %arg8[%swap3A, %swap3A_918, %swap3A_919] : memref<8x128x64xf32, #tpu.memory_space<vmem>> -> memref<1x128x64xf32, #tpu.memory_space<vmem>>
        %swap3A_921 = tpu.memref_squeeze %swap3A_920 : memref<1x128x64xf32, #tpu.memory_space<vmem>> -> memref<128x64xf32, #tpu.memory_space<vmem>>
        %swap3A_922 = arith.index_cast %scan3A_903 : i32 to index
        %swap3A_923 = arith.constant 0 : index
        %swap3A_924 = tpu.vector_load %swap3A_921[%swap3A_922, %swap3A_923] {strides = array<i32>} : memref<128x64xf32, #tpu.memory_space<vmem>>, vector<1x16xf32>,
        %swap3A_925 = vector.shape_cast %swap3A_924 : vector<1x16xf32> to vector<16xf32>
        %swap3A_926 = vector.shape_cast %add3A_917 : vector<16xf32> to vector<1x16xf32>
        tpu.vector_store %swap3A_921[%swap3A_922, %swap3A_923], %swap3A_926 {strides = array<i32>} : memref<128x64xf32, #tpu.memory_space<vmem>>, vector<1x16xf32>,
        %get3A_927 = arith.constant 5 : i32
        %get3A_928 = arith.constant 0 : i32
        %get3A_929 = arith.constant 0 : i32
        %get3A_930 = tpu.memref_slice %arg8[%get3A_927, %get3A_928, %get3A_929] : memref<8x128x64xf32, #tpu.memory_space<vmem>> -> memref<1x128x64xf32, #tpu.memory_space<vmem>>
        %get3A_931 = tpu.memref_squeeze %get3A_930 : memref<1x128x64xf32, #tpu.memory_space<vmem>> -> memref<128x64xf32, #tpu.memory_space<vmem>>
        %get3A_932 = arith.index_cast %scan3A_903 : i32 to index
        %get3A_933 = arith.constant 16 : index
        %get3A_934 = tpu.vector_load %get3A_931[%get3A_932, %get3A_933] {strides = array<i32>} : memref<128x64xf32, #tpu.memory_space<vmem>>, vector<1x16xf32>,
        %get3A_935 = vector.shape_cast %get3A_934 : vector<1x16xf32> to vector<16xf32>
        %add3A_936 = arith.addi %select_n3A_676, %scan3A_903 : i32
        %get3A_937 = arith.index_cast %add3A_936 : i32 to index
        %get3A_938 = arith.constant 16 : index
        %get3A_939 = tpu.vector_load %arg7[%get3A_937, %get3A_938] {strides = array<i32>} : memref<328x64xf32, #tpu.memory_space<vmem>>, vector<1x16xf32>,
        %get3A_940 = vector.shape_cast %get3A_939 : vector<1x16xf32> to vector<16xf32>
        %add3A_941 = arith.addf %get3A_935, %get3A_940 : vector<16xf32>
        %swap3A_942 = arith.constant 5 : i32
        %swap3A_943 = arith.constant 0 : i32
        %swap3A_944 = arith.constant 0 : i32
        %swap3A_945 = tpu.memref_slice %arg8[%swap3A_942, %swap3A_943, %swap3A_944] : memref<8x128x64xf32, #tpu.memory_space<vmem>> -> memref<1x128x64xf32, #tpu.memory_space<vmem>>
        %swap3A_946 = tpu.memref_squeeze %swap3A_945 : memref<1x128x64xf32, #tpu.memory_space<vmem>> -> memref<128x64xf32, #tpu.memory_space<vmem>>
        %swap3A_947 = arith.index_cast %scan3A_903 : i32 to index
        %swap3A_948 = arith.constant 16 : index
        %swap3A_949 = tpu.vector_load %swap3A_946[%swap3A_947, %swap3A_948] {strides = array<i32>} : memref<128x64xf32, #tpu.memory_space<vmem>>, vector<1x16xf32>,
        %swap3A_950 = vector.shape_cast %swap3A_949 : vector<1x16xf32> to vector<16xf32>
        %swap3A_951 = vector.shape_cast %add3A_941 : vector<16xf32> to vector<1x16xf32>
        tpu.vector_store %swap3A_946[%swap3A_947, %swap3A_948], %swap3A_951 {strides = array<i32>} : memref<128x64xf32, #tpu.memory_space<vmem>>, vector<1x16xf32>,
        %get3A_952 = arith.constant 5 : i32
        %get3A_953 = arith.constant 0 : i32
        %get3A_954 = arith.constant 0 : i32
        %get3A_955 = tpu.memref_slice %arg8[%get3A_952, %get3A_953, %get3A_954] : memref<8x128x64xf32, #tpu.memory_space<vmem>> -> memref<1x128x64xf32, #tpu.memory_space<vmem>>
        %get3A_956 = tpu.memref_squeeze %get3A_955 : memref<1x128x64xf32, #tpu.memory_space<vmem>> -> memref<128x64xf32, #tpu.memory_space<vmem>>
        %get3A_957 = arith.index_cast %scan3A_903 : i32 to index
        %get3A_958 = arith.constant 32 : index
        %get3A_959 = tpu.vector_load %get3A_956[%get3A_957, %get3A_958] {strides = array<i32>} : memref<128x64xf32, #tpu.memory_space<vmem>>, vector<1x16xf32>,
        %get3A_960 = vector.shape_cast %get3A_959 : vector<1x16xf32> to vector<16xf32>
        %add3A_961 = arith.addi %select_n3A_676, %scan3A_903 : i32
        %get3A_962 = arith.index_cast %add3A_961 : i32 to index
        %get3A_963 = arith.constant 32 : index
        %get3A_964 = tpu.vector_load %arg7[%get3A_962, %get3A_963] {strides = array<i32>} : memref<328x64xf32, #tpu.memory_space<vmem>>, vector<1x16xf32>,
        %get3A_965 = vector.shape_cast %get3A_964 : vector<1x16xf32> to vector<16xf32>
        %add3A_966 = arith.addf %get3A_960, %get3A_965 : vector<16xf32>
        %swap3A_967 = arith.constant 5 : i32
        %swap3A_968 = arith.constant 0 : i32
        %swap3A_969 = arith.constant 0 : i32
        %swap3A_970 = tpu.memref_slice %arg8[%swap3A_967, %swap3A_968, %swap3A_969] : memref<8x128x64xf32, #tpu.memory_space<vmem>> -> memref<1x128x64xf32, #tpu.memory_space<vmem>>
        %swap3A_971 = tpu.memref_squeeze %swap3A_970 : memref<1x128x64xf32, #tpu.memory_space<vmem>> -> memref<128x64xf32, #tpu.memory_space<vmem>>
        %swap3A_972 = arith.index_cast %scan3A_903 : i32 to index
        %swap3A_973 = arith.constant 32 : index
        %swap3A_974 = tpu.vector_load %swap3A_971[%swap3A_972, %swap3A_973] {strides = array<i32>} : memref<128x64xf32, #tpu.memory_space<vmem>>, vector<1x16xf32>,
        %swap3A_975 = vector.shape_cast %swap3A_974 : vector<1x16xf32> to vector<16xf32>
        %swap3A_976 = vector.shape_cast %add3A_966 : vector<16xf32> to vector<1x16xf32>
        tpu.vector_store %swap3A_971[%swap3A_972, %swap3A_973], %swap3A_976 {strides = array<i32>} : memref<128x64xf32, #tpu.memory_space<vmem>>, vector<1x16xf32>,
        %get3A_977 = arith.constant 5 : i32
        %get3A_978 = arith.constant 0 : i32
        %get3A_979 = arith.constant 0 : i32
        %get3A_980 = tpu.memref_slice %arg8[%get3A_977, %get3A_978, %get3A_979] : memref<8x128x64xf32, #tpu.memory_space<vmem>> -> memref<1x128x64xf32, #tpu.memory_space<vmem>>
        %get3A_981 = tpu.memref_squeeze %get3A_980 : memref<1x128x64xf32, #tpu.memory_space<vmem>> -> memref<128x64xf32, #tpu.memory_space<vmem>>
        %get3A_982 = arith.index_cast %scan3A_903 : i32 to index
        %get3A_983 = arith.constant 48 : index
        %get3A_984 = tpu.vector_load %get3A_981[%get3A_982, %get3A_983] {strides = array<i32>} : memref<128x64xf32, #tpu.memory_space<vmem>>, vector<1x16xf32>,
        %get3A_985 = vector.shape_cast %get3A_984 : vector<1x16xf32> to vector<16xf32>
        %add3A_986 = arith.addi %select_n3A_676, %scan3A_903 : i32
        %get3A_987 = arith.index_cast %add3A_986 : i32 to index
        %get3A_988 = arith.constant 48 : index
        %get3A_989 = tpu.vector_load %arg7[%get3A_987, %get3A_988] {strides = array<i32>} : memref<328x64xf32, #tpu.memory_space<vmem>>, vector<1x16xf32>,
        %get3A_990 = vector.shape_cast %get3A_989 : vector<1x16xf32> to vector<16xf32>
        %add3A_991 = arith.addf %get3A_985, %get3A_990 : vector<16xf32>
        %swap3A_992 = arith.constant 5 : i32
        %swap3A_993 = arith.constant 0 : i32
        %swap3A_994 = arith.constant 0 : i32
        %swap3A_995 = tpu.memref_slice %arg8[%swap3A_992, %swap3A_993, %swap3A_994] : memref<8x128x64xf32, #tpu.memory_space<vmem>> -> memref<1x128x64xf32, #tpu.memory_space<vmem>>
        %swap3A_996 = tpu.memref_squeeze %swap3A_995 : memref<1x128x64xf32, #tpu.memory_space<vmem>> -> memref<128x64xf32, #tpu.memory_space<vmem>>
        %swap3A_997 = arith.index_cast %scan3A_903 : i32 to index
        %swap3A_998 = arith.constant 48 : index
        %swap3A_999 = tpu.vector_load %swap3A_996[%swap3A_997, %swap3A_998] {strides = array<i32>} : memref<128x64xf32, #tpu.memory_space<vmem>>, vector<1x16xf32>,
        %swap3A_1000 = vector.shape_cast %swap3A_999 : vector<1x16xf32> to vector<16xf32>
        %swap3A_1001 = vector.shape_cast %add3A_991 : vector<16xf32> to vector<1x16xf32>
        tpu.vector_store %swap3A_996[%swap3A_997, %swap3A_998], %swap3A_1001 {strides = array<i32>} : memref<128x64xf32, #tpu.memory_space<vmem>>, vector<1x16xf32>,
        %scan3A_1002 = arith.constant 1 : i32
        %scan3A_1003 = arith.addi %scan3A_903, %scan3A_1002 : i32
        %get3A_1004 = arith.constant 5 : i32
        %get3A_1005 = arith.constant 0 : i32
        %get3A_1006 = arith.constant 0 : i32
        %get3A_1007 = tpu.memref_slice %arg8[%get3A_1004, %get3A_1005, %get3A_1006] : memref<8x128x64xf32, #tpu.memory_space<vmem>> -> memref<1x128x64xf32, #tpu.memory_space<vmem>>
        %get3A_1008 = tpu.memref_squeeze %get3A_1007 : memref<1x128x64xf32, #tpu.memory_space<vmem>> -> memref<128x64xf32, #tpu.memory_space<vmem>>
        %get3A_1009 = arith.index_cast %scan3A_1003 : i32 to index
        %get3A_1010 = arith.constant 0 : index
        %get3A_1011 = tpu.vector_load %get3A_1008[%get3A_1009, %get3A_1010] {strides = array<i32>} : memref<128x64xf32, #tpu.memory_space<vmem>>, vector<1x16xf32>,
        %get3A_1012 = vector.shape_cast %get3A_1011 : vector<1x16xf32> to vector<16xf32>
        %add3A_1013 = arith.addi %select_n3A_676, %scan3A_1003 : i32
        %get3A_1014 = arith.index_cast %add3A_1013 : i32 to index
        %get3A_1015 = arith.constant 0 : index
        %get3A_1016 = tpu.vector_load %arg7[%get3A_1014, %get3A_1015] {strides = array<i32>} : memref<328x64xf32, #tpu.memory_space<vmem>>, vector<1x16xf32>,
        %get3A_1017 = vector.shape_cast %get3A_1016 : vector<1x16xf32> to vector<16xf32>
        %add3A_1018 = arith.addf %get3A_1012, %get3A_1017 : vector<16xf32>
        %swap3A_1019 = arith.constant 5 : i32
        %swap3A_1020 = arith.constant 0 : i32
        %swap3A_1021 = arith.constant 0 : i32
        %swap3A_1022 = tpu.memref_slice %arg8[%swap3A_1019, %swap3A_1020, %swap3A_1021] : memref<8x128x64xf32, #tpu.memory_space<vmem>> -> memref<1x128x64xf32, #tpu.memory_space<vmem>>
        %swap3A_1023 = tpu.memref_squeeze %swap3A_1022 : memref<1x128x64xf32, #tpu.memory_space<vmem>> -> memref<128x64xf32, #tpu.memory_space<vmem>>
        %swap3A_1024 = arith.index_cast %scan3A_1003 : i32 to index
        %swap3A_1025 = arith.constant 0 : index
        %swap3A_1026 = tpu.vector_load %swap3A_1023[%swap3A_1024, %swap3A_1025] {strides = array<i32>} : memref<128x64xf32, #tpu.memory_space<vmem>>, vector<1x16xf32>,
        %swap3A_1027 = vector.shape_cast %swap3A_1026 : vector<1x16xf32> to vector<16xf32>
        %swap3A_1028 = vector.shape_cast %add3A_1018 : vector<16xf32> to vector<1x16xf32>
        tpu.vector_store %swap3A_1023[%swap3A_1024, %swap3A_1025], %swap3A_1028 {strides = array<i32>} : memref<128x64xf32, #tpu.memory_space<vmem>>, vector<1x16xf32>,
        %get3A_1029 = arith.constant 5 : i32
        %get3A_1030 = arith.constant 0 : i32
        %get3A_1031 = arith.constant 0 : i32
        %get3A_1032 = tpu.memref_slice %arg8[%get3A_1029, %get3A_1030, %get3A_1031] : memref<8x128x64xf32, #tpu.memory_space<vmem>> -> memref<1x128x64xf32, #tpu.memory_space<vmem>>
        %get3A_1033 = tpu.memref_squeeze %get3A_1032 : memref<1x128x64xf32, #tpu.memory_space<vmem>> -> memref<128x64xf32, #tpu.memory_space<vmem>>
        %get3A_1034 = arith.index_cast %scan3A_1003 : i32 to index
        %get3A_1035 = arith.constant 16 : index
        %get3A_1036 = tpu.vector_load %get3A_1033[%get3A_1034, %get3A_1035] {strides = array<i32>} : memref<128x64xf32, #tpu.memory_space<vmem>>, vector<1x16xf32>,
        %get3A_1037 = vector.shape_cast %get3A_1036 : vector<1x16xf32> to vector<16xf32>
        %add3A_1038 = arith.addi %select_n3A_676, %scan3A_1003 : i32
        %get3A_1039 = arith.index_cast %add3A_1038 : i32 to index
        %get3A_1040 = arith.constant 16 : index
        %get3A_1041 = tpu.vector_load %arg7[%get3A_1039, %get3A_1040] {strides = array<i32>} : memref<328x64xf32, #tpu.memory_space<vmem>>, vector<1x16xf32>,
        %get3A_1042 = vector.shape_cast %get3A_1041 : vector<1x16xf32> to vector<16xf32>
        %add3A_1043 = arith.addf %get3A_1037, %get3A_1042 : vector<16xf32>
        %swap3A_1044 = arith.constant 5 : i32
        %swap3A_1045 = arith.constant 0 : i32
        %swap3A_1046 = arith.constant 0 : i32
        %swap3A_1047 = tpu.memref_slice %arg8[%swap3A_1044, %swap3A_1045, %swap3A_1046] : memref<8x128x64xf32, #tpu.memory_space<vmem>> -> memref<1x128x64xf32, #tpu.memory_space<vmem>>
        %swap3A_1048 = tpu.memref_squeeze %swap3A_1047 : memref<1x128x64xf32, #tpu.memory_space<vmem>> -> memref<128x64xf32, #tpu.memory_space<vmem>>
        %swap3A_1049 = arith.index_cast %scan3A_1003 : i32 to index
        %swap3A_1050 = arith.constant 16 : index
        %swap3A_1051 = tpu.vector_load %swap3A_1048[%swap3A_1049, %swap3A_1050] {strides = array<i32>} : memref<128x64xf32, #tpu.memory_space<vmem>>, vector<1x16xf32>,
        %swap3A_1052 = vector.shape_cast %swap3A_1051 : vector<1x16xf32> to vector<16xf32>
        %swap3A_1053 = vector.shape_cast %add3A_1043 : vector<16xf32> to vector<1x16xf32>
        tpu.vector_store %swap3A_1048[%swap3A_1049, %swap3A_1050], %swap3A_1053 {strides = array<i32>} : memref<128x64xf32, #tpu.memory_space<vmem>>, vector<1x16xf32>,
        %get3A_1054 = arith.constant 5 : i32
        %get3A_1055 = arith.constant 0 : i32
        %get3A_1056 = arith.constant 0 : i32
        %get3A_1057 = tpu.memref_slice %arg8[%get3A_1054, %get3A_1055, %get3A_1056] : memref<8x128x64xf32, #tpu.memory_space<vmem>> -> memref<1x128x64xf32, #tpu.memory_space<vmem>>
        %get3A_1058 = tpu.memref_squeeze %get3A_1057 : memref<1x128x64xf32, #tpu.memory_space<vmem>> -> memref<128x64xf32, #tpu.memory_space<vmem>>
        %get3A_1059 = arith.index_cast %scan3A_1003 : i32 to index
        %get3A_1060 = arith.constant 32 : index
        %get3A_1061 = tpu.vector_load %get3A_1058[%get3A_1059, %get3A_1060] {strides = array<i32>} : memref<128x64xf32, #tpu.memory_space<vmem>>, vector<1x16xf32>,
        %get3A_1062 = vector.shape_cast %get3A_1061 : vector<1x16xf32> to vector<16xf32>
        %add3A_1063 = arith.addi %select_n3A_676, %scan3A_1003 : i32
        %get3A_1064 = arith.index_cast %add3A_1063 : i32 to index
        %get3A_1065 = arith.constant 32 : index
        %get3A_1066 = tpu.vector_load %arg7[%get3A_1064, %get3A_1065] {strides = array<i32>} : memref<328x64xf32, #tpu.memory_space<vmem>>, vector<1x16xf32>,
        %get3A_1067 = vector.shape_cast %get3A_1066 : vector<1x16xf32> to vector<16xf32>
        %add3A_1068 = arith.addf %get3A_1062, %get3A_1067 : vector<16xf32>
        %swap3A_1069 = arith.constant 5 : i32
        %swap3A_1070 = arith.constant 0 : i32
        %swap3A_1071 = arith.constant 0 : i32
        %swap3A_1072 = tpu.memref_slice %arg8[%swap3A_1069, %swap3A_1070, %swap3A_1071] : memref<8x128x64xf32, #tpu.memory_space<vmem>> -> memref<1x128x64xf32, #tpu.memory_space<vmem>>
        %swap3A_1073 = tpu.memref_squeeze %swap3A_1072 : memref<1x128x64xf32, #tpu.memory_space<vmem>> -> memref<128x64xf32, #tpu.memory_space<vmem>>
        %swap3A_1074 = arith.index_cast %scan3A_1003 : i32 to index
        %swap3A_1075 = arith.constant 32 : index
        %swap3A_1076 = tpu.vector_load %swap3A_1073[%swap3A_1074, %swap3A_1075] {strides = array<i32>} : memref<128x64xf32, #tpu.memory_space<vmem>>, vector<1x16xf32>,
        %swap3A_1077 = vector.shape_cast %swap3A_1076 : vector<1x16xf32> to vector<16xf32>
        %swap3A_1078 = vector.shape_cast %add3A_1068 : vector<16xf32> to vector<1x16xf32>
        tpu.vector_store %swap3A_1073[%swap3A_1074, %swap3A_1075], %swap3A_1078 {strides = array<i32>} : memref<128x64xf32, #tpu.memory_space<vmem>>, vector<1x16xf32>,
        %get3A_1079 = arith.constant 5 : i32
        %get3A_1080 = arith.constant 0 : i32
        %get3A_1081 = arith.constant 0 : i32
        %get3A_1082 = tpu.memref_slice %arg8[%get3A_1079, %get3A_1080, %get3A_1081] : memref<8x128x64xf32, #tpu.memory_space<vmem>> -> memref<1x128x64xf32, #tpu.memory_space<vmem>>
        %get3A_1083 = tpu.memref_squeeze %get3A_1082 : memref<1x128x64xf32, #tpu.memory_space<vmem>> -> memref<128x64xf32, #tpu.memory_space<vmem>>
        %get3A_1084 = arith.index_cast %scan3A_1003 : i32 to index
        %get3A_1085 = arith.constant 48 : index
        %get3A_1086 = tpu.vector_load %get3A_1083[%get3A_1084, %get3A_1085] {strides = array<i32>} : memref<128x64xf32, #tpu.memory_space<vmem>>, vector<1x16xf32>,
        %get3A_1087 = vector.shape_cast %get3A_1086 : vector<1x16xf32> to vector<16xf32>
        %add3A_1088 = arith.addi %select_n3A_676, %scan3A_1003 : i32
        %get3A_1089 = arith.index_cast %add3A_1088 : i32 to index
        %get3A_1090 = arith.constant 48 : index
        %get3A_1091 = tpu.vector_load %arg7[%get3A_1089, %get3A_1090] {strides = array<i32>} : memref<328x64xf32, #tpu.memory_space<vmem>>, vector<1x16xf32>,
        %get3A_1092 = vector.shape_cast %get3A_1091 : vector<1x16xf32> to vector<16xf32>
        %add3A_1093 = arith.addf %get3A_1087, %get3A_1092 : vector<16xf32>
        %swap3A_1094 = arith.constant 5 : i32
        %swap3A_1095 = arith.constant 0 : i32
        %swap3A_1096 = arith.constant 0 : i32
        %swap3A_1097 = tpu.memref_slice %arg8[%swap3A_1094, %swap3A_1095, %swap3A_1096] : memref<8x128x64xf32, #tpu.memory_space<vmem>> -> memref<1x128x64xf32, #tpu.memory_space<vmem>>
        %swap3A_1098 = tpu.memref_squeeze %swap3A_1097 : memref<1x128x64xf32, #tpu.memory_space<vmem>> -> memref<128x64xf32, #tpu.memory_space<vmem>>
        %swap3A_1099 = arith.index_cast %scan3A_1003 : i32 to index
        %swap3A_1100 = arith.constant 48 : index
        %swap3A_1101 = tpu.vector_load %swap3A_1098[%swap3A_1099, %swap3A_1100] {strides = array<i32>} : memref<128x64xf32, #tpu.memory_space<vmem>>, vector<1x16xf32>,
        %swap3A_1102 = vector.shape_cast %swap3A_1101 : vector<1x16xf32> to vector<16xf32>
        %swap3A_1103 = vector.shape_cast %add3A_1093 : vector<16xf32> to vector<1x16xf32>
        tpu.vector_store %swap3A_1098[%swap3A_1099, %swap3A_1100], %swap3A_1103 {strides = array<i32>} : memref<128x64xf32, #tpu.memory_space<vmem>>, vector<1x16xf32>,
        %scan3A_1104 = arith.constant 2 : i32
        %scan3A_1105 = arith.addi %scan3A_903, %scan3A_1104 : i32
        %get3A_1106 = arith.constant 5 : i32
        %get3A_1107 = arith.constant 0 : i32
        %get3A_1108 = arith.constant 0 : i32
        %get3A_1109 = tpu.memref_slice %arg8[%get3A_1106, %get3A_1107, %get3A_1108] : memref<8x128x64xf32, #tpu.memory_space<vmem>> -> memref<1x128x64xf32, #tpu.memory_space<vmem>>
        %get3A_1110 = tpu.memref_squeeze %get3A_1109 : memref<1x128x64xf32, #tpu.memory_space<vmem>> -> memref<128x64xf32, #tpu.memory_space<vmem>>
        %get3A_1111 = arith.index_cast %scan3A_1105 : i32 to index
        %get3A_1112 = arith.constant 0 : index
        %get3A_1113 = tpu.vector_load %get3A_1110[%get3A_1111, %get3A_1112] {strides = array<i32>} : memref<128x64xf32, #tpu.memory_space<vmem>>, vector<1x16xf32>,
        %get3A_1114 = vector.shape_cast %get3A_1113 : vector<1x16xf32> to vector<16xf32>
        %add3A_1115 = arith.addi %select_n3A_676, %scan3A_1105 : i32
        %get3A_1116 = arith.index_cast %add3A_1115 : i32 to index
        %get3A_1117 = arith.constant 0 : index
        %get3A_1118 = tpu.vector_load %arg7[%get3A_1116, %get3A_1117] {strides = array<i32>} : memref<328x64xf32, #tpu.memory_space<vmem>>, vector<1x16xf32>,
        %get3A_1119 = vector.shape_cast %get3A_1118 : vector<1x16xf32> to vector<16xf32>
        %add3A_1120 = arith.addf %get3A_1114, %get3A_1119 : vector<16xf32>
        %swap3A_1121 = arith.constant 5 : i32
        %swap3A_1122 = arith.constant 0 : i32
        %swap3A_1123 = arith.constant 0 : i32
        %swap3A_1124 = tpu.memref_slice %arg8[%swap3A_1121, %swap3A_1122, %swap3A_1123] : memref<8x128x64xf32, #tpu.memory_space<vmem>> -> memref<1x128x64xf32, #tpu.memory_space<vmem>>
        %swap3A_1125 = tpu.memref_squeeze %swap3A_1124 : memref<1x128x64xf32, #tpu.memory_space<vmem>> -> memref<128x64xf32, #tpu.memory_space<vmem>>
        %swap3A_1126 = arith.index_cast %scan3A_1105 : i32 to index
        %swap3A_1127 = arith.constant 0 : index
        %swap3A_1128 = tpu.vector_load %swap3A_1125[%swap3A_1126, %swap3A_1127] {strides = array<i32>} : memref<128x64xf32, #tpu.memory_space<vmem>>, vector<1x16xf32>,
        %swap3A_1129 = vector.shape_cast %swap3A_1128 : vector<1x16xf32> to vector<16xf32>
        %swap3A_1130 = vector.shape_cast %add3A_1120 : vector<16xf32> to vector<1x16xf32>
        tpu.vector_store %swap3A_1125[%swap3A_1126, %swap3A_1127], %swap3A_1130 {strides = array<i32>} : memref<128x64xf32, #tpu.memory_space<vmem>>, vector<1x16xf32>,
        %get3A_1131 = arith.constant 5 : i32
        %get3A_1132 = arith.constant 0 : i32
        %get3A_1133 = arith.constant 0 : i32
        %get3A_1134 = tpu.memref_slice %arg8[%get3A_1131, %get3A_1132, %get3A_1133] : memref<8x128x64xf32, #tpu.memory_space<vmem>> -> memref<1x128x64xf32, #tpu.memory_space<vmem>>
        %get3A_1135 = tpu.memref_squeeze %get3A_1134 : memref<1x128x64xf32, #tpu.memory_space<vmem>> -> memref<128x64xf32, #tpu.memory_space<vmem>>
        %get3A_1136 = arith.index_cast %scan3A_1105 : i32 to index
        %get3A_1137 = arith.constant 16 : index
        %get3A_1138 = tpu.vector_load %get3A_1135[%get3A_1136, %get3A_1137] {strides = array<i32>} : memref<128x64xf32, #tpu.memory_space<vmem>>, vector<1x16xf32>,
        %get3A_1139 = vector.shape_cast %get3A_1138 : vector<1x16xf32> to vector<16xf32>
        %add3A_1140 = arith.addi %select_n3A_676, %scan3A_1105 : i32
        %get3A_1141 = arith.index_cast %add3A_1140 : i32 to index
        %get3A_1142 = arith.constant 16 : index
        %get3A_1143 = tpu.vector_load %arg7[%get3A_1141, %get3A_1142] {strides = array<i32>} : memref<328x64xf32, #tpu.memory_space<vmem>>, vector<1x16xf32>,
        %get3A_1144 = vector.shape_cast %get3A_1143 : vector<1x16xf32> to vector<16xf32>
        %add3A_1145 = arith.addf %get3A_1139, %get3A_1144 : vector<16xf32>
        %swap3A_1146 = arith.constant 5 : i32
        %swap3A_1147 = arith.constant 0 : i32
        %swap3A_1148 = arith.constant 0 : i32
        %swap3A_1149 = tpu.memref_slice %arg8[%swap3A_1146, %swap3A_1147, %swap3A_1148] : memref<8x128x64xf32, #tpu.memory_space<vmem>> -> memref<1x128x64xf32, #tpu.memory_space<vmem>>
        %swap3A_1150 = tpu.memref_squeeze %swap3A_1149 : memref<1x128x64xf32, #tpu.memory_space<vmem>> -> memref<128x64xf32, #tpu.memory_space<vmem>>
        %swap3A_1151 = arith.index_cast %scan3A_1105 : i32 to index
        %swap3A_1152 = arith.constant 16 : index
        %swap3A_1153 = tpu.vector_load %swap3A_1150[%swap3A_1151, %swap3A_1152] {strides = array<i32>} : memref<128x64xf32, #tpu.memory_space<vmem>>, vector<1x16xf32>,
        %swap3A_1154 = vector.shape_cast %swap3A_1153 : vector<1x16xf32> to vector<16xf32>
        %swap3A_1155 = vector.shape_cast %add3A_1145 : vector<16xf32> to vector<1x16xf32>
        tpu.vector_store %swap3A_1150[%swap3A_1151, %swap3A_1152], %swap3A_1155 {strides = array<i32>} : memref<128x64xf32, #tpu.memory_space<vmem>>, vector<1x16xf32>,
        %get3A_1156 = arith.constant 5 : i32
        %get3A_1157 = arith.constant 0 : i32
        %get3A_1158 = arith.constant 0 : i32
        %get3A_1159 = tpu.memref_slice %arg8[%get3A_1156, %get3A_1157, %get3A_1158] : memref<8x128x64xf32, #tpu.memory_space<vmem>> -> memref<1x128x64xf32, #tpu.memory_space<vmem>>
        %get3A_1160 = tpu.memref_squeeze %get3A_1159 : memref<1x128x64xf32, #tpu.memory_space<vmem>> -> memref<128x64xf32, #tpu.memory_space<vmem>>
        %get3A_1161 = arith.index_cast %scan3A_1105 : i32 to index
        %get3A_1162 = arith.constant 32 : index
        %get3A_1163 = tpu.vector_load %get3A_1160[%get3A_1161, %get3A_1162] {strides = array<i32>} : memref<128x64xf32, #tpu.memory_space<vmem>>, vector<1x16xf32>,
        %get3A_1164 = vector.shape_cast %get3A_1163 : vector<1x16xf32> to vector<16xf32>
        %add3A_1165 = arith.addi %select_n3A_676, %scan3A_1105 : i32
        %get3A_1166 = arith.index_cast %add3A_1165 : i32 to index
        %get3A_1167 = arith.constant 32 : index
        %get3A_1168 = tpu.vector_load %arg7[%get3A_1166, %get3A_1167] {strides = array<i32>} : memref<328x64xf32, #tpu.memory_space<vmem>>, vector<1x16xf32>,
        %get3A_1169 = vector.shape_cast %get3A_1168 : vector<1x16xf32> to vector<16xf32>
        %add3A_1170 = arith.addf %get3A_1164, %get3A_1169 : vector<16xf32>
        %swap3A_1171 = arith.constant 5 : i32
        %swap3A_1172 = arith.constant 0 : i32
        %swap3A_1173 = arith.constant 0 : i32
        %swap3A_1174 = tpu.memref_slice %arg8[%swap3A_1171, %swap3A_1172, %swap3A_1173] : memref<8x128x64xf32, #tpu.memory_space<vmem>> -> memref<1x128x64xf32, #tpu.memory_space<vmem>>
        %swap3A_1175 = tpu.memref_squeeze %swap3A_1174 : memref<1x128x64xf32, #tpu.memory_space<vmem>> -> memref<128x64xf32, #tpu.memory_space<vmem>>
        %swap3A_1176 = arith.index_cast %scan3A_1105 : i32 to index
        %swap3A_1177 = arith.constant 32 : index
        %swap3A_1178 = tpu.vector_load %swap3A_1175[%swap3A_1176, %swap3A_1177] {strides = array<i32>} : memref<128x64xf32, #tpu.memory_space<vmem>>, vector<1x16xf32>,
        %swap3A_1179 = vector.shape_cast %swap3A_1178 : vector<1x16xf32> to vector<16xf32>
        %swap3A_1180 = vector.shape_cast %add3A_1170 : vector<16xf32> to vector<1x16xf32>
        tpu.vector_store %swap3A_1175[%swap3A_1176, %swap3A_1177], %swap3A_1180 {strides = array<i32>} : memref<128x64xf32, #tpu.memory_space<vmem>>, vector<1x16xf32>,
        %get3A_1181 = arith.constant 5 : i32
        %get3A_1182 = arith.constant 0 : i32
        %get3A_1183 = arith.constant 0 : i32
        %get3A_1184 = tpu.memref_slice %arg8[%get3A_1181, %get3A_1182, %get3A_1183] : memref<8x128x64xf32, #tpu.memory_space<vmem>> -> memref<1x128x64xf32, #tpu.memory_space<vmem>>
        %get3A_1185 = tpu.memref_squeeze %get3A_1184 : memref<1x128x64xf32, #tpu.memory_space<vmem>> -> memref<128x64xf32, #tpu.memory_space<vmem>>
        %get3A_1186 = arith.index_cast %scan3A_1105 : i32 to index
        %get3A_1187 = arith.constant 48 : index
        %get3A_1188 = tpu.vector_load %get3A_1185[%get3A_1186, %get3A_1187] {strides = array<i32>} : memref<128x64xf32, #tpu.memory_space<vmem>>, vector<1x16xf32>,
        %get3A_1189 = vector.shape_cast %get3A_1188 : vector<1x16xf32> to vector<16xf32>
        %add3A_1190 = arith.addi %select_n3A_676, %scan3A_1105 : i32
        %get3A_1191 = arith.index_cast %add3A_1190 : i32 to index
        %get3A_1192 = arith.constant 48 : index
        %get3A_1193 = tpu.vector_load %arg7[%get3A_1191, %get3A_1192] {strides = array<i32>} : memref<328x64xf32, #tpu.memory_space<vmem>>, vector<1x16xf32>,
        %get3A_1194 = vector.shape_cast %get3A_1193 : vector<1x16xf32> to vector<16xf32>
        %add3A_1195 = arith.addf %get3A_1189, %get3A_1194 : vector<16xf32>
        %swap3A_1196 = arith.constant 5 : i32
        %swap3A_1197 = arith.constant 0 : i32
        %swap3A_1198 = arith.constant 0 : i32
        %swap3A_1199 = tpu.memref_slice %arg8[%swap3A_1196, %swap3A_1197, %swap3A_1198] : memref<8x128x64xf32, #tpu.memory_space<vmem>> -> memref<1x128x64xf32, #tpu.memory_space<vmem>>
        %swap3A_1200 = tpu.memref_squeeze %swap3A_1199 : memref<1x128x64xf32, #tpu.memory_space<vmem>> -> memref<128x64xf32, #tpu.memory_space<vmem>>
        %swap3A_1201 = arith.index_cast %scan3A_1105 : i32 to index
        %swap3A_1202 = arith.constant 48 : index
        %swap3A_1203 = tpu.vector_load %swap3A_1200[%swap3A_1201, %swap3A_1202] {strides = array<i32>} : memref<128x64xf32, #tpu.memory_space<vmem>>, vector<1x16xf32>,
        %swap3A_1204 = vector.shape_cast %swap3A_1203 : vector<1x16xf32> to vector<16xf32>
        %swap3A_1205 = vector.shape_cast %add3A_1195 : vector<16xf32> to vector<1x16xf32>
        tpu.vector_store %swap3A_1200[%swap3A_1201, %swap3A_1202], %swap3A_1205 {strides = array<i32>} : memref<128x64xf32, #tpu.memory_space<vmem>>, vector<1x16xf32>,
        %scan3A_1206 = arith.constant 3 : i32
        %scan3A_1207 = arith.addi %scan3A_903, %scan3A_1206 : i32
        %get3A_1208 = arith.constant 5 : i32
        %get3A_1209 = arith.constant 0 : i32
        %get3A_1210 = arith.constant 0 : i32
        %get3A_1211 = tpu.memref_slice %arg8[%get3A_1208, %get3A_1209, %get3A_1210] : memref<8x128x64xf32, #tpu.memory_space<vmem>> -> memref<1x128x64xf32, #tpu.memory_space<vmem>>
        %get3A_1212 = tpu.memref_squeeze %get3A_1211 : memref<1x128x64xf32, #tpu.memory_space<vmem>> -> memref<128x64xf32, #tpu.memory_space<vmem>>
        %get3A_1213 = arith.index_cast %scan3A_1207 : i32 to index
        %get3A_1214 = arith.constant 0 : index
        %get3A_1215 = tpu.vector_load %get3A_1212[%get3A_1213, %get3A_1214] {strides = array<i32>} : memref<128x64xf32, #tpu.memory_space<vmem>>, vector<1x16xf32>,
        %get3A_1216 = vector.shape_cast %get3A_1215 : vector<1x16xf32> to vector<16xf32>
        %add3A_1217 = arith.addi %select_n3A_676, %scan3A_1207 : i32
        %get3A_1218 = arith.index_cast %add3A_1217 : i32 to index
        %get3A_1219 = arith.constant 0 : index
        %get3A_1220 = tpu.vector_load %arg7[%get3A_1218, %get3A_1219] {strides = array<i32>} : memref<328x64xf32, #tpu.memory_space<vmem>>, vector<1x16xf32>,
        %get3A_1221 = vector.shape_cast %get3A_1220 : vector<1x16xf32> to vector<16xf32>
        %add3A_1222 = arith.addf %get3A_1216, %get3A_1221 : vector<16xf32>
        %swap3A_1223 = arith.constant 5 : i32
        %swap3A_1224 = arith.constant 0 : i32
        %swap3A_1225 = arith.constant 0 : i32
        %swap3A_1226 = tpu.memref_slice %arg8[%swap3A_1223, %swap3A_1224, %swap3A_1225] : memref<8x128x64xf32, #tpu.memory_space<vmem>> -> memref<1x128x64xf32, #tpu.memory_space<vmem>>
        %swap3A_1227 = tpu.memref_squeeze %swap3A_1226 : memref<1x128x64xf32, #tpu.memory_space<vmem>> -> memref<128x64xf32, #tpu.memory_space<vmem>>
        %swap3A_1228 = arith.index_cast %scan3A_1207 : i32 to index
        %swap3A_1229 = arith.constant 0 : index
        %swap3A_1230 = tpu.vector_load %swap3A_1227[%swap3A_1228, %swap3A_1229] {strides = array<i32>} : memref<128x64xf32, #tpu.memory_space<vmem>>, vector<1x16xf32>,
        %swap3A_1231 = vector.shape_cast %swap3A_1230 : vector<1x16xf32> to vector<16xf32>
        %swap3A_1232 = vector.shape_cast %add3A_1222 : vector<16xf32> to vector<1x16xf32>
        tpu.vector_store %swap3A_1227[%swap3A_1228, %swap3A_1229], %swap3A_1232 {strides = array<i32>} : memref<128x64xf32, #tpu.memory_space<vmem>>, vector<1x16xf32>,
        %get3A_1233 = arith.constant 5 : i32
        %get3A_1234 = arith.constant 0 : i32
        %get3A_1235 = arith.constant 0 : i32
        %get3A_1236 = tpu.memref_slice %arg8[%get3A_1233, %get3A_1234, %get3A_1235] : memref<8x128x64xf32, #tpu.memory_space<vmem>> -> memref<1x128x64xf32, #tpu.memory_space<vmem>>
        %get3A_1237 = tpu.memref_squeeze %get3A_1236 : memref<1x128x64xf32, #tpu.memory_space<vmem>> -> memref<128x64xf32, #tpu.memory_space<vmem>>
        %get3A_1238 = arith.index_cast %scan3A_1207 : i32 to index
        %get3A_1239 = arith.constant 16 : index
        %get3A_1240 = tpu.vector_load %get3A_1237[%get3A_1238, %get3A_1239] {strides = array<i32>} : memref<128x64xf32, #tpu.memory_space<vmem>>, vector<1x16xf32>,
        %get3A_1241 = vector.shape_cast %get3A_1240 : vector<1x16xf32> to vector<16xf32>
        %add3A_1242 = arith.addi %select_n3A_676, %scan3A_1207 : i32
        %get3A_1243 = arith.index_cast %add3A_1242 : i32 to index
        %get3A_1244 = arith.constant 16 : index
        %get3A_1245 = tpu.vector_load %arg7[%get3A_1243, %get3A_1244] {strides = array<i32>} : memref<328x64xf32, #tpu.memory_space<vmem>>, vector<1x16xf32>,
        %get3A_1246 = vector.shape_cast %get3A_1245 : vector<1x16xf32> to vector<16xf32>
        %add3A_1247 = arith.addf %get3A_1241, %get3A_1246 : vector<16xf32>
        %swap3A_1248 = arith.constant 5 : i32
        %swap3A_1249 = arith.constant 0 : i32
        %swap3A_1250 = arith.constant 0 : i32
        %swap3A_1251 = tpu.memref_slice %arg8[%swap3A_1248, %swap3A_1249, %swap3A_1250] : memref<8x128x64xf32, #tpu.memory_space<vmem>> -> memref<1x128x64xf32, #tpu.memory_space<vmem>>
        %swap3A_1252 = tpu.memref_squeeze %swap3A_1251 : memref<1x128x64xf32, #tpu.memory_space<vmem>> -> memref<128x64xf32, #tpu.memory_space<vmem>>
        %swap3A_1253 = arith.index_cast %scan3A_1207 : i32 to index
        %swap3A_1254 = arith.constant 16 : index
        %swap3A_1255 = tpu.vector_load %swap3A_1252[%swap3A_1253, %swap3A_1254] {strides = array<i32>} : memref<128x64xf32, #tpu.memory_space<vmem>>, vector<1x16xf32>,
        %swap3A_1256 = vector.shape_cast %swap3A_1255 : vector<1x16xf32> to vector<16xf32>
        %swap3A_1257 = vector.shape_cast %add3A_1247 : vector<16xf32> to vector<1x16xf32>
        tpu.vector_store %swap3A_1252[%swap3A_1253, %swap3A_1254], %swap3A_1257 {strides = array<i32>} : memref<128x64xf32, #tpu.memory_space<vmem>>, vector<1x16xf32>,
        %get3A_1258 = arith.constant 5 : i32
        %get3A_1259 = arith.constant 0 : i32
        %get3A_1260 = arith.constant 0 : i32
        %get3A_1261 = tpu.memref_slice %arg8[%get3A_1258, %get3A_1259, %get3A_1260] : memref<8x128x64xf32, #tpu.memory_space<vmem>> -> memref<1x128x64xf32, #tpu.memory_space<vmem>>
        %get3A_1262 = tpu.memref_squeeze %get3A_1261 : memref<1x128x64xf32, #tpu.memory_space<vmem>> -> memref<128x64xf32, #tpu.memory_space<vmem>>
        %get3A_1263 = arith.index_cast %scan3A_1207 : i32 to index
        %get3A_1264 = arith.constant 32 : index
        %get3A_1265 = tpu.vector_load %get3A_1262[%get3A_1263, %get3A_1264] {strides = array<i32>} : memref<128x64xf32, #tpu.memory_space<vmem>>, vector<1x16xf32>,
        %get3A_1266 = vector.shape_cast %get3A_1265 : vector<1x16xf32> to vector<16xf32>
        %add3A_1267 = arith.addi %select_n3A_676, %scan3A_1207 : i32
        %get3A_1268 = arith.index_cast %add3A_1267 : i32 to index
        %get3A_1269 = arith.constant 32 : index
        %get3A_1270 = tpu.vector_load %arg7[%get3A_1268, %get3A_1269] {strides = array<i32>} : memref<328x64xf32, #tpu.memory_space<vmem>>, vector<1x16xf32>,
        %get3A_1271 = vector.shape_cast %get3A_1270 : vector<1x16xf32> to vector<16xf32>
        %add3A_1272 = arith.addf %get3A_1266, %get3A_1271 : vector<16xf32>
        %swap3A_1273 = arith.constant 5 : i32
        %swap3A_1274 = arith.constant 0 : i32
        %swap3A_1275 = arith.constant 0 : i32
        %swap3A_1276 = tpu.memref_slice %arg8[%swap3A_1273, %swap3A_1274, %swap3A_1275] : memref<8x128x64xf32, #tpu.memory_space<vmem>> -> memref<1x128x64xf32, #tpu.memory_space<vmem>>
        %swap3A_1277 = tpu.memref_squeeze %swap3A_1276 : memref<1x128x64xf32, #tpu.memory_space<vmem>> -> memref<128x64xf32, #tpu.memory_space<vmem>>
        %swap3A_1278 = arith.index_cast %scan3A_1207 : i32 to index
        %swap3A_1279 = arith.constant 32 : index
        %swap3A_1280 = tpu.vector_load %swap3A_1277[%swap3A_1278, %swap3A_1279] {strides = array<i32>} : memref<128x64xf32, #tpu.memory_space<vmem>>, vector<1x16xf32>,
        %swap3A_1281 = vector.shape_cast %swap3A_1280 : vector<1x16xf32> to vector<16xf32>
        %swap3A_1282 = vector.shape_cast %add3A_1272 : vector<16xf32> to vector<1x16xf32>
        tpu.vector_store %swap3A_1277[%swap3A_1278, %swap3A_1279], %swap3A_1282 {strides = array<i32>} : memref<128x64xf32, #tpu.memory_space<vmem>>, vector<1x16xf32>,
        %get3A_1283 = arith.constant 5 : i32
        %get3A_1284 = arith.constant 0 : i32
        %get3A_1285 = arith.constant 0 : i32
        %get3A_1286 = tpu.memref_slice %arg8[%get3A_1283, %get3A_1284, %get3A_1285] : memref<8x128x64xf32, #tpu.memory_space<vmem>> -> memref<1x128x64xf32, #tpu.memory_space<vmem>>
        %get3A_1287 = tpu.memref_squeeze %get3A_1286 : memref<1x128x64xf32, #tpu.memory_space<vmem>> -> memref<128x64xf32, #tpu.memory_space<vmem>>
        %get3A_1288 = arith.index_cast %scan3A_1207 : i32 to index
        %get3A_1289 = arith.constant 48 : index
        %get3A_1290 = tpu.vector_load %get3A_1287[%get3A_1288, %get3A_1289] {strides = array<i32>} : memref<128x64xf32, #tpu.memory_space<vmem>>, vector<1x16xf32>,
        %get3A_1291 = vector.shape_cast %get3A_1290 : vector<1x16xf32> to vector<16xf32>
        %add3A_1292 = arith.addi %select_n3A_676, %scan3A_1207 : i32
        %get3A_1293 = arith.index_cast %add3A_1292 : i32 to index
        %get3A_1294 = arith.constant 48 : index
        %get3A_1295 = tpu.vector_load %arg7[%get3A_1293, %get3A_1294] {strides = array<i32>} : memref<328x64xf32, #tpu.memory_space<vmem>>, vector<1x16xf32>,
        %get3A_1296 = vector.shape_cast %get3A_1295 : vector<1x16xf32> to vector<16xf32>
        %add3A_1297 = arith.addf %get3A_1291, %get3A_1296 : vector<16xf32>
        %swap3A_1298 = arith.constant 5 : i32
        %swap3A_1299 = arith.constant 0 : i32
        %swap3A_1300 = arith.constant 0 : i32
        %swap3A_1301 = tpu.memref_slice %arg8[%swap3A_1298, %swap3A_1299, %swap3A_1300] : memref<8x128x64xf32, #tpu.memory_space<vmem>> -> memref<1x128x64xf32, #tpu.memory_space<vmem>>
        %swap3A_1302 = tpu.memref_squeeze %swap3A_1301 : memref<1x128x64xf32, #tpu.memory_space<vmem>> -> memref<128x64xf32, #tpu.memory_space<vmem>>
        %swap3A_1303 = arith.index_cast %scan3A_1207 : i32 to index
        %swap3A_1304 = arith.constant 48 : index
        %swap3A_1305 = tpu.vector_load %swap3A_1302[%swap3A_1303, %swap3A_1304] {strides = array<i32>} : memref<128x64xf32, #tpu.memory_space<vmem>>, vector<1x16xf32>,
        %swap3A_1306 = vector.shape_cast %swap3A_1305 : vector<1x16xf32> to vector<16xf32>
        %swap3A_1307 = vector.shape_cast %add3A_1297 : vector<16xf32> to vector<1x16xf32>
        tpu.vector_store %swap3A_1302[%swap3A_1303, %swap3A_1304], %swap3A_1307 {strides = array<i32>} : memref<128x64xf32, #tpu.memory_space<vmem>>, vector<1x16xf32>,
      }
      %scan3A_682 = arith.constant 128 : i32
      %dma_wait3A_683 = arith.constant 6 : i32
      %dma_wait3A_684 = arith.constant 6 : i32
      %dma_wait3A_685 = arith.constant 0 : i32
      %dma_wait3A_686 = arith.constant 0 : i32
      %dma_wait3A_687 = tpu.memref_slice %arg8[%dma_wait3A_684, %dma_wait3A_685, %dma_wait3A_686] : memref<8x128x64xf32, #tpu.memory_space<vmem>> -> memref<1x128x64xf32, #tpu.memory_space<vmem>>
      %dma_wait3A_688 = tpu.memref_squeeze %dma_wait3A_687 : memref<1x128x64xf32, #tpu.memory_space<vmem>> -> memref<128x64xf32, #tpu.memory_space<vmem>>
      %dma_wait3A_689 = arith.constant 0 : i32
      %dma_wait3A_690 = tpu.memref_slice %arg6[%dma_wait3A_683, %dma_wait3A_689] : memref<8x128xi32, #tpu.memory_space<vmem>> -> memref<1x128xi32, #tpu.memory_space<vmem>>
      %dma_wait3A_691 = tpu.memref_squeeze %dma_wait3A_690 : memref<1x128xi32, #tpu.memory_space<vmem>> -> memref<128xi32, #tpu.memory_space<vmem>>
      %dma_wait3A_692 = arith.constant 0 : i32
      %dma_wait3A_693 = arith.constant 0 : i32
      %dma_wait3A_694 = tpu.memref_slice %arg3[%dma_wait3A_692, %dma_wait3A_693] : memref<1000000x64xf32, #tpu.memory_space<hbm>> -> memref<1000000x64xf32, #tpu.memory_space<hbm>>
      tpu.wait_indirect_dma semaphore(%arg23 : memref<!tpu.dma_semaphore, #tpu.memory_space<semaphore_mem>>) src(%dma_wait3A_694 : memref<1000000x64xf32, #tpu.memory_space<hbm>>) dst(%dma_wait3A_688 : memref<128x64xf32, #tpu.memory_space<vmem>>)
      %add3A_695 = arith.constant 6 : i32
      %add3A_696 = arith.addi %mul3A_129, %add3A_695 : i32
      %mul3A_697 = arith.constant 128 : i32
      %mul3A_698 = arith.muli %add3A_696, %mul3A_697 : i32
      %jit3A_699 = arith.constant 200 : i32
      %eq3A_700 = arith.constant 0 : i32
      %eq3A_701 = arith.cmpi eq, %jit3A_699, %eq3A_700 : i32
      %jit3A_702 = arith.constant 1 : i32
      %select_n3A_703 = arith.select %eq3A_701, %jit3A_702, %jit3A_699 : i32
      %rem3A_704 = arith.remsi %mul3A_698, %select_n3A_703 : i32
      %ne3A_705 = arith.constant 0 : i32
      %ne3A_706 = arith.cmpi ne, %rem3A_704, %ne3A_705 : i32
      %lt3A_707 = arith.constant 0 : i32
      %lt3A_708 = arith.cmpi slt, %rem3A_704, %lt3A_707 : i32
      %lt3A_709 = arith.constant 0 : i32
      %lt3A_710 = arith.cmpi slt, %select_n3A_703, %lt3A_709 : i32
      %ne3A_711 = arith.xori %lt3A_708, %lt3A_710 : i1
      %and3A_712 = arith.andi %ne3A_711, %ne3A_706 : i1
      %add3A_713 = arith.addi %rem3A_704, %select_n3A_703 : i32
      %select_n3A_714 = arith.select %and3A_712, %add3A_713, %rem3A_704 : i32
      %scan3A_715 = arith.constant 0 : i32
      %scan3A_716 = arith.constant 0 : i32
      %scan3A_717 = arith.constant 128 : i32
      %scan3A_718 = arith.addi %scan3A_716, %scan3A_717 : i32
      %scan3A_719 = arith.constant 4 : i32
      scf.for %scan3A_903 = %scan3A_716 to %scan3A_718 step %scan3A_719  : i32 {
        %get3A = arith.constant 6 : i32
        %get3A_904 = arith.constant 0 : i32
        %get3A_905 = arith.constant 0 : i32
        %get3A_906 = tpu.memref_slice %arg8[%get3A, %get3A_904, %get3A_905] : memref<8x128x64xf32, #tpu.memory_space<vmem>> -> memref<1x128x64xf32, #tpu.memory_space<vmem>>
        %get3A_907 = tpu.memref_squeeze %get3A_906 : memref<1x128x64xf32, #tpu.memory_space<vmem>> -> memref<128x64xf32, #tpu.memory_space<vmem>>
        %get3A_908 = arith.index_cast %scan3A_903 : i32 to index
        %get3A_909 = arith.constant 0 : index
        %get3A_910 = tpu.vector_load %get3A_907[%get3A_908, %get3A_909] {strides = array<i32>} : memref<128x64xf32, #tpu.memory_space<vmem>>, vector<1x16xf32>,
        %get3A_911 = vector.shape_cast %get3A_910 : vector<1x16xf32> to vector<16xf32>
        %add3A_912 = arith.addi %select_n3A_714, %scan3A_903 : i32
        %get3A_913 = arith.index_cast %add3A_912 : i32 to index
        %get3A_914 = arith.constant 0 : index
        %get3A_915 = tpu.vector_load %arg7[%get3A_913, %get3A_914] {strides = array<i32>} : memref<328x64xf32, #tpu.memory_space<vmem>>, vector<1x16xf32>,
        %get3A_916 = vector.shape_cast %get3A_915 : vector<1x16xf32> to vector<16xf32>
        %add3A_917 = arith.addf %get3A_911, %get3A_916 : vector<16xf32>
        %swap3A = arith.constant 6 : i32
        %swap3A_918 = arith.constant 0 : i32
        %swap3A_919 = arith.constant 0 : i32
        %swap3A_920 = tpu.memref_slice %arg8[%swap3A, %swap3A_918, %swap3A_919] : memref<8x128x64xf32, #tpu.memory_space<vmem>> -> memref<1x128x64xf32, #tpu.memory_space<vmem>>
        %swap3A_921 = tpu.memref_squeeze %swap3A_920 : memref<1x128x64xf32, #tpu.memory_space<vmem>> -> memref<128x64xf32, #tpu.memory_space<vmem>>
        %swap3A_922 = arith.index_cast %scan3A_903 : i32 to index
        %swap3A_923 = arith.constant 0 : index
        %swap3A_924 = tpu.vector_load %swap3A_921[%swap3A_922, %swap3A_923] {strides = array<i32>} : memref<128x64xf32, #tpu.memory_space<vmem>>, vector<1x16xf32>,
        %swap3A_925 = vector.shape_cast %swap3A_924 : vector<1x16xf32> to vector<16xf32>
        %swap3A_926 = vector.shape_cast %add3A_917 : vector<16xf32> to vector<1x16xf32>
        tpu.vector_store %swap3A_921[%swap3A_922, %swap3A_923], %swap3A_926 {strides = array<i32>} : memref<128x64xf32, #tpu.memory_space<vmem>>, vector<1x16xf32>,
        %get3A_927 = arith.constant 6 : i32
        %get3A_928 = arith.constant 0 : i32
        %get3A_929 = arith.constant 0 : i32
        %get3A_930 = tpu.memref_slice %arg8[%get3A_927, %get3A_928, %get3A_929] : memref<8x128x64xf32, #tpu.memory_space<vmem>> -> memref<1x128x64xf32, #tpu.memory_space<vmem>>
        %get3A_931 = tpu.memref_squeeze %get3A_930 : memref<1x128x64xf32, #tpu.memory_space<vmem>> -> memref<128x64xf32, #tpu.memory_space<vmem>>
        %get3A_932 = arith.index_cast %scan3A_903 : i32 to index
        %get3A_933 = arith.constant 16 : index
        %get3A_934 = tpu.vector_load %get3A_931[%get3A_932, %get3A_933] {strides = array<i32>} : memref<128x64xf32, #tpu.memory_space<vmem>>, vector<1x16xf32>,
        %get3A_935 = vector.shape_cast %get3A_934 : vector<1x16xf32> to vector<16xf32>
        %add3A_936 = arith.addi %select_n3A_714, %scan3A_903 : i32
        %get3A_937 = arith.index_cast %add3A_936 : i32 to index
        %get3A_938 = arith.constant 16 : index
        %get3A_939 = tpu.vector_load %arg7[%get3A_937, %get3A_938] {strides = array<i32>} : memref<328x64xf32, #tpu.memory_space<vmem>>, vector<1x16xf32>,
        %get3A_940 = vector.shape_cast %get3A_939 : vector<1x16xf32> to vector<16xf32>
        %add3A_941 = arith.addf %get3A_935, %get3A_940 : vector<16xf32>
        %swap3A_942 = arith.constant 6 : i32
        %swap3A_943 = arith.constant 0 : i32
        %swap3A_944 = arith.constant 0 : i32
        %swap3A_945 = tpu.memref_slice %arg8[%swap3A_942, %swap3A_943, %swap3A_944] : memref<8x128x64xf32, #tpu.memory_space<vmem>> -> memref<1x128x64xf32, #tpu.memory_space<vmem>>
        %swap3A_946 = tpu.memref_squeeze %swap3A_945 : memref<1x128x64xf32, #tpu.memory_space<vmem>> -> memref<128x64xf32, #tpu.memory_space<vmem>>
        %swap3A_947 = arith.index_cast %scan3A_903 : i32 to index
        %swap3A_948 = arith.constant 16 : index
        %swap3A_949 = tpu.vector_load %swap3A_946[%swap3A_947, %swap3A_948] {strides = array<i32>} : memref<128x64xf32, #tpu.memory_space<vmem>>, vector<1x16xf32>,
        %swap3A_950 = vector.shape_cast %swap3A_949 : vector<1x16xf32> to vector<16xf32>
        %swap3A_951 = vector.shape_cast %add3A_941 : vector<16xf32> to vector<1x16xf32>
        tpu.vector_store %swap3A_946[%swap3A_947, %swap3A_948], %swap3A_951 {strides = array<i32>} : memref<128x64xf32, #tpu.memory_space<vmem>>, vector<1x16xf32>,
        %get3A_952 = arith.constant 6 : i32
        %get3A_953 = arith.constant 0 : i32
        %get3A_954 = arith.constant 0 : i32
        %get3A_955 = tpu.memref_slice %arg8[%get3A_952, %get3A_953, %get3A_954] : memref<8x128x64xf32, #tpu.memory_space<vmem>> -> memref<1x128x64xf32, #tpu.memory_space<vmem>>
        %get3A_956 = tpu.memref_squeeze %get3A_955 : memref<1x128x64xf32, #tpu.memory_space<vmem>> -> memref<128x64xf32, #tpu.memory_space<vmem>>
        %get3A_957 = arith.index_cast %scan3A_903 : i32 to index
        %get3A_958 = arith.constant 32 : index
        %get3A_959 = tpu.vector_load %get3A_956[%get3A_957, %get3A_958] {strides = array<i32>} : memref<128x64xf32, #tpu.memory_space<vmem>>, vector<1x16xf32>,
        %get3A_960 = vector.shape_cast %get3A_959 : vector<1x16xf32> to vector<16xf32>
        %add3A_961 = arith.addi %select_n3A_714, %scan3A_903 : i32
        %get3A_962 = arith.index_cast %add3A_961 : i32 to index
        %get3A_963 = arith.constant 32 : index
        %get3A_964 = tpu.vector_load %arg7[%get3A_962, %get3A_963] {strides = array<i32>} : memref<328x64xf32, #tpu.memory_space<vmem>>, vector<1x16xf32>,
        %get3A_965 = vector.shape_cast %get3A_964 : vector<1x16xf32> to vector<16xf32>
        %add3A_966 = arith.addf %get3A_960, %get3A_965 : vector<16xf32>
        %swap3A_967 = arith.constant 6 : i32
        %swap3A_968 = arith.constant 0 : i32
        %swap3A_969 = arith.constant 0 : i32
        %swap3A_970 = tpu.memref_slice %arg8[%swap3A_967, %swap3A_968, %swap3A_969] : memref<8x128x64xf32, #tpu.memory_space<vmem>> -> memref<1x128x64xf32, #tpu.memory_space<vmem>>
        %swap3A_971 = tpu.memref_squeeze %swap3A_970 : memref<1x128x64xf32, #tpu.memory_space<vmem>> -> memref<128x64xf32, #tpu.memory_space<vmem>>
        %swap3A_972 = arith.index_cast %scan3A_903 : i32 to index
        %swap3A_973 = arith.constant 32 : index
        %swap3A_974 = tpu.vector_load %swap3A_971[%swap3A_972, %swap3A_973] {strides = array<i32>} : memref<128x64xf32, #tpu.memory_space<vmem>>, vector<1x16xf32>,
        %swap3A_975 = vector.shape_cast %swap3A_974 : vector<1x16xf32> to vector<16xf32>
        %swap3A_976 = vector.shape_cast %add3A_966 : vector<16xf32> to vector<1x16xf32>
        tpu.vector_store %swap3A_971[%swap3A_972, %swap3A_973], %swap3A_976 {strides = array<i32>} : memref<128x64xf32, #tpu.memory_space<vmem>>, vector<1x16xf32>,
        %get3A_977 = arith.constant 6 : i32
        %get3A_978 = arith.constant 0 : i32
        %get3A_979 = arith.constant 0 : i32
        %get3A_980 = tpu.memref_slice %arg8[%get3A_977, %get3A_978, %get3A_979] : memref<8x128x64xf32, #tpu.memory_space<vmem>> -> memref<1x128x64xf32, #tpu.memory_space<vmem>>
        %get3A_981 = tpu.memref_squeeze %get3A_980 : memref<1x128x64xf32, #tpu.memory_space<vmem>> -> memref<128x64xf32, #tpu.memory_space<vmem>>
        %get3A_982 = arith.index_cast %scan3A_903 : i32 to index
        %get3A_983 = arith.constant 48 : index
        %get3A_984 = tpu.vector_load %get3A_981[%get3A_982, %get3A_983] {strides = array<i32>} : memref<128x64xf32, #tpu.memory_space<vmem>>, vector<1x16xf32>,
        %get3A_985 = vector.shape_cast %get3A_984 : vector<1x16xf32> to vector<16xf32>
        %add3A_986 = arith.addi %select_n3A_714, %scan3A_903 : i32
        %get3A_987 = arith.index_cast %add3A_986 : i32 to index
        %get3A_988 = arith.constant 48 : index
        %get3A_989 = tpu.vector_load %arg7[%get3A_987, %get3A_988] {strides = array<i32>} : memref<328x64xf32, #tpu.memory_space<vmem>>, vector<1x16xf32>,
        %get3A_990 = vector.shape_cast %get3A_989 : vector<1x16xf32> to vector<16xf32>
        %add3A_991 = arith.addf %get3A_985, %get3A_990 : vector<16xf32>
        %swap3A_992 = arith.constant 6 : i32
        %swap3A_993 = arith.constant 0 : i32
        %swap3A_994 = arith.constant 0 : i32
        %swap3A_995 = tpu.memref_slice %arg8[%swap3A_992, %swap3A_993, %swap3A_994] : memref<8x128x64xf32, #tpu.memory_space<vmem>> -> memref<1x128x64xf32, #tpu.memory_space<vmem>>
        %swap3A_996 = tpu.memref_squeeze %swap3A_995 : memref<1x128x64xf32, #tpu.memory_space<vmem>> -> memref<128x64xf32, #tpu.memory_space<vmem>>
        %swap3A_997 = arith.index_cast %scan3A_903 : i32 to index
        %swap3A_998 = arith.constant 48 : index
        %swap3A_999 = tpu.vector_load %swap3A_996[%swap3A_997, %swap3A_998] {strides = array<i32>} : memref<128x64xf32, #tpu.memory_space<vmem>>, vector<1x16xf32>,
        %swap3A_1000 = vector.shape_cast %swap3A_999 : vector<1x16xf32> to vector<16xf32>
        %swap3A_1001 = vector.shape_cast %add3A_991 : vector<16xf32> to vector<1x16xf32>
        tpu.vector_store %swap3A_996[%swap3A_997, %swap3A_998], %swap3A_1001 {strides = array<i32>} : memref<128x64xf32, #tpu.memory_space<vmem>>, vector<1x16xf32>,
        %scan3A_1002 = arith.constant 1 : i32
        %scan3A_1003 = arith.addi %scan3A_903, %scan3A_1002 : i32
        %get3A_1004 = arith.constant 6 : i32
        %get3A_1005 = arith.constant 0 : i32
        %get3A_1006 = arith.constant 0 : i32
        %get3A_1007 = tpu.memref_slice %arg8[%get3A_1004, %get3A_1005, %get3A_1006] : memref<8x128x64xf32, #tpu.memory_space<vmem>> -> memref<1x128x64xf32, #tpu.memory_space<vmem>>
        %get3A_1008 = tpu.memref_squeeze %get3A_1007 : memref<1x128x64xf32, #tpu.memory_space<vmem>> -> memref<128x64xf32, #tpu.memory_space<vmem>>
        %get3A_1009 = arith.index_cast %scan3A_1003 : i32 to index
        %get3A_1010 = arith.constant 0 : index
        %get3A_1011 = tpu.vector_load %get3A_1008[%get3A_1009, %get3A_1010] {strides = array<i32>} : memref<128x64xf32, #tpu.memory_space<vmem>>, vector<1x16xf32>,
        %get3A_1012 = vector.shape_cast %get3A_1011 : vector<1x16xf32> to vector<16xf32>
        %add3A_1013 = arith.addi %select_n3A_714, %scan3A_1003 : i32
        %get3A_1014 = arith.index_cast %add3A_1013 : i32 to index
        %get3A_1015 = arith.constant 0 : index
        %get3A_1016 = tpu.vector_load %arg7[%get3A_1014, %get3A_1015] {strides = array<i32>} : memref<328x64xf32, #tpu.memory_space<vmem>>, vector<1x16xf32>,
        %get3A_1017 = vector.shape_cast %get3A_1016 : vector<1x16xf32> to vector<16xf32>
        %add3A_1018 = arith.addf %get3A_1012, %get3A_1017 : vector<16xf32>
        %swap3A_1019 = arith.constant 6 : i32
        %swap3A_1020 = arith.constant 0 : i32
        %swap3A_1021 = arith.constant 0 : i32
        %swap3A_1022 = tpu.memref_slice %arg8[%swap3A_1019, %swap3A_1020, %swap3A_1021] : memref<8x128x64xf32, #tpu.memory_space<vmem>> -> memref<1x128x64xf32, #tpu.memory_space<vmem>>
        %swap3A_1023 = tpu.memref_squeeze %swap3A_1022 : memref<1x128x64xf32, #tpu.memory_space<vmem>> -> memref<128x64xf32, #tpu.memory_space<vmem>>
        %swap3A_1024 = arith.index_cast %scan3A_1003 : i32 to index
        %swap3A_1025 = arith.constant 0 : index
        %swap3A_1026 = tpu.vector_load %swap3A_1023[%swap3A_1024, %swap3A_1025] {strides = array<i32>} : memref<128x64xf32, #tpu.memory_space<vmem>>, vector<1x16xf32>,
        %swap3A_1027 = vector.shape_cast %swap3A_1026 : vector<1x16xf32> to vector<16xf32>
        %swap3A_1028 = vector.shape_cast %add3A_1018 : vector<16xf32> to vector<1x16xf32>
        tpu.vector_store %swap3A_1023[%swap3A_1024, %swap3A_1025], %swap3A_1028 {strides = array<i32>} : memref<128x64xf32, #tpu.memory_space<vmem>>, vector<1x16xf32>,
        %get3A_1029 = arith.constant 6 : i32
        %get3A_1030 = arith.constant 0 : i32
        %get3A_1031 = arith.constant 0 : i32
        %get3A_1032 = tpu.memref_slice %arg8[%get3A_1029, %get3A_1030, %get3A_1031] : memref<8x128x64xf32, #tpu.memory_space<vmem>> -> memref<1x128x64xf32, #tpu.memory_space<vmem>>
        %get3A_1033 = tpu.memref_squeeze %get3A_1032 : memref<1x128x64xf32, #tpu.memory_space<vmem>> -> memref<128x64xf32, #tpu.memory_space<vmem>>
        %get3A_1034 = arith.index_cast %scan3A_1003 : i32 to index
        %get3A_1035 = arith.constant 16 : index
        %get3A_1036 = tpu.vector_load %get3A_1033[%get3A_1034, %get3A_1035] {strides = array<i32>} : memref<128x64xf32, #tpu.memory_space<vmem>>, vector<1x16xf32>,
        %get3A_1037 = vector.shape_cast %get3A_1036 : vector<1x16xf32> to vector<16xf32>
        %add3A_1038 = arith.addi %select_n3A_714, %scan3A_1003 : i32
        %get3A_1039 = arith.index_cast %add3A_1038 : i32 to index
        %get3A_1040 = arith.constant 16 : index
        %get3A_1041 = tpu.vector_load %arg7[%get3A_1039, %get3A_1040] {strides = array<i32>} : memref<328x64xf32, #tpu.memory_space<vmem>>, vector<1x16xf32>,
        %get3A_1042 = vector.shape_cast %get3A_1041 : vector<1x16xf32> to vector<16xf32>
        %add3A_1043 = arith.addf %get3A_1037, %get3A_1042 : vector<16xf32>
        %swap3A_1044 = arith.constant 6 : i32
        %swap3A_1045 = arith.constant 0 : i32
        %swap3A_1046 = arith.constant 0 : i32
        %swap3A_1047 = tpu.memref_slice %arg8[%swap3A_1044, %swap3A_1045, %swap3A_1046] : memref<8x128x64xf32, #tpu.memory_space<vmem>> -> memref<1x128x64xf32, #tpu.memory_space<vmem>>
        %swap3A_1048 = tpu.memref_squeeze %swap3A_1047 : memref<1x128x64xf32, #tpu.memory_space<vmem>> -> memref<128x64xf32, #tpu.memory_space<vmem>>
        %swap3A_1049 = arith.index_cast %scan3A_1003 : i32 to index
        %swap3A_1050 = arith.constant 16 : index
        %swap3A_1051 = tpu.vector_load %swap3A_1048[%swap3A_1049, %swap3A_1050] {strides = array<i32>} : memref<128x64xf32, #tpu.memory_space<vmem>>, vector<1x16xf32>,
        %swap3A_1052 = vector.shape_cast %swap3A_1051 : vector<1x16xf32> to vector<16xf32>
        %swap3A_1053 = vector.shape_cast %add3A_1043 : vector<16xf32> to vector<1x16xf32>
        tpu.vector_store %swap3A_1048[%swap3A_1049, %swap3A_1050], %swap3A_1053 {strides = array<i32>} : memref<128x64xf32, #tpu.memory_space<vmem>>, vector<1x16xf32>,
        %get3A_1054 = arith.constant 6 : i32
        %get3A_1055 = arith.constant 0 : i32
        %get3A_1056 = arith.constant 0 : i32
        %get3A_1057 = tpu.memref_slice %arg8[%get3A_1054, %get3A_1055, %get3A_1056] : memref<8x128x64xf32, #tpu.memory_space<vmem>> -> memref<1x128x64xf32, #tpu.memory_space<vmem>>
        %get3A_1058 = tpu.memref_squeeze %get3A_1057 : memref<1x128x64xf32, #tpu.memory_space<vmem>> -> memref<128x64xf32, #tpu.memory_space<vmem>>
        %get3A_1059 = arith.index_cast %scan3A_1003 : i32 to index
        %get3A_1060 = arith.constant 32 : index
        %get3A_1061 = tpu.vector_load %get3A_1058[%get3A_1059, %get3A_1060] {strides = array<i32>} : memref<128x64xf32, #tpu.memory_space<vmem>>, vector<1x16xf32>,
        %get3A_1062 = vector.shape_cast %get3A_1061 : vector<1x16xf32> to vector<16xf32>
        %add3A_1063 = arith.addi %select_n3A_714, %scan3A_1003 : i32
        %get3A_1064 = arith.index_cast %add3A_1063 : i32 to index
        %get3A_1065 = arith.constant 32 : index
        %get3A_1066 = tpu.vector_load %arg7[%get3A_1064, %get3A_1065] {strides = array<i32>} : memref<328x64xf32, #tpu.memory_space<vmem>>, vector<1x16xf32>,
        %get3A_1067 = vector.shape_cast %get3A_1066 : vector<1x16xf32> to vector<16xf32>
        %add3A_1068 = arith.addf %get3A_1062, %get3A_1067 : vector<16xf32>
        %swap3A_1069 = arith.constant 6 : i32
        %swap3A_1070 = arith.constant 0 : i32
        %swap3A_1071 = arith.constant 0 : i32
        %swap3A_1072 = tpu.memref_slice %arg8[%swap3A_1069, %swap3A_1070, %swap3A_1071] : memref<8x128x64xf32, #tpu.memory_space<vmem>> -> memref<1x128x64xf32, #tpu.memory_space<vmem>>
        %swap3A_1073 = tpu.memref_squeeze %swap3A_1072 : memref<1x128x64xf32, #tpu.memory_space<vmem>> -> memref<128x64xf32, #tpu.memory_space<vmem>>
        %swap3A_1074 = arith.index_cast %scan3A_1003 : i32 to index
        %swap3A_1075 = arith.constant 32 : index
        %swap3A_1076 = tpu.vector_load %swap3A_1073[%swap3A_1074, %swap3A_1075] {strides = array<i32>} : memref<128x64xf32, #tpu.memory_space<vmem>>, vector<1x16xf32>,
        %swap3A_1077 = vector.shape_cast %swap3A_1076 : vector<1x16xf32> to vector<16xf32>
        %swap3A_1078 = vector.shape_cast %add3A_1068 : vector<16xf32> to vector<1x16xf32>
        tpu.vector_store %swap3A_1073[%swap3A_1074, %swap3A_1075], %swap3A_1078 {strides = array<i32>} : memref<128x64xf32, #tpu.memory_space<vmem>>, vector<1x16xf32>,
        %get3A_1079 = arith.constant 6 : i32
        %get3A_1080 = arith.constant 0 : i32
        %get3A_1081 = arith.constant 0 : i32
        %get3A_1082 = tpu.memref_slice %arg8[%get3A_1079, %get3A_1080, %get3A_1081] : memref<8x128x64xf32, #tpu.memory_space<vmem>> -> memref<1x128x64xf32, #tpu.memory_space<vmem>>
        %get3A_1083 = tpu.memref_squeeze %get3A_1082 : memref<1x128x64xf32, #tpu.memory_space<vmem>> -> memref<128x64xf32, #tpu.memory_space<vmem>>
        %get3A_1084 = arith.index_cast %scan3A_1003 : i32 to index
        %get3A_1085 = arith.constant 48 : index
        %get3A_1086 = tpu.vector_load %get3A_1083[%get3A_1084, %get3A_1085] {strides = array<i32>} : memref<128x64xf32, #tpu.memory_space<vmem>>, vector<1x16xf32>,
        %get3A_1087 = vector.shape_cast %get3A_1086 : vector<1x16xf32> to vector<16xf32>
        %add3A_1088 = arith.addi %select_n3A_714, %scan3A_1003 : i32
        %get3A_1089 = arith.index_cast %add3A_1088 : i32 to index
        %get3A_1090 = arith.constant 48 : index
        %get3A_1091 = tpu.vector_load %arg7[%get3A_1089, %get3A_1090] {strides = array<i32>} : memref<328x64xf32, #tpu.memory_space<vmem>>, vector<1x16xf32>,
        %get3A_1092 = vector.shape_cast %get3A_1091 : vector<1x16xf32> to vector<16xf32>
        %add3A_1093 = arith.addf %get3A_1087, %get3A_1092 : vector<16xf32>
        %swap3A_1094 = arith.constant 6 : i32
        %swap3A_1095 = arith.constant 0 : i32
        %swap3A_1096 = arith.constant 0 : i32
        %swap3A_1097 = tpu.memref_slice %arg8[%swap3A_1094, %swap3A_1095, %swap3A_1096] : memref<8x128x64xf32, #tpu.memory_space<vmem>> -> memref<1x128x64xf32, #tpu.memory_space<vmem>>
        %swap3A_1098 = tpu.memref_squeeze %swap3A_1097 : memref<1x128x64xf32, #tpu.memory_space<vmem>> -> memref<128x64xf32, #tpu.memory_space<vmem>>
        %swap3A_1099 = arith.index_cast %scan3A_1003 : i32 to index
        %swap3A_1100 = arith.constant 48 : index
        %swap3A_1101 = tpu.vector_load %swap3A_1098[%swap3A_1099, %swap3A_1100] {strides = array<i32>} : memref<128x64xf32, #tpu.memory_space<vmem>>, vector<1x16xf32>,
        %swap3A_1102 = vector.shape_cast %swap3A_1101 : vector<1x16xf32> to vector<16xf32>
        %swap3A_1103 = vector.shape_cast %add3A_1093 : vector<16xf32> to vector<1x16xf32>
        tpu.vector_store %swap3A_1098[%swap3A_1099, %swap3A_1100], %swap3A_1103 {strides = array<i32>} : memref<128x64xf32, #tpu.memory_space<vmem>>, vector<1x16xf32>,
        %scan3A_1104 = arith.constant 2 : i32
        %scan3A_1105 = arith.addi %scan3A_903, %scan3A_1104 : i32
        %get3A_1106 = arith.constant 6 : i32
        %get3A_1107 = arith.constant 0 : i32
        %get3A_1108 = arith.constant 0 : i32
        %get3A_1109 = tpu.memref_slice %arg8[%get3A_1106, %get3A_1107, %get3A_1108] : memref<8x128x64xf32, #tpu.memory_space<vmem>> -> memref<1x128x64xf32, #tpu.memory_space<vmem>>
        %get3A_1110 = tpu.memref_squeeze %get3A_1109 : memref<1x128x64xf32, #tpu.memory_space<vmem>> -> memref<128x64xf32, #tpu.memory_space<vmem>>
        %get3A_1111 = arith.index_cast %scan3A_1105 : i32 to index
        %get3A_1112 = arith.constant 0 : index
        %get3A_1113 = tpu.vector_load %get3A_1110[%get3A_1111, %get3A_1112] {strides = array<i32>} : memref<128x64xf32, #tpu.memory_space<vmem>>, vector<1x16xf32>,
        %get3A_1114 = vector.shape_cast %get3A_1113 : vector<1x16xf32> to vector<16xf32>
        %add3A_1115 = arith.addi %select_n3A_714, %scan3A_1105 : i32
        %get3A_1116 = arith.index_cast %add3A_1115 : i32 to index
        %get3A_1117 = arith.constant 0 : index
        %get3A_1118 = tpu.vector_load %arg7[%get3A_1116, %get3A_1117] {strides = array<i32>} : memref<328x64xf32, #tpu.memory_space<vmem>>, vector<1x16xf32>,
        %get3A_1119 = vector.shape_cast %get3A_1118 : vector<1x16xf32> to vector<16xf32>
        %add3A_1120 = arith.addf %get3A_1114, %get3A_1119 : vector<16xf32>
        %swap3A_1121 = arith.constant 6 : i32
        %swap3A_1122 = arith.constant 0 : i32
        %swap3A_1123 = arith.constant 0 : i32
        %swap3A_1124 = tpu.memref_slice %arg8[%swap3A_1121, %swap3A_1122, %swap3A_1123] : memref<8x128x64xf32, #tpu.memory_space<vmem>> -> memref<1x128x64xf32, #tpu.memory_space<vmem>>
        %swap3A_1125 = tpu.memref_squeeze %swap3A_1124 : memref<1x128x64xf32, #tpu.memory_space<vmem>> -> memref<128x64xf32, #tpu.memory_space<vmem>>
        %swap3A_1126 = arith.index_cast %scan3A_1105 : i32 to index
        %swap3A_1127 = arith.constant 0 : index
        %swap3A_1128 = tpu.vector_load %swap3A_1125[%swap3A_1126, %swap3A_1127] {strides = array<i32>} : memref<128x64xf32, #tpu.memory_space<vmem>>, vector<1x16xf32>,
        %swap3A_1129 = vector.shape_cast %swap3A_1128 : vector<1x16xf32> to vector<16xf32>
        %swap3A_1130 = vector.shape_cast %add3A_1120 : vector<16xf32> to vector<1x16xf32>
        tpu.vector_store %swap3A_1125[%swap3A_1126, %swap3A_1127], %swap3A_1130 {strides = array<i32>} : memref<128x64xf32, #tpu.memory_space<vmem>>, vector<1x16xf32>,
        %get3A_1131 = arith.constant 6 : i32
        %get3A_1132 = arith.constant 0 : i32
        %get3A_1133 = arith.constant 0 : i32
        %get3A_1134 = tpu.memref_slice %arg8[%get3A_1131, %get3A_1132, %get3A_1133] : memref<8x128x64xf32, #tpu.memory_space<vmem>> -> memref<1x128x64xf32, #tpu.memory_space<vmem>>
        %get3A_1135 = tpu.memref_squeeze %get3A_1134 : memref<1x128x64xf32, #tpu.memory_space<vmem>> -> memref<128x64xf32, #tpu.memory_space<vmem>>
        %get3A_1136 = arith.index_cast %scan3A_1105 : i32 to index
        %get3A_1137 = arith.constant 16 : index
        %get3A_1138 = tpu.vector_load %get3A_1135[%get3A_1136, %get3A_1137] {strides = array<i32>} : memref<128x64xf32, #tpu.memory_space<vmem>>, vector<1x16xf32>,
        %get3A_1139 = vector.shape_cast %get3A_1138 : vector<1x16xf32> to vector<16xf32>
        %add3A_1140 = arith.addi %select_n3A_714, %scan3A_1105 : i32
        %get3A_1141 = arith.index_cast %add3A_1140 : i32 to index
        %get3A_1142 = arith.constant 16 : index
        %get3A_1143 = tpu.vector_load %arg7[%get3A_1141, %get3A_1142] {strides = array<i32>} : memref<328x64xf32, #tpu.memory_space<vmem>>, vector<1x16xf32>,
        %get3A_1144 = vector.shape_cast %get3A_1143 : vector<1x16xf32> to vector<16xf32>
        %add3A_1145 = arith.addf %get3A_1139, %get3A_1144 : vector<16xf32>
        %swap3A_1146 = arith.constant 6 : i32
        %swap3A_1147 = arith.constant 0 : i32
        %swap3A_1148 = arith.constant 0 : i32
        %swap3A_1149 = tpu.memref_slice %arg8[%swap3A_1146, %swap3A_1147, %swap3A_1148] : memref<8x128x64xf32, #tpu.memory_space<vmem>> -> memref<1x128x64xf32, #tpu.memory_space<vmem>>
        %swap3A_1150 = tpu.memref_squeeze %swap3A_1149 : memref<1x128x64xf32, #tpu.memory_space<vmem>> -> memref<128x64xf32, #tpu.memory_space<vmem>>
        %swap3A_1151 = arith.index_cast %scan3A_1105 : i32 to index
        %swap3A_1152 = arith.constant 16 : index
        %swap3A_1153 = tpu.vector_load %swap3A_1150[%swap3A_1151, %swap3A_1152] {strides = array<i32>} : memref<128x64xf32, #tpu.memory_space<vmem>>, vector<1x16xf32>,
        %swap3A_1154 = vector.shape_cast %swap3A_1153 : vector<1x16xf32> to vector<16xf32>
        %swap3A_1155 = vector.shape_cast %add3A_1145 : vector<16xf32> to vector<1x16xf32>
        tpu.vector_store %swap3A_1150[%swap3A_1151, %swap3A_1152], %swap3A_1155 {strides = array<i32>} : memref<128x64xf32, #tpu.memory_space<vmem>>, vector<1x16xf32>,
        %get3A_1156 = arith.constant 6 : i32
        %get3A_1157 = arith.constant 0 : i32
        %get3A_1158 = arith.constant 0 : i32
        %get3A_1159 = tpu.memref_slice %arg8[%get3A_1156, %get3A_1157, %get3A_1158] : memref<8x128x64xf32, #tpu.memory_space<vmem>> -> memref<1x128x64xf32, #tpu.memory_space<vmem>>
        %get3A_1160 = tpu.memref_squeeze %get3A_1159 : memref<1x128x64xf32, #tpu.memory_space<vmem>> -> memref<128x64xf32, #tpu.memory_space<vmem>>
        %get3A_1161 = arith.index_cast %scan3A_1105 : i32 to index
        %get3A_1162 = arith.constant 32 : index
        %get3A_1163 = tpu.vector_load %get3A_1160[%get3A_1161, %get3A_1162] {strides = array<i32>} : memref<128x64xf32, #tpu.memory_space<vmem>>, vector<1x16xf32>,
        %get3A_1164 = vector.shape_cast %get3A_1163 : vector<1x16xf32> to vector<16xf32>
        %add3A_1165 = arith.addi %select_n3A_714, %scan3A_1105 : i32
        %get3A_1166 = arith.index_cast %add3A_1165 : i32 to index
        %get3A_1167 = arith.constant 32 : index
        %get3A_1168 = tpu.vector_load %arg7[%get3A_1166, %get3A_1167] {strides = array<i32>} : memref<328x64xf32, #tpu.memory_space<vmem>>, vector<1x16xf32>,
        %get3A_1169 = vector.shape_cast %get3A_1168 : vector<1x16xf32> to vector<16xf32>
        %add3A_1170 = arith.addf %get3A_1164, %get3A_1169 : vector<16xf32>
        %swap3A_1171 = arith.constant 6 : i32
        %swap3A_1172 = arith.constant 0 : i32
        %swap3A_1173 = arith.constant 0 : i32
        %swap3A_1174 = tpu.memref_slice %arg8[%swap3A_1171, %swap3A_1172, %swap3A_1173] : memref<8x128x64xf32, #tpu.memory_space<vmem>> -> memref<1x128x64xf32, #tpu.memory_space<vmem>>
        %swap3A_1175 = tpu.memref_squeeze %swap3A_1174 : memref<1x128x64xf32, #tpu.memory_space<vmem>> -> memref<128x64xf32, #tpu.memory_space<vmem>>
        %swap3A_1176 = arith.index_cast %scan3A_1105 : i32 to index
        %swap3A_1177 = arith.constant 32 : index
        %swap3A_1178 = tpu.vector_load %swap3A_1175[%swap3A_1176, %swap3A_1177] {strides = array<i32>} : memref<128x64xf32, #tpu.memory_space<vmem>>, vector<1x16xf32>,
        %swap3A_1179 = vector.shape_cast %swap3A_1178 : vector<1x16xf32> to vector<16xf32>
        %swap3A_1180 = vector.shape_cast %add3A_1170 : vector<16xf32> to vector<1x16xf32>
        tpu.vector_store %swap3A_1175[%swap3A_1176, %swap3A_1177], %swap3A_1180 {strides = array<i32>} : memref<128x64xf32, #tpu.memory_space<vmem>>, vector<1x16xf32>,
        %get3A_1181 = arith.constant 6 : i32
        %get3A_1182 = arith.constant 0 : i32
        %get3A_1183 = arith.constant 0 : i32
        %get3A_1184 = tpu.memref_slice %arg8[%get3A_1181, %get3A_1182, %get3A_1183] : memref<8x128x64xf32, #tpu.memory_space<vmem>> -> memref<1x128x64xf32, #tpu.memory_space<vmem>>
        %get3A_1185 = tpu.memref_squeeze %get3A_1184 : memref<1x128x64xf32, #tpu.memory_space<vmem>> -> memref<128x64xf32, #tpu.memory_space<vmem>>
        %get3A_1186 = arith.index_cast %scan3A_1105 : i32 to index
        %get3A_1187 = arith.constant 48 : index
        %get3A_1188 = tpu.vector_load %get3A_1185[%get3A_1186, %get3A_1187] {strides = array<i32>} : memref<128x64xf32, #tpu.memory_space<vmem>>, vector<1x16xf32>,
        %get3A_1189 = vector.shape_cast %get3A_1188 : vector<1x16xf32> to vector<16xf32>
        %add3A_1190 = arith.addi %select_n3A_714, %scan3A_1105 : i32
        %get3A_1191 = arith.index_cast %add3A_1190 : i32 to index
        %get3A_1192 = arith.constant 48 : index
        %get3A_1193 = tpu.vector_load %arg7[%get3A_1191, %get3A_1192] {strides = array<i32>} : memref<328x64xf32, #tpu.memory_space<vmem>>, vector<1x16xf32>,
        %get3A_1194 = vector.shape_cast %get3A_1193 : vector<1x16xf32> to vector<16xf32>
        %add3A_1195 = arith.addf %get3A_1189, %get3A_1194 : vector<16xf32>
        %swap3A_1196 = arith.constant 6 : i32
        %swap3A_1197 = arith.constant 0 : i32
        %swap3A_1198 = arith.constant 0 : i32
        %swap3A_1199 = tpu.memref_slice %arg8[%swap3A_1196, %swap3A_1197, %swap3A_1198] : memref<8x128x64xf32, #tpu.memory_space<vmem>> -> memref<1x128x64xf32, #tpu.memory_space<vmem>>
        %swap3A_1200 = tpu.memref_squeeze %swap3A_1199 : memref<1x128x64xf32, #tpu.memory_space<vmem>> -> memref<128x64xf32, #tpu.memory_space<vmem>>
        %swap3A_1201 = arith.index_cast %scan3A_1105 : i32 to index
        %swap3A_1202 = arith.constant 48 : index
        %swap3A_1203 = tpu.vector_load %swap3A_1200[%swap3A_1201, %swap3A_1202] {strides = array<i32>} : memref<128x64xf32, #tpu.memory_space<vmem>>, vector<1x16xf32>,
        %swap3A_1204 = vector.shape_cast %swap3A_1203 : vector<1x16xf32> to vector<16xf32>
        %swap3A_1205 = vector.shape_cast %add3A_1195 : vector<16xf32> to vector<1x16xf32>
        tpu.vector_store %swap3A_1200[%swap3A_1201, %swap3A_1202], %swap3A_1205 {strides = array<i32>} : memref<128x64xf32, #tpu.memory_space<vmem>>, vector<1x16xf32>,
        %scan3A_1206 = arith.constant 3 : i32
        %scan3A_1207 = arith.addi %scan3A_903, %scan3A_1206 : i32
        %get3A_1208 = arith.constant 6 : i32
        %get3A_1209 = arith.constant 0 : i32
        %get3A_1210 = arith.constant 0 : i32
        %get3A_1211 = tpu.memref_slice %arg8[%get3A_1208, %get3A_1209, %get3A_1210] : memref<8x128x64xf32, #tpu.memory_space<vmem>> -> memref<1x128x64xf32, #tpu.memory_space<vmem>>
        %get3A_1212 = tpu.memref_squeeze %get3A_1211 : memref<1x128x64xf32, #tpu.memory_space<vmem>> -> memref<128x64xf32, #tpu.memory_space<vmem>>
        %get3A_1213 = arith.index_cast %scan3A_1207 : i32 to index
        %get3A_1214 = arith.constant 0 : index
        %get3A_1215 = tpu.vector_load %get3A_1212[%get3A_1213, %get3A_1214] {strides = array<i32>} : memref<128x64xf32, #tpu.memory_space<vmem>>, vector<1x16xf32>,
        %get3A_1216 = vector.shape_cast %get3A_1215 : vector<1x16xf32> to vector<16xf32>
        %add3A_1217 = arith.addi %select_n3A_714, %scan3A_1207 : i32
        %get3A_1218 = arith.index_cast %add3A_1217 : i32 to index
        %get3A_1219 = arith.constant 0 : index
        %get3A_1220 = tpu.vector_load %arg7[%get3A_1218, %get3A_1219] {strides = array<i32>} : memref<328x64xf32, #tpu.memory_space<vmem>>, vector<1x16xf32>,
        %get3A_1221 = vector.shape_cast %get3A_1220 : vector<1x16xf32> to vector<16xf32>
        %add3A_1222 = arith.addf %get3A_1216, %get3A_1221 : vector<16xf32>
        %swap3A_1223 = arith.constant 6 : i32
        %swap3A_1224 = arith.constant 0 : i32
        %swap3A_1225 = arith.constant 0 : i32
        %swap3A_1226 = tpu.memref_slice %arg8[%swap3A_1223, %swap3A_1224, %swap3A_1225] : memref<8x128x64xf32, #tpu.memory_space<vmem>> -> memref<1x128x64xf32, #tpu.memory_space<vmem>>
        %swap3A_1227 = tpu.memref_squeeze %swap3A_1226 : memref<1x128x64xf32, #tpu.memory_space<vmem>> -> memref<128x64xf32, #tpu.memory_space<vmem>>
        %swap3A_1228 = arith.index_cast %scan3A_1207 : i32 to index
        %swap3A_1229 = arith.constant 0 : index
        %swap3A_1230 = tpu.vector_load %swap3A_1227[%swap3A_1228, %swap3A_1229] {strides = array<i32>} : memref<128x64xf32, #tpu.memory_space<vmem>>, vector<1x16xf32>,
        %swap3A_1231 = vector.shape_cast %swap3A_1230 : vector<1x16xf32> to vector<16xf32>
        %swap3A_1232 = vector.shape_cast %add3A_1222 : vector<16xf32> to vector<1x16xf32>
        tpu.vector_store %swap3A_1227[%swap3A_1228, %swap3A_1229], %swap3A_1232 {strides = array<i32>} : memref<128x64xf32, #tpu.memory_space<vmem>>, vector<1x16xf32>,
        %get3A_1233 = arith.constant 6 : i32
        %get3A_1234 = arith.constant 0 : i32
        %get3A_1235 = arith.constant 0 : i32
        %get3A_1236 = tpu.memref_slice %arg8[%get3A_1233, %get3A_1234, %get3A_1235] : memref<8x128x64xf32, #tpu.memory_space<vmem>> -> memref<1x128x64xf32, #tpu.memory_space<vmem>>
        %get3A_1237 = tpu.memref_squeeze %get3A_1236 : memref<1x128x64xf32, #tpu.memory_space<vmem>> -> memref<128x64xf32, #tpu.memory_space<vmem>>
        %get3A_1238 = arith.index_cast %scan3A_1207 : i32 to index
        %get3A_1239 = arith.constant 16 : index
        %get3A_1240 = tpu.vector_load %get3A_1237[%get3A_1238, %get3A_1239] {strides = array<i32>} : memref<128x64xf32, #tpu.memory_space<vmem>>, vector<1x16xf32>,
        %get3A_1241 = vector.shape_cast %get3A_1240 : vector<1x16xf32> to vector<16xf32>
        %add3A_1242 = arith.addi %select_n3A_714, %scan3A_1207 : i32
        %get3A_1243 = arith.index_cast %add3A_1242 : i32 to index
        %get3A_1244 = arith.constant 16 : index
        %get3A_1245 = tpu.vector_load %arg7[%get3A_1243, %get3A_1244] {strides = array<i32>} : memref<328x64xf32, #tpu.memory_space<vmem>>, vector<1x16xf32>,
        %get3A_1246 = vector.shape_cast %get3A_1245 : vector<1x16xf32> to vector<16xf32>
        %add3A_1247 = arith.addf %get3A_1241, %get3A_1246 : vector<16xf32>
        %swap3A_1248 = arith.constant 6 : i32
        %swap3A_1249 = arith.constant 0 : i32
        %swap3A_1250 = arith.constant 0 : i32
        %swap3A_1251 = tpu.memref_slice %arg8[%swap3A_1248, %swap3A_1249, %swap3A_1250] : memref<8x128x64xf32, #tpu.memory_space<vmem>> -> memref<1x128x64xf32, #tpu.memory_space<vmem>>
        %swap3A_1252 = tpu.memref_squeeze %swap3A_1251 : memref<1x128x64xf32, #tpu.memory_space<vmem>> -> memref<128x64xf32, #tpu.memory_space<vmem>>
        %swap3A_1253 = arith.index_cast %scan3A_1207 : i32 to index
        %swap3A_1254 = arith.constant 16 : index
        %swap3A_1255 = tpu.vector_load %swap3A_1252[%swap3A_1253, %swap3A_1254] {strides = array<i32>} : memref<128x64xf32, #tpu.memory_space<vmem>>, vector<1x16xf32>,
        %swap3A_1256 = vector.shape_cast %swap3A_1255 : vector<1x16xf32> to vector<16xf32>
        %swap3A_1257 = vector.shape_cast %add3A_1247 : vector<16xf32> to vector<1x16xf32>
        tpu.vector_store %swap3A_1252[%swap3A_1253, %swap3A_1254], %swap3A_1257 {strides = array<i32>} : memref<128x64xf32, #tpu.memory_space<vmem>>, vector<1x16xf32>,
        %get3A_1258 = arith.constant 6 : i32
        %get3A_1259 = arith.constant 0 : i32
        %get3A_1260 = arith.constant 0 : i32
        %get3A_1261 = tpu.memref_slice %arg8[%get3A_1258, %get3A_1259, %get3A_1260] : memref<8x128x64xf32, #tpu.memory_space<vmem>> -> memref<1x128x64xf32, #tpu.memory_space<vmem>>
        %get3A_1262 = tpu.memref_squeeze %get3A_1261 : memref<1x128x64xf32, #tpu.memory_space<vmem>> -> memref<128x64xf32, #tpu.memory_space<vmem>>
        %get3A_1263 = arith.index_cast %scan3A_1207 : i32 to index
        %get3A_1264 = arith.constant 32 : index
        %get3A_1265 = tpu.vector_load %get3A_1262[%get3A_1263, %get3A_1264] {strides = array<i32>} : memref<128x64xf32, #tpu.memory_space<vmem>>, vector<1x16xf32>,
        %get3A_1266 = vector.shape_cast %get3A_1265 : vector<1x16xf32> to vector<16xf32>
        %add3A_1267 = arith.addi %select_n3A_714, %scan3A_1207 : i32
        %get3A_1268 = arith.index_cast %add3A_1267 : i32 to index
        %get3A_1269 = arith.constant 32 : index
        %get3A_1270 = tpu.vector_load %arg7[%get3A_1268, %get3A_1269] {strides = array<i32>} : memref<328x64xf32, #tpu.memory_space<vmem>>, vector<1x16xf32>,
        %get3A_1271 = vector.shape_cast %get3A_1270 : vector<1x16xf32> to vector<16xf32>
        %add3A_1272 = arith.addf %get3A_1266, %get3A_1271 : vector<16xf32>
        %swap3A_1273 = arith.constant 6 : i32
        %swap3A_1274 = arith.constant 0 : i32
        %swap3A_1275 = arith.constant 0 : i32
        %swap3A_1276 = tpu.memref_slice %arg8[%swap3A_1273, %swap3A_1274, %swap3A_1275] : memref<8x128x64xf32, #tpu.memory_space<vmem>> -> memref<1x128x64xf32, #tpu.memory_space<vmem>>
        %swap3A_1277 = tpu.memref_squeeze %swap3A_1276 : memref<1x128x64xf32, #tpu.memory_space<vmem>> -> memref<128x64xf32, #tpu.memory_space<vmem>>
        %swap3A_1278 = arith.index_cast %scan3A_1207 : i32 to index
        %swap3A_1279 = arith.constant 32 : index
        %swap3A_1280 = tpu.vector_load %swap3A_1277[%swap3A_1278, %swap3A_1279] {strides = array<i32>} : memref<128x64xf32, #tpu.memory_space<vmem>>, vector<1x16xf32>,
        %swap3A_1281 = vector.shape_cast %swap3A_1280 : vector<1x16xf32> to vector<16xf32>
        %swap3A_1282 = vector.shape_cast %add3A_1272 : vector<16xf32> to vector<1x16xf32>
        tpu.vector_store %swap3A_1277[%swap3A_1278, %swap3A_1279], %swap3A_1282 {strides = array<i32>} : memref<128x64xf32, #tpu.memory_space<vmem>>, vector<1x16xf32>,
        %get3A_1283 = arith.constant 6 : i32
        %get3A_1284 = arith.constant 0 : i32
        %get3A_1285 = arith.constant 0 : i32
        %get3A_1286 = tpu.memref_slice %arg8[%get3A_1283, %get3A_1284, %get3A_1285] : memref<8x128x64xf32, #tpu.memory_space<vmem>> -> memref<1x128x64xf32, #tpu.memory_space<vmem>>
        %get3A_1287 = tpu.memref_squeeze %get3A_1286 : memref<1x128x64xf32, #tpu.memory_space<vmem>> -> memref<128x64xf32, #tpu.memory_space<vmem>>
        %get3A_1288 = arith.index_cast %scan3A_1207 : i32 to index
        %get3A_1289 = arith.constant 48 : index
        %get3A_1290 = tpu.vector_load %get3A_1287[%get3A_1288, %get3A_1289] {strides = array<i32>} : memref<128x64xf32, #tpu.memory_space<vmem>>, vector<1x16xf32>,
        %get3A_1291 = vector.shape_cast %get3A_1290 : vector<1x16xf32> to vector<16xf32>
        %add3A_1292 = arith.addi %select_n3A_714, %scan3A_1207 : i32
        %get3A_1293 = arith.index_cast %add3A_1292 : i32 to index
        %get3A_1294 = arith.constant 48 : index
        %get3A_1295 = tpu.vector_load %arg7[%get3A_1293, %get3A_1294] {strides = array<i32>} : memref<328x64xf32, #tpu.memory_space<vmem>>, vector<1x16xf32>,
        %get3A_1296 = vector.shape_cast %get3A_1295 : vector<1x16xf32> to vector<16xf32>
        %add3A_1297 = arith.addf %get3A_1291, %get3A_1296 : vector<16xf32>
        %swap3A_1298 = arith.constant 6 : i32
        %swap3A_1299 = arith.constant 0 : i32
        %swap3A_1300 = arith.constant 0 : i32
        %swap3A_1301 = tpu.memref_slice %arg8[%swap3A_1298, %swap3A_1299, %swap3A_1300] : memref<8x128x64xf32, #tpu.memory_space<vmem>> -> memref<1x128x64xf32, #tpu.memory_space<vmem>>
        %swap3A_1302 = tpu.memref_squeeze %swap3A_1301 : memref<1x128x64xf32, #tpu.memory_space<vmem>> -> memref<128x64xf32, #tpu.memory_space<vmem>>
        %swap3A_1303 = arith.index_cast %scan3A_1207 : i32 to index
        %swap3A_1304 = arith.constant 48 : index
        %swap3A_1305 = tpu.vector_load %swap3A_1302[%swap3A_1303, %swap3A_1304] {strides = array<i32>} : memref<128x64xf32, #tpu.memory_space<vmem>>, vector<1x16xf32>,
        %swap3A_1306 = vector.shape_cast %swap3A_1305 : vector<1x16xf32> to vector<16xf32>
        %swap3A_1307 = vector.shape_cast %add3A_1297 : vector<16xf32> to vector<1x16xf32>
        tpu.vector_store %swap3A_1302[%swap3A_1303, %swap3A_1304], %swap3A_1307 {strides = array<i32>} : memref<128x64xf32, #tpu.memory_space<vmem>>, vector<1x16xf32>,
      }
      %scan3A_720 = arith.constant 128 : i32
      %dma_wait3A_721 = arith.constant 7 : i32
      %dma_wait3A_722 = arith.constant 7 : i32
      %dma_wait3A_723 = arith.constant 0 : i32
      %dma_wait3A_724 = arith.constant 0 : i32
      %dma_wait3A_725 = tpu.memref_slice %arg8[%dma_wait3A_722, %dma_wait3A_723, %dma_wait3A_724] : memref<8x128x64xf32, #tpu.memory_space<vmem>> -> memref<1x128x64xf32, #tpu.memory_space<vmem>>
      %dma_wait3A_726 = tpu.memref_squeeze %dma_wait3A_725 : memref<1x128x64xf32, #tpu.memory_space<vmem>> -> memref<128x64xf32, #tpu.memory_space<vmem>>
      %dma_wait3A_727 = arith.constant 0 : i32
      %dma_wait3A_728 = tpu.memref_slice %arg6[%dma_wait3A_721, %dma_wait3A_727] : memref<8x128xi32, #tpu.memory_space<vmem>> -> memref<1x128xi32, #tpu.memory_space<vmem>>
      %dma_wait3A_729 = tpu.memref_squeeze %dma_wait3A_728 : memref<1x128xi32, #tpu.memory_space<vmem>> -> memref<128xi32, #tpu.memory_space<vmem>>
      %dma_wait3A_730 = arith.constant 0 : i32
      %dma_wait3A_731 = arith.constant 0 : i32
      %dma_wait3A_732 = tpu.memref_slice %arg3[%dma_wait3A_730, %dma_wait3A_731] : memref<1000000x64xf32, #tpu.memory_space<hbm>> -> memref<1000000x64xf32, #tpu.memory_space<hbm>>
      tpu.wait_indirect_dma semaphore(%arg24 : memref<!tpu.dma_semaphore, #tpu.memory_space<semaphore_mem>>) src(%dma_wait3A_732 : memref<1000000x64xf32, #tpu.memory_space<hbm>>) dst(%dma_wait3A_726 : memref<128x64xf32, #tpu.memory_space<vmem>>)
      %add3A_733 = arith.constant 7 : i32
      %add3A_734 = arith.addi %mul3A_129, %add3A_733 : i32
      %mul3A_735 = arith.constant 128 : i32
      %mul3A_736 = arith.muli %add3A_734, %mul3A_735 : i32
      %jit3A_737 = arith.constant 200 : i32
      %eq3A_738 = arith.constant 0 : i32
      %eq3A_739 = arith.cmpi eq, %jit3A_737, %eq3A_738 : i32
      %jit3A_740 = arith.constant 1 : i32
      %select_n3A_741 = arith.select %eq3A_739, %jit3A_740, %jit3A_737 : i32
      %rem3A_742 = arith.remsi %mul3A_736, %select_n3A_741 : i32
      %ne3A_743 = arith.constant 0 : i32
      %ne3A_744 = arith.cmpi ne, %rem3A_742, %ne3A_743 : i32
      %lt3A_745 = arith.constant 0 : i32
      %lt3A_746 = arith.cmpi slt, %rem3A_742, %lt3A_745 : i32
      %lt3A_747 = arith.constant 0 : i32
      %lt3A_748 = arith.cmpi slt, %select_n3A_741, %lt3A_747 : i32
      %ne3A_749 = arith.xori %lt3A_746, %lt3A_748 : i1
      %and3A_750 = arith.andi %ne3A_749, %ne3A_744 : i1
      %add3A_751 = arith.addi %rem3A_742, %select_n3A_741 : i32
      %select_n3A_752 = arith.select %and3A_750, %add3A_751, %rem3A_742 : i32
      %scan3A_753 = arith.constant 0 : i32
      %scan3A_754 = arith.constant 0 : i32
      %scan3A_755 = arith.constant 128 : i32
      %scan3A_756 = arith.addi %scan3A_754, %scan3A_755 : i32
      %scan3A_757 = arith.constant 4 : i32
      scf.for %scan3A_903 = %scan3A_754 to %scan3A_756 step %scan3A_757  : i32 {
        %get3A = arith.constant 7 : i32
        %get3A_904 = arith.constant 0 : i32
        %get3A_905 = arith.constant 0 : i32
        %get3A_906 = tpu.memref_slice %arg8[%get3A, %get3A_904, %get3A_905] : memref<8x128x64xf32, #tpu.memory_space<vmem>> -> memref<1x128x64xf32, #tpu.memory_space<vmem>>
        %get3A_907 = tpu.memref_squeeze %get3A_906 : memref<1x128x64xf32, #tpu.memory_space<vmem>> -> memref<128x64xf32, #tpu.memory_space<vmem>>
        %get3A_908 = arith.index_cast %scan3A_903 : i32 to index
        %get3A_909 = arith.constant 0 : index
        %get3A_910 = tpu.vector_load %get3A_907[%get3A_908, %get3A_909] {strides = array<i32>} : memref<128x64xf32, #tpu.memory_space<vmem>>, vector<1x16xf32>,
        %get3A_911 = vector.shape_cast %get3A_910 : vector<1x16xf32> to vector<16xf32>
        %add3A_912 = arith.addi %select_n3A_752, %scan3A_903 : i32
        %get3A_913 = arith.index_cast %add3A_912 : i32 to index
        %get3A_914 = arith.constant 0 : index
        %get3A_915 = tpu.vector_load %arg7[%get3A_913, %get3A_914] {strides = array<i32>} : memref<328x64xf32, #tpu.memory_space<vmem>>, vector<1x16xf32>,
        %get3A_916 = vector.shape_cast %get3A_915 : vector<1x16xf32> to vector<16xf32>
        %add3A_917 = arith.addf %get3A_911, %get3A_916 : vector<16xf32>
        %swap3A = arith.constant 7 : i32
        %swap3A_918 = arith.constant 0 : i32
        %swap3A_919 = arith.constant 0 : i32
        %swap3A_920 = tpu.memref_slice %arg8[%swap3A, %swap3A_918, %swap3A_919] : memref<8x128x64xf32, #tpu.memory_space<vmem>> -> memref<1x128x64xf32, #tpu.memory_space<vmem>>
        %swap3A_921 = tpu.memref_squeeze %swap3A_920 : memref<1x128x64xf32, #tpu.memory_space<vmem>> -> memref<128x64xf32, #tpu.memory_space<vmem>>
        %swap3A_922 = arith.index_cast %scan3A_903 : i32 to index
        %swap3A_923 = arith.constant 0 : index
        %swap3A_924 = tpu.vector_load %swap3A_921[%swap3A_922, %swap3A_923] {strides = array<i32>} : memref<128x64xf32, #tpu.memory_space<vmem>>, vector<1x16xf32>,
        %swap3A_925 = vector.shape_cast %swap3A_924 : vector<1x16xf32> to vector<16xf32>
        %swap3A_926 = vector.shape_cast %add3A_917 : vector<16xf32> to vector<1x16xf32>
        tpu.vector_store %swap3A_921[%swap3A_922, %swap3A_923], %swap3A_926 {strides = array<i32>} : memref<128x64xf32, #tpu.memory_space<vmem>>, vector<1x16xf32>,
        %get3A_927 = arith.constant 7 : i32
        %get3A_928 = arith.constant 0 : i32
        %get3A_929 = arith.constant 0 : i32
        %get3A_930 = tpu.memref_slice %arg8[%get3A_927, %get3A_928, %get3A_929] : memref<8x128x64xf32, #tpu.memory_space<vmem>> -> memref<1x128x64xf32, #tpu.memory_space<vmem>>
        %get3A_931 = tpu.memref_squeeze %get3A_930 : memref<1x128x64xf32, #tpu.memory_space<vmem>> -> memref<128x64xf32, #tpu.memory_space<vmem>>
        %get3A_932 = arith.index_cast %scan3A_903 : i32 to index
        %get3A_933 = arith.constant 16 : index
        %get3A_934 = tpu.vector_load %get3A_931[%get3A_932, %get3A_933] {strides = array<i32>} : memref<128x64xf32, #tpu.memory_space<vmem>>, vector<1x16xf32>,
        %get3A_935 = vector.shape_cast %get3A_934 : vector<1x16xf32> to vector<16xf32>
        %add3A_936 = arith.addi %select_n3A_752, %scan3A_903 : i32
        %get3A_937 = arith.index_cast %add3A_936 : i32 to index
        %get3A_938 = arith.constant 16 : index
        %get3A_939 = tpu.vector_load %arg7[%get3A_937, %get3A_938] {strides = array<i32>} : memref<328x64xf32, #tpu.memory_space<vmem>>, vector<1x16xf32>,
        %get3A_940 = vector.shape_cast %get3A_939 : vector<1x16xf32> to vector<16xf32>
        %add3A_941 = arith.addf %get3A_935, %get3A_940 : vector<16xf32>
        %swap3A_942 = arith.constant 7 : i32
        %swap3A_943 = arith.constant 0 : i32
        %swap3A_944 = arith.constant 0 : i32
        %swap3A_945 = tpu.memref_slice %arg8[%swap3A_942, %swap3A_943, %swap3A_944] : memref<8x128x64xf32, #tpu.memory_space<vmem>> -> memref<1x128x64xf32, #tpu.memory_space<vmem>>
        %swap3A_946 = tpu.memref_squeeze %swap3A_945 : memref<1x128x64xf32, #tpu.memory_space<vmem>> -> memref<128x64xf32, #tpu.memory_space<vmem>>
        %swap3A_947 = arith.index_cast %scan3A_903 : i32 to index
        %swap3A_948 = arith.constant 16 : index
        %swap3A_949 = tpu.vector_load %swap3A_946[%swap3A_947, %swap3A_948] {strides = array<i32>} : memref<128x64xf32, #tpu.memory_space<vmem>>, vector<1x16xf32>,
        %swap3A_950 = vector.shape_cast %swap3A_949 : vector<1x16xf32> to vector<16xf32>
        %swap3A_951 = vector.shape_cast %add3A_941 : vector<16xf32> to vector<1x16xf32>
        tpu.vector_store %swap3A_946[%swap3A_947, %swap3A_948], %swap3A_951 {strides = array<i32>} : memref<128x64xf32, #tpu.memory_space<vmem>>, vector<1x16xf32>,
        %get3A_952 = arith.constant 7 : i32
        %get3A_953 = arith.constant 0 : i32
        %get3A_954 = arith.constant 0 : i32
        %get3A_955 = tpu.memref_slice %arg8[%get3A_952, %get3A_953, %get3A_954] : memref<8x128x64xf32, #tpu.memory_space<vmem>> -> memref<1x128x64xf32, #tpu.memory_space<vmem>>
        %get3A_956 = tpu.memref_squeeze %get3A_955 : memref<1x128x64xf32, #tpu.memory_space<vmem>> -> memref<128x64xf32, #tpu.memory_space<vmem>>
        %get3A_957 = arith.index_cast %scan3A_903 : i32 to index
        %get3A_958 = arith.constant 32 : index
        %get3A_959 = tpu.vector_load %get3A_956[%get3A_957, %get3A_958] {strides = array<i32>} : memref<128x64xf32, #tpu.memory_space<vmem>>, vector<1x16xf32>,
        %get3A_960 = vector.shape_cast %get3A_959 : vector<1x16xf32> to vector<16xf32>
        %add3A_961 = arith.addi %select_n3A_752, %scan3A_903 : i32
        %get3A_962 = arith.index_cast %add3A_961 : i32 to index
        %get3A_963 = arith.constant 32 : index
        %get3A_964 = tpu.vector_load %arg7[%get3A_962, %get3A_963] {strides = array<i32>} : memref<328x64xf32, #tpu.memory_space<vmem>>, vector<1x16xf32>,
        %get3A_965 = vector.shape_cast %get3A_964 : vector<1x16xf32> to vector<16xf32>
        %add3A_966 = arith.addf %get3A_960, %get3A_965 : vector<16xf32>
        %swap3A_967 = arith.constant 7 : i32
        %swap3A_968 = arith.constant 0 : i32
        %swap3A_969 = arith.constant 0 : i32
        %swap3A_970 = tpu.memref_slice %arg8[%swap3A_967, %swap3A_968, %swap3A_969] : memref<8x128x64xf32, #tpu.memory_space<vmem>> -> memref<1x128x64xf32, #tpu.memory_space<vmem>>
        %swap3A_971 = tpu.memref_squeeze %swap3A_970 : memref<1x128x64xf32, #tpu.memory_space<vmem>> -> memref<128x64xf32, #tpu.memory_space<vmem>>
        %swap3A_972 = arith.index_cast %scan3A_903 : i32 to index
        %swap3A_973 = arith.constant 32 : index
        %swap3A_974 = tpu.vector_load %swap3A_971[%swap3A_972, %swap3A_973] {strides = array<i32>} : memref<128x64xf32, #tpu.memory_space<vmem>>, vector<1x16xf32>,
        %swap3A_975 = vector.shape_cast %swap3A_974 : vector<1x16xf32> to vector<16xf32>
        %swap3A_976 = vector.shape_cast %add3A_966 : vector<16xf32> to vector<1x16xf32>
        tpu.vector_store %swap3A_971[%swap3A_972, %swap3A_973], %swap3A_976 {strides = array<i32>} : memref<128x64xf32, #tpu.memory_space<vmem>>, vector<1x16xf32>,
        %get3A_977 = arith.constant 7 : i32
        %get3A_978 = arith.constant 0 : i32
        %get3A_979 = arith.constant 0 : i32
        %get3A_980 = tpu.memref_slice %arg8[%get3A_977, %get3A_978, %get3A_979] : memref<8x128x64xf32, #tpu.memory_space<vmem>> -> memref<1x128x64xf32, #tpu.memory_space<vmem>>
        %get3A_981 = tpu.memref_squeeze %get3A_980 : memref<1x128x64xf32, #tpu.memory_space<vmem>> -> memref<128x64xf32, #tpu.memory_space<vmem>>
        %get3A_982 = arith.index_cast %scan3A_903 : i32 to index
        %get3A_983 = arith.constant 48 : index
        %get3A_984 = tpu.vector_load %get3A_981[%get3A_982, %get3A_983] {strides = array<i32>} : memref<128x64xf32, #tpu.memory_space<vmem>>, vector<1x16xf32>,
        %get3A_985 = vector.shape_cast %get3A_984 : vector<1x16xf32> to vector<16xf32>
        %add3A_986 = arith.addi %select_n3A_752, %scan3A_903 : i32
        %get3A_987 = arith.index_cast %add3A_986 : i32 to index
        %get3A_988 = arith.constant 48 : index
        %get3A_989 = tpu.vector_load %arg7[%get3A_987, %get3A_988] {strides = array<i32>} : memref<328x64xf32, #tpu.memory_space<vmem>>, vector<1x16xf32>,
        %get3A_990 = vector.shape_cast %get3A_989 : vector<1x16xf32> to vector<16xf32>
        %add3A_991 = arith.addf %get3A_985, %get3A_990 : vector<16xf32>
        %swap3A_992 = arith.constant 7 : i32
        %swap3A_993 = arith.constant 0 : i32
        %swap3A_994 = arith.constant 0 : i32
        %swap3A_995 = tpu.memref_slice %arg8[%swap3A_992, %swap3A_993, %swap3A_994] : memref<8x128x64xf32, #tpu.memory_space<vmem>> -> memref<1x128x64xf32, #tpu.memory_space<vmem>>
        %swap3A_996 = tpu.memref_squeeze %swap3A_995 : memref<1x128x64xf32, #tpu.memory_space<vmem>> -> memref<128x64xf32, #tpu.memory_space<vmem>>
        %swap3A_997 = arith.index_cast %scan3A_903 : i32 to index
        %swap3A_998 = arith.constant 48 : index
        %swap3A_999 = tpu.vector_load %swap3A_996[%swap3A_997, %swap3A_998] {strides = array<i32>} : memref<128x64xf32, #tpu.memory_space<vmem>>, vector<1x16xf32>,
        %swap3A_1000 = vector.shape_cast %swap3A_999 : vector<1x16xf32> to vector<16xf32>
        %swap3A_1001 = vector.shape_cast %add3A_991 : vector<16xf32> to vector<1x16xf32>
        tpu.vector_store %swap3A_996[%swap3A_997, %swap3A_998], %swap3A_1001 {strides = array<i32>} : memref<128x64xf32, #tpu.memory_space<vmem>>, vector<1x16xf32>,
        %scan3A_1002 = arith.constant 1 : i32
        %scan3A_1003 = arith.addi %scan3A_903, %scan3A_1002 : i32
        %get3A_1004 = arith.constant 7 : i32
        %get3A_1005 = arith.constant 0 : i32
        %get3A_1006 = arith.constant 0 : i32
        %get3A_1007 = tpu.memref_slice %arg8[%get3A_1004, %get3A_1005, %get3A_1006] : memref<8x128x64xf32, #tpu.memory_space<vmem>> -> memref<1x128x64xf32, #tpu.memory_space<vmem>>
        %get3A_1008 = tpu.memref_squeeze %get3A_1007 : memref<1x128x64xf32, #tpu.memory_space<vmem>> -> memref<128x64xf32, #tpu.memory_space<vmem>>
        %get3A_1009 = arith.index_cast %scan3A_1003 : i32 to index
        %get3A_1010 = arith.constant 0 : index
        %get3A_1011 = tpu.vector_load %get3A_1008[%get3A_1009, %get3A_1010] {strides = array<i32>} : memref<128x64xf32, #tpu.memory_space<vmem>>, vector<1x16xf32>,
        %get3A_1012 = vector.shape_cast %get3A_1011 : vector<1x16xf32> to vector<16xf32>
        %add3A_1013 = arith.addi %select_n3A_752, %scan3A_1003 : i32
        %get3A_1014 = arith.index_cast %add3A_1013 : i32 to index
        %get3A_1015 = arith.constant 0 : index
        %get3A_1016 = tpu.vector_load %arg7[%get3A_1014, %get3A_1015] {strides = array<i32>} : memref<328x64xf32, #tpu.memory_space<vmem>>, vector<1x16xf32>,
        %get3A_1017 = vector.shape_cast %get3A_1016 : vector<1x16xf32> to vector<16xf32>
        %add3A_1018 = arith.addf %get3A_1012, %get3A_1017 : vector<16xf32>
        %swap3A_1019 = arith.constant 7 : i32
        %swap3A_1020 = arith.constant 0 : i32
        %swap3A_1021 = arith.constant 0 : i32
        %swap3A_1022 = tpu.memref_slice %arg8[%swap3A_1019, %swap3A_1020, %swap3A_1021] : memref<8x128x64xf32, #tpu.memory_space<vmem>> -> memref<1x128x64xf32, #tpu.memory_space<vmem>>
        %swap3A_1023 = tpu.memref_squeeze %swap3A_1022 : memref<1x128x64xf32, #tpu.memory_space<vmem>> -> memref<128x64xf32, #tpu.memory_space<vmem>>
        %swap3A_1024 = arith.index_cast %scan3A_1003 : i32 to index
        %swap3A_1025 = arith.constant 0 : index
        %swap3A_1026 = tpu.vector_load %swap3A_1023[%swap3A_1024, %swap3A_1025] {strides = array<i32>} : memref<128x64xf32, #tpu.memory_space<vmem>>, vector<1x16xf32>,
        %swap3A_1027 = vector.shape_cast %swap3A_1026 : vector<1x16xf32> to vector<16xf32>
        %swap3A_1028 = vector.shape_cast %add3A_1018 : vector<16xf32> to vector<1x16xf32>
        tpu.vector_store %swap3A_1023[%swap3A_1024, %swap3A_1025], %swap3A_1028 {strides = array<i32>} : memref<128x64xf32, #tpu.memory_space<vmem>>, vector<1x16xf32>,
        %get3A_1029 = arith.constant 7 : i32
        %get3A_1030 = arith.constant 0 : i32
        %get3A_1031 = arith.constant 0 : i32
        %get3A_1032 = tpu.memref_slice %arg8[%get3A_1029, %get3A_1030, %get3A_1031] : memref<8x128x64xf32, #tpu.memory_space<vmem>> -> memref<1x128x64xf32, #tpu.memory_space<vmem>>
        %get3A_1033 = tpu.memref_squeeze %get3A_1032 : memref<1x128x64xf32, #tpu.memory_space<vmem>> -> memref<128x64xf32, #tpu.memory_space<vmem>>
        %get3A_1034 = arith.index_cast %scan3A_1003 : i32 to index
        %get3A_1035 = arith.constant 16 : index
        %get3A_1036 = tpu.vector_load %get3A_1033[%get3A_1034, %get3A_1035] {strides = array<i32>} : memref<128x64xf32, #tpu.memory_space<vmem>>, vector<1x16xf32>,
        %get3A_1037 = vector.shape_cast %get3A_1036 : vector<1x16xf32> to vector<16xf32>
        %add3A_1038 = arith.addi %select_n3A_752, %scan3A_1003 : i32
        %get3A_1039 = arith.index_cast %add3A_1038 : i32 to index
        %get3A_1040 = arith.constant 16 : index
        %get3A_1041 = tpu.vector_load %arg7[%get3A_1039, %get3A_1040] {strides = array<i32>} : memref<328x64xf32, #tpu.memory_space<vmem>>, vector<1x16xf32>,
        %get3A_1042 = vector.shape_cast %get3A_1041 : vector<1x16xf32> to vector<16xf32>
        %add3A_1043 = arith.addf %get3A_1037, %get3A_1042 : vector<16xf32>
        %swap3A_1044 = arith.constant 7 : i32
        %swap3A_1045 = arith.constant 0 : i32
        %swap3A_1046 = arith.constant 0 : i32
        %swap3A_1047 = tpu.memref_slice %arg8[%swap3A_1044, %swap3A_1045, %swap3A_1046] : memref<8x128x64xf32, #tpu.memory_space<vmem>> -> memref<1x128x64xf32, #tpu.memory_space<vmem>>
        %swap3A_1048 = tpu.memref_squeeze %swap3A_1047 : memref<1x128x64xf32, #tpu.memory_space<vmem>> -> memref<128x64xf32, #tpu.memory_space<vmem>>
        %swap3A_1049 = arith.index_cast %scan3A_1003 : i32 to index
        %swap3A_1050 = arith.constant 16 : index
        %swap3A_1051 = tpu.vector_load %swap3A_1048[%swap3A_1049, %swap3A_1050] {strides = array<i32>} : memref<128x64xf32, #tpu.memory_space<vmem>>, vector<1x16xf32>,
        %swap3A_1052 = vector.shape_cast %swap3A_1051 : vector<1x16xf32> to vector<16xf32>
        %swap3A_1053 = vector.shape_cast %add3A_1043 : vector<16xf32> to vector<1x16xf32>
        tpu.vector_store %swap3A_1048[%swap3A_1049, %swap3A_1050], %swap3A_1053 {strides = array<i32>} : memref<128x64xf32, #tpu.memory_space<vmem>>, vector<1x16xf32>,
        %get3A_1054 = arith.constant 7 : i32
        %get3A_1055 = arith.constant 0 : i32
        %get3A_1056 = arith.constant 0 : i32
        %get3A_1057 = tpu.memref_slice %arg8[%get3A_1054, %get3A_1055, %get3A_1056] : memref<8x128x64xf32, #tpu.memory_space<vmem>> -> memref<1x128x64xf32, #tpu.memory_space<vmem>>
        %get3A_1058 = tpu.memref_squeeze %get3A_1057 : memref<1x128x64xf32, #tpu.memory_space<vmem>> -> memref<128x64xf32, #tpu.memory_space<vmem>>
        %get3A_1059 = arith.index_cast %scan3A_1003 : i32 to index
        %get3A_1060 = arith.constant 32 : index
        %get3A_1061 = tpu.vector_load %get3A_1058[%get3A_1059, %get3A_1060] {strides = array<i32>} : memref<128x64xf32, #tpu.memory_space<vmem>>, vector<1x16xf32>,
        %get3A_1062 = vector.shape_cast %get3A_1061 : vector<1x16xf32> to vector<16xf32>
        %add3A_1063 = arith.addi %select_n3A_752, %scan3A_1003 : i32
        %get3A_1064 = arith.index_cast %add3A_1063 : i32 to index
        %get3A_1065 = arith.constant 32 : index
        %get3A_1066 = tpu.vector_load %arg7[%get3A_1064, %get3A_1065] {strides = array<i32>} : memref<328x64xf32, #tpu.memory_space<vmem>>, vector<1x16xf32>,
        %get3A_1067 = vector.shape_cast %get3A_1066 : vector<1x16xf32> to vector<16xf32>
        %add3A_1068 = arith.addf %get3A_1062, %get3A_1067 : vector<16xf32>
        %swap3A_1069 = arith.constant 7 : i32
        %swap3A_1070 = arith.constant 0 : i32
        %swap3A_1071 = arith.constant 0 : i32
        %swap3A_1072 = tpu.memref_slice %arg8[%swap3A_1069, %swap3A_1070, %swap3A_1071] : memref<8x128x64xf32, #tpu.memory_space<vmem>> -> memref<1x128x64xf32, #tpu.memory_space<vmem>>
        %swap3A_1073 = tpu.memref_squeeze %swap3A_1072 : memref<1x128x64xf32, #tpu.memory_space<vmem>> -> memref<128x64xf32, #tpu.memory_space<vmem>>
        %swap3A_1074 = arith.index_cast %scan3A_1003 : i32 to index
        %swap3A_1075 = arith.constant 32 : index
        %swap3A_1076 = tpu.vector_load %swap3A_1073[%swap3A_1074, %swap3A_1075] {strides = array<i32>} : memref<128x64xf32, #tpu.memory_space<vmem>>, vector<1x16xf32>,
        %swap3A_1077 = vector.shape_cast %swap3A_1076 : vector<1x16xf32> to vector<16xf32>
        %swap3A_1078 = vector.shape_cast %add3A_1068 : vector<16xf32> to vector<1x16xf32>
        tpu.vector_store %swap3A_1073[%swap3A_1074, %swap3A_1075], %swap3A_1078 {strides = array<i32>} : memref<128x64xf32, #tpu.memory_space<vmem>>, vector<1x16xf32>,
        %get3A_1079 = arith.constant 7 : i32
        %get3A_1080 = arith.constant 0 : i32
        %get3A_1081 = arith.constant 0 : i32
        %get3A_1082 = tpu.memref_slice %arg8[%get3A_1079, %get3A_1080, %get3A_1081] : memref<8x128x64xf32, #tpu.memory_space<vmem>> -> memref<1x128x64xf32, #tpu.memory_space<vmem>>
        %get3A_1083 = tpu.memref_squeeze %get3A_1082 : memref<1x128x64xf32, #tpu.memory_space<vmem>> -> memref<128x64xf32, #tpu.memory_space<vmem>>
        %get3A_1084 = arith.index_cast %scan3A_1003 : i32 to index
        %get3A_1085 = arith.constant 48 : index
        %get3A_1086 = tpu.vector_load %get3A_1083[%get3A_1084, %get3A_1085] {strides = array<i32>} : memref<128x64xf32, #tpu.memory_space<vmem>>, vector<1x16xf32>,
        %get3A_1087 = vector.shape_cast %get3A_1086 : vector<1x16xf32> to vector<16xf32>
        %add3A_1088 = arith.addi %select_n3A_752, %scan3A_1003 : i32
        %get3A_1089 = arith.index_cast %add3A_1088 : i32 to index
        %get3A_1090 = arith.constant 48 : index
        %get3A_1091 = tpu.vector_load %arg7[%get3A_1089, %get3A_1090] {strides = array<i32>} : memref<328x64xf32, #tpu.memory_space<vmem>>, vector<1x16xf32>,
        %get3A_1092 = vector.shape_cast %get3A_1091 : vector<1x16xf32> to vector<16xf32>
        %add3A_1093 = arith.addf %get3A_1087, %get3A_1092 : vector<16xf32>
        %swap3A_1094 = arith.constant 7 : i32
        %swap3A_1095 = arith.constant 0 : i32
        %swap3A_1096 = arith.constant 0 : i32
        %swap3A_1097 = tpu.memref_slice %arg8[%swap3A_1094, %swap3A_1095, %swap3A_1096] : memref<8x128x64xf32, #tpu.memory_space<vmem>> -> memref<1x128x64xf32, #tpu.memory_space<vmem>>
        %swap3A_1098 = tpu.memref_squeeze %swap3A_1097 : memref<1x128x64xf32, #tpu.memory_space<vmem>> -> memref<128x64xf32, #tpu.memory_space<vmem>>
        %swap3A_1099 = arith.index_cast %scan3A_1003 : i32 to index
        %swap3A_1100 = arith.constant 48 : index
        %swap3A_1101 = tpu.vector_load %swap3A_1098[%swap3A_1099, %swap3A_1100] {strides = array<i32>} : memref<128x64xf32, #tpu.memory_space<vmem>>, vector<1x16xf32>,
        %swap3A_1102 = vector.shape_cast %swap3A_1101 : vector<1x16xf32> to vector<16xf32>
        %swap3A_1103 = vector.shape_cast %add3A_1093 : vector<16xf32> to vector<1x16xf32>
        tpu.vector_store %swap3A_1098[%swap3A_1099, %swap3A_1100], %swap3A_1103 {strides = array<i32>} : memref<128x64xf32, #tpu.memory_space<vmem>>, vector<1x16xf32>,
        %scan3A_1104 = arith.constant 2 : i32
        %scan3A_1105 = arith.addi %scan3A_903, %scan3A_1104 : i32
        %get3A_1106 = arith.constant 7 : i32
        %get3A_1107 = arith.constant 0 : i32
        %get3A_1108 = arith.constant 0 : i32
        %get3A_1109 = tpu.memref_slice %arg8[%get3A_1106, %get3A_1107, %get3A_1108] : memref<8x128x64xf32, #tpu.memory_space<vmem>> -> memref<1x128x64xf32, #tpu.memory_space<vmem>>
        %get3A_1110 = tpu.memref_squeeze %get3A_1109 : memref<1x128x64xf32, #tpu.memory_space<vmem>> -> memref<128x64xf32, #tpu.memory_space<vmem>>
        %get3A_1111 = arith.index_cast %scan3A_1105 : i32 to index
        %get3A_1112 = arith.constant 0 : index
        %get3A_1113 = tpu.vector_load %get3A_1110[%get3A_1111, %get3A_1112] {strides = array<i32>} : memref<128x64xf32, #tpu.memory_space<vmem>>, vector<1x16xf32>,
        %get3A_1114 = vector.shape_cast %get3A_1113 : vector<1x16xf32> to vector<16xf32>
        %add3A_1115 = arith.addi %select_n3A_752, %scan3A_1105 : i32
        %get3A_1116 = arith.index_cast %add3A_1115 : i32 to index
        %get3A_1117 = arith.constant 0 : index
        %get3A_1118 = tpu.vector_load %arg7[%get3A_1116, %get3A_1117] {strides = array<i32>} : memref<328x64xf32, #tpu.memory_space<vmem>>, vector<1x16xf32>,
        %get3A_1119 = vector.shape_cast %get3A_1118 : vector<1x16xf32> to vector<16xf32>
        %add3A_1120 = arith.addf %get3A_1114, %get3A_1119 : vector<16xf32>
        %swap3A_1121 = arith.constant 7 : i32
        %swap3A_1122 = arith.constant 0 : i32
        %swap3A_1123 = arith.constant 0 : i32
        %swap3A_1124 = tpu.memref_slice %arg8[%swap3A_1121, %swap3A_1122, %swap3A_1123] : memref<8x128x64xf32, #tpu.memory_space<vmem>> -> memref<1x128x64xf32, #tpu.memory_space<vmem>>
        %swap3A_1125 = tpu.memref_squeeze %swap3A_1124 : memref<1x128x64xf32, #tpu.memory_space<vmem>> -> memref<128x64xf32, #tpu.memory_space<vmem>>
        %swap3A_1126 = arith.index_cast %scan3A_1105 : i32 to index
        %swap3A_1127 = arith.constant 0 : index
        %swap3A_1128 = tpu.vector_load %swap3A_1125[%swap3A_1126, %swap3A_1127] {strides = array<i32>} : memref<128x64xf32, #tpu.memory_space<vmem>>, vector<1x16xf32>,
        %swap3A_1129 = vector.shape_cast %swap3A_1128 : vector<1x16xf32> to vector<16xf32>
        %swap3A_1130 = vector.shape_cast %add3A_1120 : vector<16xf32> to vector<1x16xf32>
        tpu.vector_store %swap3A_1125[%swap3A_1126, %swap3A_1127], %swap3A_1130 {strides = array<i32>} : memref<128x64xf32, #tpu.memory_space<vmem>>, vector<1x16xf32>,
        %get3A_1131 = arith.constant 7 : i32
        %get3A_1132 = arith.constant 0 : i32
        %get3A_1133 = arith.constant 0 : i32
        %get3A_1134 = tpu.memref_slice %arg8[%get3A_1131, %get3A_1132, %get3A_1133] : memref<8x128x64xf32, #tpu.memory_space<vmem>> -> memref<1x128x64xf32, #tpu.memory_space<vmem>>
        %get3A_1135 = tpu.memref_squeeze %get3A_1134 : memref<1x128x64xf32, #tpu.memory_space<vmem>> -> memref<128x64xf32, #tpu.memory_space<vmem>>
        %get3A_1136 = arith.index_cast %scan3A_1105 : i32 to index
        %get3A_1137 = arith.constant 16 : index
        %get3A_1138 = tpu.vector_load %get3A_1135[%get3A_1136, %get3A_1137] {strides = array<i32>} : memref<128x64xf32, #tpu.memory_space<vmem>>, vector<1x16xf32>,
        %get3A_1139 = vector.shape_cast %get3A_1138 : vector<1x16xf32> to vector<16xf32>
        %add3A_1140 = arith.addi %select_n3A_752, %scan3A_1105 : i32
        %get3A_1141 = arith.index_cast %add3A_1140 : i32 to index
        %get3A_1142 = arith.constant 16 : index
        %get3A_1143 = tpu.vector_load %arg7[%get3A_1141, %get3A_1142] {strides = array<i32>} : memref<328x64xf32, #tpu.memory_space<vmem>>, vector<1x16xf32>,
        %get3A_1144 = vector.shape_cast %get3A_1143 : vector<1x16xf32> to vector<16xf32>
        %add3A_1145 = arith.addf %get3A_1139, %get3A_1144 : vector<16xf32>
        %swap3A_1146 = arith.constant 7 : i32
        %swap3A_1147 = arith.constant 0 : i32
        %swap3A_1148 = arith.constant 0 : i32
        %swap3A_1149 = tpu.memref_slice %arg8[%swap3A_1146, %swap3A_1147, %swap3A_1148] : memref<8x128x64xf32, #tpu.memory_space<vmem>> -> memref<1x128x64xf32, #tpu.memory_space<vmem>>
        %swap3A_1150 = tpu.memref_squeeze %swap3A_1149 : memref<1x128x64xf32, #tpu.memory_space<vmem>> -> memref<128x64xf32, #tpu.memory_space<vmem>>
        %swap3A_1151 = arith.index_cast %scan3A_1105 : i32 to index
        %swap3A_1152 = arith.constant 16 : index
        %swap3A_1153 = tpu.vector_load %swap3A_1150[%swap3A_1151, %swap3A_1152] {strides = array<i32>} : memref<128x64xf32, #tpu.memory_space<vmem>>, vector<1x16xf32>,
        %swap3A_1154 = vector.shape_cast %swap3A_1153 : vector<1x16xf32> to vector<16xf32>
        %swap3A_1155 = vector.shape_cast %add3A_1145 : vector<16xf32> to vector<1x16xf32>
        tpu.vector_store %swap3A_1150[%swap3A_1151, %swap3A_1152], %swap3A_1155 {strides = array<i32>} : memref<128x64xf32, #tpu.memory_space<vmem>>, vector<1x16xf32>,
        %get3A_1156 = arith.constant 7 : i32
        %get3A_1157 = arith.constant 0 : i32
        %get3A_1158 = arith.constant 0 : i32
        %get3A_1159 = tpu.memref_slice %arg8[%get3A_1156, %get3A_1157, %get3A_1158] : memref<8x128x64xf32, #tpu.memory_space<vmem>> -> memref<1x128x64xf32, #tpu.memory_space<vmem>>
        %get3A_1160 = tpu.memref_squeeze %get3A_1159 : memref<1x128x64xf32, #tpu.memory_space<vmem>> -> memref<128x64xf32, #tpu.memory_space<vmem>>
        %get3A_1161 = arith.index_cast %scan3A_1105 : i32 to index
        %get3A_1162 = arith.constant 32 : index
        %get3A_1163 = tpu.vector_load %get3A_1160[%get3A_1161, %get3A_1162] {strides = array<i32>} : memref<128x64xf32, #tpu.memory_space<vmem>>, vector<1x16xf32>,
        %get3A_1164 = vector.shape_cast %get3A_1163 : vector<1x16xf32> to vector<16xf32>
        %add3A_1165 = arith.addi %select_n3A_752, %scan3A_1105 : i32
        %get3A_1166 = arith.index_cast %add3A_1165 : i32 to index
        %get3A_1167 = arith.constant 32 : index
        %get3A_1168 = tpu.vector_load %arg7[%get3A_1166, %get3A_1167] {strides = array<i32>} : memref<328x64xf32, #tpu.memory_space<vmem>>, vector<1x16xf32>,
        %get3A_1169 = vector.shape_cast %get3A_1168 : vector<1x16xf32> to vector<16xf32>
        %add3A_1170 = arith.addf %get3A_1164, %get3A_1169 : vector<16xf32>
        %swap3A_1171 = arith.constant 7 : i32
        %swap3A_1172 = arith.constant 0 : i32
        %swap3A_1173 = arith.constant 0 : i32
        %swap3A_1174 = tpu.memref_slice %arg8[%swap3A_1171, %swap3A_1172, %swap3A_1173] : memref<8x128x64xf32, #tpu.memory_space<vmem>> -> memref<1x128x64xf32, #tpu.memory_space<vmem>>
        %swap3A_1175 = tpu.memref_squeeze %swap3A_1174 : memref<1x128x64xf32, #tpu.memory_space<vmem>> -> memref<128x64xf32, #tpu.memory_space<vmem>>
        %swap3A_1176 = arith.index_cast %scan3A_1105 : i32 to index
        %swap3A_1177 = arith.constant 32 : index
        %swap3A_1178 = tpu.vector_load %swap3A_1175[%swap3A_1176, %swap3A_1177] {strides = array<i32>} : memref<128x64xf32, #tpu.memory_space<vmem>>, vector<1x16xf32>,
        %swap3A_1179 = vector.shape_cast %swap3A_1178 : vector<1x16xf32> to vector<16xf32>
        %swap3A_1180 = vector.shape_cast %add3A_1170 : vector<16xf32> to vector<1x16xf32>
        tpu.vector_store %swap3A_1175[%swap3A_1176, %swap3A_1177], %swap3A_1180 {strides = array<i32>} : memref<128x64xf32, #tpu.memory_space<vmem>>, vector<1x16xf32>,
        %get3A_1181 = arith.constant 7 : i32
        %get3A_1182 = arith.constant 0 : i32
        %get3A_1183 = arith.constant 0 : i32
        %get3A_1184 = tpu.memref_slice %arg8[%get3A_1181, %get3A_1182, %get3A_1183] : memref<8x128x64xf32, #tpu.memory_space<vmem>> -> memref<1x128x64xf32, #tpu.memory_space<vmem>>
        %get3A_1185 = tpu.memref_squeeze %get3A_1184 : memref<1x128x64xf32, #tpu.memory_space<vmem>> -> memref<128x64xf32, #tpu.memory_space<vmem>>
        %get3A_1186 = arith.index_cast %scan3A_1105 : i32 to index
        %get3A_1187 = arith.constant 48 : index
        %get3A_1188 = tpu.vector_load %get3A_1185[%get3A_1186, %get3A_1187] {strides = array<i32>} : memref<128x64xf32, #tpu.memory_space<vmem>>, vector<1x16xf32>,
        %get3A_1189 = vector.shape_cast %get3A_1188 : vector<1x16xf32> to vector<16xf32>
        %add3A_1190 = arith.addi %select_n3A_752, %scan3A_1105 : i32
        %get3A_1191 = arith.index_cast %add3A_1190 : i32 to index
        %get3A_1192 = arith.constant 48 : index
        %get3A_1193 = tpu.vector_load %arg7[%get3A_1191, %get3A_1192] {strides = array<i32>} : memref<328x64xf32, #tpu.memory_space<vmem>>, vector<1x16xf32>,
        %get3A_1194 = vector.shape_cast %get3A_1193 : vector<1x16xf32> to vector<16xf32>
        %add3A_1195 = arith.addf %get3A_1189, %get3A_1194 : vector<16xf32>
        %swap3A_1196 = arith.constant 7 : i32
        %swap3A_1197 = arith.constant 0 : i32
        %swap3A_1198 = arith.constant 0 : i32
        %swap3A_1199 = tpu.memref_slice %arg8[%swap3A_1196, %swap3A_1197, %swap3A_1198] : memref<8x128x64xf32, #tpu.memory_space<vmem>> -> memref<1x128x64xf32, #tpu.memory_space<vmem>>
        %swap3A_1200 = tpu.memref_squeeze %swap3A_1199 : memref<1x128x64xf32, #tpu.memory_space<vmem>> -> memref<128x64xf32, #tpu.memory_space<vmem>>
        %swap3A_1201 = arith.index_cast %scan3A_1105 : i32 to index
        %swap3A_1202 = arith.constant 48 : index
        %swap3A_1203 = tpu.vector_load %swap3A_1200[%swap3A_1201, %swap3A_1202] {strides = array<i32>} : memref<128x64xf32, #tpu.memory_space<vmem>>, vector<1x16xf32>,
        %swap3A_1204 = vector.shape_cast %swap3A_1203 : vector<1x16xf32> to vector<16xf32>
        %swap3A_1205 = vector.shape_cast %add3A_1195 : vector<16xf32> to vector<1x16xf32>
        tpu.vector_store %swap3A_1200[%swap3A_1201, %swap3A_1202], %swap3A_1205 {strides = array<i32>} : memref<128x64xf32, #tpu.memory_space<vmem>>, vector<1x16xf32>,
        %scan3A_1206 = arith.constant 3 : i32
        %scan3A_1207 = arith.addi %scan3A_903, %scan3A_1206 : i32
        %get3A_1208 = arith.constant 7 : i32
        %get3A_1209 = arith.constant 0 : i32
        %get3A_1210 = arith.constant 0 : i32
        %get3A_1211 = tpu.memref_slice %arg8[%get3A_1208, %get3A_1209, %get3A_1210] : memref<8x128x64xf32, #tpu.memory_space<vmem>> -> memref<1x128x64xf32, #tpu.memory_space<vmem>>
        %get3A_1212 = tpu.memref_squeeze %get3A_1211 : memref<1x128x64xf32, #tpu.memory_space<vmem>> -> memref<128x64xf32, #tpu.memory_space<vmem>>
        %get3A_1213 = arith.index_cast %scan3A_1207 : i32 to index
        %get3A_1214 = arith.constant 0 : index
        %get3A_1215 = tpu.vector_load %get3A_1212[%get3A_1213, %get3A_1214] {strides = array<i32>} : memref<128x64xf32, #tpu.memory_space<vmem>>, vector<1x16xf32>,
        %get3A_1216 = vector.shape_cast %get3A_1215 : vector<1x16xf32> to vector<16xf32>
        %add3A_1217 = arith.addi %select_n3A_752, %scan3A_1207 : i32
        %get3A_1218 = arith.index_cast %add3A_1217 : i32 to index
        %get3A_1219 = arith.constant 0 : index
        %get3A_1220 = tpu.vector_load %arg7[%get3A_1218, %get3A_1219] {strides = array<i32>} : memref<328x64xf32, #tpu.memory_space<vmem>>, vector<1x16xf32>,
        %get3A_1221 = vector.shape_cast %get3A_1220 : vector<1x16xf32> to vector<16xf32>
        %add3A_1222 = arith.addf %get3A_1216, %get3A_1221 : vector<16xf32>
        %swap3A_1223 = arith.constant 7 : i32
        %swap3A_1224 = arith.constant 0 : i32
        %swap3A_1225 = arith.constant 0 : i32
        %swap3A_1226 = tpu.memref_slice %arg8[%swap3A_1223, %swap3A_1224, %swap3A_1225] : memref<8x128x64xf32, #tpu.memory_space<vmem>> -> memref<1x128x64xf32, #tpu.memory_space<vmem>>
        %swap3A_1227 = tpu.memref_squeeze %swap3A_1226 : memref<1x128x64xf32, #tpu.memory_space<vmem>> -> memref<128x64xf32, #tpu.memory_space<vmem>>
        %swap3A_1228 = arith.index_cast %scan3A_1207 : i32 to index
        %swap3A_1229 = arith.constant 0 : index
        %swap3A_1230 = tpu.vector_load %swap3A_1227[%swap3A_1228, %swap3A_1229] {strides = array<i32>} : memref<128x64xf32, #tpu.memory_space<vmem>>, vector<1x16xf32>,
        %swap3A_1231 = vector.shape_cast %swap3A_1230 : vector<1x16xf32> to vector<16xf32>
        %swap3A_1232 = vector.shape_cast %add3A_1222 : vector<16xf32> to vector<1x16xf32>
        tpu.vector_store %swap3A_1227[%swap3A_1228, %swap3A_1229], %swap3A_1232 {strides = array<i32>} : memref<128x64xf32, #tpu.memory_space<vmem>>, vector<1x16xf32>,
        %get3A_1233 = arith.constant 7 : i32
        %get3A_1234 = arith.constant 0 : i32
        %get3A_1235 = arith.constant 0 : i32
        %get3A_1236 = tpu.memref_slice %arg8[%get3A_1233, %get3A_1234, %get3A_1235] : memref<8x128x64xf32, #tpu.memory_space<vmem>> -> memref<1x128x64xf32, #tpu.memory_space<vmem>>
        %get3A_1237 = tpu.memref_squeeze %get3A_1236 : memref<1x128x64xf32, #tpu.memory_space<vmem>> -> memref<128x64xf32, #tpu.memory_space<vmem>>
        %get3A_1238 = arith.index_cast %scan3A_1207 : i32 to index
        %get3A_1239 = arith.constant 16 : index
        %get3A_1240 = tpu.vector_load %get3A_1237[%get3A_1238, %get3A_1239] {strides = array<i32>} : memref<128x64xf32, #tpu.memory_space<vmem>>, vector<1x16xf32>,
        %get3A_1241 = vector.shape_cast %get3A_1240 : vector<1x16xf32> to vector<16xf32>
        %add3A_1242 = arith.addi %select_n3A_752, %scan3A_1207 : i32
        %get3A_1243 = arith.index_cast %add3A_1242 : i32 to index
        %get3A_1244 = arith.constant 16 : index
        %get3A_1245 = tpu.vector_load %arg7[%get3A_1243, %get3A_1244] {strides = array<i32>} : memref<328x64xf32, #tpu.memory_space<vmem>>, vector<1x16xf32>,
        %get3A_1246 = vector.shape_cast %get3A_1245 : vector<1x16xf32> to vector<16xf32>
        %add3A_1247 = arith.addf %get3A_1241, %get3A_1246 : vector<16xf32>
        %swap3A_1248 = arith.constant 7 : i32
        %swap3A_1249 = arith.constant 0 : i32
        %swap3A_1250 = arith.constant 0 : i32
        %swap3A_1251 = tpu.memref_slice %arg8[%swap3A_1248, %swap3A_1249, %swap3A_1250] : memref<8x128x64xf32, #tpu.memory_space<vmem>> -> memref<1x128x64xf32, #tpu.memory_space<vmem>>
        %swap3A_1252 = tpu.memref_squeeze %swap3A_1251 : memref<1x128x64xf32, #tpu.memory_space<vmem>> -> memref<128x64xf32, #tpu.memory_space<vmem>>
        %swap3A_1253 = arith.index_cast %scan3A_1207 : i32 to index
        %swap3A_1254 = arith.constant 16 : index
        %swap3A_1255 = tpu.vector_load %swap3A_1252[%swap3A_1253, %swap3A_1254] {strides = array<i32>} : memref<128x64xf32, #tpu.memory_space<vmem>>, vector<1x16xf32>,
        %swap3A_1256 = vector.shape_cast %swap3A_1255 : vector<1x16xf32> to vector<16xf32>
        %swap3A_1257 = vector.shape_cast %add3A_1247 : vector<16xf32> to vector<1x16xf32>
        tpu.vector_store %swap3A_1252[%swap3A_1253, %swap3A_1254], %swap3A_1257 {strides = array<i32>} : memref<128x64xf32, #tpu.memory_space<vmem>>, vector<1x16xf32>,
        %get3A_1258 = arith.constant 7 : i32
        %get3A_1259 = arith.constant 0 : i32
        %get3A_1260 = arith.constant 0 : i32
        %get3A_1261 = tpu.memref_slice %arg8[%get3A_1258, %get3A_1259, %get3A_1260] : memref<8x128x64xf32, #tpu.memory_space<vmem>> -> memref<1x128x64xf32, #tpu.memory_space<vmem>>
        %get3A_1262 = tpu.memref_squeeze %get3A_1261 : memref<1x128x64xf32, #tpu.memory_space<vmem>> -> memref<128x64xf32, #tpu.memory_space<vmem>>
        %get3A_1263 = arith.index_cast %scan3A_1207 : i32 to index
        %get3A_1264 = arith.constant 32 : index
        %get3A_1265 = tpu.vector_load %get3A_1262[%get3A_1263, %get3A_1264] {strides = array<i32>} : memref<128x64xf32, #tpu.memory_space<vmem>>, vector<1x16xf32>,
        %get3A_1266 = vector.shape_cast %get3A_1265 : vector<1x16xf32> to vector<16xf32>
        %add3A_1267 = arith.addi %select_n3A_752, %scan3A_1207 : i32
        %get3A_1268 = arith.index_cast %add3A_1267 : i32 to index
        %get3A_1269 = arith.constant 32 : index
        %get3A_1270 = tpu.vector_load %arg7[%get3A_1268, %get3A_1269] {strides = array<i32>} : memref<328x64xf32, #tpu.memory_space<vmem>>, vector<1x16xf32>,
        %get3A_1271 = vector.shape_cast %get3A_1270 : vector<1x16xf32> to vector<16xf32>
        %add3A_1272 = arith.addf %get3A_1266, %get3A_1271 : vector<16xf32>
        %swap3A_1273 = arith.constant 7 : i32
        %swap3A_1274 = arith.constant 0 : i32
        %swap3A_1275 = arith.constant 0 : i32
        %swap3A_1276 = tpu.memref_slice %arg8[%swap3A_1273, %swap3A_1274, %swap3A_1275] : memref<8x128x64xf32, #tpu.memory_space<vmem>> -> memref<1x128x64xf32, #tpu.memory_space<vmem>>
        %swap3A_1277 = tpu.memref_squeeze %swap3A_1276 : memref<1x128x64xf32, #tpu.memory_space<vmem>> -> memref<128x64xf32, #tpu.memory_space<vmem>>
        %swap3A_1278 = arith.index_cast %scan3A_1207 : i32 to index
        %swap3A_1279 = arith.constant 32 : index
        %swap3A_1280 = tpu.vector_load %swap3A_1277[%swap3A_1278, %swap3A_1279] {strides = array<i32>} : memref<128x64xf32, #tpu.memory_space<vmem>>, vector<1x16xf32>,
        %swap3A_1281 = vector.shape_cast %swap3A_1280 : vector<1x16xf32> to vector<16xf32>
        %swap3A_1282 = vector.shape_cast %add3A_1272 : vector<16xf32> to vector<1x16xf32>
        tpu.vector_store %swap3A_1277[%swap3A_1278, %swap3A_1279], %swap3A_1282 {strides = array<i32>} : memref<128x64xf32, #tpu.memory_space<vmem>>, vector<1x16xf32>,
        %get3A_1283 = arith.constant 7 : i32
        %get3A_1284 = arith.constant 0 : i32
        %get3A_1285 = arith.constant 0 : i32
        %get3A_1286 = tpu.memref_slice %arg8[%get3A_1283, %get3A_1284, %get3A_1285] : memref<8x128x64xf32, #tpu.memory_space<vmem>> -> memref<1x128x64xf32, #tpu.memory_space<vmem>>
        %get3A_1287 = tpu.memref_squeeze %get3A_1286 : memref<1x128x64xf32, #tpu.memory_space<vmem>> -> memref<128x64xf32, #tpu.memory_space<vmem>>
        %get3A_1288 = arith.index_cast %scan3A_1207 : i32 to index
        %get3A_1289 = arith.constant 48 : index
        %get3A_1290 = tpu.vector_load %get3A_1287[%get3A_1288, %get3A_1289] {strides = array<i32>} : memref<128x64xf32, #tpu.memory_space<vmem>>, vector<1x16xf32>,
        %get3A_1291 = vector.shape_cast %get3A_1290 : vector<1x16xf32> to vector<16xf32>
        %add3A_1292 = arith.addi %select_n3A_752, %scan3A_1207 : i32
        %get3A_1293 = arith.index_cast %add3A_1292 : i32 to index
        %get3A_1294 = arith.constant 48 : index
        %get3A_1295 = tpu.vector_load %arg7[%get3A_1293, %get3A_1294] {strides = array<i32>} : memref<328x64xf32, #tpu.memory_space<vmem>>, vector<1x16xf32>,
        %get3A_1296 = vector.shape_cast %get3A_1295 : vector<1x16xf32> to vector<16xf32>
        %add3A_1297 = arith.addf %get3A_1291, %get3A_1296 : vector<16xf32>
        %swap3A_1298 = arith.constant 7 : i32
        %swap3A_1299 = arith.constant 0 : i32
        %swap3A_1300 = arith.constant 0 : i32
        %swap3A_1301 = tpu.memref_slice %arg8[%swap3A_1298, %swap3A_1299, %swap3A_1300] : memref<8x128x64xf32, #tpu.memory_space<vmem>> -> memref<1x128x64xf32, #tpu.memory_space<vmem>>
        %swap3A_1302 = tpu.memref_squeeze %swap3A_1301 : memref<1x128x64xf32, #tpu.memory_space<vmem>> -> memref<128x64xf32, #tpu.memory_space<vmem>>
        %swap3A_1303 = arith.index_cast %scan3A_1207 : i32 to index
        %swap3A_1304 = arith.constant 48 : index
        %swap3A_1305 = tpu.vector_load %swap3A_1302[%swap3A_1303, %swap3A_1304] {strides = array<i32>} : memref<128x64xf32, #tpu.memory_space<vmem>>, vector<1x16xf32>,
        %swap3A_1306 = vector.shape_cast %swap3A_1305 : vector<1x16xf32> to vector<16xf32>
        %swap3A_1307 = vector.shape_cast %add3A_1297 : vector<16xf32> to vector<1x16xf32>
        tpu.vector_store %swap3A_1302[%swap3A_1303, %swap3A_1304], %swap3A_1307 {strides = array<i32>} : memref<128x64xf32, #tpu.memory_space<vmem>>, vector<1x16xf32>,
      }
      %scan3A_758 = arith.constant 128 : i32
      %add3A_759 = arith.constant 0 : i32
      %add3A_760 = arith.addi %mul3A_129, %add3A_759 : i32
      %mul3A_761 = arith.constant 128 : i32
      %mul3A_762 = arith.muli %add3A_760, %mul3A_761 : i32
      %add3A_763 = arith.addi %mul3A_2, %mul3A_762 : i32
      %dma_start3A_764 = arith.constant 0 : i32
      %dma_start3A_765 = arith.constant 0 : i32
      %dma_start3A_766 = arith.constant 0 : i32
      %dma_start3A_767 = tpu.memref_slice %arg8[%dma_start3A_764, %dma_start3A_765, %dma_start3A_766] : memref<8x128x64xf32, #tpu.memory_space<vmem>> -> memref<1x128x64xf32, #tpu.memory_space<vmem>>
      %dma_start3A_768 = tpu.memref_squeeze %dma_start3A_767 : memref<1x128x64xf32, #tpu.memory_space<vmem>> -> memref<128x64xf32, #tpu.memory_space<vmem>>
      %dma_start3A_769 = arith.constant 0 : i32
      %dma_start3A_770 = tpu.memref_slice %arg5[%add3A_763, %dma_start3A_769] : memref<819200x64xf32, #tpu.memory_space<hbm>> -> memref<128x64xf32, #tpu.memory_space<hbm>>
      %dma_start3A_771 = arith.constant 0 : i32
      %dma_start3A_772 = tpu.memref_slice %arg5[%add3A_763, %dma_start3A_771] : memref<819200x64xf32, #tpu.memory_space<hbm>> -> memref<128x64xf32, #tpu.memory_space<hbm>>
      %dma_start3A_773 = arith.constant 0 : i32
      %dma_start3A_774 = arith.constant 0 : i32
      %dma_start3A_775 = tpu.memref_slice %arg8[%dma_start3A_764, %dma_start3A_773, %dma_start3A_774] : memref<8x128x64xf32, #tpu.memory_space<vmem>> -> memref<1x128x64xf32, #tpu.memory_space<vmem>>
      %dma_start3A_776 = tpu.memref_squeeze %dma_start3A_775 : memref<1x128x64xf32, #tpu.memory_space<vmem>> -> memref<128x64xf32, #tpu.memory_space<vmem>>
      tpu.enqueue_dma source(%dma_start3A_776 : memref<128x64xf32, #tpu.memory_space<vmem>>) target(%dma_start3A_772 : memref<128x64xf32, #tpu.memory_space<hbm>>) target_semaphore(%arg25 : memref<!tpu.dma_semaphore, #tpu.memory_space<semaphore_mem>>)
      %add3A_777 = arith.constant 1 : i32
      %add3A_778 = arith.addi %mul3A_129, %add3A_777 : i32
      %mul3A_779 = arith.constant 128 : i32
      %mul3A_780 = arith.muli %add3A_778, %mul3A_779 : i32
      %add3A_781 = arith.addi %mul3A_2, %mul3A_780 : i32
      %dma_start3A_782 = arith.constant 1 : i32
      %dma_start3A_783 = arith.constant 0 : i32
      %dma_start3A_784 = arith.constant 0 : i32
      %dma_start3A_785 = tpu.memref_slice %arg8[%dma_start3A_782, %dma_start3A_783, %dma_start3A_784] : memref<8x128x64xf32, #tpu.memory_space<vmem>> -> memref<1x128x64xf32, #tpu.memory_space<vmem>>
      %dma_start3A_786 = tpu.memref_squeeze %dma_start3A_785 : memref<1x128x64xf32, #tpu.memory_space<vmem>> -> memref<128x64xf32, #tpu.memory_space<vmem>>
      %dma_start3A_787 = arith.constant 0 : i32
      %dma_start3A_788 = tpu.memref_slice %arg5[%add3A_781, %dma_start3A_787] : memref<819200x64xf32, #tpu.memory_space<hbm>> -> memref<128x64xf32, #tpu.memory_space<hbm>>
      %dma_start3A_789 = arith.constant 0 : i32
      %dma_start3A_790 = tpu.memref_slice %arg5[%add3A_781, %dma_start3A_789] : memref<819200x64xf32, #tpu.memory_space<hbm>> -> memref<128x64xf32, #tpu.memory_space<hbm>>
      %dma_start3A_791 = arith.constant 0 : i32
      %dma_start3A_792 = arith.constant 0 : i32
      %dma_start3A_793 = tpu.memref_slice %arg8[%dma_start3A_782, %dma_start3A_791, %dma_start3A_792] : memref<8x128x64xf32, #tpu.memory_space<vmem>> -> memref<1x128x64xf32, #tpu.memory_space<vmem>>
      %dma_start3A_794 = tpu.memref_squeeze %dma_start3A_793 : memref<1x128x64xf32, #tpu.memory_space<vmem>> -> memref<128x64xf32, #tpu.memory_space<vmem>>
      tpu.enqueue_dma source(%dma_start3A_794 : memref<128x64xf32, #tpu.memory_space<vmem>>) target(%dma_start3A_790 : memref<128x64xf32, #tpu.memory_space<hbm>>) target_semaphore(%arg26 : memref<!tpu.dma_semaphore, #tpu.memory_space<semaphore_mem>>)
      %add3A_795 = arith.constant 2 : i32
      %add3A_796 = arith.addi %mul3A_129, %add3A_795 : i32
      %mul3A_797 = arith.constant 128 : i32
      %mul3A_798 = arith.muli %add3A_796, %mul3A_797 : i32
      %add3A_799 = arith.addi %mul3A_2, %mul3A_798 : i32
      %dma_start3A_800 = arith.constant 2 : i32
      %dma_start3A_801 = arith.constant 0 : i32
      %dma_start3A_802 = arith.constant 0 : i32
      %dma_start3A_803 = tpu.memref_slice %arg8[%dma_start3A_800, %dma_start3A_801, %dma_start3A_802] : memref<8x128x64xf32, #tpu.memory_space<vmem>> -> memref<1x128x64xf32, #tpu.memory_space<vmem>>
      %dma_start3A_804 = tpu.memref_squeeze %dma_start3A_803 : memref<1x128x64xf32, #tpu.memory_space<vmem>> -> memref<128x64xf32, #tpu.memory_space<vmem>>
      %dma_start3A_805 = arith.constant 0 : i32
      %dma_start3A_806 = tpu.memref_slice %arg5[%add3A_799, %dma_start3A_805] : memref<819200x64xf32, #tpu.memory_space<hbm>> -> memref<128x64xf32, #tpu.memory_space<hbm>>
      %dma_start3A_807 = arith.constant 0 : i32
      %dma_start3A_808 = tpu.memref_slice %arg5[%add3A_799, %dma_start3A_807] : memref<819200x64xf32, #tpu.memory_space<hbm>> -> memref<128x64xf32, #tpu.memory_space<hbm>>
      %dma_start3A_809 = arith.constant 0 : i32
      %dma_start3A_810 = arith.constant 0 : i32
      %dma_start3A_811 = tpu.memref_slice %arg8[%dma_start3A_800, %dma_start3A_809, %dma_start3A_810] : memref<8x128x64xf32, #tpu.memory_space<vmem>> -> memref<1x128x64xf32, #tpu.memory_space<vmem>>
      %dma_start3A_812 = tpu.memref_squeeze %dma_start3A_811 : memref<1x128x64xf32, #tpu.memory_space<vmem>> -> memref<128x64xf32, #tpu.memory_space<vmem>>
      tpu.enqueue_dma source(%dma_start3A_812 : memref<128x64xf32, #tpu.memory_space<vmem>>) target(%dma_start3A_808 : memref<128x64xf32, #tpu.memory_space<hbm>>) target_semaphore(%arg27 : memref<!tpu.dma_semaphore, #tpu.memory_space<semaphore_mem>>)
      %add3A_813 = arith.constant 3 : i32
      %add3A_814 = arith.addi %mul3A_129, %add3A_813 : i32
      %mul3A_815 = arith.constant 128 : i32
      %mul3A_816 = arith.muli %add3A_814, %mul3A_815 : i32
      %add3A_817 = arith.addi %mul3A_2, %mul3A_816 : i32
      %dma_start3A_818 = arith.constant 3 : i32
      %dma_start3A_819 = arith.constant 0 : i32
      %dma_start3A_820 = arith.constant 0 : i32
      %dma_start3A_821 = tpu.memref_slice %arg8[%dma_start3A_818, %dma_start3A_819, %dma_start3A_820] : memref<8x128x64xf32, #tpu.memory_space<vmem>> -> memref<1x128x64xf32, #tpu.memory_space<vmem>>
      %dma_start3A_822 = tpu.memref_squeeze %dma_start3A_821 : memref<1x128x64xf32, #tpu.memory_space<vmem>> -> memref<128x64xf32, #tpu.memory_space<vmem>>
      %dma_start3A_823 = arith.constant 0 : i32
      %dma_start3A_824 = tpu.memref_slice %arg5[%add3A_817, %dma_start3A_823] : memref<819200x64xf32, #tpu.memory_space<hbm>> -> memref<128x64xf32, #tpu.memory_space<hbm>>
      %dma_start3A_825 = arith.constant 0 : i32
      %dma_start3A_826 = tpu.memref_slice %arg5[%add3A_817, %dma_start3A_825] : memref<819200x64xf32, #tpu.memory_space<hbm>> -> memref<128x64xf32, #tpu.memory_space<hbm>>
      %dma_start3A_827 = arith.constant 0 : i32
      %dma_start3A_828 = arith.constant 0 : i32
      %dma_start3A_829 = tpu.memref_slice %arg8[%dma_start3A_818, %dma_start3A_827, %dma_start3A_828] : memref<8x128x64xf32, #tpu.memory_space<vmem>> -> memref<1x128x64xf32, #tpu.memory_space<vmem>>
      %dma_start3A_830 = tpu.memref_squeeze %dma_start3A_829 : memref<1x128x64xf32, #tpu.memory_space<vmem>> -> memref<128x64xf32, #tpu.memory_space<vmem>>
      tpu.enqueue_dma source(%dma_start3A_830 : memref<128x64xf32, #tpu.memory_space<vmem>>) target(%dma_start3A_826 : memref<128x64xf32, #tpu.memory_space<hbm>>) target_semaphore(%arg28 : memref<!tpu.dma_semaphore, #tpu.memory_space<semaphore_mem>>)
      %add3A_831 = arith.constant 4 : i32
      %add3A_832 = arith.addi %mul3A_129, %add3A_831 : i32
      %mul3A_833 = arith.constant 128 : i32
      %mul3A_834 = arith.muli %add3A_832, %mul3A_833 : i32
      %add3A_835 = arith.addi %mul3A_2, %mul3A_834 : i32
      %dma_start3A_836 = arith.constant 4 : i32
      %dma_start3A_837 = arith.constant 0 : i32
      %dma_start3A_838 = arith.constant 0 : i32
      %dma_start3A_839 = tpu.memref_slice %arg8[%dma_start3A_836, %dma_start3A_837, %dma_start3A_838] : memref<8x128x64xf32, #tpu.memory_space<vmem>> -> memref<1x128x64xf32, #tpu.memory_space<vmem>>
      %dma_start3A_840 = tpu.memref_squeeze %dma_start3A_839 : memref<1x128x64xf32, #tpu.memory_space<vmem>> -> memref<128x64xf32, #tpu.memory_space<vmem>>
      %dma_start3A_841 = arith.constant 0 : i32
      %dma_start3A_842 = tpu.memref_slice %arg5[%add3A_835, %dma_start3A_841] : memref<819200x64xf32, #tpu.memory_space<hbm>> -> memref<128x64xf32, #tpu.memory_space<hbm>>
      %dma_start3A_843 = arith.constant 0 : i32
      %dma_start3A_844 = tpu.memref_slice %arg5[%add3A_835, %dma_start3A_843] : memref<819200x64xf32, #tpu.memory_space<hbm>> -> memref<128x64xf32, #tpu.memory_space<hbm>>
      %dma_start3A_845 = arith.constant 0 : i32
      %dma_start3A_846 = arith.constant 0 : i32
      %dma_start3A_847 = tpu.memref_slice %arg8[%dma_start3A_836, %dma_start3A_845, %dma_start3A_846] : memref<8x128x64xf32, #tpu.memory_space<vmem>> -> memref<1x128x64xf32, #tpu.memory_space<vmem>>
      %dma_start3A_848 = tpu.memref_squeeze %dma_start3A_847 : memref<1x128x64xf32, #tpu.memory_space<vmem>> -> memref<128x64xf32, #tpu.memory_space<vmem>>
      tpu.enqueue_dma source(%dma_start3A_848 : memref<128x64xf32, #tpu.memory_space<vmem>>) target(%dma_start3A_844 : memref<128x64xf32, #tpu.memory_space<hbm>>) target_semaphore(%arg29 : memref<!tpu.dma_semaphore, #tpu.memory_space<semaphore_mem>>)
      %add3A_849 = arith.constant 5 : i32
      %add3A_850 = arith.addi %mul3A_129, %add3A_849 : i32
      %mul3A_851 = arith.constant 128 : i32
      %mul3A_852 = arith.muli %add3A_850, %mul3A_851 : i32
      %add3A_853 = arith.addi %mul3A_2, %mul3A_852 : i32
      %dma_start3A_854 = arith.constant 5 : i32
      %dma_start3A_855 = arith.constant 0 : i32
      %dma_start3A_856 = arith.constant 0 : i32
      %dma_start3A_857 = tpu.memref_slice %arg8[%dma_start3A_854, %dma_start3A_855, %dma_start3A_856] : memref<8x128x64xf32, #tpu.memory_space<vmem>> -> memref<1x128x64xf32, #tpu.memory_space<vmem>>
      %dma_start3A_858 = tpu.memref_squeeze %dma_start3A_857 : memref<1x128x64xf32, #tpu.memory_space<vmem>> -> memref<128x64xf32, #tpu.memory_space<vmem>>
      %dma_start3A_859 = arith.constant 0 : i32
      %dma_start3A_860 = tpu.memref_slice %arg5[%add3A_853, %dma_start3A_859] : memref<819200x64xf32, #tpu.memory_space<hbm>> -> memref<128x64xf32, #tpu.memory_space<hbm>>
      %dma_start3A_861 = arith.constant 0 : i32
      %dma_start3A_862 = tpu.memref_slice %arg5[%add3A_853, %dma_start3A_861] : memref<819200x64xf32, #tpu.memory_space<hbm>> -> memref<128x64xf32, #tpu.memory_space<hbm>>
      %dma_start3A_863 = arith.constant 0 : i32
      %dma_start3A_864 = arith.constant 0 : i32
      %dma_start3A_865 = tpu.memref_slice %arg8[%dma_start3A_854, %dma_start3A_863, %dma_start3A_864] : memref<8x128x64xf32, #tpu.memory_space<vmem>> -> memref<1x128x64xf32, #tpu.memory_space<vmem>>
      %dma_start3A_866 = tpu.memref_squeeze %dma_start3A_865 : memref<1x128x64xf32, #tpu.memory_space<vmem>> -> memref<128x64xf32, #tpu.memory_space<vmem>>
      tpu.enqueue_dma source(%dma_start3A_866 : memref<128x64xf32, #tpu.memory_space<vmem>>) target(%dma_start3A_862 : memref<128x64xf32, #tpu.memory_space<hbm>>) target_semaphore(%arg30 : memref<!tpu.dma_semaphore, #tpu.memory_space<semaphore_mem>>)
      %add3A_867 = arith.constant 6 : i32
      %add3A_868 = arith.addi %mul3A_129, %add3A_867 : i32
      %mul3A_869 = arith.constant 128 : i32
      %mul3A_870 = arith.muli %add3A_868, %mul3A_869 : i32
      %add3A_871 = arith.addi %mul3A_2, %mul3A_870 : i32
      %dma_start3A_872 = arith.constant 6 : i32
      %dma_start3A_873 = arith.constant 0 : i32
      %dma_start3A_874 = arith.constant 0 : i32
      %dma_start3A_875 = tpu.memref_slice %arg8[%dma_start3A_872, %dma_start3A_873, %dma_start3A_874] : memref<8x128x64xf32, #tpu.memory_space<vmem>> -> memref<1x128x64xf32, #tpu.memory_space<vmem>>
      %dma_start3A_876 = tpu.memref_squeeze %dma_start3A_875 : memref<1x128x64xf32, #tpu.memory_space<vmem>> -> memref<128x64xf32, #tpu.memory_space<vmem>>
      %dma_start3A_877 = arith.constant 0 : i32
      %dma_start3A_878 = tpu.memref_slice %arg5[%add3A_871, %dma_start3A_877] : memref<819200x64xf32, #tpu.memory_space<hbm>> -> memref<128x64xf32, #tpu.memory_space<hbm>>
      %dma_start3A_879 = arith.constant 0 : i32
      %dma_start3A_880 = tpu.memref_slice %arg5[%add3A_871, %dma_start3A_879] : memref<819200x64xf32, #tpu.memory_space<hbm>> -> memref<128x64xf32, #tpu.memory_space<hbm>>
      %dma_start3A_881 = arith.constant 0 : i32
      %dma_start3A_882 = arith.constant 0 : i32
      %dma_start3A_883 = tpu.memref_slice %arg8[%dma_start3A_872, %dma_start3A_881, %dma_start3A_882] : memref<8x128x64xf32, #tpu.memory_space<vmem>> -> memref<1x128x64xf32, #tpu.memory_space<vmem>>
      %dma_start3A_884 = tpu.memref_squeeze %dma_start3A_883 : memref<1x128x64xf32, #tpu.memory_space<vmem>> -> memref<128x64xf32, #tpu.memory_space<vmem>>
      tpu.enqueue_dma source(%dma_start3A_884 : memref<128x64xf32, #tpu.memory_space<vmem>>) target(%dma_start3A_880 : memref<128x64xf32, #tpu.memory_space<hbm>>) target_semaphore(%arg31 : memref<!tpu.dma_semaphore, #tpu.memory_space<semaphore_mem>>)
      %add3A_885 = arith.constant 7 : i32
      %add3A_886 = arith.addi %mul3A_129, %add3A_885 : i32
      %mul3A_887 = arith.constant 128 : i32
      %mul3A_888 = arith.muli %add3A_886, %mul3A_887 : i32
      %add3A_889 = arith.addi %mul3A_2, %mul3A_888 : i32
      %dma_start3A_890 = arith.constant 7 : i32
      %dma_start3A_891 = arith.constant 0 : i32
      %dma_start3A_892 = arith.constant 0 : i32
      %dma_start3A_893 = tpu.memref_slice %arg8[%dma_start3A_890, %dma_start3A_891, %dma_start3A_892] : memref<8x128x64xf32, #tpu.memory_space<vmem>> -> memref<1x128x64xf32, #tpu.memory_space<vmem>>
      %dma_start3A_894 = tpu.memref_squeeze %dma_start3A_893 : memref<1x128x64xf32, #tpu.memory_space<vmem>> -> memref<128x64xf32, #tpu.memory_space<vmem>>
      %dma_start3A_895 = arith.constant 0 : i32
      %dma_start3A_896 = tpu.memref_slice %arg5[%add3A_889, %dma_start3A_895] : memref<819200x64xf32, #tpu.memory_space<hbm>> -> memref<128x64xf32, #tpu.memory_space<hbm>>
      %dma_start3A_897 = arith.constant 0 : i32
      %dma_start3A_898 = tpu.memref_slice %arg5[%add3A_889, %dma_start3A_897] : memref<819200x64xf32, #tpu.memory_space<hbm>> -> memref<128x64xf32, #tpu.memory_space<hbm>>
      %dma_start3A_899 = arith.constant 0 : i32
      %dma_start3A_900 = arith.constant 0 : i32
      %dma_start3A_901 = tpu.memref_slice %arg8[%dma_start3A_890, %dma_start3A_899, %dma_start3A_900] : memref<8x128x64xf32, #tpu.memory_space<vmem>> -> memref<1x128x64xf32, #tpu.memory_space<vmem>>
      %dma_start3A_902 = tpu.memref_squeeze %dma_start3A_901 : memref<1x128x64xf32, #tpu.memory_space<vmem>> -> memref<128x64xf32, #tpu.memory_space<vmem>>
      tpu.enqueue_dma source(%dma_start3A_902 : memref<128x64xf32, #tpu.memory_space<vmem>>) target(%dma_start3A_898 : memref<128x64xf32, #tpu.memory_space<hbm>>) target_semaphore(%arg32 : memref<!tpu.dma_semaphore, #tpu.memory_space<semaphore_mem>>)
    }
    %scan3A_7 = arith.constant 25 : i32
    %dma_wait3A = arith.constant 0 : i32
    %dma_wait3A_8 = arith.constant 0 : i32
    %dma_wait3A_9 = arith.constant 0 : i32
    %dma_wait3A_10 = tpu.memref_slice %arg8[%dma_wait3A, %dma_wait3A_8, %dma_wait3A_9] : memref<8x128x64xf32, #tpu.memory_space<vmem>> -> memref<1x128x64xf32, #tpu.memory_space<vmem>>
    %dma_wait3A_11 = tpu.memref_squeeze %dma_wait3A_10 : memref<1x128x64xf32, #tpu.memory_space<vmem>> -> memref<128x64xf32, #tpu.memory_space<vmem>>
    %dma_wait3A_12 = arith.constant 0 : i32
    %dma_wait3A_13 = arith.constant 0 : i32
    %dma_wait3A_14 = tpu.memref_slice %arg5[%dma_wait3A_12, %dma_wait3A_13] : memref<819200x64xf32, #tpu.memory_space<hbm>> -> memref<128x64xf32, #tpu.memory_space<hbm>>
    %dma_wait3A_15 = arith.constant 0 : i32
    %dma_wait3A_16 = arith.constant 0 : i32
    %dma_wait3A_17 = tpu.memref_slice %arg5[%dma_wait3A_15, %dma_wait3A_16] : memref<819200x64xf32, #tpu.memory_space<hbm>> -> memref<128x64xf32, #tpu.memory_space<hbm>>
    %dma_wait3A_18 = arith.constant 0 : i32
    %dma_wait3A_19 = arith.constant 0 : i32
    %dma_wait3A_20 = tpu.memref_slice %arg8[%dma_wait3A, %dma_wait3A_18, %dma_wait3A_19] : memref<8x128x64xf32, #tpu.memory_space<vmem>> -> memref<1x128x64xf32, #tpu.memory_space<vmem>>
    %dma_wait3A_21 = tpu.memref_squeeze %dma_wait3A_20 : memref<1x128x64xf32, #tpu.memory_space<vmem>> -> memref<128x64xf32, #tpu.memory_space<vmem>>
    tpu.wait_dma2 semaphore(%arg25 : memref<!tpu.dma_semaphore, #tpu.memory_space<semaphore_mem>>) src(%dma_wait3A_21 : memref<128x64xf32, #tpu.memory_space<vmem>>) dst(%dma_wait3A_17 : memref<128x64xf32, #tpu.memory_space<hbm>>)
    %dma_wait3A_22 = arith.constant 1 : i32
    %dma_wait3A_23 = arith.constant 0 : i32
    %dma_wait3A_24 = arith.constant 0 : i32
    %dma_wait3A_25 = tpu.memref_slice %arg8[%dma_wait3A_22, %dma_wait3A_23, %dma_wait3A_24] : memref<8x128x64xf32, #tpu.memory_space<vmem>> -> memref<1x128x64xf32, #tpu.memory_space<vmem>>
    %dma_wait3A_26 = tpu.memref_squeeze %dma_wait3A_25 : memref<1x128x64xf32, #tpu.memory_space<vmem>> -> memref<128x64xf32, #tpu.memory_space<vmem>>
    %dma_wait3A_27 = arith.constant 0 : i32
    %dma_wait3A_28 = arith.constant 0 : i32
    %dma_wait3A_29 = tpu.memref_slice %arg5[%dma_wait3A_27, %dma_wait3A_28] : memref<819200x64xf32, #tpu.memory_space<hbm>> -> memref<128x64xf32, #tpu.memory_space<hbm>>
    %dma_wait3A_30 = arith.constant 0 : i32
    %dma_wait3A_31 = arith.constant 0 : i32
    %dma_wait3A_32 = tpu.memref_slice %arg5[%dma_wait3A_30, %dma_wait3A_31] : memref<819200x64xf32, #tpu.memory_space<hbm>> -> memref<128x64xf32, #tpu.memory_space<hbm>>
    %dma_wait3A_33 = arith.constant 0 : i32
    %dma_wait3A_34 = arith.constant 0 : i32
    %dma_wait3A_35 = tpu.memref_slice %arg8[%dma_wait3A_22, %dma_wait3A_33, %dma_wait3A_34] : memref<8x128x64xf32, #tpu.memory_space<vmem>> -> memref<1x128x64xf32, #tpu.memory_space<vmem>>
    %dma_wait3A_36 = tpu.memref_squeeze %dma_wait3A_35 : memref<1x128x64xf32, #tpu.memory_space<vmem>> -> memref<128x64xf32, #tpu.memory_space<vmem>>
    tpu.wait_dma2 semaphore(%arg26 : memref<!tpu.dma_semaphore, #tpu.memory_space<semaphore_mem>>) src(%dma_wait3A_36 : memref<128x64xf32, #tpu.memory_space<vmem>>) dst(%dma_wait3A_32 : memref<128x64xf32, #tpu.memory_space<hbm>>)
    %dma_wait3A_37 = arith.constant 2 : i32
    %dma_wait3A_38 = arith.constant 0 : i32
    %dma_wait3A_39 = arith.constant 0 : i32
    %dma_wait3A_40 = tpu.memref_slice %arg8[%dma_wait3A_37, %dma_wait3A_38, %dma_wait3A_39] : memref<8x128x64xf32, #tpu.memory_space<vmem>> -> memref<1x128x64xf32, #tpu.memory_space<vmem>>
    %dma_wait3A_41 = tpu.memref_squeeze %dma_wait3A_40 : memref<1x128x64xf32, #tpu.memory_space<vmem>> -> memref<128x64xf32, #tpu.memory_space<vmem>>
    %dma_wait3A_42 = arith.constant 0 : i32
    %dma_wait3A_43 = arith.constant 0 : i32
    %dma_wait3A_44 = tpu.memref_slice %arg5[%dma_wait3A_42, %dma_wait3A_43] : memref<819200x64xf32, #tpu.memory_space<hbm>> -> memref<128x64xf32, #tpu.memory_space<hbm>>
    %dma_wait3A_45 = arith.constant 0 : i32
    %dma_wait3A_46 = arith.constant 0 : i32
    %dma_wait3A_47 = tpu.memref_slice %arg5[%dma_wait3A_45, %dma_wait3A_46] : memref<819200x64xf32, #tpu.memory_space<hbm>> -> memref<128x64xf32, #tpu.memory_space<hbm>>
    %dma_wait3A_48 = arith.constant 0 : i32
    %dma_wait3A_49 = arith.constant 0 : i32
    %dma_wait3A_50 = tpu.memref_slice %arg8[%dma_wait3A_37, %dma_wait3A_48, %dma_wait3A_49] : memref<8x128x64xf32, #tpu.memory_space<vmem>> -> memref<1x128x64xf32, #tpu.memory_space<vmem>>
    %dma_wait3A_51 = tpu.memref_squeeze %dma_wait3A_50 : memref<1x128x64xf32, #tpu.memory_space<vmem>> -> memref<128x64xf32, #tpu.memory_space<vmem>>
    tpu.wait_dma2 semaphore(%arg27 : memref<!tpu.dma_semaphore, #tpu.memory_space<semaphore_mem>>) src(%dma_wait3A_51 : memref<128x64xf32, #tpu.memory_space<vmem>>) dst(%dma_wait3A_47 : memref<128x64xf32, #tpu.memory_space<hbm>>)
    %dma_wait3A_52 = arith.constant 3 : i32
    %dma_wait3A_53 = arith.constant 0 : i32
    %dma_wait3A_54 = arith.constant 0 : i32
    %dma_wait3A_55 = tpu.memref_slice %arg8[%dma_wait3A_52, %dma_wait3A_53, %dma_wait3A_54] : memref<8x128x64xf32, #tpu.memory_space<vmem>> -> memref<1x128x64xf32, #tpu.memory_space<vmem>>
    %dma_wait3A_56 = tpu.memref_squeeze %dma_wait3A_55 : memref<1x128x64xf32, #tpu.memory_space<vmem>> -> memref<128x64xf32, #tpu.memory_space<vmem>>
    %dma_wait3A_57 = arith.constant 0 : i32
    %dma_wait3A_58 = arith.constant 0 : i32
    %dma_wait3A_59 = tpu.memref_slice %arg5[%dma_wait3A_57, %dma_wait3A_58] : memref<819200x64xf32, #tpu.memory_space<hbm>> -> memref<128x64xf32, #tpu.memory_space<hbm>>
    %dma_wait3A_60 = arith.constant 0 : i32
    %dma_wait3A_61 = arith.constant 0 : i32
    %dma_wait3A_62 = tpu.memref_slice %arg5[%dma_wait3A_60, %dma_wait3A_61] : memref<819200x64xf32, #tpu.memory_space<hbm>> -> memref<128x64xf32, #tpu.memory_space<hbm>>
    %dma_wait3A_63 = arith.constant 0 : i32
    %dma_wait3A_64 = arith.constant 0 : i32
    %dma_wait3A_65 = tpu.memref_slice %arg8[%dma_wait3A_52, %dma_wait3A_63, %dma_wait3A_64] : memref<8x128x64xf32, #tpu.memory_space<vmem>> -> memref<1x128x64xf32, #tpu.memory_space<vmem>>
    %dma_wait3A_66 = tpu.memref_squeeze %dma_wait3A_65 : memref<1x128x64xf32, #tpu.memory_space<vmem>> -> memref<128x64xf32, #tpu.memory_space<vmem>>
    tpu.wait_dma2 semaphore(%arg28 : memref<!tpu.dma_semaphore, #tpu.memory_space<semaphore_mem>>) src(%dma_wait3A_66 : memref<128x64xf32, #tpu.memory_space<vmem>>) dst(%dma_wait3A_62 : memref<128x64xf32, #tpu.memory_space<hbm>>)
    %dma_wait3A_67 = arith.constant 4 : i32
    %dma_wait3A_68 = arith.constant 0 : i32
    %dma_wait3A_69 = arith.constant 0 : i32
    %dma_wait3A_70 = tpu.memref_slice %arg8[%dma_wait3A_67, %dma_wait3A_68, %dma_wait3A_69] : memref<8x128x64xf32, #tpu.memory_space<vmem>> -> memref<1x128x64xf32, #tpu.memory_space<vmem>>
    %dma_wait3A_71 = tpu.memref_squeeze %dma_wait3A_70 : memref<1x128x64xf32, #tpu.memory_space<vmem>> -> memref<128x64xf32, #tpu.memory_space<vmem>>
    %dma_wait3A_72 = arith.constant 0 : i32
    %dma_wait3A_73 = arith.constant 0 : i32
    %dma_wait3A_74 = tpu.memref_slice %arg5[%dma_wait3A_72, %dma_wait3A_73] : memref<819200x64xf32, #tpu.memory_space<hbm>> -> memref<128x64xf32, #tpu.memory_space<hbm>>
    %dma_wait3A_75 = arith.constant 0 : i32
    %dma_wait3A_76 = arith.constant 0 : i32
    %dma_wait3A_77 = tpu.memref_slice %arg5[%dma_wait3A_75, %dma_wait3A_76] : memref<819200x64xf32, #tpu.memory_space<hbm>> -> memref<128x64xf32, #tpu.memory_space<hbm>>
    %dma_wait3A_78 = arith.constant 0 : i32
    %dma_wait3A_79 = arith.constant 0 : i32
    %dma_wait3A_80 = tpu.memref_slice %arg8[%dma_wait3A_67, %dma_wait3A_78, %dma_wait3A_79] : memref<8x128x64xf32, #tpu.memory_space<vmem>> -> memref<1x128x64xf32, #tpu.memory_space<vmem>>
    %dma_wait3A_81 = tpu.memref_squeeze %dma_wait3A_80 : memref<1x128x64xf32, #tpu.memory_space<vmem>> -> memref<128x64xf32, #tpu.memory_space<vmem>>
    tpu.wait_dma2 semaphore(%arg29 : memref<!tpu.dma_semaphore, #tpu.memory_space<semaphore_mem>>) src(%dma_wait3A_81 : memref<128x64xf32, #tpu.memory_space<vmem>>) dst(%dma_wait3A_77 : memref<128x64xf32, #tpu.memory_space<hbm>>)
    %dma_wait3A_82 = arith.constant 5 : i32
    %dma_wait3A_83 = arith.constant 0 : i32
    %dma_wait3A_84 = arith.constant 0 : i32
    %dma_wait3A_85 = tpu.memref_slice %arg8[%dma_wait3A_82, %dma_wait3A_83, %dma_wait3A_84] : memref<8x128x64xf32, #tpu.memory_space<vmem>> -> memref<1x128x64xf32, #tpu.memory_space<vmem>>
    %dma_wait3A_86 = tpu.memref_squeeze %dma_wait3A_85 : memref<1x128x64xf32, #tpu.memory_space<vmem>> -> memref<128x64xf32, #tpu.memory_space<vmem>>
    %dma_wait3A_87 = arith.constant 0 : i32
    %dma_wait3A_88 = arith.constant 0 : i32
    %dma_wait3A_89 = tpu.memref_slice %arg5[%dma_wait3A_87, %dma_wait3A_88] : memref<819200x64xf32, #tpu.memory_space<hbm>> -> memref<128x64xf32, #tpu.memory_space<hbm>>
    %dma_wait3A_90 = arith.constant 0 : i32
    %dma_wait3A_91 = arith.constant 0 : i32
    %dma_wait3A_92 = tpu.memref_slice %arg5[%dma_wait3A_90, %dma_wait3A_91] : memref<819200x64xf32, #tpu.memory_space<hbm>> -> memref<128x64xf32, #tpu.memory_space<hbm>>
    %dma_wait3A_93 = arith.constant 0 : i32
    %dma_wait3A_94 = arith.constant 0 : i32
    %dma_wait3A_95 = tpu.memref_slice %arg8[%dma_wait3A_82, %dma_wait3A_93, %dma_wait3A_94] : memref<8x128x64xf32, #tpu.memory_space<vmem>> -> memref<1x128x64xf32, #tpu.memory_space<vmem>>
    %dma_wait3A_96 = tpu.memref_squeeze %dma_wait3A_95 : memref<1x128x64xf32, #tpu.memory_space<vmem>> -> memref<128x64xf32, #tpu.memory_space<vmem>>
    tpu.wait_dma2 semaphore(%arg30 : memref<!tpu.dma_semaphore, #tpu.memory_space<semaphore_mem>>) src(%dma_wait3A_96 : memref<128x64xf32, #tpu.memory_space<vmem>>) dst(%dma_wait3A_92 : memref<128x64xf32, #tpu.memory_space<hbm>>)
    %dma_wait3A_97 = arith.constant 6 : i32
    %dma_wait3A_98 = arith.constant 0 : i32
    %dma_wait3A_99 = arith.constant 0 : i32
    %dma_wait3A_100 = tpu.memref_slice %arg8[%dma_wait3A_97, %dma_wait3A_98, %dma_wait3A_99] : memref<8x128x64xf32, #tpu.memory_space<vmem>> -> memref<1x128x64xf32, #tpu.memory_space<vmem>>
    %dma_wait3A_101 = tpu.memref_squeeze %dma_wait3A_100 : memref<1x128x64xf32, #tpu.memory_space<vmem>> -> memref<128x64xf32, #tpu.memory_space<vmem>>
    %dma_wait3A_102 = arith.constant 0 : i32
    %dma_wait3A_103 = arith.constant 0 : i32
    %dma_wait3A_104 = tpu.memref_slice %arg5[%dma_wait3A_102, %dma_wait3A_103] : memref<819200x64xf32, #tpu.memory_space<hbm>> -> memref<128x64xf32, #tpu.memory_space<hbm>>
    %dma_wait3A_105 = arith.constant 0 : i32
    %dma_wait3A_106 = arith.constant 0 : i32
    %dma_wait3A_107 = tpu.memref_slice %arg5[%dma_wait3A_105, %dma_wait3A_106] : memref<819200x64xf32, #tpu.memory_space<hbm>> -> memref<128x64xf32, #tpu.memory_space<hbm>>
    %dma_wait3A_108 = arith.constant 0 : i32
    %dma_wait3A_109 = arith.constant 0 : i32
    %dma_wait3A_110 = tpu.memref_slice %arg8[%dma_wait3A_97, %dma_wait3A_108, %dma_wait3A_109] : memref<8x128x64xf32, #tpu.memory_space<vmem>> -> memref<1x128x64xf32, #tpu.memory_space<vmem>>
    %dma_wait3A_111 = tpu.memref_squeeze %dma_wait3A_110 : memref<1x128x64xf32, #tpu.memory_space<vmem>> -> memref<128x64xf32, #tpu.memory_space<vmem>>
    tpu.wait_dma2 semaphore(%arg31 : memref<!tpu.dma_semaphore, #tpu.memory_space<semaphore_mem>>) src(%dma_wait3A_111 : memref<128x64xf32, #tpu.memory_space<vmem>>) dst(%dma_wait3A_107 : memref<128x64xf32, #tpu.memory_space<hbm>>)
    %dma_wait3A_112 = arith.constant 7 : i32
    %dma_wait3A_113 = arith.constant 0 : i32
    %dma_wait3A_114 = arith.constant 0 : i32
    %dma_wait3A_115 = tpu.memref_slice %arg8[%dma_wait3A_112, %dma_wait3A_113, %dma_wait3A_114] : memref<8x128x64xf32, #tpu.memory_space<vmem>> -> memref<1x128x64xf32, #tpu.memory_space<vmem>>
    %dma_wait3A_116 = tpu.memref_squeeze %dma_wait3A_115 : memref<1x128x64xf32, #tpu.memory_space<vmem>> -> memref<128x64xf32, #tpu.memory_space<vmem>>
    %dma_wait3A_117 = arith.constant 0 : i32
    %dma_wait3A_118 = arith.constant 0 : i32
    %dma_wait3A_119 = tpu.memref_slice %arg5[%dma_wait3A_117, %dma_wait3A_118] : memref<819200x64xf32, #tpu.memory_space<hbm>> -> memref<128x64xf32, #tpu.memory_space<hbm>>
    %dma_wait3A_120 = arith.constant 0 : i32
    %dma_wait3A_121 = arith.constant 0 : i32
    %dma_wait3A_122 = tpu.memref_slice %arg5[%dma_wait3A_120, %dma_wait3A_121] : memref<819200x64xf32, #tpu.memory_space<hbm>> -> memref<128x64xf32, #tpu.memory_space<hbm>>
    %dma_wait3A_123 = arith.constant 0 : i32
    %dma_wait3A_124 = arith.constant 0 : i32
    %dma_wait3A_125 = tpu.memref_slice %arg8[%dma_wait3A_112, %dma_wait3A_123, %dma_wait3A_124] : memref<8x128x64xf32, #tpu.memory_space<vmem>> -> memref<1x128x64xf32, #tpu.memory_space<vmem>>
    %dma_wait3A_126 = tpu.memref_squeeze %dma_wait3A_125 : memref<1x128x64xf32, #tpu.memory_space<vmem>> -> memref<128x64xf32, #tpu.memory_space<vmem>>
    tpu.wait_dma2 semaphore(%arg32 : memref<!tpu.dma_semaphore, #tpu.memory_space<semaphore_mem>>) src(%dma_wait3A_126 : memref<128x64xf32, #tpu.memory_space<vmem>>) dst(%dma_wait3A_122 : memref<128x64xf32, #tpu.memory_space<hbm>>)
    return
  }
}

</mosaic_0001>

<sc_bundles>
// kernel: kernel.3.cloned.1.call-start
scs
__scs_entry_jumppad:
0x0: {  	(pc) =	sbr.rel $0x88, $3  }
0x1: {  	(tag) =	ssettag $0x0;
	lr =	simm.s32 $0x1  }
0x2: {  	[smem:$0x3F9E] =	sst lr;
	_ =	strace $0xD0000000  }
0x3: {  	_ = 	snop  }
0x4: {  	_ = 	snop  }
0x5: {  	_ = 	snop  }
0x6: {  	_ = 	snop  }
0x7: {  	_ = 	snop  }
__scs_overlays_trampoline_lowered:
0x8: {  	[smem:$0x3FAD] =	sst s0  }
0x9: {  	[smem:$0x3FAE] =	sst s1  }
0xa: {  	[smem:$0x3FAF] =	sst s2  }
0xb: {  	[smem:$0x3FB0] =	sst s3  }
0xc: {  	[smem:$0x3FB1] =	sst s4  }
0xd: {  	[smem:$0x3FB2] =	sst s5  }
0xe: {  	[smem:$0x3FB3] =	sst s6  }
0xf: {  	[smem:$0x3FB4] =	sst s7  }
0x10: {  	[smem:$0x3FB5] =	sst s8  }
0x11: {  	[smem:$0x3FB6] =	sst s9;
	s0 =	simm.s32 @!p0 $0x0  }
0x12: {  	s1 =	sld [smem:$0x3F9C];
	s0 =	simm.s32 @p0 $0x1  }
0x13: {  	[smem:$0x3FB7] =	sst s0;
	s0 =	simm.s32 @!p1 $0x0  }
0x14: {  	s2 =	sld [smem:$0x3F9B];
	s0 =	simm.s32 @p1 $0x1  }
0x15: {  	[smem:$0x3FB8] =	sst s0;
	s0 =	simm.s32 @!p2 $0x0  }
0x16: {  	s3 =	sld [smem:$0x3FDB];
	s0 =	simm.s32 @p2 $0x1  }
0x17: {  	s4 =	simm.s32 $0x1BF5;
	[smem:$0x3FBA] =	sst s0  }
0x18: {  	s0 =	sld [smem:$0x3F9D];
	_ =	swait.ge [sflag:s4], $0x0  }
0x19: {  	s7 =	sld [smem:$0x3F9E]  }
0x1a: {  	s8 =	sadd.s32 $0xFFFFE003, lr  }
0x1b: {  	s9 =	sadd.s32 $0xFFFFFEF7, lr;
	s5 =	simm.s32 $0xFFFFFFFF;
	p2 =	slt.u32 s8, $0xFFFFF086  }
0x1c: {  	p1 =	slt.u32 s9, $0xF7A;
	s5 =	simm.s32 @!p2 $0x0  }
0x1d: {  	s5 =	simm.s32 @p1 $0x1;
	p0 =	seq.s32 s7, s2  }
0x1e: {  	s7 =	smul.u32 @!p0 $0xF7A, s2;
	p2 =	seq.s32 @!p0 s5, $0x0  }
0x1f: {  	s9 =	smul.u32 $0xF7A, s1;
	s8 =	simm.s32 @!p0 $0x1BF5;
	p2 =	por !p2, p0  }
0x20: {  	[sflag:s8] =	ssyncset.s32 @!p0 $0xFFFFF086;
	s6 =	sadd.s32 @!p0 s3, s7;
	s7 =	simm.s32 @!p0 $0x108  }
0x21: {  	s3 =	sadd.s32 s3, s9;
	s6 =	sadd.s32 @!p0 $0x88, s6;
	s7 =	simm.s32 @p2 $0x1082  }
0x22: {  	[simem:s7], [sflag:s8] =	dma.local @!p0 [hbm:s6], $0xF7A  }
0x23: {  	s9 =	sor.u32 $0xD0000000, s2;
	s6 =	simm.s32 $0x108;
	_ =	swait.ge @!p0 [sflag:s8], $0x0  }
0x24: {  	s3 =	sadd.s32 $0x88, s3;
	s6 =	simm.s32 @!p1 $0x1082;
	[sflag:s4] =	ssyncset.s32 $0xFFFFF086  }
0x25: {  	[simem:s6], [sflag:s4] =	dma.local [hbm:s3], $0xF7A  }
0x26: {  	[smem:$0x3F9E] =	sst s1;
	(tag) =	ssettag s2;
	_ =	strace s9  }
0x27: {  	s1 =	sld [smem:$0x3FAE]  }
0x28: {  	s2 =	sld [smem:$0x3FAF]  }
0x29: {  	s4 =	sld [smem:$0x3FB1]  }
0x2a: {  	p0 =	seq.s32 s5, $0x0;
	s5 =	sld [smem:$0x3FB2]  }
0x2b: {  	s6 =	sld [smem:$0x3FB3]  }
0x2c: {  	s7 =	sld [smem:$0x3FB4]  }
0x2d: {  	s3 =	simm.s32 $0x108;
	s8 =	sld [smem:$0x3FB5]  }
0x2e: {  	s3 =	simm.s32 @!p0 $0x1082;
	s9 =	sld [smem:$0x3FB6]  }
0x2f: {  	lr =	sadd.s32 s0, s3;
	s0 =	sld [smem:$0x3FAD]  }
0x30: {  	s3 =	sld [smem:$0x3FB0]  }
0x31: {  	[smem:$0x3FB9] =	sst s10  }
0x32: {  	s10 =	sld [smem:$0x3FB7];
	_ =	sdelay $0x3  }
0x33: {  	p0 =	seq.s32 s10, $0x1;
	s10 =	sld [smem:$0x3FB9];
	_ =	sdelay $0x3  }
0x34: {  	[smem:$0x3FB9] =	sst s10  }
0x35: {  	s10 =	sld [smem:$0x3FB8];
	_ =	sdelay $0x3  }
0x36: {  	p1 =	seq.s32 s10, $0x1;
	s10 =	sld [smem:$0x3FB9];
	_ =	sdelay $0x3  }
0x37: {  	[smem:$0x3FB9] =	sst s10  }
0x38: {  	s10 =	sld [smem:$0x3FBA]  }
0x39: {  	_ = 	snop;
	(pc) =	sbr.ind lr, $3  }
0x3a: {  	_ = 	snop  }
0x3b: {  	_ = 	snop  }
0x3c: {  	p2 =	seq.s32 s10, $0x1;
	s10 =	sld [smem:$0x3FB9]  }
0x3d: {  	_ =	shalt  }
0x3e: {  	_ =	shalt  }
0x3f: {  	_ =	shalt  }
0x40: {  	_ =	shalt  }
0x41: {  	_ =	shalt  }
0x42: {  	_ =	shalt  }
0x43: {  	_ =	shalt  }
0x44: {  	_ =	shalt  }
0x45: {  	_ =	shalt  }
0x46: {  	_ =	shalt  }
0x47: {  	_ =	shalt  }
0x48: {  	_ =	shalt  }
0x49: {  	_ =	shalt  }
0x4a: {  	_ =	shalt  }
0x4b: {  	_ =	shalt  }
0x4c: {  	_ =	shalt  }
0x4d: {  	_ =	shalt  }
0x4e: {  	_ =	shalt  }
0x4f: {  	_ =	shalt  }
0x50: {  	_ =	shalt  }
0x51: {  	_ =	shalt  }
0x52: {  	_ =	shalt  }
0x53: {  	_ =	shalt  }
0x54: {  	_ =	shalt  }
0x55: {  	_ =	shalt  }
0x56: {  	_ =	shalt  }
0x57: {  	_ =	shalt  }
0x58: {  	_ =	shalt  }
0x59: {  	_ =	shalt  }
0x5a: {  	_ =	shalt  }
0x5b: {  	_ =	shalt  }
0x5c: {  	_ =	shalt  }
0x5d: {  	_ =	shalt  }
0x5e: {  	_ =	shalt  }
0x5f: {  	_ =	shalt  }
0x60: {  	_ =	shalt  }
0x61: {  	_ =	shalt  }
0x62: {  	_ =	shalt  }
0x63: {  	_ =	shalt  }
0x64: {  	_ =	shalt  }
0x65: {  	_ =	shalt  }
0x66: {  	_ =	shalt  }
0x67: {  	_ =	shalt  }
0x68: {  	_ =	shalt  }
0x69: {  	_ =	shalt  }
0x6a: {  	_ =	shalt  }
0x6b: {  	_ =	shalt  }
0x6c: {  	_ =	shalt  }
0x6d: {  	_ =	shalt  }
0x6e: {  	_ =	shalt  }
0x6f: {  	_ =	shalt  }
0x70: {  	_ =	shalt  }
0x71: {  	_ =	shalt  }
0x72: {  	_ =	shalt  }
0x73: {  	_ =	shalt  }
0x74: {  	_ =	shalt  }
0x75: {  	_ =	shalt  }
0x76: {  	_ =	shalt  }
0x77: {  	_ =	shalt  }
0x78: {  	_ =	shalt  }
0x79: {  	_ =	shalt  }
0x7a: {  	_ =	shalt  }
0x7b: {  	_ =	shalt  }
0x7c: {  	_ =	shalt  }
0x7d: {  	_ =	shalt  }
0x7e: {  	_ =	shalt  }
0x7f: {  	_ =	shalt  }
0x80: {  	_ =	shalt  }
0x81: {  	_ =	shalt  }
0x82: {  	_ =	shalt  }
0x83: {  	_ =	shalt  }
0x84: {  	_ =	shalt  }
0x85: {  	_ =	shalt  }
0x86: {  	_ =	shalt  }
0x87: {  	_ =	shalt  }
.Lfunc_end0:
.L_simem_size_0:
called_computation.1_lowered:
.L_overlay_start_0:
0x88: {  	s2 =	sld [smem:$0x3FD9]  }
0x89: {  	s3 =	sld [smem:$0x3FFE];
	_ =	sdelay $0x1  }
0x8a: {  	s1 =	srdreg.scid  }
0x8b: {  	s0 =	sand.u32 $0x1, s1  }
0x8c: {  	s17 =	sshll.u32 s0, $0xA;
	s2 =	sadd.s32 s3, s2  }
0x8d: {  	s2 =	sadd.s32 s2, s17  }
0x8e: {  	[smem:$0x3FC5] =	sst s2  }
0x8f: {  	_ = 	snop  }
0x90: {  	s2 =	sld [smem:$0x3FD0];
	(tm) =	ssettm $0x1  }
0x91: {  	s18 =	sld [smem:$0x3FFB];
	_ =	sdelay $0x3  }
0x92: {  	_ =	strace s18  }
0x93: {  	s3 =	sld [smem:$0x3FFC];
	_ =	sdelay $0x3  }
0x94: {  	_ =	strace s3  }
0x95: {  	s3 =	sld [smem:$0x3FFD];
	_ =	sdelay $0x3  }
0x96: {  	_ =	strace s3  }
0x97: {  	_ =	strace $0x8FFFFFFF  }
0x98: {  	s19 =	sld [smem:$0x3FDB];
	_ =	sdelay $0x1  }
0x99: {  	s4 =	simm.s32 $_scs_section_size  }
0x9a: {  	s5 =	simm.s32 $_size__tile_overlayer_lowered;
	s6 =	simm.s32 $_tile_overlayer_lowered  }
0x9b: {  	s22 =	simm.s32 $0x1BFF;
	s21 =	sshll.u32 s6, $0x1;
	s3 =	sadd.s32 s4, s19  }
0x9c: {  	s7 =	simm.s32 $0x0;
	s20 =	sshll.u32 s5, $0x1;
	s5 =	sadd.s32 s21, s3  }
0x9d: {  	[timem:s7], [sflag:s22] =	dma.local [hbm:s5], s20  }
0x9e: {  	_ =	swait.ge [sflag:s22], s20  }
0x9f: {  	s4 =	ssub.s32 $0x0, s20;
	[sflag:s22] =	ssyncset.done $0x0  }
0xa0: {  	[sflag:s22] =	ssyncadd.s32 s4;
	_ =	sdelay $0x1  }
0xa1: {  	s23 =	simm.s32 $0x1B8B  }
0xa2: {  	_ =	swait.ge [sflag:s23], $0x1  }
0xa3: {  	[sflag:s23] =	ssyncset.done $0x0  }
0xa4: {  	s25 =	simm.s32 $0x1B8E;
	s24 =	sld [smem:$0x3FFE];
	[sflag:s23] =	ssyncadd.s32 $0xFFFFFFFF  }
0xa5: {  	s26 =	simm.s32 $execute0_lowered;
	[smem:$0x3FD2] =	sst s25  }
0xa6: {  	s5 =	sshll.u32 s26, $0x1;
	_ =	strace $0x80000046;
	[dreg:$0x1] =	wrdreg $0xFFFFFFFF  }
0xa7: {  	s28 =	simm.s32 $_size_execute0_lowered;
	s3 =	sadd.s32 s3, s5;
	[dreg:$0x0] =	wrdreg $0x0  }
0xa8: {  	s5 =	sshll.u32 s28, $0x1;
	[dreg:$0x2] =	wrdreg s3  }
0xa9: {  	[dreg:$0x3] =	wrdreg s5  }
0xaa: {  	[dreg:$0x4] =	wrdreg $0xC0  }
0xab: {  	_ =	task [dreg:s7], $0x5FFFF  }
0xac: {  	[dreg:$0x1] =	wrdreg $0xFFFFFFFF  }
0xad: {  	[dreg:$0x0] =	wrdreg $0x60  }
0xae: {  	[dreg:$0x2] =	wrdreg s24  }
0xaf: {  	[dreg:$0x3] =	wrdreg s2  }
0xb0: {  	[dreg:$0x4] =	wrdreg $0x9  }
0xb1: {  	_ =	task.clear_ibuf [dreg:s7], $0x5FFFF;
	_ =	strace $0x90000046  }
0xb2: {  	s29 =	simm.s32 $0x9;
	_ =	strace $0x80000048  }
0xb3: {  	_ =	swait.ge [sflag:s29], $0x1  }
0xb4: {  	[sflag:s29] =	ssyncadd.s32 $0xFFFFFFFF  }
0xb5: {  	_ =	strace $0x90000048  }
0xb6: {  	_ =	sfence  }
0xb7: {  	s30 =	sld [smem:$0x0];
	_ =	sdelay $0x2  }
0xb8: {  	s31 =	sshll.u32 s1, $0xD;
	s1 =	sshrl.u32 s1, $0x2  }
0xb9: {  	s3 =	sand.u32 $0x4000, s31;
	s1 =	sadd.s32 s1, s30  }
0xba: {  	s0 =	sor.u32 s3, s0;
	s1 =	sshll.u32 s1, $0x11  }
0xbb: {  	s0 =	sor.u32 s1, s0  }
0xbc: {  	s0 =	sadd.s32 $0x8F2B, s0  }
0xbd: {  	[sflag:s0] =	ssyncadd.remote.s32 $0x1  }
0xbe: {  	_ =	sfence.sel $0xFFFF  }
0xbf: {  	[dreg:$0x0] =	wrdreg $0xFFFFFFFF;
	(pc) =	sbr.abs _section_cstart, $3  }
0xc0: {  	[dreg:$0x1] =	wrdreg $0xFFFFFFFF  }
0xc1: {  	_ =	task.clear_ibuf [dreg:s7], $0x2FFFF;
	_ =	strace $0x9FFFFFFF  }
0xc2: {  	(tm) =	ssettm $0x7FFFFFFF  }
0xc3: {  	_ =	shalt  }
tec
execute0_lowered:
.L_overlay_start_1:
0x0: {  	(tag) =	ssettag $0x1  }
0x1: {  	s0 =	rddreg [dreg:$0x0];
	s2 =	simm.s32 $0x0;
	s3 =	srdreg.scid  }
0x2: {  	s5 =	stileid.u32;
	s11 =	simm.s32 $0x80;
	[smem:$0x7FF] =	sst s2  }
0x3: {  	s3 =	sand.u32 $0x1, s3;
	s4 =	sadd.s32 $0x1600, s0;
	s8 =	sshll.u32 s5, $0x1  }
0x4: {  	s5 =	sadd.s32 $0xF43A00, s0;
	s6 =	ssub.s32 $0x2, s3;
	s3 =	sor.u32 s3, s8  }
0x5: {  	s0 =	sadd.s32 $0xA00, s0;
	s7 =	sshrl.u32 s6, $0x1;
	s30 =	smul.u32 $0x6400, s3  }
0x6: {  	_ =	strace $0x80000047;
	[dreg:$0x3] =	wrdreg s0;
	s6 =	ssub.s32 s6, s7  }
0x7: {  	s15 =	simm.s32 $0x5600;
	[dreg:$0x4] =	wrdreg s30;
	s31 =	smax.u32 s6, $0x1  }
0x8: {  	s16 =	simm.s32 $0x7600;
	s3 =	simm.s32 $0x0;
	[dreg:$0x5] =	wrdreg s31  }
.LBB2_1:
0x9: {  	[dreg:$0x6] =	wrdreg s3  }
0xa: {  	s0 =	rddreg [dreg:$0x3];
	s25 =	simm.s32 $0x400  }
0xb: {  	s26 =	simm.s32 $0x19;
	s17 =	simm.s32 $0x4F0;
	s19 =	simm.s32 $0x24F0  }
0xc: {  	s21 =	simm.s32 $0x4400;
	s23 =	simm.s32 $0x6400;
	s28 =	simm.s32 $0xA400  }
0xd: {  	s30 =	simm.s32 $0xC400;
	s9 =	simm.s32 $0x380;
	s18 =	simm.s32 $0x300  }
0xe: {  	s20 =	simm.s32 $0x280;
	s22 =	simm.s32 $0x200;
	s24 =	simm.s32 $0x180  }
0xf: {  	[tilespmem:s25], [sflag:$0x19] =	stream.linear.gather [hbm4b:s0+s2], $0x5200, $0x38;
	[tilespmem:$0x15600] =	vst v63  }
0x10: {  	s29 =	simm.s32 $0x80;
	s31 =	simm.s32 $0x0;
	_ =	swait.ge [sflag:s26], $0x5200  }
0x11: {  	s3 =	simm.s32 $0x0;
	s25 =	simm.s32 $0x8400;
	[sflag:s26] =	ssyncset.done $0x0  }
0x12: {  	s0 =	simm.s32 $0xE400;
	[sflag:s26] =	ssyncadd.s32 $0xFFFFAE00;
	s26 =	simm.s32 $0x100  }
.LBB2_2:
0x13: {  	p0 =	seq.s32 s3, $0x0  }
0x14: {  	s7 =	simm.s32 @!p0 $0x11  }
0x15: {  	_ =	swait.ge @!p0 [sflag:s7], $0x2000  }
0x16: {  	s6 =	sshll.u32 s3, $0xA;
	s10 =	rddreg [dreg:$0x4];
	[sflag:s7] =	ssyncset.done @!p0 $0x0  }
0x17: {  	s8 =	sadd.s32 s10, s6;
	[sflag:s7] =	ssyncadd.s32 @!p0 $0xFFFFE000  }
0x18: {  	s7 =	simm.s32 @!p0 $0x12;
	[dreg:$0x7] =	wrdreg s8;
	s8 =	sshrl.u32 s8, $0x3  }
0x19: {  	s6 =	sadd.s32 s6, s10;
	s10 =	simm.s32 $0x100;
	s8 =	sadd.s32 s4, s8  }
0x1a: {  	[tilespmem:s2], [sflag:$0x1] =	stream.linear.gather [hbm4b:s8+s2], $0x80, $0x38;
	[tilespmem:$0x15600] =	vst v63  }
0x1b: {  	s12 =	sadd.s32 $0x80, s6;
	s14 =	sadd.s32 $0x100, s6;
	_ =	swait.ge @!p0 [sflag:s7], $0x2000  }
0x1c: {  	s8 =	sshrl.u32 s12, $0x3;
	[dreg:$0x8] =	wrdreg s12;
	[sflag:s7] =	ssyncset.done @!p0 $0x0  }
0x1d: {  	s13 =	sadd.s32 s4, s8;
	[sflag:s7] =	ssyncadd.s32 @!p0 $0xFFFFE000;
	s7 =	simm.s32 @!p0 $0x13  }
0x1e: {  	[tilespmem:s11], [sflag:$0x2] =	stream.linear.gather [hbm4b:s13+s2], $0x80, $0x38;
	[tilespmem:$0x15600] =	vst v63  }
0x1f: {  	s8 =	sshrl.u32 s14, $0x3;
	s12 =	sadd.s32 $0x180, s6;
	_ =	swait.ge @!p0 [sflag:s7], $0x2000  }
0x20: {  	s8 =	sadd.s32 s4, s8;
	[dreg:$0x9] =	wrdreg s14;
	[sflag:s7] =	ssyncset.done @!p0 $0x0  }
0x21: {  	s14 =	sadd.s32 $0x200, s6;
	[sflag:s7] =	ssyncadd.s32 @!p0 $0xFFFFE000;
	s7 =	simm.s32 @!p0 $0x14  }
0x22: {  	[tilespmem:s10], [sflag:$0x3] =	stream.linear.gather [hbm4b:s8+s2], $0x80, $0x38;
	[tilespmem:$0x15600] =	vst v63  }
0x23: {  	s8 =	sshrl.u32 s12, $0x3;
	_ =	swait.ge @!p0 [sflag:s7], $0x2000;
	[dreg:$0xa] =	wrdreg s12  }
0x24: {  	s13 =	sadd.s32 s4, s8;
	s12 =	simm.s32 $0x180;
	[sflag:s7] =	ssyncset.done @!p0 $0x0  }
0x25: {  	s8 =	sshrl.u32 s14, $0x3;
	[sflag:s7] =	ssyncadd.s32 @!p0 $0xFFFFE000;
	s7 =	simm.s32 @!p0 $0x15  }
0x26: {  	[tilespmem:s12], [sflag:$0x4] =	stream.linear.gather [hbm4b:s13+s2], $0x80, $0x38;
	[tilespmem:$0x15600] =	vst v63  }
0x27: {  	s8 =	sadd.s32 s4, s8;
	_ =	swait.ge @!p0 [sflag:s7], $0x2000  }
0x28: {  	s13 =	simm.s32 $0x200;
	[dreg:$0xb] =	wrdreg s14;
	[sflag:s7] =	ssyncset.done @!p0 $0x0  }
0x29: {  	s14 =	sadd.s32 $0x280, s6;
	[sflag:s7] =	ssyncadd.s32 @!p0 $0xFFFFE000;
	s7 =	simm.s32 @!p0 $0x16  }
0x2a: {  	[tilespmem:s13], [sflag:$0x5] =	stream.linear.gather [hbm4b:s8+s2], $0x80, $0x38;
	[tilespmem:$0x15600] =	vst v63  }
0x2b: {  	s8 =	sshrl.u32 s14, $0x3;
	_ =	swait.ge @!p0 [sflag:s7], $0x2000  }
0x2c: {  	[dreg:$0xc] =	wrdreg s14;
	s8 =	sadd.s32 s4, s8;
	[sflag:s7] =	ssyncset.done @!p0 $0x0  }
0x2d: {  	s14 =	simm.s32 $0x280;
	[sflag:s7] =	ssyncadd.s32 @!p0 $0xFFFFE000;
	s7 =	simm.s32 @!p0 $0x17  }
0x2e: {  	[tilespmem:s14], [sflag:$0x6] =	stream.linear.gather [hbm4b:s8+s2], $0x80, $0x38;
	[tilespmem:$0x15600] =	vst v63  }
0x2f: {  	s8 =	sadd.s32 $0x300, s6;
	_ =	swait.ge @!p0 [sflag:s7], $0x2000  }
0x30: {  	[dreg:$0xd] =	wrdreg s8;
	s8 =	sshrl.u32 s8, $0x3;
	[sflag:s7] =	ssyncset.done @!p0 $0x0  }
0x31: {  	[sflag:s7] =	ssyncadd.s32 @!p0 $0xFFFFE000;
	s7 =	sadd.s32 s4, s8;
	s8 =	simm.s32 $0x300  }
0x32: {  	[tilespmem:s8], [sflag:$0x7] =	stream.linear.gather [hbm4b:s7+s2], $0x80, $0x38;
	[tilespmem:$0x15600] =	vst v63  }
0x33: {  	s7 =	simm.s32 @!p0 $0x18  }
0x34: {  	s6 =	sadd.s32 $0x380, s6;
	_ =	swait.ge @!p0 [sflag:s7], $0x2000  }
0x35: {  	[dreg:$0xe] =	wrdreg s6;
	s6 =	sshrl.u32 s6, $0x3;
	[sflag:s7] =	ssyncset.done @!p0 $0x0  }
0x36: {  	s6 =	sadd.s32 s4, s6;
	[sflag:s7] =	ssyncadd.s32 @!p0 $0xFFFFE000;
	s7 =	simm.s32 $0x380  }
0x37: {  	[tilespmem:s7], [sflag:$0x8] =	stream.linear.gather [hbm4b:s6+s2], $0x80, $0x38;
	[tilespmem:$0x15600] =	vst v63  }
0x38: {  	s6 =	simm.s32 $0x1  }
0x39: {  	_ =	swait.ge [sflag:s6], $0x80  }
0x3a: {  	[sflag:s6] =	ssyncset.done $0x0  }
0x3b: {  	[sflag:s6] =	ssyncadd.s32 $0xFFFFFF80  }
0x3c: {  	[tilespmem:s15], [sflag:$0x9] =	stream.indirect.gather [hbm4b:s5+s11], $0x40, s2, s11, $0xb8;
	[tilespmem:$0x15600] =	vst v63  }
0x3d: {  	s15 =	simm.s32 $0x2  }
0x3e: {  	_ =	swait.ge [sflag:s15], $0x80  }
0x3f: {  	[sflag:s15] =	ssyncset.done $0x0  }
0x40: {  	[sflag:s15] =	ssyncadd.s32 $0xFFFFFF80  }
0x41: {  	[tilespmem:s16], [sflag:$0xA] =	stream.indirect.gather [hbm4b:s5+s11], $0x40, s11, s11, $0xb8;
	[tilespmem:$0x15600] =	vst v63  }
0x42: {  	s16 =	simm.s32 $0x3  }
0x43: {  	_ =	swait.ge [sflag:s16], $0x80  }
0x44: {  	[sflag:s16] =	ssyncset.done $0x0  }
0x45: {  	s1 =	simm.s32 $0x9600;
	s6 =	simm.s32 $0x4;
	[sflag:s16] =	ssyncadd.s32 $0xFFFFFF80  }
0x46: {  	[tilespmem:s1], [sflag:$0xB] =	stream.indirect.gather [hbm4b:s5+s11], $0x40, s10, s11, $0xb8;
	[tilespmem:$0x15600] =	vst v63  }
0x47: {  	_ =	swait.ge [sflag:s6], $0x80  }
0x48: {  	[sflag:s6] =	ssyncset.done $0x0  }
0x49: {  	s10 =	simm.s32 $0xB600;
	[sflag:s6] =	ssyncadd.s32 $0xFFFFFF80  }
0x4a: {  	[tilespmem:s10], [sflag:$0xC] =	stream.indirect.gather [hbm4b:s5+s11], $0x40, s12, s11, $0xb8;
	[tilespmem:$0x15600] =	vst v63  }
0x4b: {  	s12 =	simm.s32 $0x5  }
0x4c: {  	_ =	swait.ge [sflag:s12], $0x80  }
0x4d: {  	[sflag:s12] =	ssyncset.done $0x0  }
0x4e: {  	s15 =	simm.s32 $0xD600;
	s16 =	simm.s32 $0x6;
	[sflag:s12] =	ssyncadd.s32 $0xFFFFFF80  }
0x4f: {  	[tilespmem:s15], [sflag:$0xD] =	stream.indirect.gather [hbm4b:s5+s11], $0x40, s13, s11, $0xb8;
	[tilespmem:$0x15600] =	vst v63  }
0x50: {  	_ =	swait.ge [sflag:s16], $0x80  }
0x51: {  	[sflag:s16] =	ssyncset.done $0x0  }
0x52: {  	s6 =	simm.s32 $0xF600;
	s10 =	simm.s32 $0x7;
	[sflag:s16] =	ssyncadd.s32 $0xFFFFFF80  }
0x53: {  	[tilespmem:s6], [sflag:$0xE] =	stream.indirect.gather [hbm4b:s5+s11], $0x40, s14, s11, $0xb8;
	[tilespmem:$0x15600] =	vst v63  }
0x54: {  	_ =	swait.ge [sflag:s10], $0x80  }
0x55: {  	[sflag:s10] =	ssyncset.done $0x0  }
0x56: {  	s12 =	simm.s32 $0x11600;
	s14 =	simm.s32 $0x8;
	[sflag:s10] =	ssyncadd.s32 $0xFFFFFF80  }
0x57: {  	[tilespmem:s12], [sflag:$0xF] =	stream.indirect.gather [hbm4b:s5+s11], $0x40, s8, s11, $0xb8;
	[tilespmem:$0x15600] =	vst v63  }
0x58: {  	s13 =	smulhi.u32 $0x51EB851F, s31;
	_ =	swait.ge [sflag:s14], $0x80  }
0x59: {  	s15 =	simm.s32 $0x13600;
	[sflag:s14] =	ssyncset.done $0x0  }
0x5a: {  	s16 =	simm.s32 $0x9;
	s6 =	sshrl.u32 s13, $0x6;
	[sflag:s14] =	ssyncadd.s32 $0xFFFFFF80  }
0x5b: {  	[tilespmem:s15], [sflag:$0x10] =	stream.indirect.gather [hbm4b:s5+s11], $0x40, s7, s11, $0xb8;
	[tilespmem:$0x15600] =	vst v63  }
0x5c: {  	s6 =	smul.u32 $0xFFFF3800, s6;
	_ =	swait.ge [sflag:s16], $0x2000  }
0x5d: {  	[sflag:s16] =	ssyncset.done $0x0  }
0x5e: {  	s13 =	simm.s32 $0x5680;
	s6 =	sshra.s32 s6, $0x2;
	[sflag:s16] =	ssyncadd.s32 $0xFFFFE000  }
0x5f: {  	s14 =	sadd.s32 s6, s17;
	v0 =	vld [tilespmem:s13+$0xFFFFFF80]  }
0x60: {  	v1 =	vld [tilespmem:s14+$0xFFFFFF10];
	_ =	sdelay $0x4  }
0x61: {  	v0 =	vadd.f32 v1, v0;
	_ =	sdelay $0x1  }
0x62: {  	[tilespmem:s13+$0xFFFFFF80] =	vst v0;
	v0 =	vld [tilespmem:s13+$0xFFFFFF90]  }
0x63: {  	v1 =	vld [tilespmem:s14+$0xFFFFFF20];
	_ =	sdelay $0x4  }
0x64: {  	v0 =	vadd.f32 v1, v0;
	_ =	sdelay $0x1  }
0x65: {  	[tilespmem:s13+$0xFFFFFF90] =	vst v0;
	v0 =	vld [tilespmem:s13+$0xFFFFFFA0]  }
0x66: {  	v1 =	vld [tilespmem:s14+$0xFFFFFF30];
	_ =	sdelay $0x4  }
0x67: {  	v0 =	vadd.f32 v1, v0;
	_ =	sdelay $0x1  }
0x68: {  	[tilespmem:s13+$0xFFFFFFA0] =	vst v0;
	v0 =	vld [tilespmem:s13+$0xFFFFFFB0]  }
0x69: {  	v1 =	vld [tilespmem:s14+$0xFFFFFF40];
	_ =	sdelay $0x4  }
0x6a: {  	v0 =	vadd.f32 v1, v0;
	_ =	sdelay $0x1  }
0x6b: {  	[tilespmem:s13+$0xFFFFFFB0] =	vst v0;
	v0 =	vld [tilespmem:s13+$0xFFFFFFC0]  }
0x6c: {  	v1 =	vld [tilespmem:s14+$0xFFFFFF50];
	_ =	sdelay $0x4  }
0x6d: {  	v0 =	vadd.f32 v1, v0;
	_ =	sdelay $0x1  }
0x6e: {  	[tilespmem:s13+$0xFFFFFFC0] =	vst v0;
	v0 =	vld [tilespmem:s13+$0xFFFFFFD0]  }
0x6f: {  	v1 =	vld [tilespmem:s14+$0xFFFFFF60];
	_ =	sdelay $0x4  }
0x70: {  	v0 =	vadd.f32 v1, v0;
	_ =	sdelay $0x1  }
0x71: {  	[tilespmem:s13+$0xFFFFFFD0] =	vst v0;
	v0 =	vld [tilespmem:s13+$0xFFFFFFE0]  }
0x72: {  	v1 =	vld [tilespmem:s14+$0xFFFFFF70];
	_ =	sdelay $0x4  }
0x73: {  	v0 =	vadd.f32 v1, v0;
	_ =	sdelay $0x1  }
0x74: {  	[tilespmem:s13+$0xFFFFFFE0] =	vst v0;
	v0 =	vld [tilespmem:s13+$0xFFFFFFF0]  }
0x75: {  	v1 =	vld [tilespmem:s14+$0xFFFFFF80];
	_ =	sdelay $0x4  }
0x76: {  	v0 =	vadd.f32 v1, v0;
	_ =	sdelay $0x1  }
0x77: {  	[tilespmem:s13+$0xFFFFFFF0] =	vst v0;
	v0 =	vld [tilespmem:s13+$0x0]  }
0x78: {  	v1 =	vld [tilespmem:s14+$0xFFFFFF90];
	_ =	sdelay $0x4  }
0x79: {  	v0 =	vadd.f32 v1, v0;
	_ =	sdelay $0x1  }
0x7a: {  	[tilespmem:s13+$0x0] =	vst v0;
	v0 =	vld [tilespmem:s13+$0x10]  }
0x7b: {  	v1 =	vld [tilespmem:s14+$0xFFFFFFA0];
	_ =	sdelay $0x4  }
0x7c: {  	v0 =	vadd.f32 v1, v0;
	_ =	sdelay $0x1  }
0x7d: {  	[tilespmem:s13+$0x10] =	vst v0;
	v0 =	vld [tilespmem:s13+$0x20]  }
0x7e: {  	v1 =	vld [tilespmem:s14+$0xFFFFFFB0];
	_ =	sdelay $0x4  }
0x7f: {  	v0 =	vadd.f32 v1, v0;
	_ =	sdelay $0x1  }
0x80: {  	[tilespmem:s13+$0x20] =	vst v0;
	v0 =	vld [tilespmem:s13+$0x30]  }
0x81: {  	v1 =	vld [tilespmem:s14+$0xFFFFFFC0];
	_ =	sdelay $0x4  }
0x82: {  	v0 =	vadd.f32 v1, v0;
	_ =	sdelay $0x1  }
0x83: {  	[tilespmem:s13+$0x30] =	vst v0;
	v0 =	vld [tilespmem:s13+$0x40]  }
0x84: {  	v1 =	vld [tilespmem:s14+$0xFFFFFFD0];
	_ =	sdelay $0x4  }
0x85: {  	v0 =	vadd.f32 v1, v0;
	_ =	sdelay $0x1  }
0x86: {  	[tilespmem:s13+$0x40] =	vst v0;
	v0 =	vld [tilespmem:s13+$0x50]  }
0x87: {  	v1 =	vld [tilespmem:s14+$0xFFFFFFE0];
	_ =	sdelay $0x3  }
0x88: {  	s10 =	smulhi.u32 $0x51EB851F, s20  }
0x89: {  	s8 =	smulhi.u32 $0x51EB851F, s18;
	v0 =	vadd.f32 v1, v0  }
0x8a: {  	s7 =	smulhi.u32 $0x51EB851F, s9  }
0x8b: {  	s12 =	smulhi.u32 $0x51EB851F, s22;
	[tilespmem:s13+$0x50] =	vst v0;
	v0 =	vld [tilespmem:s13+$0x60]  }
0x8c: {  	s6 =	sshrl.u32 s7, $0x6;
	s7 =	sshrl.u32 s8, $0x6;
	v1 =	vld [tilespmem:s14+$0xFFFFFFF0]  }
0x8d: {  	s8 =	sshrl.u32 s10, $0x6;
	s10 =	sshrl.u32 s12, $0x6;
	s12 =	smulhi.u32 $0x51EB851F, s24  }
0x8e: {  	s6 =	smul.u32 $0xFFFF3800, s6  }
0x8f: {  	s7 =	smul.u32 $0xFFFF3800, s7  }
0x90: {  	s8 =	smul.u32 $0xFFFF3800, s8  }
0x91: {  	s10 =	smul.u32 $0xFFFF3800, s10;
	v0 =	vadd.f32 v1, v0  }
0x92: {  	s16 =	smulhi.u32 $0x51EB851F, s26;
	s12 =	sshrl.u32 s12, $0x6;
	s6 =	sshra.s32 s6, $0x2  }
0x93: {  	s12 =	smul.u32 $0xFFFF3800, s12;
	s15 =	sadd.s32 s6, s0;
	[tilespmem:s13+$0x60] =	vst v0;
	v0 =	vld [tilespmem:s13+$0x70]  }
0x94: {  	s7 =	sshra.s32 s7, $0x2;
	[dreg:$0xf] =	wrdreg s15;
	s15 =	smulhi.u32 $0x51EB851F, s29;
	v1 =	vld [tilespmem:s14+$0x0]  }
0x95: {  	s10 =	sshra.s32 s10, $0x2;
	s7 =	sadd.s32 s7, s30;
	s6 =	sshrl.u32 s16, $0x6  }
0x96: {  	s16 =	sshra.s32 s8, $0x2;
	s1 =	smul.u32 $0xFFFF3800, s6;
	s15 =	sshrl.u32 s15, $0x6  }
0x97: {  	[dreg:$0x10] =	wrdreg s7;
	s7 =	sadd.s32 s16, s28;
	s15 =	smul.u32 $0xFFFF3800, s15  }
0x98: {  	s6 =	sadd.s32 s10, s25;
	s16 =	sshra.s32 s12, $0x2;
	s1 =	sshra.s32 s1, $0x2  }
0x99: {  	s8 =	sadd.s32 s16, s23;
	s10 =	sadd.s32 s1, s21;
	s16 =	sshra.s32 s15, $0x2;
	v0 =	vadd.f32 v1, v0  }
0x9a: {  	s15 =	simm.s32 $0x0;
	s12 =	sadd.s32 s16, s19;
	s16 =	simm.s32 $0x5780  }
.LBB2_3:
0x9b: {  	v1 =	vld [tilespmem:s16+$0xFFFFFF80];
	[tilespmem:s13+$0x70] =	vst v0;
	s14 =	sadd.s32 $0x100, s14;
	s13 =	smov.u32 s16  }
0x9c: {  	s15 =	sadd.s32 $0x4, s15;
	v0 =	vld [tilespmem:s14+$0xFFFFFF10]  }
0x9d: {  	p0 =	slt.u32 s15, $0x7C;
	_ =	sdelay $0x3  }
0x9e: {  	v0 =	vadd.f32 v0, v1;
	_ =	sdelay $0x1  }
0x9f: {  	[tilespmem:s16+$0xFFFFFF80] =	vst v0;
	v0 =	vld [tilespmem:s16+$0xFFFFFF90]  }
0xa0: {  	v1 =	vld [tilespmem:s14+$0xFFFFFF20];
	_ =	sdelay $0x4  }
0xa1: {  	v0 =	vadd.f32 v1, v0;
	_ =	sdelay $0x1  }
0xa2: {  	[tilespmem:s16+$0xFFFFFF90] =	vst v0;
	v0 =	vld [tilespmem:s16+$0xFFFFFFA0]  }
0xa3: {  	v1 =	vld [tilespmem:s14+$0xFFFFFF30];
	_ =	sdelay $0x4  }
0xa4: {  	v0 =	vadd.f32 v1, v0;
	_ =	sdelay $0x1  }
0xa5: {  	[tilespmem:s16+$0xFFFFFFA0] =	vst v0;
	v0 =	vld [tilespmem:s16+$0xFFFFFFB0]  }
0xa6: {  	v1 =	vld [tilespmem:s14+$0xFFFFFF40];
	_ =	sdelay $0x4  }
0xa7: {  	v0 =	vadd.f32 v1, v0;
	_ =	sdelay $0x1  }
0xa8: {  	[tilespmem:s16+$0xFFFFFFB0] =	vst v0;
	v0 =	vld [tilespmem:s16+$0xFFFFFFC0]  }
0xa9: {  	v1 =	vld [tilespmem:s14+$0xFFFFFF50];
	_ =	sdelay $0x4  }
0xaa: {  	v0 =	vadd.f32 v1, v0;
	_ =	sdelay $0x1  }
0xab: {  	[tilespmem:s16+$0xFFFFFFC0] =	vst v0;
	v0 =	vld [tilespmem:s16+$0xFFFFFFD0]  }
0xac: {  	v1 =	vld [tilespmem:s14+$0xFFFFFF60];
	_ =	sdelay $0x4  }
0xad: {  	v0 =	vadd.f32 v1, v0;
	_ =	sdelay $0x1  }
0xae: {  	[tilespmem:s16+$0xFFFFFFD0] =	vst v0;
	v0 =	vld [tilespmem:s16+$0xFFFFFFE0]  }
0xaf: {  	v1 =	vld [tilespmem:s14+$0xFFFFFF70];
	_ =	sdelay $0x4  }
0xb0: {  	v0 =	vadd.f32 v1, v0;
	_ =	sdelay $0x1  }
0xb1: {  	[tilespmem:s16+$0xFFFFFFE0] =	vst v0;
	v0 =	vld [tilespmem:s16+$0xFFFFFFF0]  }
0xb2: {  	v1 =	vld [tilespmem:s14+$0xFFFFFF80];
	_ =	sdelay $0x4  }
0xb3: {  	v0 =	vadd.f32 v1, v0;
	_ =	sdelay $0x1  }
0xb4: {  	[tilespmem:s16+$0xFFFFFFF0] =	vst v0;
	v0 =	vld [tilespmem:s16+$0x0]  }
0xb5: {  	v1 =	vld [tilespmem:s14+$0xFFFFFF90];
	_ =	sdelay $0x4  }
0xb6: {  	v0 =	vadd.f32 v1, v0;
	_ =	sdelay $0x1  }
0xb7: {  	[tilespmem:s16+$0x0] =	vst v0;
	v0 =	vld [tilespmem:s16+$0x10]  }
0xb8: {  	v1 =	vld [tilespmem:s14+$0xFFFFFFA0];
	_ =	sdelay $0x4  }
0xb9: {  	v0 =	vadd.f32 v1, v0;
	_ =	sdelay $0x1  }
0xba: {  	[tilespmem:s16+$0x10] =	vst v0;
	v0 =	vld [tilespmem:s16+$0x20]  }
0xbb: {  	v1 =	vld [tilespmem:s14+$0xFFFFFFB0];
	_ =	sdelay $0x4  }
0xbc: {  	v0 =	vadd.f32 v1, v0;
	_ =	sdelay $0x1  }
0xbd: {  	[tilespmem:s16+$0x20] =	vst v0;
	v0 =	vld [tilespmem:s16+$0x30]  }
0xbe: {  	v1 =	vld [tilespmem:s14+$0xFFFFFFC0];
	_ =	sdelay $0x4  }
0xbf: {  	v0 =	vadd.f32 v1, v0;
	_ =	sdelay $0x1  }
0xc0: {  	[tilespmem:s16+$0x30] =	vst v0;
	v0 =	vld [tilespmem:s16+$0x40]  }
0xc1: {  	v1 =	vld [tilespmem:s14+$0xFFFFFFD0];
	_ =	sdelay $0x4  }
0xc2: {  	v0 =	vadd.f32 v1, v0;
	_ =	sdelay $0x1  }
0xc3: {  	[tilespmem:s16+$0x40] =	vst v0;
	v0 =	vld [tilespmem:s16+$0x50]  }
0xc4: {  	v1 =	vld [tilespmem:s14+$0xFFFFFFE0];
	_ =	sdelay $0x4  }
0xc5: {  	v0 =	vadd.f32 v1, v0;
	_ =	sdelay $0x1  }
0xc6: {  	[tilespmem:s16+$0x50] =	vst v0;
	v0 =	vld [tilespmem:s16+$0x60]  }
0xc7: {  	v1 =	vld [tilespmem:s14+$0xFFFFFFF0];
	_ =	sdelay $0x4  }
0xc8: {  	v0 =	vadd.f32 v1, v0;
	_ =	sdelay $0x1  }
0xc9: {  	[tilespmem:s16+$0x60] =	vst v0;
	v0 =	vld [tilespmem:s16+$0x70]  }
0xca: {  	v1 =	vld [tilespmem:s14+$0x0];
	_ =	sdelay $0x1  }
.Ltmp0:
0xcb: {  	(pc) =	sbr.rel @p0 .LBB2_3-.Ltmp0, $3  }
0xcc: {  	_ =	sdelay $0x1  }
0xcd: {  	v0 =	vadd.f32 v1, v0  }
0xce: {  	s16 =	sadd.s32 $0x100, s16  }
0xcf: {  	[tilespmem:s13+$0x70] =	vst v0;
	s1 =	simm.s32 $0xA  }
0xd0: {  	_ =	swait.ge [sflag:s1], $0x2000  }
0xd1: {  	[sflag:s1] =	ssyncset.done $0x0  }
0xd2: {  	s13 =	simm.s32 $0x76F0;
	[sflag:s1] =	ssyncadd.s32 $0xFFFFE000  }
0xd3: {  	v0 =	vld [tilespmem:s13+$0xFFFFFF10]  }
0xd4: {  	v1 =	vld [tilespmem:s12+$0xFFFFFF10];
	_ =	sdelay $0x4  }
0xd5: {  	v0 =	vadd.f32 v1, v0;
	_ =	sdelay $0x1  }
0xd6: {  	[tilespmem:s13+$0xFFFFFF10] =	vst v0;
	v0 =	vld [tilespmem:s13+$0xFFFFFF20]  }
0xd7: {  	v1 =	vld [tilespmem:s12+$0xFFFFFF20];
	_ =	sdelay $0x4  }
0xd8: {  	v0 =	vadd.f32 v1, v0;
	_ =	sdelay $0x1  }
0xd9: {  	[tilespmem:s13+$0xFFFFFF20] =	vst v0;
	v0 =	vld [tilespmem:s13+$0xFFFFFF30]  }
0xda: {  	v1 =	vld [tilespmem:s12+$0xFFFFFF30];
	_ =	sdelay $0x4  }
0xdb: {  	v0 =	vadd.f32 v1, v0;
	_ =	sdelay $0x1  }
0xdc: {  	[tilespmem:s13+$0xFFFFFF30] =	vst v0;
	v0 =	vld [tilespmem:s13+$0xFFFFFF40]  }
0xdd: {  	v1 =	vld [tilespmem:s12+$0xFFFFFF40];
	_ =	sdelay $0x4  }
0xde: {  	v0 =	vadd.f32 v1, v0;
	_ =	sdelay $0x1  }
0xdf: {  	[tilespmem:s13+$0xFFFFFF40] =	vst v0;
	v0 =	vld [tilespmem:s13+$0xFFFFFF50]  }
0xe0: {  	v1 =	vld [tilespmem:s12+$0xFFFFFF50];
	_ =	sdelay $0x4  }
0xe1: {  	v0 =	vadd.f32 v1, v0;
	_ =	sdelay $0x1  }
0xe2: {  	[tilespmem:s13+$0xFFFFFF50] =	vst v0;
	v0 =	vld [tilespmem:s13+$0xFFFFFF60]  }
0xe3: {  	v1 =	vld [tilespmem:s12+$0xFFFFFF60];
	_ =	sdelay $0x4  }
0xe4: {  	v0 =	vadd.f32 v1, v0;
	_ =	sdelay $0x1  }
0xe5: {  	[tilespmem:s13+$0xFFFFFF60] =	vst v0;
	v0 =	vld [tilespmem:s13+$0xFFFFFF70]  }
0xe6: {  	v1 =	vld [tilespmem:s12+$0xFFFFFF70];
	_ =	sdelay $0x4  }
0xe7: {  	v0 =	vadd.f32 v1, v0;
	_ =	sdelay $0x1  }
0xe8: {  	[tilespmem:s13+$0xFFFFFF70] =	vst v0;
	v0 =	vld [tilespmem:s13+$0xFFFFFF80]  }
0xe9: {  	v1 =	vld [tilespmem:s12+$0xFFFFFF80];
	_ =	sdelay $0x4  }
0xea: {  	v0 =	vadd.f32 v1, v0;
	_ =	sdelay $0x1  }
0xeb: {  	[tilespmem:s13+$0xFFFFFF80] =	vst v0;
	v0 =	vld [tilespmem:s13+$0xFFFFFF90]  }
0xec: {  	v1 =	vld [tilespmem:s12+$0xFFFFFF90];
	_ =	sdelay $0x4  }
0xed: {  	v0 =	vadd.f32 v1, v0;
	_ =	sdelay $0x1  }
0xee: {  	[tilespmem:s13+$0xFFFFFF90] =	vst v0;
	v0 =	vld [tilespmem:s13+$0xFFFFFFA0]  }
0xef: {  	v1 =	vld [tilespmem:s12+$0xFFFFFFA0];
	_ =	sdelay $0x4  }
0xf0: {  	v0 =	vadd.f32 v1, v0;
	_ =	sdelay $0x1  }
0xf1: {  	[tilespmem:s13+$0xFFFFFFA0] =	vst v0;
	v0 =	vld [tilespmem:s13+$0xFFFFFFB0]  }
0xf2: {  	v1 =	vld [tilespmem:s12+$0xFFFFFFB0];
	_ =	sdelay $0x4  }
0xf3: {  	v0 =	vadd.f32 v1, v0;
	_ =	sdelay $0x1  }
0xf4: {  	[tilespmem:s13+$0xFFFFFFB0] =	vst v0;
	v0 =	vld [tilespmem:s13+$0xFFFFFFC0]  }
0xf5: {  	v1 =	vld [tilespmem:s12+$0xFFFFFFC0];
	_ =	sdelay $0x4  }
0xf6: {  	v0 =	vadd.f32 v1, v0;
	_ =	sdelay $0x1  }
0xf7: {  	[tilespmem:s13+$0xFFFFFFC0] =	vst v0;
	v0 =	vld [tilespmem:s13+$0xFFFFFFD0]  }
0xf8: {  	v1 =	vld [tilespmem:s12+$0xFFFFFFD0];
	_ =	sdelay $0x4  }
0xf9: {  	v0 =	vadd.f32 v1, v0;
	_ =	sdelay $0x1  }
0xfa: {  	[tilespmem:s13+$0xFFFFFFD0] =	vst v0;
	v0 =	vld [tilespmem:s13+$0xFFFFFFE0]  }
0xfb: {  	v1 =	vld [tilespmem:s12+$0xFFFFFFE0];
	_ =	sdelay $0x4  }
0xfc: {  	v0 =	vadd.f32 v1, v0;
	_ =	sdelay $0x1  }
0xfd: {  	[tilespmem:s13+$0xFFFFFFE0] =	vst v0;
	v0 =	vld [tilespmem:s13+$0xFFFFFFF0]  }
0xfe: {  	v1 =	vld [tilespmem:s12+$0xFFFFFFF0];
	_ =	sdelay $0x4  }
0xff: {  	v0 =	vadd.f32 v1, v0;
	_ =	sdelay $0x1  }
0x100: {  	[tilespmem:s13+$0xFFFFFFF0] =	vst v0;
	v0 =	vld [tilespmem:s13+$0x0]  }
0x101: {  	v1 =	vld [tilespmem:s12+$0x0];
	_ =	sdelay $0x4  }
0x102: {  	v1 =	vadd.f32 v1, v0  }
0x103: {  	s14 =	simm.s32 $0x0;
	s15 =	simm.s32 $0x77F0  }
.LBB2_5:
0x104: {  	v0 =	vld [tilespmem:s15+$0xFFFFFF10];
	[tilespmem:s13+$0x0] =	vst v1;
	s12 =	sadd.s32 $0x100, s12;
	s13 =	smov.u32 s15  }
0x105: {  	s14 =	sadd.s32 $0x4, s14;
	v1 =	vld [tilespmem:s12+$0xFFFFFF10]  }
0x106: {  	p0 =	slt.u32 s14, $0x7C;
	_ =	sdelay $0x3  }
0x107: {  	v0 =	vadd.f32 v1, v0;
	_ =	sdelay $0x1  }
0x108: {  	[tilespmem:s15+$0xFFFFFF10] =	vst v0;
	v0 =	vld [tilespmem:s15+$0xFFFFFF20]  }
0x109: {  	v1 =	vld [tilespmem:s12+$0xFFFFFF20];
	_ =	sdelay $0x4  }
0x10a: {  	v0 =	vadd.f32 v1, v0;
	_ =	sdelay $0x1  }
0x10b: {  	[tilespmem:s15+$0xFFFFFF20] =	vst v0;
	v0 =	vld [tilespmem:s15+$0xFFFFFF30]  }
0x10c: {  	v1 =	vld [tilespmem:s12+$0xFFFFFF30];
	_ =	sdelay $0x4  }
0x10d: {  	v0 =	vadd.f32 v1, v0;
	_ =	sdelay $0x1  }
0x10e: {  	[tilespmem:s15+$0xFFFFFF30] =	vst v0;
	v0 =	vld [tilespmem:s15+$0xFFFFFF40]  }
0x10f: {  	v1 =	vld [tilespmem:s12+$0xFFFFFF40];
	_ =	sdelay $0x4  }
0x110: {  	v0 =	vadd.f32 v1, v0;
	_ =	sdelay $0x1  }
0x111: {  	[tilespmem:s15+$0xFFFFFF40] =	vst v0;
	v0 =	vld [tilespmem:s15+$0xFFFFFF50]  }
0x112: {  	v1 =	vld [tilespmem:s12+$0xFFFFFF50];
	_ =	sdelay $0x4  }
0x113: {  	v0 =	vadd.f32 v1, v0;
	_ =	sdelay $0x1  }
0x114: {  	[tilespmem:s15+$0xFFFFFF50] =	vst v0;
	v0 =	vld [tilespmem:s15+$0xFFFFFF60]  }
0x115: {  	v1 =	vld [tilespmem:s12+$0xFFFFFF60];
	_ =	sdelay $0x4  }
0x116: {  	v0 =	vadd.f32 v1, v0;
	_ =	sdelay $0x1  }
0x117: {  	[tilespmem:s15+$0xFFFFFF60] =	vst v0;
	v0 =	vld [tilespmem:s15+$0xFFFFFF70]  }
0x118: {  	v1 =	vld [tilespmem:s12+$0xFFFFFF70];
	_ =	sdelay $0x4  }
0x119: {  	v0 =	vadd.f32 v1, v0;
	_ =	sdelay $0x1  }
0x11a: {  	[tilespmem:s15+$0xFFFFFF70] =	vst v0;
	v0 =	vld [tilespmem:s15+$0xFFFFFF80]  }
0x11b: {  	v1 =	vld [tilespmem:s12+$0xFFFFFF80];
	_ =	sdelay $0x4  }
0x11c: {  	v0 =	vadd.f32 v1, v0;
	_ =	sdelay $0x1  }
0x11d: {  	[tilespmem:s15+$0xFFFFFF80] =	vst v0;
	v0 =	vld [tilespmem:s15+$0xFFFFFF90]  }
0x11e: {  	v1 =	vld [tilespmem:s12+$0xFFFFFF90];
	_ =	sdelay $0x4  }
0x11f: {  	v0 =	vadd.f32 v1, v0;
	_ =	sdelay $0x1  }
0x120: {  	[tilespmem:s15+$0xFFFFFF90] =	vst v0;
	v0 =	vld [tilespmem:s15+$0xFFFFFFA0]  }
0x121: {  	v1 =	vld [tilespmem:s12+$0xFFFFFFA0];
	_ =	sdelay $0x4  }
0x122: {  	v0 =	vadd.f32 v1, v0;
	_ =	sdelay $0x1  }
0x123: {  	[tilespmem:s15+$0xFFFFFFA0] =	vst v0;
	v0 =	vld [tilespmem:s15+$0xFFFFFFB0]  }
0x124: {  	v1 =	vld [tilespmem:s12+$0xFFFFFFB0];
	_ =	sdelay $0x4  }
0x125: {  	v0 =	vadd.f32 v1, v0;
	_ =	sdelay $0x1  }
0x126: {  	[tilespmem:s15+$0xFFFFFFB0] =	vst v0;
	v0 =	vld [tilespmem:s15+$0xFFFFFFC0]  }
0x127: {  	v1 =	vld [tilespmem:s12+$0xFFFFFFC0];
	_ =	sdelay $0x4  }
0x128: {  	v0 =	vadd.f32 v1, v0;
	_ =	sdelay $0x1  }
0x129: {  	[tilespmem:s15+$0xFFFFFFC0] =	vst v0;
	v0 =	vld [tilespmem:s15+$0xFFFFFFD0]  }
0x12a: {  	v1 =	vld [tilespmem:s12+$0xFFFFFFD0];
	_ =	sdelay $0x4  }
0x12b: {  	v0 =	vadd.f32 v1, v0;
	_ =	sdelay $0x1  }
0x12c: {  	[tilespmem:s15+$0xFFFFFFD0] =	vst v0;
	v0 =	vld [tilespmem:s15+$0xFFFFFFE0]  }
0x12d: {  	v1 =	vld [tilespmem:s12+$0xFFFFFFE0];
	_ =	sdelay $0x4  }
0x12e: {  	v0 =	vadd.f32 v1, v0;
	_ =	sdelay $0x1  }
0x12f: {  	[tilespmem:s15+$0xFFFFFFE0] =	vst v0;
	v0 =	vld [tilespmem:s15+$0xFFFFFFF0]  }
0x130: {  	v1 =	vld [tilespmem:s12+$0xFFFFFFF0];
	_ =	sdelay $0x4  }
0x131: {  	v0 =	vadd.f32 v1, v0;
	_ =	sdelay $0x1  }
0x132: {  	[tilespmem:s15+$0xFFFFFFF0] =	vst v0;
	v0 =	vld [tilespmem:s15+$0x0]  }
0x133: {  	v1 =	vld [tilespmem:s12+$0x0];
	_ =	sdelay $0x1  }
.Ltmp1:
0x134: {  	(pc) =	sbr.rel @p0 .LBB2_5-.Ltmp1, $3  }
0x135: {  	_ =	sdelay $0x1  }
0x136: {  	v1 =	vadd.f32 v1, v0  }
0x137: {  	s15 =	sadd.s32 $0x100, s15  }
0x138: {  	v0 =	vmov s10;
	[tilespmem:s13+$0x0] =	vst v1;
	s1 =	simm.s32 $0xB  }
0x139: {  	_ =	swait.ge [sflag:s1], $0x2000  }
0x13a: {  	[sflag:s1] =	ssyncset.done $0x0  }
0x13b: {  	s10 =	simm.s32 $0x0;
	[sflag:s1] =	ssyncadd.s32 $0xFFFFE000  }
0x13c: {  	v2 =	vld [tilespmem:s10+$0x9600]  }
0x13d: {  	v1 =	vld.idx.msk [tilespmem:v0+s10+$0x0 ss:$0x1], $0xffff;
	_ =	sdelay $0x4  }
0x13e: {  	v1 =	vadd.f32 v1, v2;
	_ =	sdelay $0x1  }
0x13f: {  	v2 =	vld [tilespmem:s10+$0x9610];
	[tilespmem:s10+$0x9600] =	vst v1  }
0x140: {  	v1 =	vld.idx.msk [tilespmem:v0+s10+$0x10 ss:$0x1], $0xffff;
	_ =	sdelay $0x4  }
0x141: {  	v1 =	vadd.f32 v1, v2;
	_ =	sdelay $0x1  }
0x142: {  	v2 =	vld [tilespmem:s10+$0x9620];
	[tilespmem:s10+$0x9610] =	vst v1  }
0x143: {  	v1 =	vld.idx.msk [tilespmem:v0+s10+$0x20 ss:$0x1], $0xffff;
	_ =	sdelay $0x4  }
0x144: {  	v1 =	vadd.f32 v1, v2;
	_ =	sdelay $0x1  }
0x145: {  	v2 =	vld [tilespmem:s10+$0x9630];
	[tilespmem:s10+$0x9620] =	vst v1  }
0x146: {  	v1 =	vld.idx.msk [tilespmem:v0+s10+$0x30 ss:$0x1], $0xffff;
	_ =	sdelay $0x4  }
0x147: {  	v1 =	vadd.f32 v1, v2;
	_ =	sdelay $0x1  }
0x148: {  	v2 =	vld [tilespmem:s10+$0x9640];
	[tilespmem:s10+$0x9630] =	vst v1  }
0x149: {  	v1 =	vld.idx.msk [tilespmem:v0+s10+$0x40 ss:$0x1], $0xffff;
	_ =	sdelay $0x4  }
0x14a: {  	v1 =	vadd.f32 v1, v2;
	_ =	sdelay $0x1  }
0x14b: {  	v2 =	vld [tilespmem:s10+$0x9650];
	[tilespmem:s10+$0x9640] =	vst v1  }
0x14c: {  	v1 =	vld.idx.msk [tilespmem:v0+s10+$0x50 ss:$0x1], $0xffff;
	_ =	sdelay $0x4  }
0x14d: {  	v1 =	vadd.f32 v1, v2;
	_ =	sdelay $0x1  }
0x14e: {  	v2 =	vld [tilespmem:s10+$0x9660];
	[tilespmem:s10+$0x9650] =	vst v1  }
0x14f: {  	v1 =	vld.idx.msk [tilespmem:v0+s10+$0x60 ss:$0x1], $0xffff;
	_ =	sdelay $0x4  }
0x150: {  	v1 =	vadd.f32 v1, v2;
	_ =	sdelay $0x1  }
0x151: {  	v2 =	vld [tilespmem:s10+$0x9670];
	[tilespmem:s10+$0x9660] =	vst v1  }
0x152: {  	v1 =	vld.idx.msk [tilespmem:v0+s10+$0x70 ss:$0x1], $0xffff;
	_ =	sdelay $0x4  }
0x153: {  	v1 =	vadd.f32 v1, v2;
	_ =	sdelay $0x1  }
0x154: {  	v2 =	vld [tilespmem:s10+$0x9680];
	[tilespmem:s10+$0x9670] =	vst v1  }
0x155: {  	v1 =	vld.idx.msk [tilespmem:v0+s10+$0x80 ss:$0x1], $0xffff;
	_ =	sdelay $0x4  }
0x156: {  	v1 =	vadd.f32 v1, v2;
	_ =	sdelay $0x1  }
0x157: {  	v2 =	vld [tilespmem:s10+$0x9690];
	[tilespmem:s10+$0x9680] =	vst v1  }
0x158: {  	v1 =	vld.idx.msk [tilespmem:v0+s10+$0x90 ss:$0x1], $0xffff;
	_ =	sdelay $0x4  }
0x159: {  	v1 =	vadd.f32 v1, v2;
	_ =	sdelay $0x1  }
0x15a: {  	v2 =	vld [tilespmem:s10+$0x96A0];
	[tilespmem:s10+$0x9690] =	vst v1  }
0x15b: {  	v1 =	vld.idx.msk [tilespmem:v0+s10+$0xA0 ss:$0x1], $0xffff;
	_ =	sdelay $0x4  }
0x15c: {  	v1 =	vadd.f32 v1, v2;
	_ =	sdelay $0x1  }
0x15d: {  	v2 =	vld [tilespmem:s10+$0x96B0];
	[tilespmem:s10+$0x96A0] =	vst v1  }
0x15e: {  	v1 =	vld.idx.msk [tilespmem:v0+s10+$0xB0 ss:$0x1], $0xffff;
	_ =	sdelay $0x4  }
0x15f: {  	v1 =	vadd.f32 v1, v2;
	_ =	sdelay $0x1  }
0x160: {  	v2 =	vld [tilespmem:s10+$0x96C0];
	[tilespmem:s10+$0x96B0] =	vst v1  }
0x161: {  	v1 =	vld.idx.msk [tilespmem:v0+s10+$0xC0 ss:$0x1], $0xffff;
	_ =	sdelay $0x4  }
0x162: {  	v1 =	vadd.f32 v1, v2;
	_ =	sdelay $0x1  }
0x163: {  	v2 =	vld [tilespmem:s10+$0x96D0];
	[tilespmem:s10+$0x96C0] =	vst v1  }
0x164: {  	v1 =	vld.idx.msk [tilespmem:v0+s10+$0xD0 ss:$0x1], $0xffff;
	_ =	sdelay $0x4  }
0x165: {  	v1 =	vadd.f32 v1, v2;
	_ =	sdelay $0x1  }
0x166: {  	v2 =	vld [tilespmem:s10+$0x96E0];
	[tilespmem:s10+$0x96D0] =	vst v1  }
0x167: {  	v1 =	vld.idx.msk [tilespmem:v0+s10+$0xE0 ss:$0x1], $0xffff;
	_ =	sdelay $0x4  }
0x168: {  	v1 =	vadd.f32 v1, v2;
	_ =	sdelay $0x1  }
0x169: {  	v2 =	vld [tilespmem:s10+$0x96F0];
	[tilespmem:s10+$0x96E0] =	vst v1  }
0x16a: {  	v1 =	vld.idx.msk [tilespmem:v0+s10+$0xF0 ss:$0x1], $0xffff;
	_ =	sdelay $0x4  }
0x16b: {  	v1 =	vadd.f32 v1, v2  }
0x16c: {  	s12 =	simm.s32 $0x0;
	s13 =	simm.s32 $0x400;
	s16 =	simm.s32 $0x7600  }
.LBB2_7:
0x16d: {  	s12 =	sadd.s32 $0x4, s12;
	[tilespmem:s10+$0x96F0] =	vst v1;
	s10 =	sshra.s32 s13, $0x2  }
0x16e: {  	v1 =	vld.idx.msk [tilespmem:v0+s10+$0x0 ss:$0x1], $0xffff;
	p0 =	slt.u32 s12, $0x7C  }
0x16f: {  	v2 =	vld [tilespmem:s10+$0x9600];
	_ =	sdelay $0x4  }
0x170: {  	v1 =	vadd.f32 v1, v2;
	_ =	sdelay $0x1  }
0x171: {  	[tilespmem:s10+$0x9600] =	vst v1  }
0x172: {  	v1 =	vld.idx.msk [tilespmem:v0+s10+$0x10 ss:$0x1], $0xffff  }
0x173: {  	v2 =	vld [tilespmem:s10+$0x9610];
	_ =	sdelay $0x4  }
0x174: {  	v1 =	vadd.f32 v1, v2;
	_ =	sdelay $0x1  }
0x175: {  	[tilespmem:s10+$0x9610] =	vst v1  }
0x176: {  	v1 =	vld.idx.msk [tilespmem:v0+s10+$0x20 ss:$0x1], $0xffff  }
0x177: {  	v2 =	vld [tilespmem:s10+$0x9620];
	_ =	sdelay $0x4  }
0x178: {  	v1 =	vadd.f32 v1, v2;
	_ =	sdelay $0x1  }
0x179: {  	[tilespmem:s10+$0x9620] =	vst v1  }
0x17a: {  	v1 =	vld.idx.msk [tilespmem:v0+s10+$0x30 ss:$0x1], $0xffff  }
0x17b: {  	v2 =	vld [tilespmem:s10+$0x9630];
	_ =	sdelay $0x4  }
0x17c: {  	v1 =	vadd.f32 v1, v2;
	_ =	sdelay $0x1  }
0x17d: {  	[tilespmem:s10+$0x9630] =	vst v1  }
0x17e: {  	v1 =	vld.idx.msk [tilespmem:v0+s10+$0x40 ss:$0x1], $0xffff  }
0x17f: {  	v2 =	vld [tilespmem:s10+$0x9640];
	_ =	sdelay $0x4  }
0x180: {  	v1 =	vadd.f32 v1, v2;
	_ =	sdelay $0x1  }
0x181: {  	[tilespmem:s10+$0x9640] =	vst v1  }
0x182: {  	v1 =	vld.idx.msk [tilespmem:v0+s10+$0x50 ss:$0x1], $0xffff  }
0x183: {  	v2 =	vld [tilespmem:s10+$0x9650];
	_ =	sdelay $0x4  }
0x184: {  	v1 =	vadd.f32 v1, v2;
	_ =	sdelay $0x1  }
0x185: {  	[tilespmem:s10+$0x9650] =	vst v1  }
0x186: {  	v1 =	vld.idx.msk [tilespmem:v0+s10+$0x60 ss:$0x1], $0xffff  }
0x187: {  	v2 =	vld [tilespmem:s10+$0x9660];
	_ =	sdelay $0x4  }
0x188: {  	v1 =	vadd.f32 v1, v2;
	_ =	sdelay $0x1  }
0x189: {  	[tilespmem:s10+$0x9660] =	vst v1  }
0x18a: {  	v1 =	vld.idx.msk [tilespmem:v0+s10+$0x70 ss:$0x1], $0xffff  }
0x18b: {  	v2 =	vld [tilespmem:s10+$0x9670];
	_ =	sdelay $0x4  }
0x18c: {  	v1 =	vadd.f32 v1, v2;
	_ =	sdelay $0x1  }
0x18d: {  	[tilespmem:s10+$0x9670] =	vst v1  }
0x18e: {  	v1 =	vld.idx.msk [tilespmem:v0+s10+$0x80 ss:$0x1], $0xffff  }
0x18f: {  	v2 =	vld [tilespmem:s10+$0x9680];
	_ =	sdelay $0x4  }
0x190: {  	v1 =	vadd.f32 v1, v2;
	_ =	sdelay $0x1  }
0x191: {  	[tilespmem:s10+$0x9680] =	vst v1  }
0x192: {  	v1 =	vld.idx.msk [tilespmem:v0+s10+$0x90 ss:$0x1], $0xffff  }
0x193: {  	v2 =	vld [tilespmem:s10+$0x9690];
	_ =	sdelay $0x4  }
0x194: {  	v1 =	vadd.f32 v1, v2;
	_ =	sdelay $0x1  }
0x195: {  	[tilespmem:s10+$0x9690] =	vst v1  }
0x196: {  	v1 =	vld.idx.msk [tilespmem:v0+s10+$0xA0 ss:$0x1], $0xffff  }
0x197: {  	v2 =	vld [tilespmem:s10+$0x96A0];
	_ =	sdelay $0x4  }
0x198: {  	v1 =	vadd.f32 v1, v2;
	_ =	sdelay $0x1  }
0x199: {  	[tilespmem:s10+$0x96A0] =	vst v1  }
0x19a: {  	v1 =	vld.idx.msk [tilespmem:v0+s10+$0xB0 ss:$0x1], $0xffff  }
0x19b: {  	v2 =	vld [tilespmem:s10+$0x96B0];
	_ =	sdelay $0x4  }
0x19c: {  	v1 =	vadd.f32 v1, v2;
	_ =	sdelay $0x1  }
0x19d: {  	[tilespmem:s10+$0x96B0] =	vst v1  }
0x19e: {  	v1 =	vld.idx.msk [tilespmem:v0+s10+$0xC0 ss:$0x1], $0xffff  }
0x19f: {  	v2 =	vld [tilespmem:s10+$0x96C0];
	_ =	sdelay $0x4  }
0x1a0: {  	v1 =	vadd.f32 v1, v2;
	_ =	sdelay $0x1  }
0x1a1: {  	[tilespmem:s10+$0x96C0] =	vst v1  }
0x1a2: {  	v1 =	vld.idx.msk [tilespmem:v0+s10+$0xD0 ss:$0x1], $0xffff  }
0x1a3: {  	v2 =	vld [tilespmem:s10+$0x96D0];
	_ =	sdelay $0x4  }
0x1a4: {  	v1 =	vadd.f32 v1, v2;
	_ =	sdelay $0x1  }
0x1a5: {  	[tilespmem:s10+$0x96D0] =	vst v1  }
0x1a6: {  	v1 =	vld.idx.msk [tilespmem:v0+s10+$0xE0 ss:$0x1], $0xffff  }
0x1a7: {  	v2 =	vld [tilespmem:s10+$0x96E0];
	_ =	sdelay $0x4  }
0x1a8: {  	v1 =	vadd.f32 v1, v2;
	_ =	sdelay $0x1  }
0x1a9: {  	[tilespmem:s10+$0x96E0] =	vst v1  }
0x1aa: {  	v1 =	vld.idx.msk [tilespmem:v0+s10+$0xF0 ss:$0x1], $0xffff  }
0x1ab: {  	v2 =	vld [tilespmem:s10+$0x96F0];
	_ =	sdelay $0x1  }
.Ltmp2:
0x1ac: {  	(pc) =	sbr.rel @p0 .LBB2_7-.Ltmp2, $3  }
0x1ad: {  	_ =	sdelay $0x1  }
0x1ae: {  	v1 =	vadd.f32 v1, v2  }
0x1af: {  	s13 =	sadd.s32 $0x400, s13  }
0x1b0: {  	v0 =	vmov s8;
	[tilespmem:s10+$0x96F0] =	vst v1;
	s1 =	simm.s32 $0xC  }
0x1b1: {  	_ =	swait.ge [sflag:s1], $0x2000  }
0x1b2: {  	[sflag:s1] =	ssyncset.done $0x0  }
0x1b3: {  	s8 =	simm.s32 $0x0;
	[sflag:s1] =	ssyncadd.s32 $0xFFFFE000  }
0x1b4: {  	v2 =	vld [tilespmem:s8+$0xB600]  }
0x1b5: {  	v1 =	vld.idx.msk [tilespmem:v0+s8+$0x0 ss:$0x1], $0xffff;
	_ =	sdelay $0x4  }
0x1b6: {  	v1 =	vadd.f32 v1, v2;
	_ =	sdelay $0x1  }
0x1b7: {  	v2 =	vld [tilespmem:s8+$0xB610];
	[tilespmem:s8+$0xB600] =	vst v1  }
0x1b8: {  	v1 =	vld.idx.msk [tilespmem:v0+s8+$0x10 ss:$0x1], $0xffff;
	_ =	sdelay $0x4  }
0x1b9: {  	v1 =	vadd.f32 v1, v2;
	_ =	sdelay $0x1  }
0x1ba: {  	v2 =	vld [tilespmem:s8+$0xB620];
	[tilespmem:s8+$0xB610] =	vst v1  }
0x1bb: {  	v1 =	vld.idx.msk [tilespmem:v0+s8+$0x20 ss:$0x1], $0xffff;
	_ =	sdelay $0x4  }
0x1bc: {  	v1 =	vadd.f32 v1, v2;
	_ =	sdelay $0x1  }
0x1bd: {  	v2 =	vld [tilespmem:s8+$0xB630];
	[tilespmem:s8+$0xB620] =	vst v1  }
0x1be: {  	v1 =	vld.idx.msk [tilespmem:v0+s8+$0x30 ss:$0x1], $0xffff;
	_ =	sdelay $0x4  }
0x1bf: {  	v1 =	vadd.f32 v1, v2;
	_ =	sdelay $0x1  }
0x1c0: {  	v2 =	vld [tilespmem:s8+$0xB640];
	[tilespmem:s8+$0xB630] =	vst v1  }
0x1c1: {  	v1 =	vld.idx.msk [tilespmem:v0+s8+$0x40 ss:$0x1], $0xffff;
	_ =	sdelay $0x4  }
0x1c2: {  	v1 =	vadd.f32 v1, v2;
	_ =	sdelay $0x1  }
0x1c3: {  	v2 =	vld [tilespmem:s8+$0xB650];
	[tilespmem:s8+$0xB640] =	vst v1  }
0x1c4: {  	v1 =	vld.idx.msk [tilespmem:v0+s8+$0x50 ss:$0x1], $0xffff;
	_ =	sdelay $0x4  }
0x1c5: {  	v1 =	vadd.f32 v1, v2;
	_ =	sdelay $0x1  }
0x1c6: {  	v2 =	vld [tilespmem:s8+$0xB660];
	[tilespmem:s8+$0xB650] =	vst v1  }
0x1c7: {  	v1 =	vld.idx.msk [tilespmem:v0+s8+$0x60 ss:$0x1], $0xffff;
	_ =	sdelay $0x4  }
0x1c8: {  	v1 =	vadd.f32 v1, v2;
	_ =	sdelay $0x1  }
0x1c9: {  	v2 =	vld [tilespmem:s8+$0xB670];
	[tilespmem:s8+$0xB660] =	vst v1  }
0x1ca: {  	v1 =	vld.idx.msk [tilespmem:v0+s8+$0x70 ss:$0x1], $0xffff;
	_ =	sdelay $0x4  }
0x1cb: {  	v1 =	vadd.f32 v1, v2;
	_ =	sdelay $0x1  }
0x1cc: {  	v2 =	vld [tilespmem:s8+$0xB680];
	[tilespmem:s8+$0xB670] =	vst v1  }
0x1cd: {  	v1 =	vld.idx.msk [tilespmem:v0+s8+$0x80 ss:$0x1], $0xffff;
	_ =	sdelay $0x4  }
0x1ce: {  	v1 =	vadd.f32 v1, v2;
	_ =	sdelay $0x1  }
0x1cf: {  	v2 =	vld [tilespmem:s8+$0xB690];
	[tilespmem:s8+$0xB680] =	vst v1  }
0x1d0: {  	v1 =	vld.idx.msk [tilespmem:v0+s8+$0x90 ss:$0x1], $0xffff;
	_ =	sdelay $0x4  }
0x1d1: {  	v1 =	vadd.f32 v1, v2;
	_ =	sdelay $0x1  }
0x1d2: {  	v2 =	vld [tilespmem:s8+$0xB6A0];
	[tilespmem:s8+$0xB690] =	vst v1  }
0x1d3: {  	v1 =	vld.idx.msk [tilespmem:v0+s8+$0xA0 ss:$0x1], $0xffff;
	_ =	sdelay $0x4  }
0x1d4: {  	v1 =	vadd.f32 v1, v2;
	_ =	sdelay $0x1  }
0x1d5: {  	v2 =	vld [tilespmem:s8+$0xB6B0];
	[tilespmem:s8+$0xB6A0] =	vst v1  }
0x1d6: {  	v1 =	vld.idx.msk [tilespmem:v0+s8+$0xB0 ss:$0x1], $0xffff;
	_ =	sdelay $0x4  }
0x1d7: {  	v1 =	vadd.f32 v1, v2;
	_ =	sdelay $0x1  }
0x1d8: {  	v2 =	vld [tilespmem:s8+$0xB6C0];
	[tilespmem:s8+$0xB6B0] =	vst v1  }
0x1d9: {  	v1 =	vld.idx.msk [tilespmem:v0+s8+$0xC0 ss:$0x1], $0xffff;
	_ =	sdelay $0x4  }
0x1da: {  	v1 =	vadd.f32 v1, v2;
	_ =	sdelay $0x1  }
0x1db: {  	v2 =	vld [tilespmem:s8+$0xB6D0];
	[tilespmem:s8+$0xB6C0] =	vst v1  }
0x1dc: {  	v1 =	vld.idx.msk [tilespmem:v0+s8+$0xD0 ss:$0x1], $0xffff;
	_ =	sdelay $0x4  }
0x1dd: {  	v1 =	vadd.f32 v1, v2;
	_ =	sdelay $0x1  }
0x1de: {  	v2 =	vld [tilespmem:s8+$0xB6E0];
	[tilespmem:s8+$0xB6D0] =	vst v1  }
0x1df: {  	v1 =	vld.idx.msk [tilespmem:v0+s8+$0xE0 ss:$0x1], $0xffff;
	_ =	sdelay $0x4  }
0x1e0: {  	v1 =	vadd.f32 v1, v2;
	_ =	sdelay $0x1  }
0x1e1: {  	v2 =	vld [tilespmem:s8+$0xB6F0];
	[tilespmem:s8+$0xB6E0] =	vst v1  }
0x1e2: {  	v1 =	vld.idx.msk [tilespmem:v0+s8+$0xF0 ss:$0x1], $0xffff;
	_ =	sdelay $0x4  }
0x1e3: {  	v1 =	vadd.f32 v1, v2  }
0x1e4: {  	s10 =	simm.s32 $0x0;
	s12 =	simm.s32 $0x400;
	s15 =	simm.s32 $0x5600  }
.LBB2_9:
0x1e5: {  	s10 =	sadd.s32 $0x4, s10;
	[tilespmem:s8+$0xB6F0] =	vst v1;
	s8 =	sshra.s32 s12, $0x2  }
0x1e6: {  	v1 =	vld.idx.msk [tilespmem:v0+s8+$0x0 ss:$0x1], $0xffff;
	p0 =	slt.u32 s10, $0x7C  }
0x1e7: {  	v2 =	vld [tilespmem:s8+$0xB600];
	_ =	sdelay $0x4  }
0x1e8: {  	v1 =	vadd.f32 v1, v2;
	_ =	sdelay $0x1  }
0x1e9: {  	[tilespmem:s8+$0xB600] =	vst v1  }
0x1ea: {  	v1 =	vld.idx.msk [tilespmem:v0+s8+$0x10 ss:$0x1], $0xffff  }
0x1eb: {  	v2 =	vld [tilespmem:s8+$0xB610];
	_ =	sdelay $0x4  }
0x1ec: {  	v1 =	vadd.f32 v1, v2;
	_ =	sdelay $0x1  }
0x1ed: {  	[tilespmem:s8+$0xB610] =	vst v1  }
0x1ee: {  	v1 =	vld.idx.msk [tilespmem:v0+s8+$0x20 ss:$0x1], $0xffff  }
0x1ef: {  	v2 =	vld [tilespmem:s8+$0xB620];
	_ =	sdelay $0x4  }
0x1f0: {  	v1 =	vadd.f32 v1, v2;
	_ =	sdelay $0x1  }
0x1f1: {  	[tilespmem:s8+$0xB620] =	vst v1  }
0x1f2: {  	v1 =	vld.idx.msk [tilespmem:v0+s8+$0x30 ss:$0x1], $0xffff  }
0x1f3: {  	v2 =	vld [tilespmem:s8+$0xB630];
	_ =	sdelay $0x4  }
0x1f4: {  	v1 =	vadd.f32 v1, v2;
	_ =	sdelay $0x1  }
0x1f5: {  	[tilespmem:s8+$0xB630] =	vst v1  }
0x1f6: {  	v1 =	vld.idx.msk [tilespmem:v0+s8+$0x40 ss:$0x1], $0xffff  }
0x1f7: {  	v2 =	vld [tilespmem:s8+$0xB640];
	_ =	sdelay $0x4  }
0x1f8: {  	v1 =	vadd.f32 v1, v2;
	_ =	sdelay $0x1  }
0x1f9: {  	[tilespmem:s8+$0xB640] =	vst v1  }
0x1fa: {  	v1 =	vld.idx.msk [tilespmem:v0+s8+$0x50 ss:$0x1], $0xffff  }
0x1fb: {  	v2 =	vld [tilespmem:s8+$0xB650];
	_ =	sdelay $0x4  }
0x1fc: {  	v1 =	vadd.f32 v1, v2;
	_ =	sdelay $0x1  }
0x1fd: {  	[tilespmem:s8+$0xB650] =	vst v1  }
0x1fe: {  	v1 =	vld.idx.msk [tilespmem:v0+s8+$0x60 ss:$0x1], $0xffff  }
0x1ff: {  	v2 =	vld [tilespmem:s8+$0xB660];
	_ =	sdelay $0x4  }
0x200: {  	v1 =	vadd.f32 v1, v2;
	_ =	sdelay $0x1  }
0x201: {  	[tilespmem:s8+$0xB660] =	vst v1  }
0x202: {  	v1 =	vld.idx.msk [tilespmem:v0+s8+$0x70 ss:$0x1], $0xffff  }
0x203: {  	v2 =	vld [tilespmem:s8+$0xB670];
	_ =	sdelay $0x4  }
0x204: {  	v1 =	vadd.f32 v1, v2;
	_ =	sdelay $0x1  }
0x205: {  	[tilespmem:s8+$0xB670] =	vst v1  }
0x206: {  	v1 =	vld.idx.msk [tilespmem:v0+s8+$0x80 ss:$0x1], $0xffff  }
0x207: {  	v2 =	vld [tilespmem:s8+$0xB680];
	_ =	sdelay $0x4  }
0x208: {  	v1 =	vadd.f32 v1, v2;
	_ =	sdelay $0x1  }
0x209: {  	[tilespmem:s8+$0xB680] =	vst v1  }
0x20a: {  	v1 =	vld.idx.msk [tilespmem:v0+s8+$0x90 ss:$0x1], $0xffff  }
0x20b: {  	v2 =	vld [tilespmem:s8+$0xB690];
	_ =	sdelay $0x4  }
0x20c: {  	v1 =	vadd.f32 v1, v2;
	_ =	sdelay $0x1  }
0x20d: {  	[tilespmem:s8+$0xB690] =	vst v1  }
0x20e: {  	v1 =	vld.idx.msk [tilespmem:v0+s8+$0xA0 ss:$0x1], $0xffff  }
0x20f: {  	v2 =	vld [tilespmem:s8+$0xB6A0];
	_ =	sdelay $0x4  }
0x210: {  	v1 =	vadd.f32 v1, v2;
	_ =	sdelay $0x1  }
0x211: {  	[tilespmem:s8+$0xB6A0] =	vst v1  }
0x212: {  	v1 =	vld.idx.msk [tilespmem:v0+s8+$0xB0 ss:$0x1], $0xffff  }
0x213: {  	v2 =	vld [tilespmem:s8+$0xB6B0];
	_ =	sdelay $0x4  }
0x214: {  	v1 =	vadd.f32 v1, v2;
	_ =	sdelay $0x1  }
0x215: {  	[tilespmem:s8+$0xB6B0] =	vst v1  }
0x216: {  	v1 =	vld.idx.msk [tilespmem:v0+s8+$0xC0 ss:$0x1], $0xffff  }
0x217: {  	v2 =	vld [tilespmem:s8+$0xB6C0];
	_ =	sdelay $0x4  }
0x218: {  	v1 =	vadd.f32 v1, v2;
	_ =	sdelay $0x1  }
0x219: {  	[tilespmem:s8+$0xB6C0] =	vst v1  }
0x21a: {  	v1 =	vld.idx.msk [tilespmem:v0+s8+$0xD0 ss:$0x1], $0xffff  }
0x21b: {  	v2 =	vld [tilespmem:s8+$0xB6D0];
	_ =	sdelay $0x4  }
0x21c: {  	v1 =	vadd.f32 v1, v2;
	_ =	sdelay $0x1  }
0x21d: {  	[tilespmem:s8+$0xB6D0] =	vst v1  }
0x21e: {  	v1 =	vld.idx.msk [tilespmem:v0+s8+$0xE0 ss:$0x1], $0xffff  }
0x21f: {  	v2 =	vld [tilespmem:s8+$0xB6E0];
	_ =	sdelay $0x4  }
0x220: {  	v1 =	vadd.f32 v1, v2;
	_ =	sdelay $0x1  }
0x221: {  	[tilespmem:s8+$0xB6E0] =	vst v1  }
0x222: {  	v1 =	vld.idx.msk [tilespmem:v0+s8+$0xF0 ss:$0x1], $0xffff  }
0x223: {  	v2 =	vld [tilespmem:s8+$0xB6F0];
	_ =	sdelay $0x1  }
.Ltmp3:
0x224: {  	(pc) =	sbr.rel @p0 .LBB2_9-.Ltmp3, $3  }
0x225: {  	_ =	sdelay $0x1  }
0x226: {  	v1 =	vadd.f32 v1, v2  }
0x227: {  	s12 =	sadd.s32 $0x400, s12  }
0x228: {  	v0 =	vmov s6;
	[tilespmem:s8+$0xB6F0] =	vst v1;
	s1 =	simm.s32 $0xD  }
0x229: {  	_ =	swait.ge [sflag:s1], $0x2000  }
0x22a: {  	[sflag:s1] =	ssyncset.done $0x0  }
0x22b: {  	s6 =	simm.s32 $0x0;
	[sflag:s1] =	ssyncadd.s32 $0xFFFFE000  }
0x22c: {  	v2 =	vld [tilespmem:s6+$0xD600]  }
0x22d: {  	v1 =	vld.idx.msk [tilespmem:v0+s6+$0x0 ss:$0x1], $0xffff;
	_ =	sdelay $0x4  }
0x22e: {  	v1 =	vadd.f32 v1, v2;
	_ =	sdelay $0x1  }
0x22f: {  	v2 =	vld [tilespmem:s6+$0xD610];
	[tilespmem:s6+$0xD600] =	vst v1  }
0x230: {  	v1 =	vld.idx.msk [tilespmem:v0+s6+$0x10 ss:$0x1], $0xffff;
	_ =	sdelay $0x4  }
0x231: {  	v1 =	vadd.f32 v1, v2;
	_ =	sdelay $0x1  }
0x232: {  	v2 =	vld [tilespmem:s6+$0xD620];
	[tilespmem:s6+$0xD610] =	vst v1  }
0x233: {  	v1 =	vld.idx.msk [tilespmem:v0+s6+$0x20 ss:$0x1], $0xffff;
	_ =	sdelay $0x4  }
0x234: {  	v1 =	vadd.f32 v1, v2;
	_ =	sdelay $0x1  }
0x235: {  	v2 =	vld [tilespmem:s6+$0xD630];
	[tilespmem:s6+$0xD620] =	vst v1  }
0x236: {  	v1 =	vld.idx.msk [tilespmem:v0+s6+$0x30 ss:$0x1], $0xffff;
	_ =	sdelay $0x4  }
0x237: {  	v1 =	vadd.f32 v1, v2;
	_ =	sdelay $0x1  }
0x238: {  	v2 =	vld [tilespmem:s6+$0xD640];
	[tilespmem:s6+$0xD630] =	vst v1  }
0x239: {  	v1 =	vld.idx.msk [tilespmem:v0+s6+$0x40 ss:$0x1], $0xffff;
	_ =	sdelay $0x4  }
0x23a: {  	v1 =	vadd.f32 v1, v2;
	_ =	sdelay $0x1  }
0x23b: {  	v2 =	vld [tilespmem:s6+$0xD650];
	[tilespmem:s6+$0xD640] =	vst v1  }
0x23c: {  	v1 =	vld.idx.msk [tilespmem:v0+s6+$0x50 ss:$0x1], $0xffff;
	_ =	sdelay $0x4  }
0x23d: {  	v1 =	vadd.f32 v1, v2;
	_ =	sdelay $0x1  }
0x23e: {  	v2 =	vld [tilespmem:s6+$0xD660];
	[tilespmem:s6+$0xD650] =	vst v1  }
0x23f: {  	v1 =	vld.idx.msk [tilespmem:v0+s6+$0x60 ss:$0x1], $0xffff;
	_ =	sdelay $0x4  }
0x240: {  	v1 =	vadd.f32 v1, v2;
	_ =	sdelay $0x1  }
0x241: {  	v2 =	vld [tilespmem:s6+$0xD670];
	[tilespmem:s6+$0xD660] =	vst v1  }
0x242: {  	v1 =	vld.idx.msk [tilespmem:v0+s6+$0x70 ss:$0x1], $0xffff;
	_ =	sdelay $0x4  }
0x243: {  	v1 =	vadd.f32 v1, v2;
	_ =	sdelay $0x1  }
0x244: {  	v2 =	vld [tilespmem:s6+$0xD680];
	[tilespmem:s6+$0xD670] =	vst v1  }
0x245: {  	v1 =	vld.idx.msk [tilespmem:v0+s6+$0x80 ss:$0x1], $0xffff;
	_ =	sdelay $0x4  }
0x246: {  	v1 =	vadd.f32 v1, v2;
	_ =	sdelay $0x1  }
0x247: {  	v2 =	vld [tilespmem:s6+$0xD690];
	[tilespmem:s6+$0xD680] =	vst v1  }
0x248: {  	v1 =	vld.idx.msk [tilespmem:v0+s6+$0x90 ss:$0x1], $0xffff;
	_ =	sdelay $0x4  }
0x249: {  	v1 =	vadd.f32 v1, v2;
	_ =	sdelay $0x1  }
0x24a: {  	v2 =	vld [tilespmem:s6+$0xD6A0];
	[tilespmem:s6+$0xD690] =	vst v1  }
0x24b: {  	v1 =	vld.idx.msk [tilespmem:v0+s6+$0xA0 ss:$0x1], $0xffff;
	_ =	sdelay $0x4  }
0x24c: {  	v1 =	vadd.f32 v1, v2;
	_ =	sdelay $0x1  }
0x24d: {  	v2 =	vld [tilespmem:s6+$0xD6B0];
	[tilespmem:s6+$0xD6A0] =	vst v1  }
0x24e: {  	v1 =	vld.idx.msk [tilespmem:v0+s6+$0xB0 ss:$0x1], $0xffff;
	_ =	sdelay $0x4  }
0x24f: {  	v1 =	vadd.f32 v1, v2;
	_ =	sdelay $0x1  }
0x250: {  	v2 =	vld [tilespmem:s6+$0xD6C0];
	[tilespmem:s6+$0xD6B0] =	vst v1  }
0x251: {  	v1 =	vld.idx.msk [tilespmem:v0+s6+$0xC0 ss:$0x1], $0xffff;
	_ =	sdelay $0x4  }
0x252: {  	v1 =	vadd.f32 v1, v2;
	_ =	sdelay $0x1  }
0x253: {  	v2 =	vld [tilespmem:s6+$0xD6D0];
	[tilespmem:s6+$0xD6C0] =	vst v1  }
0x254: {  	v1 =	vld.idx.msk [tilespmem:v0+s6+$0xD0 ss:$0x1], $0xffff;
	_ =	sdelay $0x4  }
0x255: {  	v1 =	vadd.f32 v1, v2;
	_ =	sdelay $0x1  }
0x256: {  	v2 =	vld [tilespmem:s6+$0xD6E0];
	[tilespmem:s6+$0xD6D0] =	vst v1  }
0x257: {  	v1 =	vld.idx.msk [tilespmem:v0+s6+$0xE0 ss:$0x1], $0xffff;
	_ =	sdelay $0x4  }
0x258: {  	v1 =	vadd.f32 v1, v2;
	_ =	sdelay $0x1  }
0x259: {  	v2 =	vld [tilespmem:s6+$0xD6F0];
	[tilespmem:s6+$0xD6E0] =	vst v1  }
0x25a: {  	v1 =	vld.idx.msk [tilespmem:v0+s6+$0xF0 ss:$0x1], $0xffff;
	_ =	sdelay $0x4  }
0x25b: {  	v1 =	vadd.f32 v1, v2  }
0x25c: {  	s8 =	simm.s32 $0x0;
	s10 =	simm.s32 $0x400  }
.LBB2_11:
0x25d: {  	s8 =	sadd.s32 $0x4, s8;
	[tilespmem:s6+$0xD6F0] =	vst v1;
	s6 =	sshra.s32 s10, $0x2  }
0x25e: {  	v1 =	vld.idx.msk [tilespmem:v0+s6+$0x0 ss:$0x1], $0xffff;
	p0 =	slt.u32 s8, $0x7C  }
0x25f: {  	v2 =	vld [tilespmem:s6+$0xD600];
	_ =	sdelay $0x4  }
0x260: {  	v1 =	vadd.f32 v1, v2;
	_ =	sdelay $0x1  }
0x261: {  	[tilespmem:s6+$0xD600] =	vst v1  }
0x262: {  	v1 =	vld.idx.msk [tilespmem:v0+s6+$0x10 ss:$0x1], $0xffff  }
0x263: {  	v2 =	vld [tilespmem:s6+$0xD610];
	_ =	sdelay $0x4  }
0x264: {  	v1 =	vadd.f32 v1, v2;
	_ =	sdelay $0x1  }
0x265: {  	[tilespmem:s6+$0xD610] =	vst v1  }
0x266: {  	v1 =	vld.idx.msk [tilespmem:v0+s6+$0x20 ss:$0x1], $0xffff  }
0x267: {  	v2 =	vld [tilespmem:s6+$0xD620];
	_ =	sdelay $0x4  }
0x268: {  	v1 =	vadd.f32 v1, v2;
	_ =	sdelay $0x1  }
0x269: {  	[tilespmem:s6+$0xD620] =	vst v1  }
0x26a: {  	v1 =	vld.idx.msk [tilespmem:v0+s6+$0x30 ss:$0x1], $0xffff  }
0x26b: {  	v2 =	vld [tilespmem:s6+$0xD630];
	_ =	sdelay $0x4  }
0x26c: {  	v1 =	vadd.f32 v1, v2;
	_ =	sdelay $0x1  }
0x26d: {  	[tilespmem:s6+$0xD630] =	vst v1  }
0x26e: {  	v1 =	vld.idx.msk [tilespmem:v0+s6+$0x40 ss:$0x1], $0xffff  }
0x26f: {  	v2 =	vld [tilespmem:s6+$0xD640];
	_ =	sdelay $0x4  }
0x270: {  	v1 =	vadd.f32 v1, v2;
	_ =	sdelay $0x1  }
0x271: {  	[tilespmem:s6+$0xD640] =	vst v1  }
0x272: {  	v1 =	vld.idx.msk [tilespmem:v0+s6+$0x50 ss:$0x1], $0xffff  }
0x273: {  	v2 =	vld [tilespmem:s6+$0xD650];
	_ =	sdelay $0x4  }
0x274: {  	v1 =	vadd.f32 v1, v2;
	_ =	sdelay $0x1  }
0x275: {  	[tilespmem:s6+$0xD650] =	vst v1  }
0x276: {  	v1 =	vld.idx.msk [tilespmem:v0+s6+$0x60 ss:$0x1], $0xffff  }
0x277: {  	v2 =	vld [tilespmem:s6+$0xD660];
	_ =	sdelay $0x4  }
0x278: {  	v1 =	vadd.f32 v1, v2;
	_ =	sdelay $0x1  }
0x279: {  	[tilespmem:s6+$0xD660] =	vst v1  }
0x27a: {  	v1 =	vld.idx.msk [tilespmem:v0+s6+$0x70 ss:$0x1], $0xffff  }
0x27b: {  	v2 =	vld [tilespmem:s6+$0xD670];
	_ =	sdelay $0x4  }
0x27c: {  	v1 =	vadd.f32 v1, v2;
	_ =	sdelay $0x1  }
0x27d: {  	[tilespmem:s6+$0xD670] =	vst v1  }
0x27e: {  	v1 =	vld.idx.msk [tilespmem:v0+s6+$0x80 ss:$0x1], $0xffff  }
0x27f: {  	v2 =	vld [tilespmem:s6+$0xD680];
	_ =	sdelay $0x4  }
0x280: {  	v1 =	vadd.f32 v1, v2;
	_ =	sdelay $0x1  }
0x281: {  	[tilespmem:s6+$0xD680] =	vst v1  }
0x282: {  	v1 =	vld.idx.msk [tilespmem:v0+s6+$0x90 ss:$0x1], $0xffff  }
0x283: {  	v2 =	vld [tilespmem:s6+$0xD690];
	_ =	sdelay $0x4  }
0x284: {  	v1 =	vadd.f32 v1, v2;
	_ =	sdelay $0x1  }
0x285: {  	[tilespmem:s6+$0xD690] =	vst v1  }
0x286: {  	v1 =	vld.idx.msk [tilespmem:v0+s6+$0xA0 ss:$0x1], $0xffff  }
0x287: {  	v2 =	vld [tilespmem:s6+$0xD6A0];
	_ =	sdelay $0x4  }
0x288: {  	v1 =	vadd.f32 v1, v2;
	_ =	sdelay $0x1  }
0x289: {  	[tilespmem:s6+$0xD6A0] =	vst v1  }
0x28a: {  	v1 =	vld.idx.msk [tilespmem:v0+s6+$0xB0 ss:$0x1], $0xffff  }
0x28b: {  	v2 =	vld [tilespmem:s6+$0xD6B0];
	_ =	sdelay $0x4  }
0x28c: {  	v1 =	vadd.f32 v1, v2;
	_ =	sdelay $0x1  }
0x28d: {  	[tilespmem:s6+$0xD6B0] =	vst v1  }
0x28e: {  	v1 =	vld.idx.msk [tilespmem:v0+s6+$0xC0 ss:$0x1], $0xffff  }
0x28f: {  	v2 =	vld [tilespmem:s6+$0xD6C0];
	_ =	sdelay $0x4  }
0x290: {  	v1 =	vadd.f32 v1, v2;
	_ =	sdelay $0x1  }
0x291: {  	[tilespmem:s6+$0xD6C0] =	vst v1  }
0x292: {  	v1 =	vld.idx.msk [tilespmem:v0+s6+$0xD0 ss:$0x1], $0xffff  }
0x293: {  	v2 =	vld [tilespmem:s6+$0xD6D0];
	_ =	sdelay $0x4  }
0x294: {  	v1 =	vadd.f32 v1, v2;
	_ =	sdelay $0x1  }
0x295: {  	[tilespmem:s6+$0xD6D0] =	vst v1  }
0x296: {  	v1 =	vld.idx.msk [tilespmem:v0+s6+$0xE0 ss:$0x1], $0xffff  }
0x297: {  	v2 =	vld [tilespmem:s6+$0xD6E0];
	_ =	sdelay $0x4  }
0x298: {  	v1 =	vadd.f32 v1, v2;
	_ =	sdelay $0x1  }
0x299: {  	[tilespmem:s6+$0xD6E0] =	vst v1  }
0x29a: {  	v1 =	vld.idx.msk [tilespmem:v0+s6+$0xF0 ss:$0x1], $0xffff  }
0x29b: {  	v2 =	vld [tilespmem:s6+$0xD6F0];
	_ =	sdelay $0x1  }
.Ltmp4:
0x29c: {  	(pc) =	sbr.rel @p0 .LBB2_11-.Ltmp4, $3  }
0x29d: {  	_ =	sdelay $0x1  }
0x29e: {  	v1 =	vadd.f32 v1, v2  }
0x29f: {  	s10 =	sadd.s32 $0x400, s10  }
0x2a0: {  	v0 =	vmov s7;
	[tilespmem:s6+$0xD6F0] =	vst v1;
	s1 =	simm.s32 $0xE  }
0x2a1: {  	_ =	swait.ge [sflag:s1], $0x2000  }
0x2a2: {  	[sflag:s1] =	ssyncset.done $0x0  }
0x2a3: {  	s6 =	simm.s32 $0x0;
	[sflag:s1] =	ssyncadd.s32 $0xFFFFE000  }
0x2a4: {  	v2 =	vld [tilespmem:s6+$0xF600]  }
0x2a5: {  	v1 =	vld.idx.msk [tilespmem:v0+s6+$0x0 ss:$0x1], $0xffff;
	_ =	sdelay $0x4  }
0x2a6: {  	v1 =	vadd.f32 v1, v2;
	_ =	sdelay $0x1  }
0x2a7: {  	v2 =	vld [tilespmem:s6+$0xF610];
	[tilespmem:s6+$0xF600] =	vst v1  }
0x2a8: {  	v1 =	vld.idx.msk [tilespmem:v0+s6+$0x10 ss:$0x1], $0xffff;
	_ =	sdelay $0x4  }
0x2a9: {  	v1 =	vadd.f32 v1, v2;
	_ =	sdelay $0x1  }
0x2aa: {  	v2 =	vld [tilespmem:s6+$0xF620];
	[tilespmem:s6+$0xF610] =	vst v1  }
0x2ab: {  	v1 =	vld.idx.msk [tilespmem:v0+s6+$0x20 ss:$0x1], $0xffff;
	_ =	sdelay $0x4  }
0x2ac: {  	v1 =	vadd.f32 v1, v2;
	_ =	sdelay $0x1  }
0x2ad: {  	v2 =	vld [tilespmem:s6+$0xF630];
	[tilespmem:s6+$0xF620] =	vst v1  }
0x2ae: {  	v1 =	vld.idx.msk [tilespmem:v0+s6+$0x30 ss:$0x1], $0xffff;
	_ =	sdelay $0x4  }
0x2af: {  	v1 =	vadd.f32 v1, v2;
	_ =	sdelay $0x1  }
0x2b0: {  	v2 =	vld [tilespmem:s6+$0xF640];
	[tilespmem:s6+$0xF630] =	vst v1  }
0x2b1: {  	v1 =	vld.idx.msk [tilespmem:v0+s6+$0x40 ss:$0x1], $0xffff;
	_ =	sdelay $0x4  }
0x2b2: {  	v1 =	vadd.f32 v1, v2;
	_ =	sdelay $0x1  }
0x2b3: {  	v2 =	vld [tilespmem:s6+$0xF650];
	[tilespmem:s6+$0xF640] =	vst v1  }
0x2b4: {  	v1 =	vld.idx.msk [tilespmem:v0+s6+$0x50 ss:$0x1], $0xffff;
	_ =	sdelay $0x4  }
0x2b5: {  	v1 =	vadd.f32 v1, v2;
	_ =	sdelay $0x1  }
0x2b6: {  	v2 =	vld [tilespmem:s6+$0xF660];
	[tilespmem:s6+$0xF650] =	vst v1  }
0x2b7: {  	v1 =	vld.idx.msk [tilespmem:v0+s6+$0x60 ss:$0x1], $0xffff;
	_ =	sdelay $0x4  }
0x2b8: {  	v1 =	vadd.f32 v1, v2;
	_ =	sdelay $0x1  }
0x2b9: {  	v2 =	vld [tilespmem:s6+$0xF670];
	[tilespmem:s6+$0xF660] =	vst v1  }
0x2ba: {  	v1 =	vld.idx.msk [tilespmem:v0+s6+$0x70 ss:$0x1], $0xffff;
	_ =	sdelay $0x4  }
0x2bb: {  	v1 =	vadd.f32 v1, v2;
	_ =	sdelay $0x1  }
0x2bc: {  	v2 =	vld [tilespmem:s6+$0xF680];
	[tilespmem:s6+$0xF670] =	vst v1  }
0x2bd: {  	v1 =	vld.idx.msk [tilespmem:v0+s6+$0x80 ss:$0x1], $0xffff;
	_ =	sdelay $0x4  }
0x2be: {  	v1 =	vadd.f32 v1, v2;
	_ =	sdelay $0x1  }
0x2bf: {  	v2 =	vld [tilespmem:s6+$0xF690];
	[tilespmem:s6+$0xF680] =	vst v1  }
0x2c0: {  	v1 =	vld.idx.msk [tilespmem:v0+s6+$0x90 ss:$0x1], $0xffff;
	_ =	sdelay $0x4  }
0x2c1: {  	v1 =	vadd.f32 v1, v2;
	_ =	sdelay $0x1  }
0x2c2: {  	v2 =	vld [tilespmem:s6+$0xF6A0];
	[tilespmem:s6+$0xF690] =	vst v1  }
0x2c3: {  	v1 =	vld.idx.msk [tilespmem:v0+s6+$0xA0 ss:$0x1], $0xffff;
	_ =	sdelay $0x4  }
0x2c4: {  	v1 =	vadd.f32 v1, v2;
	_ =	sdelay $0x1  }
0x2c5: {  	v2 =	vld [tilespmem:s6+$0xF6B0];
	[tilespmem:s6+$0xF6A0] =	vst v1  }
0x2c6: {  	v1 =	vld.idx.msk [tilespmem:v0+s6+$0xB0 ss:$0x1], $0xffff;
	_ =	sdelay $0x4  }
0x2c7: {  	v1 =	vadd.f32 v1, v2;
	_ =	sdelay $0x1  }
0x2c8: {  	v2 =	vld [tilespmem:s6+$0xF6C0];
	[tilespmem:s6+$0xF6B0] =	vst v1  }
0x2c9: {  	v1 =	vld.idx.msk [tilespmem:v0+s6+$0xC0 ss:$0x1], $0xffff;
	_ =	sdelay $0x4  }
0x2ca: {  	v1 =	vadd.f32 v1, v2;
	_ =	sdelay $0x1  }
0x2cb: {  	v2 =	vld [tilespmem:s6+$0xF6D0];
	[tilespmem:s6+$0xF6C0] =	vst v1  }
0x2cc: {  	v1 =	vld.idx.msk [tilespmem:v0+s6+$0xD0 ss:$0x1], $0xffff;
	_ =	sdelay $0x4  }
0x2cd: {  	v1 =	vadd.f32 v1, v2;
	_ =	sdelay $0x1  }
0x2ce: {  	v2 =	vld [tilespmem:s6+$0xF6E0];
	[tilespmem:s6+$0xF6D0] =	vst v1  }
0x2cf: {  	v1 =	vld.idx.msk [tilespmem:v0+s6+$0xE0 ss:$0x1], $0xffff;
	_ =	sdelay $0x4  }
0x2d0: {  	v1 =	vadd.f32 v1, v2;
	_ =	sdelay $0x1  }
0x2d1: {  	v2 =	vld [tilespmem:s6+$0xF6F0];
	[tilespmem:s6+$0xF6E0] =	vst v1  }
0x2d2: {  	v1 =	vld.idx.msk [tilespmem:v0+s6+$0xF0 ss:$0x1], $0xffff;
	_ =	sdelay $0x4  }
0x2d3: {  	v1 =	vadd.f32 v1, v2  }
0x2d4: {  	s7 =	simm.s32 $0x0;
	s8 =	simm.s32 $0x400  }
.LBB2_13:
0x2d5: {  	s7 =	sadd.s32 $0x4, s7;
	[tilespmem:s6+$0xF6F0] =	vst v1;
	s6 =	sshra.s32 s8, $0x2  }
0x2d6: {  	v1 =	vld.idx.msk [tilespmem:v0+s6+$0x0 ss:$0x1], $0xffff;
	p0 =	slt.u32 s7, $0x7C  }
0x2d7: {  	v2 =	vld [tilespmem:s6+$0xF600];
	_ =	sdelay $0x4  }
0x2d8: {  	v1 =	vadd.f32 v1, v2;
	_ =	sdelay $0x1  }
0x2d9: {  	[tilespmem:s6+$0xF600] =	vst v1  }
0x2da: {  	v1 =	vld.idx.msk [tilespmem:v0+s6+$0x10 ss:$0x1], $0xffff  }
0x2db: {  	v2 =	vld [tilespmem:s6+$0xF610];
	_ =	sdelay $0x4  }
0x2dc: {  	v1 =	vadd.f32 v1, v2;
	_ =	sdelay $0x1  }
0x2dd: {  	[tilespmem:s6+$0xF610] =	vst v1  }
0x2de: {  	v1 =	vld.idx.msk [tilespmem:v0+s6+$0x20 ss:$0x1], $0xffff  }
0x2df: {  	v2 =	vld [tilespmem:s6+$0xF620];
	_ =	sdelay $0x4  }
0x2e0: {  	v1 =	vadd.f32 v1, v2;
	_ =	sdelay $0x1  }
0x2e1: {  	[tilespmem:s6+$0xF620] =	vst v1  }
0x2e2: {  	v1 =	vld.idx.msk [tilespmem:v0+s6+$0x30 ss:$0x1], $0xffff  }
0x2e3: {  	v2 =	vld [tilespmem:s6+$0xF630];
	_ =	sdelay $0x4  }
0x2e4: {  	v1 =	vadd.f32 v1, v2;
	_ =	sdelay $0x1  }
0x2e5: {  	[tilespmem:s6+$0xF630] =	vst v1  }
0x2e6: {  	v1 =	vld.idx.msk [tilespmem:v0+s6+$0x40 ss:$0x1], $0xffff  }
0x2e7: {  	v2 =	vld [tilespmem:s6+$0xF640];
	_ =	sdelay $0x4  }
0x2e8: {  	v1 =	vadd.f32 v1, v2;
	_ =	sdelay $0x1  }
0x2e9: {  	[tilespmem:s6+$0xF640] =	vst v1  }
0x2ea: {  	v1 =	vld.idx.msk [tilespmem:v0+s6+$0x50 ss:$0x1], $0xffff  }
0x2eb: {  	v2 =	vld [tilespmem:s6+$0xF650];
	_ =	sdelay $0x4  }
0x2ec: {  	v1 =	vadd.f32 v1, v2;
	_ =	sdelay $0x1  }
0x2ed: {  	[tilespmem:s6+$0xF650] =	vst v1  }
0x2ee: {  	v1 =	vld.idx.msk [tilespmem:v0+s6+$0x60 ss:$0x1], $0xffff  }
0x2ef: {  	v2 =	vld [tilespmem:s6+$0xF660];
	_ =	sdelay $0x4  }
0x2f0: {  	v1 =	vadd.f32 v1, v2;
	_ =	sdelay $0x1  }
0x2f1: {  	[tilespmem:s6+$0xF660] =	vst v1  }
0x2f2: {  	v1 =	vld.idx.msk [tilespmem:v0+s6+$0x70 ss:$0x1], $0xffff  }
0x2f3: {  	v2 =	vld [tilespmem:s6+$0xF670];
	_ =	sdelay $0x4  }
0x2f4: {  	v1 =	vadd.f32 v1, v2;
	_ =	sdelay $0x1  }
0x2f5: {  	[tilespmem:s6+$0xF670] =	vst v1  }
0x2f6: {  	v1 =	vld.idx.msk [tilespmem:v0+s6+$0x80 ss:$0x1], $0xffff  }
0x2f7: {  	v2 =	vld [tilespmem:s6+$0xF680];
	_ =	sdelay $0x4  }
0x2f8: {  	v1 =	vadd.f32 v1, v2;
	_ =	sdelay $0x1  }
0x2f9: {  	[tilespmem:s6+$0xF680] =	vst v1  }
0x2fa: {  	v1 =	vld.idx.msk [tilespmem:v0+s6+$0x90 ss:$0x1], $0xffff  }
0x2fb: {  	v2 =	vld [tilespmem:s6+$0xF690];
	_ =	sdelay $0x4  }
0x2fc: {  	v1 =	vadd.f32 v1, v2;
	_ =	sdelay $0x1  }
0x2fd: {  	[tilespmem:s6+$0xF690] =	vst v1  }
0x2fe: {  	v1 =	vld.idx.msk [tilespmem:v0+s6+$0xA0 ss:$0x1], $0xffff  }
0x2ff: {  	v2 =	vld [tilespmem:s6+$0xF6A0];
	_ =	sdelay $0x4  }
0x300: {  	v1 =	vadd.f32 v1, v2;
	_ =	sdelay $0x1  }
0x301: {  	[tilespmem:s6+$0xF6A0] =	vst v1  }
0x302: {  	v1 =	vld.idx.msk [tilespmem:v0+s6+$0xB0 ss:$0x1], $0xffff  }
0x303: {  	v2 =	vld [tilespmem:s6+$0xF6B0];
	_ =	sdelay $0x4  }
0x304: {  	v1 =	vadd.f32 v1, v2;
	_ =	sdelay $0x1  }
0x305: {  	[tilespmem:s6+$0xF6B0] =	vst v1  }
0x306: {  	v1 =	vld.idx.msk [tilespmem:v0+s6+$0xC0 ss:$0x1], $0xffff  }
0x307: {  	v2 =	vld [tilespmem:s6+$0xF6C0];
	_ =	sdelay $0x4  }
0x308: {  	v1 =	vadd.f32 v1, v2;
	_ =	sdelay $0x1  }
0x309: {  	[tilespmem:s6+$0xF6C0] =	vst v1  }
0x30a: {  	v1 =	vld.idx.msk [tilespmem:v0+s6+$0xD0 ss:$0x1], $0xffff  }
0x30b: {  	v2 =	vld [tilespmem:s6+$0xF6D0];
	_ =	sdelay $0x4  }
0x30c: {  	v1 =	vadd.f32 v1, v2;
	_ =	sdelay $0x1  }
0x30d: {  	[tilespmem:s6+$0xF6D0] =	vst v1  }
0x30e: {  	v1 =	vld.idx.msk [tilespmem:v0+s6+$0xE0 ss:$0x1], $0xffff  }
0x30f: {  	v2 =	vld [tilespmem:s6+$0xF6E0];
	_ =	sdelay $0x4  }
0x310: {  	v1 =	vadd.f32 v1, v2;
	_ =	sdelay $0x1  }
0x311: {  	[tilespmem:s6+$0xF6E0] =	vst v1  }
0x312: {  	v1 =	vld.idx.msk [tilespmem:v0+s6+$0xF0 ss:$0x1], $0xffff  }
0x313: {  	v2 =	vld [tilespmem:s6+$0xF6F0];
	_ =	sdelay $0x1  }
.Ltmp5:
0x314: {  	(pc) =	sbr.rel @p0 .LBB2_13-.Ltmp5, $3  }
0x315: {  	_ =	sdelay $0x1  }
0x316: {  	v1 =	vadd.f32 v1, v2  }
0x317: {  	s8 =	sadd.s32 $0x400, s8  }
0x318: {  	s1 =	rddreg [dreg:$0x10]  }
0x319: {  	[tilespmem:s6+$0xF6F0] =	vst v1;
	s14 =	simm.s32 $0xF;
	v0 =	vmov s1  }
0x31a: {  	_ =	swait.ge [sflag:s14], $0x2000  }
0x31b: {  	[sflag:s14] =	ssyncset.done $0x0  }
0x31c: {  	s6 =	simm.s32 $0x0;
	[sflag:s14] =	ssyncadd.s32 $0xFFFFE000  }
0x31d: {  	v2 =	vld [tilespmem:s6+$0x11600]  }
0x31e: {  	v1 =	vld.idx.msk [tilespmem:v0+s6+$0x0 ss:$0x1], $0xffff;
	_ =	sdelay $0x4  }
0x31f: {  	v1 =	vadd.f32 v1, v2;
	_ =	sdelay $0x1  }
0x320: {  	v2 =	vld [tilespmem:s6+$0x11610];
	[tilespmem:s6+$0x11600] =	vst v1  }
0x321: {  	v1 =	vld.idx.msk [tilespmem:v0+s6+$0x10 ss:$0x1], $0xffff;
	_ =	sdelay $0x4  }
0x322: {  	v1 =	vadd.f32 v1, v2;
	_ =	sdelay $0x1  }
0x323: {  	v2 =	vld [tilespmem:s6+$0x11620];
	[tilespmem:s6+$0x11610] =	vst v1  }
0x324: {  	v1 =	vld.idx.msk [tilespmem:v0+s6+$0x20 ss:$0x1], $0xffff;
	_ =	sdelay $0x4  }
0x325: {  	v1 =	vadd.f32 v1, v2;
	_ =	sdelay $0x1  }
0x326: {  	v2 =	vld [tilespmem:s6+$0x11630];
	[tilespmem:s6+$0x11620] =	vst v1  }
0x327: {  	v1 =	vld.idx.msk [tilespmem:v0+s6+$0x30 ss:$0x1], $0xffff;
	_ =	sdelay $0x4  }
0x328: {  	v1 =	vadd.f32 v1, v2;
	_ =	sdelay $0x1  }
0x329: {  	v2 =	vld [tilespmem:s6+$0x11640];
	[tilespmem:s6+$0x11630] =	vst v1  }
0x32a: {  	v1 =	vld.idx.msk [tilespmem:v0+s6+$0x40 ss:$0x1], $0xffff;
	_ =	sdelay $0x4  }
0x32b: {  	v1 =	vadd.f32 v1, v2;
	_ =	sdelay $0x1  }
0x32c: {  	v2 =	vld [tilespmem:s6+$0x11650];
	[tilespmem:s6+$0x11640] =	vst v1  }
0x32d: {  	v1 =	vld.idx.msk [tilespmem:v0+s6+$0x50 ss:$0x1], $0xffff;
	_ =	sdelay $0x4  }
0x32e: {  	v1 =	vadd.f32 v1, v2;
	_ =	sdelay $0x1  }
0x32f: {  	v2 =	vld [tilespmem:s6+$0x11660];
	[tilespmem:s6+$0x11650] =	vst v1  }
0x330: {  	v1 =	vld.idx.msk [tilespmem:v0+s6+$0x60 ss:$0x1], $0xffff;
	_ =	sdelay $0x4  }
0x331: {  	v1 =	vadd.f32 v1, v2;
	_ =	sdelay $0x1  }
0x332: {  	v2 =	vld [tilespmem:s6+$0x11670];
	[tilespmem:s6+$0x11660] =	vst v1  }
0x333: {  	v1 =	vld.idx.msk [tilespmem:v0+s6+$0x70 ss:$0x1], $0xffff;
	_ =	sdelay $0x4  }
0x334: {  	v1 =	vadd.f32 v1, v2;
	_ =	sdelay $0x1  }
0x335: {  	v2 =	vld [tilespmem:s6+$0x11680];
	[tilespmem:s6+$0x11670] =	vst v1  }
0x336: {  	v1 =	vld.idx.msk [tilespmem:v0+s6+$0x80 ss:$0x1], $0xffff;
	_ =	sdelay $0x4  }
0x337: {  	v1 =	vadd.f32 v1, v2;
	_ =	sdelay $0x1  }
0x338: {  	v2 =	vld [tilespmem:s6+$0x11690];
	[tilespmem:s6+$0x11680] =	vst v1  }
0x339: {  	v1 =	vld.idx.msk [tilespmem:v0+s6+$0x90 ss:$0x1], $0xffff;
	_ =	sdelay $0x4  }
0x33a: {  	v1 =	vadd.f32 v1, v2;
	_ =	sdelay $0x1  }
0x33b: {  	v2 =	vld [tilespmem:s6+$0x116A0];
	[tilespmem:s6+$0x11690] =	vst v1  }
0x33c: {  	v1 =	vld.idx.msk [tilespmem:v0+s6+$0xA0 ss:$0x1], $0xffff;
	_ =	sdelay $0x4  }
0x33d: {  	v1 =	vadd.f32 v1, v2;
	_ =	sdelay $0x1  }
0x33e: {  	v2 =	vld [tilespmem:s6+$0x116B0];
	[tilespmem:s6+$0x116A0] =	vst v1  }
0x33f: {  	v1 =	vld.idx.msk [tilespmem:v0+s6+$0xB0 ss:$0x1], $0xffff;
	_ =	sdelay $0x4  }
0x340: {  	v1 =	vadd.f32 v1, v2;
	_ =	sdelay $0x1  }
0x341: {  	v2 =	vld [tilespmem:s6+$0x116C0];
	[tilespmem:s6+$0x116B0] =	vst v1  }
0x342: {  	v1 =	vld.idx.msk [tilespmem:v0+s6+$0xC0 ss:$0x1], $0xffff;
	_ =	sdelay $0x4  }
0x343: {  	v1 =	vadd.f32 v1, v2;
	_ =	sdelay $0x1  }
0x344: {  	v2 =	vld [tilespmem:s6+$0x116D0];
	[tilespmem:s6+$0x116C0] =	vst v1  }
0x345: {  	v1 =	vld.idx.msk [tilespmem:v0+s6+$0xD0 ss:$0x1], $0xffff;
	_ =	sdelay $0x4  }
0x346: {  	v1 =	vadd.f32 v1, v2;
	_ =	sdelay $0x1  }
0x347: {  	v2 =	vld [tilespmem:s6+$0x116E0];
	[tilespmem:s6+$0x116D0] =	vst v1  }
0x348: {  	v1 =	vld.idx.msk [tilespmem:v0+s6+$0xE0 ss:$0x1], $0xffff;
	_ =	sdelay $0x4  }
0x349: {  	v1 =	vadd.f32 v1, v2;
	_ =	sdelay $0x1  }
0x34a: {  	v2 =	vld [tilespmem:s6+$0x116F0];
	[tilespmem:s6+$0x116E0] =	vst v1  }
0x34b: {  	v1 =	vld.idx.msk [tilespmem:v0+s6+$0xF0 ss:$0x1], $0xffff;
	_ =	sdelay $0x4  }
0x34c: {  	v1 =	vadd.f32 v1, v2  }
0x34d: {  	s7 =	simm.s32 $0x0;
	s8 =	simm.s32 $0x400  }
.LBB2_15:
0x34e: {  	s7 =	sadd.s32 $0x4, s7;
	[tilespmem:s6+$0x116F0] =	vst v1;
	s6 =	sshra.s32 s8, $0x2  }
0x34f: {  	v1 =	vld.idx.msk [tilespmem:v0+s6+$0x0 ss:$0x1], $0xffff;
	p0 =	slt.u32 s7, $0x7C  }
0x350: {  	v2 =	vld [tilespmem:s6+$0x11600];
	_ =	sdelay $0x4  }
0x351: {  	v1 =	vadd.f32 v1, v2;
	_ =	sdelay $0x1  }
0x352: {  	[tilespmem:s6+$0x11600] =	vst v1  }
0x353: {  	v1 =	vld.idx.msk [tilespmem:v0+s6+$0x10 ss:$0x1], $0xffff  }
0x354: {  	v2 =	vld [tilespmem:s6+$0x11610];
	_ =	sdelay $0x4  }
0x355: {  	v1 =	vadd.f32 v1, v2;
	_ =	sdelay $0x1  }
0x356: {  	[tilespmem:s6+$0x11610] =	vst v1  }
0x357: {  	v1 =	vld.idx.msk [tilespmem:v0+s6+$0x20 ss:$0x1], $0xffff  }
0x358: {  	v2 =	vld [tilespmem:s6+$0x11620];
	_ =	sdelay $0x4  }
0x359: {  	v1 =	vadd.f32 v1, v2;
	_ =	sdelay $0x1  }
0x35a: {  	[tilespmem:s6+$0x11620] =	vst v1  }
0x35b: {  	v1 =	vld.idx.msk [tilespmem:v0+s6+$0x30 ss:$0x1], $0xffff  }
0x35c: {  	v2 =	vld [tilespmem:s6+$0x11630];
	_ =	sdelay $0x4  }
0x35d: {  	v1 =	vadd.f32 v1, v2;
	_ =	sdelay $0x1  }
0x35e: {  	[tilespmem:s6+$0x11630] =	vst v1  }
0x35f: {  	v1 =	vld.idx.msk [tilespmem:v0+s6+$0x40 ss:$0x1], $0xffff  }
0x360: {  	v2 =	vld [tilespmem:s6+$0x11640];
	_ =	sdelay $0x4  }
0x361: {  	v1 =	vadd.f32 v1, v2;
	_ =	sdelay $0x1  }
0x362: {  	[tilespmem:s6+$0x11640] =	vst v1  }
0x363: {  	v1 =	vld.idx.msk [tilespmem:v0+s6+$0x50 ss:$0x1], $0xffff  }
0x364: {  	v2 =	vld [tilespmem:s6+$0x11650];
	_ =	sdelay $0x4  }
0x365: {  	v1 =	vadd.f32 v1, v2;
	_ =	sdelay $0x1  }
0x366: {  	[tilespmem:s6+$0x11650] =	vst v1  }
0x367: {  	v1 =	vld.idx.msk [tilespmem:v0+s6+$0x60 ss:$0x1], $0xffff  }
0x368: {  	v2 =	vld [tilespmem:s6+$0x11660];
	_ =	sdelay $0x4  }
0x369: {  	v1 =	vadd.f32 v1, v2;
	_ =	sdelay $0x1  }
0x36a: {  	[tilespmem:s6+$0x11660] =	vst v1  }
0x36b: {  	v1 =	vld.idx.msk [tilespmem:v0+s6+$0x70 ss:$0x1], $0xffff  }
0x36c: {  	v2 =	vld [tilespmem:s6+$0x11670];
	_ =	sdelay $0x4  }
0x36d: {  	v1 =	vadd.f32 v1, v2;
	_ =	sdelay $0x1  }
0x36e: {  	[tilespmem:s6+$0x11670] =	vst v1  }
0x36f: {  	v1 =	vld.idx.msk [tilespmem:v0+s6+$0x80 ss:$0x1], $0xffff  }
0x370: {  	v2 =	vld [tilespmem:s6+$0x11680];
	_ =	sdelay $0x4  }
0x371: {  	v1 =	vadd.f32 v1, v2;
	_ =	sdelay $0x1  }
0x372: {  	[tilespmem:s6+$0x11680] =	vst v1  }
0x373: {  	v1 =	vld.idx.msk [tilespmem:v0+s6+$0x90 ss:$0x1], $0xffff  }
0x374: {  	v2 =	vld [tilespmem:s6+$0x11690];
	_ =	sdelay $0x4  }
0x375: {  	v1 =	vadd.f32 v1, v2;
	_ =	sdelay $0x1  }
0x376: {  	[tilespmem:s6+$0x11690] =	vst v1  }
0x377: {  	v1 =	vld.idx.msk [tilespmem:v0+s6+$0xA0 ss:$0x1], $0xffff  }
0x378: {  	v2 =	vld [tilespmem:s6+$0x116A0];
	_ =	sdelay $0x4  }
0x379: {  	v1 =	vadd.f32 v1, v2;
	_ =	sdelay $0x1  }
0x37a: {  	[tilespmem:s6+$0x116A0] =	vst v1  }
0x37b: {  	v1 =	vld.idx.msk [tilespmem:v0+s6+$0xB0 ss:$0x1], $0xffff  }
0x37c: {  	v2 =	vld [tilespmem:s6+$0x116B0];
	_ =	sdelay $0x4  }
0x37d: {  	v1 =	vadd.f32 v1, v2;
	_ =	sdelay $0x1  }
0x37e: {  	[tilespmem:s6+$0x116B0] =	vst v1  }
0x37f: {  	v1 =	vld.idx.msk [tilespmem:v0+s6+$0xC0 ss:$0x1], $0xffff  }
0x380: {  	v2 =	vld [tilespmem:s6+$0x116C0];
	_ =	sdelay $0x4  }
0x381: {  	v1 =	vadd.f32 v1, v2;
	_ =	sdelay $0x1  }
0x382: {  	[tilespmem:s6+$0x116C0] =	vst v1  }
0x383: {  	v1 =	vld.idx.msk [tilespmem:v0+s6+$0xD0 ss:$0x1], $0xffff  }
0x384: {  	v2 =	vld [tilespmem:s6+$0x116D0];
	_ =	sdelay $0x4  }
0x385: {  	v1 =	vadd.f32 v1, v2;
	_ =	sdelay $0x1  }
0x386: {  	[tilespmem:s6+$0x116D0] =	vst v1  }
0x387: {  	v1 =	vld.idx.msk [tilespmem:v0+s6+$0xE0 ss:$0x1], $0xffff  }
0x388: {  	v2 =	vld [tilespmem:s6+$0x116E0];
	_ =	sdelay $0x4  }
0x389: {  	v1 =	vadd.f32 v1, v2;
	_ =	sdelay $0x1  }
0x38a: {  	[tilespmem:s6+$0x116E0] =	vst v1  }
0x38b: {  	v1 =	vld.idx.msk [tilespmem:v0+s6+$0xF0 ss:$0x1], $0xffff  }
0x38c: {  	v2 =	vld [tilespmem:s6+$0x116F0];
	_ =	sdelay $0x1  }
.Ltmp6:
0x38d: {  	(pc) =	sbr.rel @p0 .LBB2_15-.Ltmp6, $3  }
0x38e: {  	_ =	sdelay $0x1  }
0x38f: {  	v1 =	vadd.f32 v1, v2  }
0x390: {  	s8 =	sadd.s32 $0x400, s8  }
0x391: {  	s1 =	rddreg [dreg:$0xf]  }
0x392: {  	[tilespmem:s6+$0x116F0] =	vst v1;
	s14 =	simm.s32 $0x10;
	v0 =	vmov s1  }
0x393: {  	_ =	swait.ge [sflag:s14], $0x2000  }
0x394: {  	[sflag:s14] =	ssyncset.done $0x0  }
0x395: {  	s6 =	simm.s32 $0x0;
	[sflag:s14] =	ssyncadd.s32 $0xFFFFE000  }
0x396: {  	v2 =	vld [tilespmem:s6+$0x13600]  }
0x397: {  	v1 =	vld.idx.msk [tilespmem:v0+s6+$0x0 ss:$0x1], $0xffff;
	_ =	sdelay $0x4  }
0x398: {  	v1 =	vadd.f32 v1, v2;
	_ =	sdelay $0x1  }
0x399: {  	v2 =	vld [tilespmem:s6+$0x13610];
	[tilespmem:s6+$0x13600] =	vst v1  }
0x39a: {  	v1 =	vld.idx.msk [tilespmem:v0+s6+$0x10 ss:$0x1], $0xffff;
	_ =	sdelay $0x4  }
0x39b: {  	v1 =	vadd.f32 v1, v2;
	_ =	sdelay $0x1  }
0x39c: {  	v2 =	vld [tilespmem:s6+$0x13620];
	[tilespmem:s6+$0x13610] =	vst v1  }
0x39d: {  	v1 =	vld.idx.msk [tilespmem:v0+s6+$0x20 ss:$0x1], $0xffff;
	_ =	sdelay $0x4  }
0x39e: {  	v1 =	vadd.f32 v1, v2;
	_ =	sdelay $0x1  }
0x39f: {  	v2 =	vld [tilespmem:s6+$0x13630];
	[tilespmem:s6+$0x13620] =	vst v1  }
0x3a0: {  	v1 =	vld.idx.msk [tilespmem:v0+s6+$0x30 ss:$0x1], $0xffff;
	_ =	sdelay $0x4  }
0x3a1: {  	v1 =	vadd.f32 v1, v2;
	_ =	sdelay $0x1  }
0x3a2: {  	v2 =	vld [tilespmem:s6+$0x13640];
	[tilespmem:s6+$0x13630] =	vst v1  }
0x3a3: {  	v1 =	vld.idx.msk [tilespmem:v0+s6+$0x40 ss:$0x1], $0xffff;
	_ =	sdelay $0x4  }
0x3a4: {  	v1 =	vadd.f32 v1, v2;
	_ =	sdelay $0x1  }
0x3a5: {  	v2 =	vld [tilespmem:s6+$0x13650];
	[tilespmem:s6+$0x13640] =	vst v1  }
0x3a6: {  	v1 =	vld.idx.msk [tilespmem:v0+s6+$0x50 ss:$0x1], $0xffff;
	_ =	sdelay $0x4  }
0x3a7: {  	v1 =	vadd.f32 v1, v2;
	_ =	sdelay $0x1  }
0x3a8: {  	v2 =	vld [tilespmem:s6+$0x13660];
	[tilespmem:s6+$0x13650] =	vst v1  }
0x3a9: {  	v1 =	vld.idx.msk [tilespmem:v0+s6+$0x60 ss:$0x1], $0xffff;
	_ =	sdelay $0x4  }
0x3aa: {  	v1 =	vadd.f32 v1, v2;
	_ =	sdelay $0x1  }
0x3ab: {  	v2 =	vld [tilespmem:s6+$0x13670];
	[tilespmem:s6+$0x13660] =	vst v1  }
0x3ac: {  	v1 =	vld.idx.msk [tilespmem:v0+s6+$0x70 ss:$0x1], $0xffff;
	_ =	sdelay $0x4  }
0x3ad: {  	v1 =	vadd.f32 v1, v2;
	_ =	sdelay $0x1  }
0x3ae: {  	v2 =	vld [tilespmem:s6+$0x13680];
	[tilespmem:s6+$0x13670] =	vst v1  }
0x3af: {  	v1 =	vld.idx.msk [tilespmem:v0+s6+$0x80 ss:$0x1], $0xffff;
	_ =	sdelay $0x4  }
0x3b0: {  	v1 =	vadd.f32 v1, v2;
	_ =	sdelay $0x1  }
0x3b1: {  	v2 =	vld [tilespmem:s6+$0x13690];
	[tilespmem:s6+$0x13680] =	vst v1  }
0x3b2: {  	v1 =	vld.idx.msk [tilespmem:v0+s6+$0x90 ss:$0x1], $0xffff;
	_ =	sdelay $0x4  }
0x3b3: {  	v1 =	vadd.f32 v1, v2;
	_ =	sdelay $0x1  }
0x3b4: {  	v2 =	vld [tilespmem:s6+$0x136A0];
	[tilespmem:s6+$0x13690] =	vst v1  }
0x3b5: {  	v1 =	vld.idx.msk [tilespmem:v0+s6+$0xA0 ss:$0x1], $0xffff;
	_ =	sdelay $0x4  }
0x3b6: {  	v1 =	vadd.f32 v1, v2;
	_ =	sdelay $0x1  }
0x3b7: {  	v2 =	vld [tilespmem:s6+$0x136B0];
	[tilespmem:s6+$0x136A0] =	vst v1  }
0x3b8: {  	v1 =	vld.idx.msk [tilespmem:v0+s6+$0xB0 ss:$0x1], $0xffff;
	_ =	sdelay $0x4  }
0x3b9: {  	v1 =	vadd.f32 v1, v2;
	_ =	sdelay $0x1  }
0x3ba: {  	v2 =	vld [tilespmem:s6+$0x136C0];
	[tilespmem:s6+$0x136B0] =	vst v1  }
0x3bb: {  	v1 =	vld.idx.msk [tilespmem:v0+s6+$0xC0 ss:$0x1], $0xffff;
	_ =	sdelay $0x4  }
0x3bc: {  	v1 =	vadd.f32 v1, v2;
	_ =	sdelay $0x1  }
0x3bd: {  	v2 =	vld [tilespmem:s6+$0x136D0];
	[tilespmem:s6+$0x136C0] =	vst v1  }
0x3be: {  	v1 =	vld.idx.msk [tilespmem:v0+s6+$0xD0 ss:$0x1], $0xffff;
	_ =	sdelay $0x4  }
0x3bf: {  	v1 =	vadd.f32 v1, v2;
	_ =	sdelay $0x1  }
0x3c0: {  	v2 =	vld [tilespmem:s6+$0x136E0];
	[tilespmem:s6+$0x136D0] =	vst v1  }
0x3c1: {  	v1 =	vld.idx.msk [tilespmem:v0+s6+$0xE0 ss:$0x1], $0xffff;
	_ =	sdelay $0x4  }
0x3c2: {  	v1 =	vadd.f32 v1, v2;
	_ =	sdelay $0x1  }
0x3c3: {  	v2 =	vld [tilespmem:s6+$0x136F0];
	[tilespmem:s6+$0x136E0] =	vst v1  }
0x3c4: {  	v1 =	vld.idx.msk [tilespmem:v0+s6+$0xF0 ss:$0x1], $0xffff;
	_ =	sdelay $0x4  }
0x3c5: {  	v1 =	vadd.f32 v1, v2  }
0x3c6: {  	s7 =	simm.s32 $0x0;
	s8 =	simm.s32 $0x400  }
.LBB2_17:
0x3c7: {  	s7 =	sadd.s32 $0x4, s7;
	[tilespmem:s6+$0x136F0] =	vst v1;
	s6 =	sshra.s32 s8, $0x2  }
0x3c8: {  	v1 =	vld.idx.msk [tilespmem:v0+s6+$0x0 ss:$0x1], $0xffff;
	p0 =	slt.u32 s7, $0x7C  }
0x3c9: {  	v2 =	vld [tilespmem:s6+$0x13600];
	_ =	sdelay $0x4  }
0x3ca: {  	v1 =	vadd.f32 v1, v2;
	_ =	sdelay $0x1  }
0x3cb: {  	[tilespmem:s6+$0x13600] =	vst v1  }
0x3cc: {  	v1 =	vld.idx.msk [tilespmem:v0+s6+$0x10 ss:$0x1], $0xffff  }
0x3cd: {  	v2 =	vld [tilespmem:s6+$0x13610];
	_ =	sdelay $0x4  }
0x3ce: {  	v1 =	vadd.f32 v1, v2;
	_ =	sdelay $0x1  }
0x3cf: {  	[tilespmem:s6+$0x13610] =	vst v1  }
0x3d0: {  	v1 =	vld.idx.msk [tilespmem:v0+s6+$0x20 ss:$0x1], $0xffff  }
0x3d1: {  	v2 =	vld [tilespmem:s6+$0x13620];
	_ =	sdelay $0x4  }
0x3d2: {  	v1 =	vadd.f32 v1, v2;
	_ =	sdelay $0x1  }
0x3d3: {  	[tilespmem:s6+$0x13620] =	vst v1  }
0x3d4: {  	v1 =	vld.idx.msk [tilespmem:v0+s6+$0x30 ss:$0x1], $0xffff  }
0x3d5: {  	v2 =	vld [tilespmem:s6+$0x13630];
	_ =	sdelay $0x4  }
0x3d6: {  	v1 =	vadd.f32 v1, v2;
	_ =	sdelay $0x1  }
0x3d7: {  	[tilespmem:s6+$0x13630] =	vst v1  }
0x3d8: {  	v1 =	vld.idx.msk [tilespmem:v0+s6+$0x40 ss:$0x1], $0xffff  }
0x3d9: {  	v2 =	vld [tilespmem:s6+$0x13640];
	_ =	sdelay $0x4  }
0x3da: {  	v1 =	vadd.f32 v1, v2;
	_ =	sdelay $0x1  }
0x3db: {  	[tilespmem:s6+$0x13640] =	vst v1  }
0x3dc: {  	v1 =	vld.idx.msk [tilespmem:v0+s6+$0x50 ss:$0x1], $0xffff  }
0x3dd: {  	v2 =	vld [tilespmem:s6+$0x13650];
	_ =	sdelay $0x4  }
0x3de: {  	v1 =	vadd.f32 v1, v2;
	_ =	sdelay $0x1  }
0x3df: {  	[tilespmem:s6+$0x13650] =	vst v1  }
0x3e0: {  	v1 =	vld.idx.msk [tilespmem:v0+s6+$0x60 ss:$0x1], $0xffff  }
0x3e1: {  	v2 =	vld [tilespmem:s6+$0x13660];
	_ =	sdelay $0x4  }
0x3e2: {  	v1 =	vadd.f32 v1, v2;
	_ =	sdelay $0x1  }
0x3e3: {  	[tilespmem:s6+$0x13660] =	vst v1  }
0x3e4: {  	v1 =	vld.idx.msk [tilespmem:v0+s6+$0x70 ss:$0x1], $0xffff  }
0x3e5: {  	v2 =	vld [tilespmem:s6+$0x13670];
	_ =	sdelay $0x4  }
0x3e6: {  	v1 =	vadd.f32 v1, v2;
	_ =	sdelay $0x1  }
0x3e7: {  	[tilespmem:s6+$0x13670] =	vst v1  }
0x3e8: {  	v1 =	vld.idx.msk [tilespmem:v0+s6+$0x80 ss:$0x1], $0xffff  }
0x3e9: {  	v2 =	vld [tilespmem:s6+$0x13680];
	_ =	sdelay $0x4  }
0x3ea: {  	v1 =	vadd.f32 v1, v2;
	_ =	sdelay $0x1  }
0x3eb: {  	[tilespmem:s6+$0x13680] =	vst v1  }
0x3ec: {  	v1 =	vld.idx.msk [tilespmem:v0+s6+$0x90 ss:$0x1], $0xffff  }
0x3ed: {  	v2 =	vld [tilespmem:s6+$0x13690];
	_ =	sdelay $0x4  }
0x3ee: {  	v1 =	vadd.f32 v1, v2;
	_ =	sdelay $0x1  }
0x3ef: {  	[tilespmem:s6+$0x13690] =	vst v1  }
0x3f0: {  	v1 =	vld.idx.msk [tilespmem:v0+s6+$0xA0 ss:$0x1], $0xffff  }
0x3f1: {  	v2 =	vld [tilespmem:s6+$0x136A0];
	_ =	sdelay $0x4  }
0x3f2: {  	v1 =	vadd.f32 v1, v2;
	_ =	sdelay $0x1  }
0x3f3: {  	[tilespmem:s6+$0x136A0] =	vst v1  }
0x3f4: {  	v1 =	vld.idx.msk [tilespmem:v0+s6+$0xB0 ss:$0x1], $0xffff  }
0x3f5: {  	v2 =	vld [tilespmem:s6+$0x136B0];
	_ =	sdelay $0x4  }
0x3f6: {  	v1 =	vadd.f32 v1, v2;
	_ =	sdelay $0x1  }
0x3f7: {  	[tilespmem:s6+$0x136B0] =	vst v1  }
0x3f8: {  	v1 =	vld.idx.msk [tilespmem:v0+s6+$0xC0 ss:$0x1], $0xffff  }
0x3f9: {  	v2 =	vld [tilespmem:s6+$0x136C0];
	_ =	sdelay $0x4  }
0x3fa: {  	v1 =	vadd.f32 v1, v2;
	_ =	sdelay $0x1  }
0x3fb: {  	[tilespmem:s6+$0x136C0] =	vst v1  }
0x3fc: {  	v1 =	vld.idx.msk [tilespmem:v0+s6+$0xD0 ss:$0x1], $0xffff  }
0x3fd: {  	v2 =	vld [tilespmem:s6+$0x136D0];
	_ =	sdelay $0x4  }
0x3fe: {  	v1 =	vadd.f32 v1, v2;
	_ =	sdelay $0x1  }
0x3ff: {  	[tilespmem:s6+$0x136D0] =	vst v1  }
0x400: {  	v1 =	vld.idx.msk [tilespmem:v0+s6+$0xE0 ss:$0x1], $0xffff  }
0x401: {  	v2 =	vld [tilespmem:s6+$0x136E0];
	_ =	sdelay $0x4  }
0x402: {  	v1 =	vadd.f32 v1, v2;
	_ =	sdelay $0x1  }
0x403: {  	[tilespmem:s6+$0x136E0] =	vst v1  }
0x404: {  	v1 =	vld.idx.msk [tilespmem:v0+s6+$0xF0 ss:$0x1], $0xffff  }
0x405: {  	v2 =	vld [tilespmem:s6+$0x136F0];
	_ =	sdelay $0x1  }
.Ltmp7:
0x406: {  	(pc) =	sbr.rel @p0 .LBB2_17-.Ltmp7, $3  }
0x407: {  	_ =	sdelay $0x1  }
0x408: {  	v1 =	vadd.f32 v1, v2  }
0x409: {  	s8 =	sadd.s32 $0x400, s8  }
0x40a: {  	s1 =	rddreg [dreg:$0x7]  }
0x40b: {  	s14 =	rddreg [dreg:$0x8]  }
0x40c: {  	s8 =	rddreg [dreg:$0x1];
	s7 =	sshll.u32 s1, $0x3;
	s1 =	sshll.u32 s14, $0x3  }
0x40d: {  	[tilespmem:s6+$0x136F0] =	vst v1;
	s13 =	sadd.s32 s8, s7;
	s6 =	sand.u32 $0x1FFFE400, s1  }
0x40e: {  	[hbm4b:s13+s2] =	stream.linear.scatter [tilespmem:s15], [sflag:$0x11], $0x2000, $0x38;
	[tilespmem:$0x15600] =	vst v63  }
0x40f: {  	s6 =	sadd.s32 s8, s6  }
0x410: {  	[hbm4b:s6+s2] =	stream.linear.scatter [tilespmem:s16], [sflag:$0x12], $0x2000, $0x38;
	[tilespmem:$0x15600] =	vst v63  }
0x411: {  	s6 =	rddreg [dreg:$0x9]  }
0x412: {  	s7 =	sshll.u32 s6, $0x3  }
0x413: {  	s12 =	rddreg [dreg:$0xa];
	s6 =	sand.u32 $0x1FFFE800, s7  }
0x414: {  	s10 =	simm.s32 $0x9600;
	s13 =	sshll.u32 s12, $0x3;
	s6 =	sadd.s32 s8, s6  }
0x415: {  	[hbm4b:s6+s2] =	stream.linear.scatter [tilespmem:s10], [sflag:$0x13], $0x2000, $0x38;
	[tilespmem:$0x15600] =	vst v63  }
0x416: {  	s3 =	sadd.s32 $0x1, s3;
	s17 =	sadd.s32 $0x10000, s17;
	s6 =	sand.u32 $0x1FFFEC00, s13  }
0x417: {  	s31 =	sadd.s32 $0x400, s31;
	s14 =	simm.s32 $0xB600;
	s6 =	sadd.s32 s8, s6  }
0x418: {  	[hbm4b:s6+s2] =	stream.linear.scatter [tilespmem:s14], [sflag:$0x14], $0x2000, $0x38;
	[tilespmem:$0x15600] =	vst v63  }
0x419: {  	s19 =	sadd.s32 $0x10000, s19;
	s29 =	sadd.s32 $0x400, s29;
	s6 =	rddreg [dreg:$0xb]  }
0x41a: {  	s21 =	sadd.s32 $0x10000, s21;
	s26 =	sadd.s32 $0x400, s26;
	s7 =	sshll.u32 s6, $0x3  }
0x41b: {  	s23 =	sadd.s32 $0x10000, s23;
	s12 =	rddreg [dreg:$0xc];
	s6 =	sand.u32 $0x1FFFF000, s7  }
0x41c: {  	s10 =	simm.s32 $0xD600;
	s13 =	sshll.u32 s12, $0x3;
	s6 =	sadd.s32 s8, s6  }
0x41d: {  	[hbm4b:s6+s2] =	stream.linear.scatter [tilespmem:s10], [sflag:$0x15], $0x2000, $0x38;
	[tilespmem:$0x15600] =	vst v63  }
0x41e: {  	s24 =	sadd.s32 $0x400, s24;
	s25 =	sadd.s32 $0x10000, s25;
	s6 =	sand.u32 $0x1FFFF400, s13  }
0x41f: {  	s22 =	sadd.s32 $0x400, s22;
	s14 =	simm.s32 $0xF600;
	s6 =	sadd.s32 s8, s6  }
0x420: {  	[hbm4b:s6+s2] =	stream.linear.scatter [tilespmem:s14], [sflag:$0x16], $0x2000, $0x38;
	[tilespmem:$0x15600] =	vst v63  }
0x421: {  	s28 =	sadd.s32 $0x10000, s28;
	s20 =	sadd.s32 $0x400, s20;
	s6 =	rddreg [dreg:$0xd]  }
0x422: {  	s30 =	sadd.s32 $0x10000, s30;
	p0 =	sne.s32 s3, $0x19;
	s7 =	sshll.u32 s6, $0x3  }
0x423: {  	s12 =	rddreg [dreg:$0xe];
	s10 =	simm.s32 $0x11600;
	s6 =	sand.u32 $0x1FFFF800, s7  }
.Ltmp8:
0x424: {  	s13 =	sshll.u32 s12, $0x3;
	s6 =	sadd.s32 s8, s6;
	(pc) =	sbr.rel @p0 .LBB2_2-.Ltmp8, $4  }
0x425: {  	[hbm4b:s6+s2] =	stream.linear.scatter [tilespmem:s10], [sflag:$0x17], $0x2000, $0x38;
	[tilespmem:$0x15600] =	vst v63  }
0x426: {  	s18 =	sadd.s32 $0x400, s18;
	s0 =	sadd.s32 $0x10000, s0;
	s6 =	sand.u32 $0x1FFFFC00, s13  }
0x427: {  	s9 =	sadd.s32 $0x400, s9;
	s14 =	simm.s32 $0x13600;
	s6 =	sadd.s32 s8, s6  }
0x428: {  	[hbm4b:s6+s2] =	stream.linear.scatter [tilespmem:s14], [sflag:$0x18], $0x2000, $0x38;
	[tilespmem:$0x15600] =	vst v63  }
0x429: {  	s0 =	simm.s32 $0x11  }
0x42a: {  	_ =	swait.ge [sflag:s0], $0x2000  }
0x42b: {  	[sflag:s0] =	ssyncset.done $0x0  }
0x42c: {  	s24 =	simm.s32 $0x12;
	[sflag:s0] =	ssyncadd.s32 $0xFFFFE000  }
0x42d: {  	_ =	swait.ge [sflag:s24], $0x2000  }
0x42e: {  	[sflag:s24] =	ssyncset.done $0x0  }
0x42f: {  	s25 =	simm.s32 $0x13;
	[sflag:s24] =	ssyncadd.s32 $0xFFFFE000  }
0x430: {  	_ =	swait.ge [sflag:s25], $0x2000  }
0x431: {  	[sflag:s25] =	ssyncset.done $0x0  }
0x432: {  	s26 =	simm.s32 $0x14;
	[sflag:s25] =	ssyncadd.s32 $0xFFFFE000  }
0x433: {  	_ =	swait.ge [sflag:s26], $0x2000  }
0x434: {  	[sflag:s26] =	ssyncset.done $0x0  }
0x435: {  	s28 =	simm.s32 $0x15;
	[sflag:s26] =	ssyncadd.s32 $0xFFFFE000  }
0x436: {  	_ =	swait.ge [sflag:s28], $0x2000  }
0x437: {  	[sflag:s28] =	ssyncset.done $0x0  }
0x438: {  	s29 =	simm.s32 $0x16;
	[sflag:s28] =	ssyncadd.s32 $0xFFFFE000  }
0x439: {  	_ =	swait.ge [sflag:s29], $0x2000  }
0x43a: {  	[sflag:s29] =	ssyncset.done $0x0  }
0x43b: {  	s30 =	simm.s32 $0x17;
	[sflag:s29] =	ssyncadd.s32 $0xFFFFE000  }
0x43c: {  	_ =	swait.ge [sflag:s30], $0x2000  }
0x43d: {  	[sflag:s30] =	ssyncset.done $0x0  }
0x43e: {  	s1 =	simm.s32 $0x18;
	[sflag:s30] =	ssyncadd.s32 $0xFFFFE000  }
0x43f: {  	_ =	swait.ge [sflag:s1], $0x2000  }
0x440: {  	s3 =	rddreg [dreg:$0x6]  }
0x441: {  	s31 =	rddreg [dreg:$0x5];
	s3 =	sadd.s32 $0x1, s3  }
0x442: {  	p0 =	sne.s32 s3, s31  }
.Ltmp9:
0x443: {  	_ = 	snop;
	(pc) =	sbr.rel @p0 .LBB2_1-.Ltmp9, $3  }
0x444: {  	_ =	sdelay $0x1  }
0x445: {  	[sflag:s1] =	ssyncset.done $0x0  }
0x446: {  	[sflag:s1] =	ssyncadd.s32 $0xFFFFE000  }
0x447: {  	_ =	sfence.sel $0x180000  }
0x448: {  	[bflag:$0x0] =	sbarrier.arrive $0xFFFF  }
0x449: {  	_ =	strace $0x90000047  }
0x44a: {  	s0 =	stileid.u32;
	[bflag:$0x2] =	sbarrier.arrive $0xFFFF  }
0x44b: {  	p0 =	sne.s32 s0, $0x0;
	s0 =	rddreg [dreg:$0x2]  }
0x44c: {  	s0 =	sadd.s32 @!p0 $0x100000, s0  }
0x44d: {  	[sflag:s0] =	ssyncadd.tile.s32 @!p0 $0x1;
	_ =	shalt  }
.Lfunc_end2:
_tile_overlayer_lowered:
.L_overlay_start_2:
0x44e: {  	(tag) =	ssettag $0x2  }
0x44f: {  	s0 =	rddreg [dreg:$0x0];
	s2 =	stileid.u32  }
0x450: {  	s1 =	rddreg [dreg:$0x1];
	p0 =	sne.s32 s2, $0x0  }
0x451: {  	s3 =	rddreg [dreg:$0x2];
	[bflag:$0x3] =	sbarrier.arrive $0xFFFF;
	s2 =	simm.s32 @!p0 $0x1C19  }
0x452: {  	[timem:s3], [sflag:s2] =	dma.local @!p0 [hbm:s0], s1  }
0x453: {  	s0 =	simm.s32 @!p0 $0x19  }
0x454: {  	_ =	swait.ge @!p0 [sflag:s0], s1  }
0x455: {  	s1 =	ssub.s32 @!p0 $0x0, s1;
	[sflag:s0] =	ssyncset.done @!p0 $0x0  }
0x456: {  	[sflag:s0] =	ssyncadd.s32 @!p0 s1  }
0x457: {  	[bflag:$0x3] =	sbarrier.arrive $0xFFFF  }
0x458: {  	_ =	shalt  }

// kernel: sparse-core-data-format-call.cloned.1.call-start
scs
called_computation_lowered:
.L_overlay_start_0:
0x0: {  	s2 =	sld [smem:$0x3FD9]  }
0x1: {  	s3 =	sld [smem:$0x3FFE];
	_ =	sdelay $0x1  }
0x2: {  	s1 =	srdreg.scid  }
0x3: {  	s0 =	sand.u32 $0x1, s1  }
0x4: {  	s18 =	sshll.u32 s0, $0xA;
	s2 =	sadd.s32 s3, s2  }
0x5: {  	s2 =	sadd.s32 s2, s18  }
0x6: {  	[smem:$0x3FC5] =	sst s2  }
0x7: {  	_ = 	snop  }
0x8: {  	s2 =	sld [smem:$0x3FD0];
	(tm) =	ssettm $0x1  }
0x9: {  	s19 =	sld [smem:$0x3FFB];
	_ =	sdelay $0x3  }
0xa: {  	_ =	strace s19  }
0xb: {  	s3 =	sld [smem:$0x3FFC];
	_ =	sdelay $0x3  }
0xc: {  	_ =	strace s3  }
0xd: {  	s3 =	sld [smem:$0x3FFD];
	_ =	sdelay $0x3  }
0xe: {  	_ =	strace s3  }
0xf: {  	_ =	strace $0x8FFFFFFF  }
0x10: {  	s20 =	sld [smem:$0x3FDB];
	_ =	sdelay $0x1  }
0x11: {  	s4 =	simm.s32 $_scs_section_size  }
0x12: {  	s5 =	simm.s32 $_size__tile_overlayer_lowered;
	s6 =	simm.s32 $_tile_overlayer_lowered  }
0x13: {  	s23 =	simm.s32 $0x1BFF;
	s22 =	sshll.u32 s6, $0x1;
	s3 =	sadd.s32 s4, s20  }
0x14: {  	s7 =	simm.s32 $0x0;
	s21 =	sshll.u32 s5, $0x1;
	s5 =	sadd.s32 s22, s3  }
0x15: {  	[timem:s7], [sflag:s23] =	dma.local [hbm:s5], s21  }
0x16: {  	_ =	swait.ge [sflag:s23], s21  }
0x17: {  	s4 =	ssub.s32 $0x0, s21;
	[sflag:s23] =	ssyncset.done $0x0  }
0x18: {  	[sflag:s23] =	ssyncadd.s32 s4;
	_ =	sdelay $0x1  }
0x19: {  	s24 =	simm.s32 $0x1B8B  }
0x1a: {  	_ =	swait.ge [sflag:s24], $0x1  }
0x1b: {  	[sflag:s24] =	ssyncset.done $0x0  }
0x1c: {  	s26 =	simm.s32 $0x1B8E;
	s25 =	sld [smem:$0x3FFE];
	[sflag:s24] =	ssyncadd.s32 $0xFFFFFFFF  }
0x1d: {  	s27 =	simm.s32 $execute0_lowered;
	[smem:$0x3FD2] =	sst s26  }
0x1e: {  	s5 =	sshll.u32 s27, $0x1;
	_ =	strace $0x80000049;
	[dreg:$0x1] =	wrdreg $0xFFFFFFFF  }
0x1f: {  	s28 =	simm.s32 $_size_execute0_lowered;
	s3 =	sadd.s32 s3, s5;
	[dreg:$0x0] =	wrdreg $0x0  }
0x20: {  	s5 =	sshll.u32 s28, $0x1;
	[dreg:$0x2] =	wrdreg s3  }
0x21: {  	[dreg:$0x3] =	wrdreg s5  }
0x22: {  	[dreg:$0x4] =	wrdreg $0xC0  }
0x23: {  	_ =	task [dreg:s7], $0x5FFFF  }
0x24: {  	[dreg:$0x1] =	wrdreg $0xFFFFFFFF  }
0x25: {  	[dreg:$0x0] =	wrdreg $0x60  }
0x26: {  	[dreg:$0x2] =	wrdreg s25  }
0x27: {  	[dreg:$0x3] =	wrdreg s2  }
0x28: {  	[dreg:$0x4] =	wrdreg $0x9  }
0x29: {  	_ =	task.clear_ibuf [dreg:s7], $0x5FFFF;
	_ =	strace $0x90000049  }
0x2a: {  	s29 =	simm.s32 $0x9;
	_ =	strace $0x8000004B  }
0x2b: {  	_ =	swait.ge [sflag:s29], $0x1  }
0x2c: {  	[sflag:s29] =	ssyncadd.s32 $0xFFFFFFFF  }
0x2d: {  	_ =	strace $0x9000004B  }
0x2e: {  	_ =	sfence  }
0x2f: {  	s30 =	sld [smem:$0x0];
	_ =	sdelay $0x2  }
0x30: {  	s31 =	sshll.u32 s1, $0xD;
	s1 =	sshrl.u32 s1, $0x2  }
0x31: {  	s3 =	sand.u32 $0x4000, s31;
	s1 =	sadd.s32 s1, s30  }
0x32: {  	s0 =	sor.u32 s3, s0;
	s1 =	sshll.u32 s1, $0x11  }
0x33: {  	s0 =	sor.u32 s1, s0  }
0x34: {  	s0 =	sadd.s32 $0x8F2B, s0  }
0x35: {  	[sflag:s0] =	ssyncadd.remote.s32 $0x1  }
0x36: {  	_ =	sfence.sel $0xFFFF  }
0x37: {  	[dreg:$0x0] =	wrdreg $0xFFFFFFFF;
	(pc) =	sbr.abs _section_cstart, $3  }
0x38: {  	[dreg:$0x1] =	wrdreg $0xFFFFFFFF  }
0x39: {  	_ =	task.clear_ibuf [dreg:s7], $0x2FFFF;
	_ =	strace $0x9FFFFFFF  }
0x3a: {  	(tm) =	ssettm $0x7FFFFFFF  }
0x3b: {  	_ =	shalt  }
tec
execute0_lowered:
.L_overlay_start_1:
0x0: {  	(tag) =	ssettag $0x1  }
0x1: {  	s0 =	srdreg.scid  }
0x2: {  	s1 =	sshll.u32 s0, $0x4  }
0x3: {  	s0 =	stileid.u32;
	s1 =	sand.u32 $0x10, s1  }
0x4: {  	s1 =	sor.u32 s0, s1  }
0x5: {  	s6 =	rddreg [dreg:$0x0];
	s4 =	simm.s32 $0x1;
	s2 =	sshll.u32 s1, $0x7  }
0x6: {  	s7 =	simm.s32 $0x2;
	s12 =	simm.s32 $0x0;
	s1 =	ssub.s32 $0x1000, s2  }
0x7: {  	s8 =	simm.s32 $0x8000;
	s13 =	simm.s32 $0x0;
	s3 =	sand.u32 $0xF80, s1  }
0x8: {  	s9 =	simm.s32 $0x0;
	s5 =	sshrl.u32 s1, $0xC;
	p0 =	sne.s32 s3, $0x0  }
.Ltmp0:
0x9: {  	s1 =	rddreg [dreg:$0x2];
	s4 =	simm.s32 @!p0 $0x0;
	(pc) =	sbr.rel .LBB1_1-.Ltmp0, $4  }
0xa: {  	s11 =	simm.s32 $0x0;
	s3 =	rddreg [dreg:$0x1];
	s5 =	sadd.s32 s4, s5  }
0xb: {  	_ =	strace $0x8000004A;
	s4 =	simm.s32 $0x1;
	s5 =	smul.u32 $0xC8, s5  }
0xc: {  	s6 =	sadd.s32 $0xA00, s6;
	s10 =	smov.u32 s2;
	[sflag:s4] =	ssyncpa.u1 $0x0  }
0xd: {  	p0 =	por $0x0, $0x0;
	[sflag:s7] =	ssyncpa.u1 $0x0;
	s7 =	sor.u32 $0x1, s5  }
.LBB1_4:
0xe: {  	s16 =	sshll.u32 s13, $0x3;
	s17 =	sand.u32 $0x78, s13  }
0xf: {  	s30 =	sand.u32 $0x7E00, s13;
	s12 =	sshll.u32 s12, $0xF;
	s16 =	sand.u32 $0xC00, s16  }
0x10: {  	[tilespmem:s15+$0x810 ss:$0x81] =	vst.msk $0xffff, v2;
	s31 =	sand.u32 $0x7, s13;
	s16 =	sor.u32 s17, s16;
	s17 =	sadd.s32 s3, s30  }
0x11: {  	[tilespmem:s15+$0x1020 ss:$0x81] =	vst.msk $0xffff, v0;
	s13 =	sshll.u32 s31, $0x12;
	s12 =	sadd.s32 s12, s17;
	s16 =	sshrl.u32 s16, $0x3  }
0x12: {  	[tilespmem:s15+$0x0 ss:$0x81] =	vst.msk $0xffff, v1;
	s13 =	sor.u32 $0x400, s13;
	s12 =	sadd.s32 s16, s12  }
0x13: {  	[hbm4b:s12+s13] =	stream.strided.scatter [tilespmem:s14], [sflag:$0x2], $0x2000, s8, s13, $0x20;
	[tilespmem:$0x8080] =	vst v63  }
.LBB1_5:
0x14: {  	s14 =	sadd.s32 $0x1, s9  }
0x15: {  	s12 =	sadd.s32 $0x1000, s10;
	s16 =	smov.u32 s10;
	p2 =	sgt.s32 s14, $0xC7  }
0x16: {  	s16 =	smov.u32 @p2 s12  }
0x17: {  	s14 =	simm.s32 @p2 $0x0;
	p2 =	sgt.s32 s16, $0xFFF  }
0x18: {  	s16 =	smov.u32 @p2 s2;
	p2 =	sne.s32 s11, s7  }
.Ltmp1:
0x19: {  	p1 =	slt.u32 s11, $0x2;
	(pc) =	sbr.rel @!p2 .LBB1_6-.Ltmp1, $4  }
0x1a: {  	s15 =	simm.s32 @!p1 $0x2  }
0x1b: {  	s13 =	smov.u32 s10;
	p0 =	por !p0, !p0;
	_ =	swait.ge @!p1 [sflag:s15], $0x2000  }
0x1c: {  	s12 =	smov.u32 s9;
	[sflag:s15] =	ssyncset.done @!p1 $0x0;
	s9 =	smov.u32 s14  }
0x1d: {  	s11 =	sadd.s32 $0x1, s11;
	[sflag:s15] =	ssyncadd.s32 @!p1 $0xFFFFE000;
	s10 =	smov.u32 s16  }
.LBB1_1:
0x1e: {  	p1 =	sge.u32 s11, s5  }
0x1f: {  	s14 =	sand.u32 @!p1 $0x1FFFFFF, s9  }
0x20: {  	s15 =	smulhi.u32 @!p1 $0x147AE15, s14;
	_ =	sdelay $0x1  }
0x21: {  	s15 =	smul.u32 @!p1 $0xC8, s15  }
0x22: {  	s16 =	sxor.u32 @!p1 $0xFFFFFFFF, s11;
	s17 =	smul.u32 @!p1 $0xC80, s10  }
0x23: {  	s31 =	sadd.s32 $0xFFFFFFFF, s11;
	s16 =	sshll.u32 @!p1 s16, $0xD;
	s14 =	ssub.s32 @!p1 s14, s15  }
0x24: {  	s15 =	sand.u32 @!p1 $0x2000, s16;
	s16 =	sadd.s32 @!p1 s6, s17;
	s14 =	sshll.u32 @!p1 s14, $0x4  }
0x25: {  	s17 =	simm.s32 @!p1 $0x6400;
	s14 =	sadd.s32 @!p1 s14, s16;
	s16 =	simm.s32 @!p1 $0x40  }
0x26: {  	[tilespmem:s15], [sflag:$0x1] =	stream.strided.gather @!p1 [hbm4b:s14+s16], $0x2000, s17, s16, $0x38;
	[tilespmem:$0x8080] =	vst v63  }
0x27: {  	p1 =	sge.u32 s31, s5  }
.Ltmp2:
0x28: {  	_ = 	snop;
	(pc) =	sbr.rel @p1 .LBB1_5-.Ltmp2, $1  }
0x29: {  	_ =	sdelay $0x3  }
0x2a: {  	s14 =	simm.s32 $0x1  }
0x2b: {  	_ =	swait.ge [sflag:s4], $0x2000;
	s14 =	simm.s32 @!p0 $0x0  }
0x2c: {  	[sflag:s4] =	ssyncset.done $0x0;
	s15 =	sshll.u32 s14, $0xD  }
0x2d: {  	[sflag:s4] =	ssyncadd.s32 $0xFFFFE000;
	s18 =	sor.u32 $0x20, s15  }
0x2e: {  	s14 =	smul.u32 $0x8100, s14;
	v3 =	vld [tilespmem:s18+$0x10]  }
0x2f: {  	s30 =	sand.u32 $0x1, s11;
	v2 =	vld [tilespmem:s18+$0xFFFFFFF0]  }
0x30: {  	s15 =	smul.u32 $0x8100, s30;
	s14 =	sshrl.u32 s14, $0x2;
	v0 =	vld [tilespmem:s18+$0x0]  }
0x31: {  	v1 =	vld [tilespmem:s18+$0xFFFFFFE0];
	s16 =	sor.u32 $0x4000, s14  }
0x32: {  	s31 =	sshrl.u32 s15, $0x2;
	s15 =	sadd.s32 $0x0, s16  }
0x33: {  	s17 =	simm.s32 $0x4;
	s18 =	sadd.s32 $0x40, s18;
	s14 =	sor.u32 $0x4000, s31;
	[tilespmem:s15+$0x1830 ss:$0x81] =	vst.msk $0xffff, v3  }
.LBB1_3:
0x34: {  	v3 =	vld [tilespmem:s18+$0x10];
	p1 =	sne.s32 s17, $0x1FC;
	[tilespmem:s15+$0x810 ss:$0x81] =	vst.msk $0xffff, v2;
	s19 =	smov.u32 s17;
	s17 =	sadd.s32 $0x4, s17  }
.Ltmp3:
0x35: {  	v2 =	vld [tilespmem:s18+$0xFFFFFFF0];
	[tilespmem:s15+$0x1020 ss:$0x81] =	vst.msk $0xffff, v0;
	(pc) =	sbr.rel @p1 .LBB1_3-.Ltmp3, $4  }
0x36: {  	v0 =	vld [tilespmem:s18+$0x0];
	[tilespmem:s15+$0x0 ss:$0x81] =	vst.msk $0xffff, v1  }
0x37: {  	s15 =	sshra.s32 s19, $0x2;
	v1 =	vld [tilespmem:s18+$0xFFFFFFE0]  }
0x38: {  	s15 =	sadd.s32 s15, s16  }
0x39: {  	s18 =	sadd.s32 $0x40, s18;
	[tilespmem:s15+$0x1830 ss:$0x81] =	vst.msk $0xffff, v3  }
.Ltmp4:
0x3a: {  	_ = 	snop;
	(pc) =	sbr.rel .LBB1_4-.Ltmp4, $1  }
0x3b: {  	_ =	sdelay $0x3  }
.LBB1_6:
0x3c: {  	_ =	sfence.sel $0x180000  }
0x3d: {  	s2 =	simm.s32 $0x1;
	[bflag:$0x0] =	sbarrier.arrive $0xFFFF  }
0x3e: {  	s31 =	simm.s32 $0x2;
	[sflag:s2] =	ssyncpa.u1 $0x1  }
0x3f: {  	[sflag:s31] =	ssyncpa.u1 $0x1  }
0x40: {  	p0 =	sne.s32 s0, $0x0;
	_ =	strace $0x9000004A  }
0x41: {  	s0 =	sadd.s32 @!p0 $0x100000, s1;
	[bflag:$0x2] =	sbarrier.arrive $0xFFFF  }
0x42: {  	[sflag:s0] =	ssyncadd.tile.s32 @!p0 $0x1;
	_ =	shalt  }
.Lfunc_end1:
_tile_overlayer_lowered:
.L_overlay_start_2:
0x43: {  	(tag) =	ssettag $0x2  }
0x44: {  	s0 =	rddreg [dreg:$0x0];
	s2 =	stileid.u32  }
0x45: {  	s1 =	rddreg [dreg:$0x1];
	p0 =	sne.s32 s2, $0x0  }
0x46: {  	s3 =	rddreg [dreg:$0x2];
	[bflag:$0x3] =	sbarrier.arrive $0xFFFF;
	s2 =	simm.s32 @!p0 $0x1C01  }
0x47: {  	[timem:s3], [sflag:s2] =	dma.local @!p0 [hbm:s0], s1  }
0x48: {  	s0 =	simm.s32 @!p0 $0x1  }
0x49: {  	_ =	swait.ge @!p0 [sflag:s0], s1  }
0x4a: {  	s1 =	ssub.s32 @!p0 $0x0, s1;
	[sflag:s0] =	ssyncset.done @!p0 $0x0  }
0x4b: {  	[sflag:s0] =	ssyncadd.s32 @!p0 s1  }
0x4c: {  	[bflag:$0x3] =	sbarrier.arrive $0xFFFF  }
0x4d: {  	_ =	shalt  }

</sc_bundles>
